<compile_context>
chip_gen: v7x
topology: tpu7x:2x2x1
jax: 0.10.2.dev20260603
libtpu: 0.0.44.dev20260713+nightly
codegen_flags: <defaults>
</compile_context>

<pallas_src>
import dataclasses

import jax
import jax.numpy as jnp
from jax import lax
from jax.experimental import pallas as pl
from jax.experimental.pallas import tpu as pltpu
from jax.experimental.pallas import tpu_sc as plsc

N = 100000
H = 16
NP = 100352
E = 1600000
WSZ = 256
NWIN = 396
EPT = WSZ * NWIN
EPAD = EPT * 16
CHUNK = NP // 16
EW = 112
NLAYERS = 3


def _rsqrt16(d):
    i = plsc.bitcast(d, jnp.int32)
    i = jnp.int32(0x5F3759DF) - lax.shift_right_logical(i, 1)
    y = plsc.bitcast(i, jnp.float32)
    for _ in range(3):
        y = y * (1.5 - 0.5 * d * y * y)
    return jnp.where(d > 0.0, y, 0.0)


def _bcast16(ref, i):
    return plsc.load_gather(ref, [jnp.full((16,), i, jnp.int32)])


def _sc_body(emb_f, rc3, out,
             y_f, sum_f,
             accum, dd,
             zb, ones,
             ab0, dw0, sb0,
             ic0, ic1, ic2, ic3, ic4, ic5,
             v0, v1, v2,
             semV0, semV1, semV2, semS0, semS1, semS2,
             semI0, semI1, semI2, semI3, semI4, semI5):
    c = lax.axis_index("c")
    t = lax.axis_index("s")
    r0 = t * CHUNK
    i0 = t * (NWIN * 2)
    hoff = c * NP

    ics = (ic0, ic1, ic2, ic3, ic4, ic5)
    semIs = (semI0, semI1, semI2, semI3, semI4, semI5)
    vs = (v0, v1, v2)
    semVs = (semV0, semV1, semV2)
    semSs = (semS0, semS1, semS2)

    z16 = jnp.zeros((16,), jnp.float32)

    @pl.loop(0, EW)
    def _(i):
        zb[i, :] = z16

    @pl.loop(0, EW, step=16)
    def _(i):
        dw0[pl.ds(i, 16)] = z16

    @pl.loop(0, WSZ, step=16)
    def _(i):
        ones[pl.ds(i, 16)] = jnp.ones((16,), jnp.float32)

    @pl.loop(0, CHUNK, step=EW)
    def _(w):
        pltpu.sync_copy(zb, accum.at[pl.ds(r0 + w, EW), :])
        pltpu.sync_copy(dw0, dd.at[pl.ds(r0 + w, EW)])

    plsc.subcore_barrier()

    def _idx_fire(w, b):
        pltpu.async_copy(rc3.at[pl.ds(i0 + w * 2, 2), :], ics[b],
                         semIs[b])

    def _idx_wait(b):
        pltpu.make_async_copy(rc3.at[pl.ds(0, 2), :], ics[b],
                              semIs[b]).wait()

    _idx_fire(0, 0)

    @pl.loop(0, NWIN, step=2)
    def _(w):
        _idx_fire(w + 1, 1)
        _idx_wait(0)
        pltpu.sync_copy(ones, dd.at[ic0.at[1]], add=True)

        @pl.when(w + 2 < NWIN)
        def _():
            _idx_fire(w + 2, 0)

        _idx_wait(1)
        pltpu.sync_copy(ones, dd.at[ic1.at[1]], add=True)

    plsc.subcore_barrier()

    @pl.loop(0, CHUNK, step=EW)
    def _(w):
        g0 = r0 + w
        pltpu.sync_copy(dd.at[pl.ds(g0, EW)], dw0)

        @pl.loop(0, EW, step=16)
        def _(i):
            dw0[pl.ds(i, 16)] = _rsqrt16(dw0[pl.ds(i, 16)])

        pltpu.sync_copy(dw0, dd.at[pl.ds(g0, EW)])
        pltpu.sync_copy(emb_f.at[pl.ds(hoff + g0, EW), :], ab0)

        @pl.loop(0, EW)
        def _(i):
            ab0[i, :] = ab0[i, :] * _bcast16(dw0, i)

        pltpu.sync_copy(ab0, y_f.at[pl.ds(hoff + g0, EW), :])

    plsc.subcore_barrier()

    def _gather_fire(b, p):
        @pl.loop(0, WSZ, step=16)
        def _(i):
            ics[b][0, pl.ds(i, 16)] = ics[b][0, pl.ds(i, 16)] + hoff
        pltpu.async_copy(y_f.at[ics[b].at[0]], vs[p], semVs[p])

    def _gather_wait(b, p):
        pltpu.make_async_copy(y_f.at[ics[b].at[0]], vs[p],
                              semVs[p]).wait()

    def _scat_wait(p):
        pltpu.make_async_copy(y_f.at[pl.ds(0, WSZ), :], vs[p],
                              semSs[p]).wait()

    for l in range(NLAYERS):
        for b in range(4):
            _idx_fire(b, b)
        _idx_wait(0)
        _gather_fire(0, 0)
        _idx_wait(1)
        _gather_fire(1, 1)

        @pl.loop(0, NWIN, step=6)
        def _(w):
            for u in range(6):
                wu = w + u
                b3 = u % 3
                _gather_wait(u, b3)
                pltpu.async_copy(vs[b3], accum.at[ics[u].at[1]],
                                 semSs[b3], add=True)

                @pl.when((wu + 2 < NWIN) & (wu >= 1))
                def _():
                    _scat_wait((u + 2) % 3)

                @pl.when(wu + 2 < NWIN)
                def _():
                    _idx_wait((u + 2) % 6)
                    _gather_fire((u + 2) % 6, (u + 2) % 3)

                @pl.when(wu + 4 < NWIN)
                def _():
                    _idx_fire(wu + 4, (u + 4) % 6)

        for b in range(3):
            _scat_wait(b)
        plsc.subcore_barrier()

        @pl.loop(0, CHUNK, step=EW)
        def _(w):
            g0 = r0 + w
            pltpu.sync_copy(accum.at[pl.ds(g0, EW), :], ab0)
            pltpu.sync_copy(zb, accum.at[pl.ds(g0, EW), :])
            pltpu.sync_copy(dd.at[pl.ds(g0, EW)], dw0)
            if l == 0:
                pltpu.sync_copy(emb_f.at[pl.ds(hoff + g0, EW), :], sb0)
            else:
                pltpu.sync_copy(sum_f.at[pl.ds(hoff + g0, EW), :], sb0)

            if l < NLAYERS - 1:
                @pl.loop(0, EW)
                def _(i):
                    d = _bcast16(dw0, i)
                    x = ab0[i, :] * d
                    sb0[i, :] = sb0[i, :] + x
                    ab0[i, :] = x * d
                pltpu.sync_copy(sb0, sum_f.at[pl.ds(hoff + g0, EW), :])
                pltpu.sync_copy(ab0, y_f.at[pl.ds(hoff + g0, EW), :])
            else:
                @pl.loop(0, EW)
                def _(i):
                    x = ab0[i, :] * _bcast16(dw0, i)
                    sb0[i, :] = (sb0[i, :] + x) * 0.25
                pltpu.sync_copy(
                    sb0, out.at[pl.ds(g0, EW), pl.ds(c * H, H)])

        plsc.subcore_barrier()


@jax.jit
def _lightgcn_sc(emb_f, rc3):
    cp = pltpu.CompilerParams(use_tc_tiling_on_sc=False)
    if "needs_layout_passes" in pltpu.CompilerParams.__dataclass_fields__:
        cp = dataclasses.replace(cp, needs_layout_passes=False)
    mesh = plsc.VectorSubcoreMesh(core_axis_name="c", subcore_axis_name="s")
    k = pl.kernel(
        _sc_body,
        out_type=jax.ShapeDtypeStruct((NP, 2 * H), jnp.float32),
        mesh=mesh,
        scratch_types=[
            pltpu.HBM((2 * NP, H), jnp.float32),
            pltpu.HBM((2 * NP, H), jnp.float32),
            pltpu.VMEM_SHARED((NP, H), jnp.float32),
            pltpu.VMEM_SHARED((NP,), jnp.float32),
            pltpu.VMEM((EW, H), jnp.float32),
            pltpu.VMEM((WSZ,), jnp.float32),
            pltpu.VMEM((EW, H), jnp.float32),
            pltpu.VMEM((EW,), jnp.float32),
            pltpu.VMEM((EW, H), jnp.float32),
            pltpu.VMEM((2, WSZ), jnp.int32),
            pltpu.VMEM((2, WSZ), jnp.int32),
            pltpu.VMEM((2, WSZ), jnp.int32),
            pltpu.VMEM((2, WSZ), jnp.int32),
            pltpu.VMEM((2, WSZ), jnp.int32),
            pltpu.VMEM((2, WSZ), jnp.int32),
            pltpu.VMEM((WSZ, H), jnp.float32),
            pltpu.VMEM((WSZ, H), jnp.float32),
            pltpu.VMEM((WSZ, H), jnp.float32),
            pltpu.SemaphoreType.DMA,
            pltpu.SemaphoreType.DMA,
            pltpu.SemaphoreType.DMA,
            pltpu.SemaphoreType.DMA,
            pltpu.SemaphoreType.DMA,
            pltpu.SemaphoreType.DMA,
            pltpu.SemaphoreType.DMA,
            pltpu.SemaphoreType.DMA,
            pltpu.SemaphoreType.DMA,
            pltpu.SemaphoreType.DMA,
            pltpu.SemaphoreType.DMA,
            pltpu.SemaphoreType.DMA,
        ],
        compiler_params=cp,
    )
    return k(emb_f, rc3)


def kernel(emb, edge_index):
    emb = emb.astype(jnp.float32)
    row = edge_index[0].astype(jnp.int32)
    col = edge_index[1].astype(jnp.int32)
    npad = EPAD - E
    ar = jnp.arange(npad, dtype=jnp.int32)
    pad_idx = N + ar % (NP - N)
    row_w = jnp.concatenate([row, pad_idx]).reshape(16, NWIN, 1, WSZ)
    col_w = jnp.concatenate([col, pad_idx]).reshape(16, NWIN, 1, WSZ)
    rc3 = jnp.concatenate([col_w, row_w], axis=2).reshape(-1, WSZ)
    emb_f = jnp.zeros((2 * NP, H), jnp.float32)
    emb_f = emb_f.at[:N].set(emb[:, :H]).at[NP:NP + N].set(emb[:, H:])
    final = _lightgcn_sc(emb_f, rc3)
    return final[:40000], final[40000:90000], final[90000:N]

# --- scband reference (transcript-rebuilt; emitter-appended) ---
"""Pipeline reference for scband-light-gcn-14594298871944 (READ-ONLY COPY).

The authoritative reference and input builder live on the scoring server;
editing this copy changes nothing except your own understanding.
"""

import jax, jax.numpy as jnp
import numpy as np

NUM_USERS = 40000
NUM_ST = 50000
NUM_INTENTS = 10000
TOTAL_NODES = NUM_USERS + NUM_ST + NUM_INTENTS
EMBED_DIM = 32
NUM_LAYERS = 3
NUM_EDGES = 1600000


def setup_inputs(seed: int = 0) -> dict:
    key = jax.random.key(seed)
    k1, k2 = jax.random.split(key)
    edge_index = jax.random.randint(k1, (2, NUM_EDGES), 0, TOTAL_NODES, dtype=jnp.int64)
    # xavier_uniform_ init for embedding table [TOTAL_NODES, EMBED_DIM]
    limit = float(np.sqrt(6.0 / (TOTAL_NODES + EMBED_DIM)))
    emb = jax.random.uniform(k2, (TOTAL_NODES, EMBED_DIM), dtype=jnp.float32, minval=-limit, maxval=limit)
    return {"emb": emb, "edge_index": edge_index}


def reference(emb, edge_index):
    row = edge_index[0]
    col = edge_index[1]
    n = TOTAL_NODES
    # degree via scatter-add of edge values (ones); duplicates summed == coalesce
    deg = jnp.zeros((n,), dtype=jnp.float32).at[row].add(1.0)
    deg_inv_sqrt = jnp.where(deg > 0, jax.lax.rsqrt(jnp.maximum(deg, 1e-30)), 0.0)
    norm_vals = deg_inv_sqrt[row] * deg_inv_sqrt[col]
    x = emb
    embeddings_list = [x]
    for _ in range(NUM_LAYERS):
        # sparse.mm(A_hat, x): gather x at col, scale by norm value, scatter-add to row
        msg = norm_vals[:, None] * jnp.take(x, col, axis=0)
        x = jax.ops.segment_sum(msg, row, num_segments=n)
        embeddings_list.append(x)
    final = jnp.stack(embeddings_list, axis=1).mean(axis=1)
    user_emb = final[:NUM_USERS]
    st_emb = final[NUM_USERS:NUM_USERS + NUM_ST]
    intent_emb = final[NUM_USERS + NUM_ST:]
    return (user_emb, st_emb, intent_emb)

if __name__ == "__main__":
    import jax
    _d = setup_inputs()
    print(jax.jit(kernel)(*tuple(_d.values())))

</pallas_src>

<mosaic_0001>
#map = affine_map<(d0, d1) -> (0, 0)>
module attributes {stable_mosaic.version = 14 : i64} {
  func.func @_sc_body(%arg0: i32, %arg1: i32, %arg2: memref<200704x16xf32, #tpu.memory_space<hbm>>, %arg3: memref<12672x256xi32, #tpu.memory_space<hbm>>, %arg4: memref<100352x32xf32, #tpu.memory_space<hbm>>, %arg5: memref<200704x16xf32, #tpu.memory_space<hbm>>, %arg6: memref<200704x16xf32, #tpu.memory_space<hbm>>, %arg7: memref<100352x16xf32, #tpu.memory_space<vmem_shared>>, %arg8: memref<100352xf32, #tpu.memory_space<vmem_shared>>, %arg9: memref<112x16xf32, #tpu.memory_space<vmem>>, %arg10: memref<256xf32, #tpu.memory_space<vmem>>, %arg11: memref<112x16xf32, #tpu.memory_space<vmem>>, %arg12: memref<112xf32, #tpu.memory_space<vmem>>, %arg13: memref<112x16xf32, #tpu.memory_space<vmem>>, %arg14: memref<2x256xi32, #tpu.memory_space<vmem>>, %arg15: memref<2x256xi32, #tpu.memory_space<vmem>>, %arg16: memref<2x256xi32, #tpu.memory_space<vmem>>, %arg17: memref<2x256xi32, #tpu.memory_space<vmem>>, %arg18: memref<2x256xi32, #tpu.memory_space<vmem>>, %arg19: memref<2x256xi32, #tpu.memory_space<vmem>>, %arg20: memref<256x16xf32, #tpu.memory_space<vmem>>, %arg21: memref<256x16xf32, #tpu.memory_space<vmem>>, %arg22: memref<256x16xf32, #tpu.memory_space<vmem>>, %arg23: memref<!tpu.dma_semaphore, #tpu.memory_space<semaphore_mem>>, %arg24: memref<!tpu.dma_semaphore, #tpu.memory_space<semaphore_mem>>, %arg25: memref<!tpu.dma_semaphore, #tpu.memory_space<semaphore_mem>>, %arg26: memref<!tpu.dma_semaphore, #tpu.memory_space<semaphore_mem>>, %arg27: memref<!tpu.dma_semaphore, #tpu.memory_space<semaphore_mem>>, %arg28: memref<!tpu.dma_semaphore, #tpu.memory_space<semaphore_mem>>, %arg29: memref<!tpu.dma_semaphore, #tpu.memory_space<semaphore_mem>>, %arg30: memref<!tpu.dma_semaphore, #tpu.memory_space<semaphore_mem>>, %arg31: memref<!tpu.dma_semaphore, #tpu.memory_space<semaphore_mem>>, %arg32: memref<!tpu.dma_semaphore, #tpu.memory_space<semaphore_mem>>, %arg33: memref<!tpu.dma_semaphore, #tpu.memory_space<semaphore_mem>>, %arg34: memref<!tpu.dma_semaphore, #tpu.memory_space<semaphore_mem>>) attributes {dimension_semantics = [#tpu.dimension_semantics<core_parallel>, #tpu.dimension_semantics<subcore_parallel>], iteration_bounds = array<i64: 2, 16>, scalar_prefetch = 0 : i64, scratch_operands = 30 : i64, tpu.core_type = #tpu.core_type<sc_vector_subcore>, window_params = [{transform_indices = #map}, {transform_indices = #map}, {transform_indices = #map}]} {
    %mul3A = arith.constant 6272 : i32
    %mul3A_0 = arith.muli %arg1, %mul3A : i32
    %mul3A_1 = arith.constant 792 : i32
    %mul3A_2 = arith.muli %arg1, %mul3A_1 : i32
    %mul3A_3 = arith.constant 100352 : i32
    %mul3A_4 = arith.muli %arg0, %mul3A_3 : i32
    %broadcast_in_dim3A = arith.constant 0.000000e+00 : f32
    %broadcast_in_dim3A_5 = vector.broadcast %broadcast_in_dim3A : f32 to vector<16xf32>
    %scan3A = arith.constant 0 : i32
    %scan3A_6 = arith.constant 112 : i32
    %scan3A_7 = arith.addi %scan3A, %scan3A_6 : i32
    %scan3A_8 = arith.constant 1 : i32
    scf.for %scan3A_310 = %scan3A to %scan3A_7 step %scan3A_8  : i32 {
      %mul3A_311 = arith.constant 1 : i32
      %mul3A_312 = arith.muli %scan3A_310, %mul3A_311 : i32
      %add3A_313 = arith.constant 0 : i32
      %add3A_314 = arith.addi %add3A_313, %mul3A_312 : i32
      %swap3A = arith.index_cast %add3A_314 : i32 to index
      %swap3A_315 = arith.constant 0 : index
      %swap3A_316 = tpu.vector_load %arg9[%swap3A, %swap3A_315] {strides = array<i32>} : memref<112x16xf32, #tpu.memory_space<vmem>>, vector<16xf32>,
      tpu.vector_store %arg9[%swap3A, %swap3A_315], %broadcast_in_dim3A_5 {strides = array<i32>} : memref<112x16xf32, #tpu.memory_space<vmem>>, vector<16xf32>,
    }
    %scan3A_9 = arith.constant 112 : i32
    %scan3A_10 = arith.constant 0 : i32
    %scan3A_11 = arith.constant 7 : i32
    %scan3A_12 = arith.addi %scan3A_10, %scan3A_11 : i32
    %scan3A_13 = arith.constant 1 : i32
    scf.for %scan3A_310 = %scan3A_10 to %scan3A_12 step %scan3A_13  : i32 {
      %mul3A_311 = arith.constant 16 : i32
      %mul3A_312 = arith.muli %scan3A_310, %mul3A_311 : i32
      %add3A_313 = arith.constant 0 : i32
      %add3A_314 = arith.addi %add3A_313, %mul3A_312 : i32
      %swap3A = arith.index_cast %add3A_314 : i32 to index
      %swap3A_315 = tpu.vector_load %arg12[%swap3A] {strides = array<i32>} : memref<112xf32, #tpu.memory_space<vmem>>, vector<16xf32>,
      tpu.vector_store %arg12[%swap3A], %broadcast_in_dim3A_5 {strides = array<i32>} : memref<112xf32, #tpu.memory_space<vmem>>, vector<16xf32>,
    }
    %scan3A_14 = arith.constant 7 : i32
    %scan3A_15 = arith.constant 0 : i32
    %scan3A_16 = arith.constant 16 : i32
    %scan3A_17 = arith.addi %scan3A_15, %scan3A_16 : i32
    %scan3A_18 = arith.constant 1 : i32
    scf.for %scan3A_310 = %scan3A_15 to %scan3A_17 step %scan3A_18  : i32 {
      %mul3A_311 = arith.constant 16 : i32
      %mul3A_312 = arith.muli %scan3A_310, %mul3A_311 : i32
      %add3A_313 = arith.constant 0 : i32
      %add3A_314 = arith.addi %add3A_313, %mul3A_312 : i32
      %broadcast_in_dim3A_315 = arith.constant 1.000000e+00 : f32
      %broadcast_in_dim3A_316 = vector.broadcast %broadcast_in_dim3A_315 : f32 to vector<16xf32>
      %swap3A = arith.index_cast %add3A_314 : i32 to index
      %swap3A_317 = tpu.vector_load %arg10[%swap3A] {strides = array<i32>} : memref<256xf32, #tpu.memory_space<vmem>>, vector<16xf32>,
      tpu.vector_store %arg10[%swap3A], %broadcast_in_dim3A_316 {strides = array<i32>} : memref<256xf32, #tpu.memory_space<vmem>>, vector<16xf32>,
    }
    %scan3A_19 = arith.constant 16 : i32
    %scan3A_20 = arith.constant 0 : i32
    %scan3A_21 = arith.constant 56 : i32
    %scan3A_22 = arith.addi %scan3A_20, %scan3A_21 : i32
    %scan3A_23 = arith.constant 1 : i32
    scf.for %scan3A_310 = %scan3A_20 to %scan3A_22 step %scan3A_23  : i32 {
      %mul3A_311 = arith.constant 112 : i32
      %mul3A_312 = arith.muli %scan3A_310, %mul3A_311 : i32
      %add3A_313 = arith.constant 0 : i32
      %add3A_314 = arith.addi %add3A_313, %mul3A_312 : i32
      %add3A_315 = arith.addi %mul3A_0, %add3A_314 : i32
      "tpu.region"() ({
        %run_scoped3A = tpu.sem_alloc : memref<!tpu.dma_semaphore, #tpu.memory_space<semaphore_mem>>
        %dma_start3A_317 = arith.constant 0 : i32
        %dma_start3A_318 = tpu.memref_slice %arg7[%add3A_315, %dma_start3A_317] : memref<100352x16xf32, #tpu.memory_space<vmem_shared>> -> memref<112x16xf32, #tpu.memory_space<vmem_shared>>
        %dma_start3A_319 = arith.constant 0 : i32
        %dma_start3A_320 = tpu.memref_slice %arg7[%add3A_315, %dma_start3A_319] : memref<100352x16xf32, #tpu.memory_space<vmem_shared>> -> memref<112x16xf32, #tpu.memory_space<vmem_shared>>
        tpu.enqueue_dma source(%arg9 : memref<112x16xf32, #tpu.memory_space<vmem>>) target(%dma_start3A_320 : memref<112x16xf32, #tpu.memory_space<vmem_shared>>) target_semaphore(%run_scoped3A : memref<!tpu.dma_semaphore, #tpu.memory_space<semaphore_mem>>)
        %dma_wait3A_321 = arith.constant 0 : i32
        %dma_wait3A_322 = tpu.memref_slice %arg7[%add3A_315, %dma_wait3A_321] : memref<100352x16xf32, #tpu.memory_space<vmem_shared>> -> memref<112x16xf32, #tpu.memory_space<vmem_shared>>
        %dma_wait3A_323 = arith.constant 0 : i32
        %dma_wait3A_324 = tpu.memref_slice %arg7[%add3A_315, %dma_wait3A_323] : memref<100352x16xf32, #tpu.memory_space<vmem_shared>> -> memref<112x16xf32, #tpu.memory_space<vmem_shared>>
        tpu.wait_dma2 semaphore(%run_scoped3A : memref<!tpu.dma_semaphore, #tpu.memory_space<semaphore_mem>>) src(%arg9 : memref<112x16xf32, #tpu.memory_space<vmem>>) dst(%dma_wait3A_324 : memref<112x16xf32, #tpu.memory_space<vmem_shared>>)
        tpu.yield
      }) : () -> ()
      %add3A_316 = arith.addi %mul3A_0, %add3A_314 : i32
      "tpu.region"() ({
        %run_scoped3A = tpu.sem_alloc : memref<!tpu.dma_semaphore, #tpu.memory_space<semaphore_mem>>
        %dma_start3A_317 = tpu.memref_slice %arg8[%add3A_316] : memref<100352xf32, #tpu.memory_space<vmem_shared>> -> memref<112xf32, #tpu.memory_space<vmem_shared>>
        %dma_start3A_318 = tpu.memref_slice %arg8[%add3A_316] : memref<100352xf32, #tpu.memory_space<vmem_shared>> -> memref<112xf32, #tpu.memory_space<vmem_shared>>
        tpu.enqueue_dma source(%arg12 : memref<112xf32, #tpu.memory_space<vmem>>) target(%dma_start3A_318 : memref<112xf32, #tpu.memory_space<vmem_shared>>) target_semaphore(%run_scoped3A : memref<!tpu.dma_semaphore, #tpu.memory_space<semaphore_mem>>)
        %dma_wait3A_319 = tpu.memref_slice %arg8[%add3A_316] : memref<100352xf32, #tpu.memory_space<vmem_shared>> -> memref<112xf32, #tpu.memory_space<vmem_shared>>
        %dma_wait3A_320 = tpu.memref_slice %arg8[%add3A_316] : memref<100352xf32, #tpu.memory_space<vmem_shared>> -> memref<112xf32, #tpu.memory_space<vmem_shared>>
        tpu.wait_dma2 semaphore(%run_scoped3A : memref<!tpu.dma_semaphore, #tpu.memory_space<semaphore_mem>>) src(%arg12 : memref<112xf32, #tpu.memory_space<vmem>>) dst(%dma_wait3A_320 : memref<112xf32, #tpu.memory_space<vmem_shared>>)
        tpu.yield
      }) : () -> ()
    }
    %scan3A_24 = arith.constant 56 : i32
    %barrier3A = arith.constant 0 : index
    tpu.barrier barrier_id(%barrier3A)
    %add3A = arith.constant 0 : i32
    %add3A_25 = arith.addi %mul3A_2, %add3A : i32
    %dma_start3A = arith.constant 0 : i32
    %dma_start3A_26 = tpu.memref_slice %arg3[%add3A_25, %dma_start3A] : memref<12672x256xi32, #tpu.memory_space<hbm>> -> memref<2x256xi32, #tpu.memory_space<hbm>>
    %dma_start3A_27 = arith.constant 0 : i32
    %dma_start3A_28 = tpu.memref_slice %arg3[%add3A_25, %dma_start3A_27] : memref<12672x256xi32, #tpu.memory_space<hbm>> -> memref<2x256xi32, #tpu.memory_space<hbm>>
    tpu.enqueue_dma source(%dma_start3A_28 : memref<2x256xi32, #tpu.memory_space<hbm>>) target(%arg14 : memref<2x256xi32, #tpu.memory_space<vmem>>) target_semaphore(%arg29 : memref<!tpu.dma_semaphore, #tpu.memory_space<semaphore_mem>>)
    %scan3A_29 = arith.constant 0 : i32
    %scan3A_30 = arith.constant 198 : i32
    %scan3A_31 = arith.addi %scan3A_29, %scan3A_30 : i32
    %scan3A_32 = arith.constant 1 : i32
    scf.for %scan3A_310 = %scan3A_29 to %scan3A_31 step %scan3A_32  : i32 {
      %mul3A_311 = arith.constant 2 : i32
      %mul3A_312 = arith.muli %scan3A_310, %mul3A_311 : i32
      %add3A_313 = arith.constant 0 : i32
      %add3A_314 = arith.addi %add3A_313, %mul3A_312 : i32
      %add3A_315 = arith.constant 1 : i32
      %add3A_316 = arith.addi %add3A_314, %add3A_315 : i32
      %mul3A_317 = arith.constant 2 : i32
      %mul3A_318 = arith.muli %add3A_316, %mul3A_317 : i32
      %add3A_319 = arith.addi %mul3A_2, %mul3A_318 : i32
      %dma_start3A_320 = arith.constant 0 : i32
      %dma_start3A_321 = tpu.memref_slice %arg3[%add3A_319, %dma_start3A_320] : memref<12672x256xi32, #tpu.memory_space<hbm>> -> memref<2x256xi32, #tpu.memory_space<hbm>>
      %dma_start3A_322 = arith.constant 0 : i32
      %dma_start3A_323 = tpu.memref_slice %arg3[%add3A_319, %dma_start3A_322] : memref<12672x256xi32, #tpu.memory_space<hbm>> -> memref<2x256xi32, #tpu.memory_space<hbm>>
      tpu.enqueue_dma source(%dma_start3A_323 : memref<2x256xi32, #tpu.memory_space<hbm>>) target(%arg15 : memref<2x256xi32, #tpu.memory_space<vmem>>) target_semaphore(%arg30 : memref<!tpu.dma_semaphore, #tpu.memory_space<semaphore_mem>>)
      %dma_wait3A_324 = arith.constant 0 : i32
      %dma_wait3A_325 = arith.constant 0 : i32
      %dma_wait3A_326 = tpu.memref_slice %arg3[%dma_wait3A_324, %dma_wait3A_325] : memref<12672x256xi32, #tpu.memory_space<hbm>> -> memref<2x256xi32, #tpu.memory_space<hbm>>
      %dma_wait3A_327 = arith.constant 0 : i32
      %dma_wait3A_328 = arith.constant 0 : i32
      %dma_wait3A_329 = tpu.memref_slice %arg3[%dma_wait3A_327, %dma_wait3A_328] : memref<12672x256xi32, #tpu.memory_space<hbm>> -> memref<2x256xi32, #tpu.memory_space<hbm>>
      tpu.wait_dma2 semaphore(%arg29 : memref<!tpu.dma_semaphore, #tpu.memory_space<semaphore_mem>>) src(%dma_wait3A_329 : memref<2x256xi32, #tpu.memory_space<hbm>>) dst(%arg14 : memref<2x256xi32, #tpu.memory_space<vmem>>)
      %run_scoped3A = arith.constant 1 : i32
      "tpu.region"() ({
        %run_scoped3A_341 = tpu.sem_alloc : memref<!tpu.dma_semaphore, #tpu.memory_space<semaphore_mem>>
        %dma_start3A_342 = arith.constant 0 : i32
        %dma_start3A_343 = tpu.memref_slice %arg14[%run_scoped3A, %dma_start3A_342] : memref<2x256xi32, #tpu.memory_space<vmem>> -> memref<1x256xi32, #tpu.memory_space<vmem>>
        %dma_start3A_344 = tpu.memref_squeeze %dma_start3A_343 : memref<1x256xi32, #tpu.memory_space<vmem>> -> memref<256xi32, #tpu.memory_space<vmem>>
        %dma_start3A_345 = arith.constant 0 : i32
        %dma_start3A_346 = tpu.memref_slice %arg8[%dma_start3A_345] : memref<100352xf32, #tpu.memory_space<vmem_shared>> -> memref<100352xf32, #tpu.memory_space<vmem_shared>>
        tpu.enqueue_indirect_dma source(%arg10 : memref<256xf32, #tpu.memory_space<vmem>>) target(%dma_start3A_346 : memref<100352xf32, #tpu.memory_space<vmem_shared>>) offsets(%dma_start3A_344 : memref<256xi32, #tpu.memory_space<vmem>>) semaphore(%run_scoped3A_341 : memref<!tpu.dma_semaphore, #tpu.memory_space<semaphore_mem>>) {add = true}
        %dma_wait3A_347 = arith.constant 0 : i32
        %dma_wait3A_348 = tpu.memref_slice %arg14[%run_scoped3A, %dma_wait3A_347] : memref<2x256xi32, #tpu.memory_space<vmem>> -> memref<1x256xi32, #tpu.memory_space<vmem>>
        %dma_wait3A_349 = tpu.memref_squeeze %dma_wait3A_348 : memref<1x256xi32, #tpu.memory_space<vmem>> -> memref<256xi32, #tpu.memory_space<vmem>>
        %dma_wait3A_350 = arith.constant 0 : i32
        %dma_wait3A_351 = tpu.memref_slice %arg8[%dma_wait3A_350] : memref<100352xf32, #tpu.memory_space<vmem_shared>> -> memref<100352xf32, #tpu.memory_space<vmem_shared>>
        tpu.wait_indirect_dma semaphore(%run_scoped3A_341 : memref<!tpu.dma_semaphore, #tpu.memory_space<semaphore_mem>>) src(%arg10 : memref<256xf32, #tpu.memory_space<vmem>>) dst(%dma_wait3A_351 : memref<100352xf32, #tpu.memory_space<vmem_shared>>)
        tpu.yield
      }) : () -> ()
      %add3A_330 = arith.constant 2 : i32
      %add3A_331 = arith.addi %add3A_314, %add3A_330 : i32
      %lt3A = arith.constant 396 : i32
      %lt3A_332 = arith.cmpi slt, %add3A_331, %lt3A : i32
      %convert_element_type3A = arith.extui %lt3A_332 : i1 to i32
      %cond3A = arith.constant 0 : i32
      %cond3A_333 = arith.cmpi ne, %convert_element_type3A, %cond3A : i32
      scf.if %cond3A_333 {
        %add3A_341 = arith.constant 2 : i32
        %add3A_342 = arith.addi %add3A_314, %add3A_341 : i32
        %mul3A_343 = arith.constant 2 : i32
        %mul3A_344 = arith.muli %add3A_342, %mul3A_343 : i32
        %add3A_345 = arith.addi %mul3A_2, %mul3A_344 : i32
        %dma_start3A_346 = arith.constant 0 : i32
        %dma_start3A_347 = tpu.memref_slice %arg3[%add3A_345, %dma_start3A_346] : memref<12672x256xi32, #tpu.memory_space<hbm>> -> memref<2x256xi32, #tpu.memory_space<hbm>>
        %dma_start3A_348 = arith.constant 0 : i32
        %dma_start3A_349 = tpu.memref_slice %arg3[%add3A_345, %dma_start3A_348] : memref<12672x256xi32, #tpu.memory_space<hbm>> -> memref<2x256xi32, #tpu.memory_space<hbm>>
        tpu.enqueue_dma source(%dma_start3A_349 : memref<2x256xi32, #tpu.memory_space<hbm>>) target(%arg14 : memref<2x256xi32, #tpu.memory_space<vmem>>) target_semaphore(%arg29 : memref<!tpu.dma_semaphore, #tpu.memory_space<semaphore_mem>>)
      } else {
      }
      %dma_wait3A_334 = arith.constant 0 : i32
      %dma_wait3A_335 = arith.constant 0 : i32
      %dma_wait3A_336 = tpu.memref_slice %arg3[%dma_wait3A_334, %dma_wait3A_335] : memref<12672x256xi32, #tpu.memory_space<hbm>> -> memref<2x256xi32, #tpu.memory_space<hbm>>
      %dma_wait3A_337 = arith.constant 0 : i32
      %dma_wait3A_338 = arith.constant 0 : i32
      %dma_wait3A_339 = tpu.memref_slice %arg3[%dma_wait3A_337, %dma_wait3A_338] : memref<12672x256xi32, #tpu.memory_space<hbm>> -> memref<2x256xi32, #tpu.memory_space<hbm>>
      tpu.wait_dma2 semaphore(%arg30 : memref<!tpu.dma_semaphore, #tpu.memory_space<semaphore_mem>>) src(%dma_wait3A_339 : memref<2x256xi32, #tpu.memory_space<hbm>>) dst(%arg15 : memref<2x256xi32, #tpu.memory_space<vmem>>)
      %run_scoped3A_340 = arith.constant 1 : i32
      "tpu.region"() ({
        %run_scoped3A_341 = tpu.sem_alloc : memref<!tpu.dma_semaphore, #tpu.memory_space<semaphore_mem>>
        %dma_start3A_342 = arith.constant 0 : i32
        %dma_start3A_343 = tpu.memref_slice %arg15[%run_scoped3A_340, %dma_start3A_342] : memref<2x256xi32, #tpu.memory_space<vmem>> -> memref<1x256xi32, #tpu.memory_space<vmem>>
        %dma_start3A_344 = tpu.memref_squeeze %dma_start3A_343 : memref<1x256xi32, #tpu.memory_space<vmem>> -> memref<256xi32, #tpu.memory_space<vmem>>
        %dma_start3A_345 = arith.constant 0 : i32
        %dma_start3A_346 = tpu.memref_slice %arg8[%dma_start3A_345] : memref<100352xf32, #tpu.memory_space<vmem_shared>> -> memref<100352xf32, #tpu.memory_space<vmem_shared>>
        tpu.enqueue_indirect_dma source(%arg10 : memref<256xf32, #tpu.memory_space<vmem>>) target(%dma_start3A_346 : memref<100352xf32, #tpu.memory_space<vmem_shared>>) offsets(%dma_start3A_344 : memref<256xi32, #tpu.memory_space<vmem>>) semaphore(%run_scoped3A_341 : memref<!tpu.dma_semaphore, #tpu.memory_space<semaphore_mem>>) {add = true}
        %dma_wait3A_347 = arith.constant 0 : i32
        %dma_wait3A_348 = tpu.memref_slice %arg15[%run_scoped3A_340, %dma_wait3A_347] : memref<2x256xi32, #tpu.memory_space<vmem>> -> memref<1x256xi32, #tpu.memory_space<vmem>>
        %dma_wait3A_349 = tpu.memref_squeeze %dma_wait3A_348 : memref<1x256xi32, #tpu.memory_space<vmem>> -> memref<256xi32, #tpu.memory_space<vmem>>
        %dma_wait3A_350 = arith.constant 0 : i32
        %dma_wait3A_351 = tpu.memref_slice %arg8[%dma_wait3A_350] : memref<100352xf32, #tpu.memory_space<vmem_shared>> -> memref<100352xf32, #tpu.memory_space<vmem_shared>>
        tpu.wait_indirect_dma semaphore(%run_scoped3A_341 : memref<!tpu.dma_semaphore, #tpu.memory_space<semaphore_mem>>) src(%arg10 : memref<256xf32, #tpu.memory_space<vmem>>) dst(%dma_wait3A_351 : memref<100352xf32, #tpu.memory_space<vmem_shared>>)
        tpu.yield
      }) : () -> ()
    }
    %scan3A_33 = arith.constant 198 : i32
    %barrier3A_34 = arith.constant 0 : index
    tpu.barrier barrier_id(%barrier3A_34)
    %scan3A_35 = arith.constant 0 : i32
    %scan3A_36 = arith.constant 56 : i32
    %scan3A_37 = arith.addi %scan3A_35, %scan3A_36 : i32
    %scan3A_38 = arith.constant 1 : i32
    scf.for %scan3A_310 = %scan3A_35 to %scan3A_37 step %scan3A_38  : i32 {
      %mul3A_311 = arith.constant 112 : i32
      %mul3A_312 = arith.muli %scan3A_310, %mul3A_311 : i32
      %add3A_313 = arith.constant 0 : i32
      %add3A_314 = arith.addi %add3A_313, %mul3A_312 : i32
      %add3A_315 = arith.addi %mul3A_0, %add3A_314 : i32
      "tpu.region"() ({
        %run_scoped3A = tpu.sem_alloc : memref<!tpu.dma_semaphore, #tpu.memory_space<semaphore_mem>>
        %dma_start3A_328 = tpu.memref_slice %arg8[%add3A_315] : memref<100352xf32, #tpu.memory_space<vmem_shared>> -> memref<112xf32, #tpu.memory_space<vmem_shared>>
        %dma_start3A_329 = tpu.memref_slice %arg8[%add3A_315] : memref<100352xf32, #tpu.memory_space<vmem_shared>> -> memref<112xf32, #tpu.memory_space<vmem_shared>>
        tpu.enqueue_dma source(%dma_start3A_329 : memref<112xf32, #tpu.memory_space<vmem_shared>>) target(%arg12 : memref<112xf32, #tpu.memory_space<vmem>>) target_semaphore(%run_scoped3A : memref<!tpu.dma_semaphore, #tpu.memory_space<semaphore_mem>>)
        %dma_wait3A_330 = tpu.memref_slice %arg8[%add3A_315] : memref<100352xf32, #tpu.memory_space<vmem_shared>> -> memref<112xf32, #tpu.memory_space<vmem_shared>>
        %dma_wait3A_331 = tpu.memref_slice %arg8[%add3A_315] : memref<100352xf32, #tpu.memory_space<vmem_shared>> -> memref<112xf32, #tpu.memory_space<vmem_shared>>
        tpu.wait_dma2 semaphore(%run_scoped3A : memref<!tpu.dma_semaphore, #tpu.memory_space<semaphore_mem>>) src(%dma_wait3A_331 : memref<112xf32, #tpu.memory_space<vmem_shared>>) dst(%arg12 : memref<112xf32, #tpu.memory_space<vmem>>)
        tpu.yield
      }) : () -> ()
      %scan3A_316 = arith.constant 0 : i32
      %scan3A_317 = arith.constant 7 : i32
      %scan3A_318 = arith.addi %scan3A_316, %scan3A_317 : i32
      %scan3A_319 = arith.constant 1 : i32
      scf.for %scan3A_328 = %scan3A_316 to %scan3A_318 step %scan3A_319  : i32 {
        %mul3A_329 = arith.constant 16 : i32
        %mul3A_330 = arith.muli %scan3A_328, %mul3A_329 : i32
        %add3A_331 = arith.constant 0 : i32
        %add3A_332 = arith.addi %add3A_331, %mul3A_330 : i32
        %get3A = arith.index_cast %add3A_332 : i32 to index
        %get3A_333 = tpu.vector_load %arg12[%get3A] {strides = array<i32>} : memref<112xf32, #tpu.memory_space<vmem>>, vector<16xf32>,
        %bitcast3A = vector.bitcast %get3A_333 : vector<16xf32> to vector<16xi32>
        %shift_right_logical3A = arith.constant 1 : i32
        %shift_right_logical3A_334 = vector.broadcast %shift_right_logical3A : i32 to vector<16xi32>
        %shift_right_logical3A_335 = arith.shrui %bitcast3A, %shift_right_logical3A_334 : vector<16xi32>
        %sub3A = arith.constant 1597463007 : i32
        %sub3A_336 = vector.broadcast %sub3A : i32 to vector<16xi32>
        %sub3A_337 = arith.subi %sub3A_336, %shift_right_logical3A_335 : vector<16xi32>
        %bitcast3A_338 = vector.bitcast %sub3A_337 : vector<16xi32> to vector<16xf32>
        %mul3A_339 = arith.constant 5.000000e-01 : f32
        %mul3A_340 = vector.broadcast %mul3A_339 : f32 to vector<16xf32>
        %mul3A_341 = arith.mulf %mul3A_340, %get3A_333 : vector<16xf32>
        %mul3A_342 = arith.mulf %mul3A_341, %bitcast3A_338 : vector<16xf32>
        %mul3A_343 = arith.mulf %mul3A_342, %bitcast3A_338 : vector<16xf32>
        %sub3A_344 = arith.constant 1.500000e+00 : f32
        %sub3A_345 = vector.broadcast %sub3A_344 : f32 to vector<16xf32>
        %sub3A_346 = arith.subf %sub3A_345, %mul3A_343 : vector<16xf32>
        %mul3A_347 = arith.mulf %bitcast3A_338, %sub3A_346 : vector<16xf32>
        %mul3A_348 = arith.constant 5.000000e-01 : f32
        %mul3A_349 = vector.broadcast %mul3A_348 : f32 to vector<16xf32>
        %mul3A_350 = arith.mulf %mul3A_349, %get3A_333 : vector<16xf32>
        %mul3A_351 = arith.mulf %mul3A_350, %mul3A_347 : vector<16xf32>
        %mul3A_352 = arith.mulf %mul3A_351, %mul3A_347 : vector<16xf32>
        %sub3A_353 = arith.constant 1.500000e+00 : f32
        %sub3A_354 = vector.broadcast %sub3A_353 : f32 to vector<16xf32>
        %sub3A_355 = arith.subf %sub3A_354, %mul3A_352 : vector<16xf32>
        %mul3A_356 = arith.mulf %mul3A_347, %sub3A_355 : vector<16xf32>
        %mul3A_357 = arith.constant 5.000000e-01 : f32
        %mul3A_358 = vector.broadcast %mul3A_357 : f32 to vector<16xf32>
        %mul3A_359 = arith.mulf %mul3A_358, %get3A_333 : vector<16xf32>
        %mul3A_360 = arith.mulf %mul3A_359, %mul3A_356 : vector<16xf32>
        %mul3A_361 = arith.mulf %mul3A_360, %mul3A_356 : vector<16xf32>
        %sub3A_362 = arith.constant 1.500000e+00 : f32
        %sub3A_363 = vector.broadcast %sub3A_362 : f32 to vector<16xf32>
        %sub3A_364 = arith.subf %sub3A_363, %mul3A_361 : vector<16xf32>
        %mul3A_365 = arith.mulf %mul3A_356, %sub3A_364 : vector<16xf32>
        %gt3A = arith.constant 0.000000e+00 : f32
        %gt3A_366 = vector.broadcast %gt3A : f32 to vector<16xf32>
        %gt3A_367 = arith.cmpf ogt, %get3A_333, %gt3A_366 : vector<16xf32>
        %jit3A = arith.constant 0.000000e+00 : f32
        %broadcast_in_dim3A_368 = vector.broadcast %jit3A : f32 to vector<16xf32>
        %select_n3A = arith.select %gt3A_367, %mul3A_365, %broadcast_in_dim3A_368 : vector<16xi1>, vector<16xf32>
        %swap3A = arith.index_cast %add3A_332 : i32 to index
        %swap3A_369 = tpu.vector_load %arg12[%swap3A] {strides = array<i32>} : memref<112xf32, #tpu.memory_space<vmem>>, vector<16xf32>,
        tpu.vector_store %arg12[%swap3A], %select_n3A {strides = array<i32>} : memref<112xf32, #tpu.memory_space<vmem>>, vector<16xf32>,
      }
      %scan3A_320 = arith.constant 7 : i32
      "tpu.region"() ({
        %run_scoped3A = tpu.sem_alloc : memref<!tpu.dma_semaphore, #tpu.memory_space<semaphore_mem>>
        %dma_start3A_328 = tpu.memref_slice %arg8[%add3A_315] : memref<100352xf32, #tpu.memory_space<vmem_shared>> -> memref<112xf32, #tpu.memory_space<vmem_shared>>
        %dma_start3A_329 = tpu.memref_slice %arg8[%add3A_315] : memref<100352xf32, #tpu.memory_space<vmem_shared>> -> memref<112xf32, #tpu.memory_space<vmem_shared>>
        tpu.enqueue_dma source(%arg12 : memref<112xf32, #tpu.memory_space<vmem>>) target(%dma_start3A_329 : memref<112xf32, #tpu.memory_space<vmem_shared>>) target_semaphore(%run_scoped3A : memref<!tpu.dma_semaphore, #tpu.memory_space<semaphore_mem>>)
        %dma_wait3A_330 = tpu.memref_slice %arg8[%add3A_315] : memref<100352xf32, #tpu.memory_space<vmem_shared>> -> memref<112xf32, #tpu.memory_space<vmem_shared>>
        %dma_wait3A_331 = tpu.memref_slice %arg8[%add3A_315] : memref<100352xf32, #tpu.memory_space<vmem_shared>> -> memref<112xf32, #tpu.memory_space<vmem_shared>>
        tpu.wait_dma2 semaphore(%run_scoped3A : memref<!tpu.dma_semaphore, #tpu.memory_space<semaphore_mem>>) src(%arg12 : memref<112xf32, #tpu.memory_space<vmem>>) dst(%dma_wait3A_331 : memref<112xf32, #tpu.memory_space<vmem_shared>>)
        tpu.yield
      }) : () -> ()
      %add3A_321 = arith.addi %mul3A_4, %add3A_315 : i32
      "tpu.region"() ({
        %run_scoped3A = tpu.sem_alloc : memref<!tpu.dma_semaphore, #tpu.memory_space<semaphore_mem>>
        %dma_start3A_328 = arith.constant 0 : i32
        %dma_start3A_329 = tpu.memref_slice %arg2[%add3A_321, %dma_start3A_328] : memref<200704x16xf32, #tpu.memory_space<hbm>> -> memref<112x16xf32, #tpu.memory_space<hbm>>
        %dma_start3A_330 = arith.constant 0 : i32
        %dma_start3A_331 = tpu.memref_slice %arg2[%add3A_321, %dma_start3A_330] : memref<200704x16xf32, #tpu.memory_space<hbm>> -> memref<112x16xf32, #tpu.memory_space<hbm>>
        tpu.enqueue_dma source(%dma_start3A_331 : memref<112x16xf32, #tpu.memory_space<hbm>>) target(%arg11 : memref<112x16xf32, #tpu.memory_space<vmem>>) target_semaphore(%run_scoped3A : memref<!tpu.dma_semaphore, #tpu.memory_space<semaphore_mem>>)
        %dma_wait3A_332 = arith.constant 0 : i32
        %dma_wait3A_333 = tpu.memref_slice %arg2[%add3A_321, %dma_wait3A_332] : memref<200704x16xf32, #tpu.memory_space<hbm>> -> memref<112x16xf32, #tpu.memory_space<hbm>>
        %dma_wait3A_334 = arith.constant 0 : i32
        %dma_wait3A_335 = tpu.memref_slice %arg2[%add3A_321, %dma_wait3A_334] : memref<200704x16xf32, #tpu.memory_space<hbm>> -> memref<112x16xf32, #tpu.memory_space<hbm>>
        tpu.wait_dma2 semaphore(%run_scoped3A : memref<!tpu.dma_semaphore, #tpu.memory_space<semaphore_mem>>) src(%dma_wait3A_335 : memref<112x16xf32, #tpu.memory_space<hbm>>) dst(%arg11 : memref<112x16xf32, #tpu.memory_space<vmem>>)
        tpu.yield
      }) : () -> ()
      %scan3A_322 = arith.constant 0 : i32
      %scan3A_323 = arith.constant 112 : i32
      %scan3A_324 = arith.addi %scan3A_322, %scan3A_323 : i32
      %scan3A_325 = arith.constant 1 : i32
      scf.for %scan3A_328 = %scan3A_322 to %scan3A_324 step %scan3A_325  : i32 {
        %mul3A_329 = arith.constant 1 : i32
        %mul3A_330 = arith.muli %scan3A_328, %mul3A_329 : i32
        %add3A_331 = arith.constant 0 : i32
        %add3A_332 = arith.addi %add3A_331, %mul3A_330 : i32
        %get3A = arith.index_cast %add3A_332 : i32 to index
        %get3A_333 = arith.constant 0 : index
        %get3A_334 = tpu.vector_load %arg11[%get3A, %get3A_333] {strides = array<i32>} : memref<112x16xf32, #tpu.memory_space<vmem>>, vector<16xf32>,
        %broadcast_in_dim3A_335 = vector.broadcast %add3A_332 : i32 to vector<16xi32>
        %gather3A = tpu.vector_load_idx %arg12[%broadcast_in_dim3A_335] : memref<112xf32, #tpu.memory_space<vmem>>[vector<16xi32>], vector<16xf32>,
        %mul3A_336 = arith.mulf %get3A_334, %gather3A : vector<16xf32>
        %swap3A = arith.index_cast %add3A_332 : i32 to index
        %swap3A_337 = arith.constant 0 : index
        %swap3A_338 = tpu.vector_load %arg11[%swap3A, %swap3A_337] {strides = array<i32>} : memref<112x16xf32, #tpu.memory_space<vmem>>, vector<16xf32>,
        tpu.vector_store %arg11[%swap3A, %swap3A_337], %mul3A_336 {strides = array<i32>} : memref<112x16xf32, #tpu.memory_space<vmem>>, vector<16xf32>,
      }
      %scan3A_326 = arith.constant 112 : i32
      %add3A_327 = arith.addi %mul3A_4, %add3A_315 : i32
      "tpu.region"() ({
        %run_scoped3A = tpu.sem_alloc : memref<!tpu.dma_semaphore, #tpu.memory_space<semaphore_mem>>
        %dma_start3A_328 = arith.constant 0 : i32
        %dma_start3A_329 = tpu.memref_slice %arg5[%add3A_327, %dma_start3A_328] : memref<200704x16xf32, #tpu.memory_space<hbm>> -> memref<112x16xf32, #tpu.memory_space<hbm>>
        %dma_start3A_330 = arith.constant 0 : i32
        %dma_start3A_331 = tpu.memref_slice %arg5[%add3A_327, %dma_start3A_330] : memref<200704x16xf32, #tpu.memory_space<hbm>> -> memref<112x16xf32, #tpu.memory_space<hbm>>
        tpu.enqueue_dma source(%arg11 : memref<112x16xf32, #tpu.memory_space<vmem>>) target(%dma_start3A_331 : memref<112x16xf32, #tpu.memory_space<hbm>>) target_semaphore(%run_scoped3A : memref<!tpu.dma_semaphore, #tpu.memory_space<semaphore_mem>>)
        %dma_wait3A_332 = arith.constant 0 : i32
        %dma_wait3A_333 = tpu.memref_slice %arg5[%add3A_327, %dma_wait3A_332] : memref<200704x16xf32, #tpu.memory_space<hbm>> -> memref<112x16xf32, #tpu.memory_space<hbm>>
        %dma_wait3A_334 = arith.constant 0 : i32
        %dma_wait3A_335 = tpu.memref_slice %arg5[%add3A_327, %dma_wait3A_334] : memref<200704x16xf32, #tpu.memory_space<hbm>> -> memref<112x16xf32, #tpu.memory_space<hbm>>
        tpu.wait_dma2 semaphore(%run_scoped3A : memref<!tpu.dma_semaphore, #tpu.memory_space<semaphore_mem>>) src(%arg11 : memref<112x16xf32, #tpu.memory_space<vmem>>) dst(%dma_wait3A_335 : memref<112x16xf32, #tpu.memory_space<hbm>>)
        tpu.yield
      }) : () -> ()
    }
    %scan3A_39 = arith.constant 56 : i32
    %barrier3A_40 = arith.constant 0 : index
    tpu.barrier barrier_id(%barrier3A_40)
    %add3A_41 = arith.constant 0 : i32
    %add3A_42 = arith.addi %mul3A_2, %add3A_41 : i32
    %dma_start3A_43 = arith.constant 0 : i32
    %dma_start3A_44 = tpu.memref_slice %arg3[%add3A_42, %dma_start3A_43] : memref<12672x256xi32, #tpu.memory_space<hbm>> -> memref<2x256xi32, #tpu.memory_space<hbm>>
    %dma_start3A_45 = arith.constant 0 : i32
    %dma_start3A_46 = tpu.memref_slice %arg3[%add3A_42, %dma_start3A_45] : memref<12672x256xi32, #tpu.memory_space<hbm>> -> memref<2x256xi32, #tpu.memory_space<hbm>>
    tpu.enqueue_dma source(%dma_start3A_46 : memref<2x256xi32, #tpu.memory_space<hbm>>) target(%arg14 : memref<2x256xi32, #tpu.memory_space<vmem>>) target_semaphore(%arg29 : memref<!tpu.dma_semaphore, #tpu.memory_space<semaphore_mem>>)
    %add3A_47 = arith.constant 2 : i32
    %add3A_48 = arith.addi %mul3A_2, %add3A_47 : i32
    %dma_start3A_49 = arith.constant 0 : i32
    %dma_start3A_50 = tpu.memref_slice %arg3[%add3A_48, %dma_start3A_49] : memref<12672x256xi32, #tpu.memory_space<hbm>> -> memref<2x256xi32, #tpu.memory_space<hbm>>
    %dma_start3A_51 = arith.constant 0 : i32
    %dma_start3A_52 = tpu.memref_slice %arg3[%add3A_48, %dma_start3A_51] : memref<12672x256xi32, #tpu.memory_space<hbm>> -> memref<2x256xi32, #tpu.memory_space<hbm>>
    tpu.enqueue_dma source(%dma_start3A_52 : memref<2x256xi32, #tpu.memory_space<hbm>>) target(%arg15 : memref<2x256xi32, #tpu.memory_space<vmem>>) target_semaphore(%arg30 : memref<!tpu.dma_semaphore, #tpu.memory_space<semaphore_mem>>)
    %add3A_53 = arith.constant 4 : i32
    %add3A_54 = arith.addi %mul3A_2, %add3A_53 : i32
    %dma_start3A_55 = arith.constant 0 : i32
    %dma_start3A_56 = tpu.memref_slice %arg3[%add3A_54, %dma_start3A_55] : memref<12672x256xi32, #tpu.memory_space<hbm>> -> memref<2x256xi32, #tpu.memory_space<hbm>>
    %dma_start3A_57 = arith.constant 0 : i32
    %dma_start3A_58 = tpu.memref_slice %arg3[%add3A_54, %dma_start3A_57] : memref<12672x256xi32, #tpu.memory_space<hbm>> -> memref<2x256xi32, #tpu.memory_space<hbm>>
    tpu.enqueue_dma source(%dma_start3A_58 : memref<2x256xi32, #tpu.memory_space<hbm>>) target(%arg16 : memref<2x256xi32, #tpu.memory_space<vmem>>) target_semaphore(%arg31 : memref<!tpu.dma_semaphore, #tpu.memory_space<semaphore_mem>>)
    %add3A_59 = arith.constant 6 : i32
    %add3A_60 = arith.addi %mul3A_2, %add3A_59 : i32
    %dma_start3A_61 = arith.constant 0 : i32
    %dma_start3A_62 = tpu.memref_slice %arg3[%add3A_60, %dma_start3A_61] : memref<12672x256xi32, #tpu.memory_space<hbm>> -> memref<2x256xi32, #tpu.memory_space<hbm>>
    %dma_start3A_63 = arith.constant 0 : i32
    %dma_start3A_64 = tpu.memref_slice %arg3[%add3A_60, %dma_start3A_63] : memref<12672x256xi32, #tpu.memory_space<hbm>> -> memref<2x256xi32, #tpu.memory_space<hbm>>
    tpu.enqueue_dma source(%dma_start3A_64 : memref<2x256xi32, #tpu.memory_space<hbm>>) target(%arg17 : memref<2x256xi32, #tpu.memory_space<vmem>>) target_semaphore(%arg32 : memref<!tpu.dma_semaphore, #tpu.memory_space<semaphore_mem>>)
    %dma_wait3A = arith.constant 0 : i32
    %dma_wait3A_65 = arith.constant 0 : i32
    %dma_wait3A_66 = tpu.memref_slice %arg3[%dma_wait3A, %dma_wait3A_65] : memref<12672x256xi32, #tpu.memory_space<hbm>> -> memref<2x256xi32, #tpu.memory_space<hbm>>
    %dma_wait3A_67 = arith.constant 0 : i32
    %dma_wait3A_68 = arith.constant 0 : i32
    %dma_wait3A_69 = tpu.memref_slice %arg3[%dma_wait3A_67, %dma_wait3A_68] : memref<12672x256xi32, #tpu.memory_space<hbm>> -> memref<2x256xi32, #tpu.memory_space<hbm>>
    tpu.wait_dma2 semaphore(%arg29 : memref<!tpu.dma_semaphore, #tpu.memory_space<semaphore_mem>>) src(%dma_wait3A_69 : memref<2x256xi32, #tpu.memory_space<hbm>>) dst(%arg14 : memref<2x256xi32, #tpu.memory_space<vmem>>)
    %scan3A_70 = arith.constant 0 : i32
    %scan3A_71 = arith.constant 16 : i32
    %scan3A_72 = arith.addi %scan3A_70, %scan3A_71 : i32
    %scan3A_73 = arith.constant 1 : i32
    scf.for %scan3A_310 = %scan3A_70 to %scan3A_72 step %scan3A_73  : i32 {
      %mul3A_311 = arith.constant 16 : i32
      %mul3A_312 = arith.muli %scan3A_310, %mul3A_311 : i32
      %add3A_313 = arith.constant 0 : i32
      %add3A_314 = arith.addi %add3A_313, %mul3A_312 : i32
      %get3A = arith.constant 0 : i32
      %get3A_315 = arith.index_cast %get3A : i32 to index
      %get3A_316 = arith.index_cast %add3A_314 : i32 to index
      %get3A_317 = tpu.vector_load %arg14[%get3A_315, %get3A_316] {strides = array<i32>} : memref<2x256xi32, #tpu.memory_space<vmem>>, vector<16xi32>,
      %add3A_318 = vector.broadcast %mul3A_4 : i32 to vector<16xi32>
      %add3A_319 = arith.addi %get3A_317, %add3A_318 : vector<16xi32>
      %swap3A = arith.constant 0 : i32
      %swap3A_320 = arith.index_cast %swap3A : i32 to index
      %swap3A_321 = arith.index_cast %add3A_314 : i32 to index
      %swap3A_322 = tpu.vector_load %arg14[%swap3A_320, %swap3A_321] {strides = array<i32>} : memref<2x256xi32, #tpu.memory_space<vmem>>, vector<16xi32>,
      tpu.vector_store %arg14[%swap3A_320, %swap3A_321], %add3A_319 {strides = array<i32>} : memref<2x256xi32, #tpu.memory_space<vmem>>, vector<16xi32>,
    }
    %scan3A_74 = arith.constant 16 : i32
    %dma_start3A_75 = arith.constant 0 : i32
    %dma_start3A_76 = arith.constant 0 : i32
    %dma_start3A_77 = tpu.memref_slice %arg14[%dma_start3A_75, %dma_start3A_76] : memref<2x256xi32, #tpu.memory_space<vmem>> -> memref<1x256xi32, #tpu.memory_space<vmem>>
    %dma_start3A_78 = tpu.memref_squeeze %dma_start3A_77 : memref<1x256xi32, #tpu.memory_space<vmem>> -> memref<256xi32, #tpu.memory_space<vmem>>
    %dma_start3A_79 = arith.constant 0 : i32
    %dma_start3A_80 = arith.constant 0 : i32
    %dma_start3A_81 = tpu.memref_slice %arg5[%dma_start3A_79, %dma_start3A_80] : memref<200704x16xf32, #tpu.memory_space<hbm>> -> memref<200704x16xf32, #tpu.memory_space<hbm>>
    tpu.enqueue_indirect_dma source(%dma_start3A_81 : memref<200704x16xf32, #tpu.memory_space<hbm>>) target(%arg20 : memref<256x16xf32, #tpu.memory_space<vmem>>) offsets(%dma_start3A_78 : memref<256xi32, #tpu.memory_space<vmem>>) semaphore(%arg23 : memref<!tpu.dma_semaphore, #tpu.memory_space<semaphore_mem>>)
    %dma_wait3A_82 = arith.constant 0 : i32
    %dma_wait3A_83 = arith.constant 0 : i32
    %dma_wait3A_84 = tpu.memref_slice %arg3[%dma_wait3A_82, %dma_wait3A_83] : memref<12672x256xi32, #tpu.memory_space<hbm>> -> memref<2x256xi32, #tpu.memory_space<hbm>>
    %dma_wait3A_85 = arith.constant 0 : i32
    %dma_wait3A_86 = arith.constant 0 : i32
    %dma_wait3A_87 = tpu.memref_slice %arg3[%dma_wait3A_85, %dma_wait3A_86] : memref<12672x256xi32, #tpu.memory_space<hbm>> -> memref<2x256xi32, #tpu.memory_space<hbm>>
    tpu.wait_dma2 semaphore(%arg30 : memref<!tpu.dma_semaphore, #tpu.memory_space<semaphore_mem>>) src(%dma_wait3A_87 : memref<2x256xi32, #tpu.memory_space<hbm>>) dst(%arg15 : memref<2x256xi32, #tpu.memory_space<vmem>>)
    %scan3A_88 = arith.constant 0 : i32
    %scan3A_89 = arith.constant 16 : i32
    %scan3A_90 = arith.addi %scan3A_88, %scan3A_89 : i32
    %scan3A_91 = arith.constant 1 : i32
    scf.for %scan3A_310 = %scan3A_88 to %scan3A_90 step %scan3A_91  : i32 {
      %mul3A_311 = arith.constant 16 : i32
      %mul3A_312 = arith.muli %scan3A_310, %mul3A_311 : i32
      %add3A_313 = arith.constant 0 : i32
      %add3A_314 = arith.addi %add3A_313, %mul3A_312 : i32
      %get3A = arith.constant 0 : i32
      %get3A_315 = arith.index_cast %get3A : i32 to index
      %get3A_316 = arith.index_cast %add3A_314 : i32 to index
      %get3A_317 = tpu.vector_load %arg15[%get3A_315, %get3A_316] {strides = array<i32>} : memref<2x256xi32, #tpu.memory_space<vmem>>, vector<16xi32>,
      %add3A_318 = vector.broadcast %mul3A_4 : i32 to vector<16xi32>
      %add3A_319 = arith.addi %get3A_317, %add3A_318 : vector<16xi32>
      %swap3A = arith.constant 0 : i32
      %swap3A_320 = arith.index_cast %swap3A : i32 to index
      %swap3A_321 = arith.index_cast %add3A_314 : i32 to index
      %swap3A_322 = tpu.vector_load %arg15[%swap3A_320, %swap3A_321] {strides = array<i32>} : memref<2x256xi32, #tpu.memory_space<vmem>>, vector<16xi32>,
      tpu.vector_store %arg15[%swap3A_320, %swap3A_321], %add3A_319 {strides = array<i32>} : memref<2x256xi32, #tpu.memory_space<vmem>>, vector<16xi32>,
    }
    %scan3A_92 = arith.constant 16 : i32
    %dma_start3A_93 = arith.constant 0 : i32
    %dma_start3A_94 = arith.constant 0 : i32
    %dma_start3A_95 = tpu.memref_slice %arg15[%dma_start3A_93, %dma_start3A_94] : memref<2x256xi32, #tpu.memory_space<vmem>> -> memref<1x256xi32, #tpu.memory_space<vmem>>
    %dma_start3A_96 = tpu.memref_squeeze %dma_start3A_95 : memref<1x256xi32, #tpu.memory_space<vmem>> -> memref<256xi32, #tpu.memory_space<vmem>>
    %dma_start3A_97 = arith.constant 0 : i32
    %dma_start3A_98 = arith.constant 0 : i32
    %dma_start3A_99 = tpu.memref_slice %arg5[%dma_start3A_97, %dma_start3A_98] : memref<200704x16xf32, #tpu.memory_space<hbm>> -> memref<200704x16xf32, #tpu.memory_space<hbm>>
    tpu.enqueue_indirect_dma source(%dma_start3A_99 : memref<200704x16xf32, #tpu.memory_space<hbm>>) target(%arg21 : memref<256x16xf32, #tpu.memory_space<vmem>>) offsets(%dma_start3A_96 : memref<256xi32, #tpu.memory_space<vmem>>) semaphore(%arg24 : memref<!tpu.dma_semaphore, #tpu.memory_space<semaphore_mem>>)
    %scan3A_100 = arith.constant 0 : i32
    %scan3A_101 = arith.constant 66 : i32
    %scan3A_102 = arith.addi %scan3A_100, %scan3A_101 : i32
    %scan3A_103 = arith.constant 1 : i32
    scf.for %scan3A_310 = %scan3A_100 to %scan3A_102 step %scan3A_103  : i32 {
      %mul3A_311 = arith.constant 6 : i32
      %mul3A_312 = arith.muli %scan3A_310, %mul3A_311 : i32
      %add3A_313 = arith.constant 0 : i32
      %add3A_314 = arith.addi %add3A_313, %mul3A_312 : i32
      %add3A_315 = arith.constant 0 : i32
      %add3A_316 = arith.addi %add3A_314, %add3A_315 : i32
      %dma_wait3A_317 = arith.constant 0 : i32
      %dma_wait3A_318 = arith.constant 0 : i32
      %dma_wait3A_319 = tpu.memref_slice %arg14[%dma_wait3A_317, %dma_wait3A_318] : memref<2x256xi32, #tpu.memory_space<vmem>> -> memref<1x256xi32, #tpu.memory_space<vmem>>
      %dma_wait3A_320 = tpu.memref_squeeze %dma_wait3A_319 : memref<1x256xi32, #tpu.memory_space<vmem>> -> memref<256xi32, #tpu.memory_space<vmem>>
      %dma_wait3A_321 = arith.constant 0 : i32
      %dma_wait3A_322 = arith.constant 0 : i32
      %dma_wait3A_323 = tpu.memref_slice %arg5[%dma_wait3A_321, %dma_wait3A_322] : memref<200704x16xf32, #tpu.memory_space<hbm>> -> memref<200704x16xf32, #tpu.memory_space<hbm>>
      tpu.wait_indirect_dma semaphore(%arg23 : memref<!tpu.dma_semaphore, #tpu.memory_space<semaphore_mem>>) src(%dma_wait3A_323 : memref<200704x16xf32, #tpu.memory_space<hbm>>) dst(%arg20 : memref<256x16xf32, #tpu.memory_space<vmem>>)
      %dma_start3A_324 = arith.constant 1 : i32
      %dma_start3A_325 = arith.constant 0 : i32
      %dma_start3A_326 = tpu.memref_slice %arg14[%dma_start3A_324, %dma_start3A_325] : memref<2x256xi32, #tpu.memory_space<vmem>> -> memref<1x256xi32, #tpu.memory_space<vmem>>
      %dma_start3A_327 = tpu.memref_squeeze %dma_start3A_326 : memref<1x256xi32, #tpu.memory_space<vmem>> -> memref<256xi32, #tpu.memory_space<vmem>>
      %dma_start3A_328 = arith.constant 0 : i32
      %dma_start3A_329 = arith.constant 0 : i32
      %dma_start3A_330 = tpu.memref_slice %arg7[%dma_start3A_328, %dma_start3A_329] : memref<100352x16xf32, #tpu.memory_space<vmem_shared>> -> memref<100352x16xf32, #tpu.memory_space<vmem_shared>>
      tpu.enqueue_indirect_dma source(%arg20 : memref<256x16xf32, #tpu.memory_space<vmem>>) target(%dma_start3A_330 : memref<100352x16xf32, #tpu.memory_space<vmem_shared>>) offsets(%dma_start3A_327 : memref<256xi32, #tpu.memory_space<vmem>>) semaphore(%arg26 : memref<!tpu.dma_semaphore, #tpu.memory_space<semaphore_mem>>) {add = true}
      %add3A_331 = arith.constant 2 : i32
      %add3A_332 = arith.addi %add3A_316, %add3A_331 : i32
      %lt3A = arith.constant 396 : i32
      %lt3A_333 = arith.cmpi slt, %add3A_332, %lt3A : i32
      %ge3A = arith.constant 1 : i32
      %ge3A_334 = arith.cmpi sge, %add3A_316, %ge3A : i32
      %and3A = arith.andi %lt3A_333, %ge3A_334 : i1
      %convert_element_type3A = arith.extui %and3A : i1 to i32
      %cond3A = arith.constant 0 : i32
      %cond3A_335 = arith.cmpi ne, %convert_element_type3A, %cond3A : i32
      scf.if %cond3A_335 {
        %dma_wait3A_550 = arith.constant 0 : i32
        %dma_wait3A_551 = arith.constant 0 : i32
        %dma_wait3A_552 = tpu.memref_slice %arg5[%dma_wait3A_550, %dma_wait3A_551] : memref<200704x16xf32, #tpu.memory_space<hbm>> -> memref<256x16xf32, #tpu.memory_space<hbm>>
        %dma_wait3A_553 = arith.constant 0 : i32
        %dma_wait3A_554 = arith.constant 0 : i32
        %dma_wait3A_555 = tpu.memref_slice %arg5[%dma_wait3A_553, %dma_wait3A_554] : memref<200704x16xf32, #tpu.memory_space<hbm>> -> memref<256x16xf32, #tpu.memory_space<hbm>>
        tpu.wait_dma2 semaphore(%arg28 : memref<!tpu.dma_semaphore, #tpu.memory_space<semaphore_mem>>) src(%dma_wait3A_555 : memref<256x16xf32, #tpu.memory_space<hbm>>) dst(%arg22 : memref<256x16xf32, #tpu.memory_space<vmem>>)
      } else {
      }
      %add3A_336 = arith.constant 2 : i32
      %add3A_337 = arith.addi %add3A_316, %add3A_336 : i32
      %lt3A_338 = arith.constant 396 : i32
      %lt3A_339 = arith.cmpi slt, %add3A_337, %lt3A_338 : i32
      %convert_element_type3A_340 = arith.extui %lt3A_339 : i1 to i32
      %cond3A_341 = arith.constant 0 : i32
      %cond3A_342 = arith.cmpi ne, %convert_element_type3A_340, %cond3A_341 : i32
      scf.if %cond3A_342 {
        %dma_wait3A_550 = arith.constant 0 : i32
        %dma_wait3A_551 = arith.constant 0 : i32
        %dma_wait3A_552 = tpu.memref_slice %arg3[%dma_wait3A_550, %dma_wait3A_551] : memref<12672x256xi32, #tpu.memory_space<hbm>> -> memref<2x256xi32, #tpu.memory_space<hbm>>
        %dma_wait3A_553 = arith.constant 0 : i32
        %dma_wait3A_554 = arith.constant 0 : i32
        %dma_wait3A_555 = tpu.memref_slice %arg3[%dma_wait3A_553, %dma_wait3A_554] : memref<12672x256xi32, #tpu.memory_space<hbm>> -> memref<2x256xi32, #tpu.memory_space<hbm>>
        tpu.wait_dma2 semaphore(%arg31 : memref<!tpu.dma_semaphore, #tpu.memory_space<semaphore_mem>>) src(%dma_wait3A_555 : memref<2x256xi32, #tpu.memory_space<hbm>>) dst(%arg16 : memref<2x256xi32, #tpu.memory_space<vmem>>)
        %scan3A_556 = arith.constant 0 : i32
        %scan3A_557 = arith.constant 16 : i32
        %scan3A_558 = arith.addi %scan3A_556, %scan3A_557 : i32
        %scan3A_559 = arith.constant 1 : i32
        scf.for %scan3A_568 = %scan3A_556 to %scan3A_558 step %scan3A_559  : i32 {
          %mul3A_569 = arith.constant 16 : i32
          %mul3A_570 = arith.muli %scan3A_568, %mul3A_569 : i32
          %add3A_571 = arith.constant 0 : i32
          %add3A_572 = arith.addi %add3A_571, %mul3A_570 : i32
          %get3A = arith.constant 0 : i32
          %get3A_573 = arith.index_cast %get3A : i32 to index
          %get3A_574 = arith.index_cast %add3A_572 : i32 to index
          %get3A_575 = tpu.vector_load %arg16[%get3A_573, %get3A_574] {strides = array<i32>} : memref<2x256xi32, #tpu.memory_space<vmem>>, vector<16xi32>,
          %add3A_576 = vector.broadcast %mul3A_4 : i32 to vector<16xi32>
          %add3A_577 = arith.addi %get3A_575, %add3A_576 : vector<16xi32>
          %swap3A = arith.constant 0 : i32
          %swap3A_578 = arith.index_cast %swap3A : i32 to index
          %swap3A_579 = arith.index_cast %add3A_572 : i32 to index
          %swap3A_580 = tpu.vector_load %arg16[%swap3A_578, %swap3A_579] {strides = array<i32>} : memref<2x256xi32, #tpu.memory_space<vmem>>, vector<16xi32>,
          tpu.vector_store %arg16[%swap3A_578, %swap3A_579], %add3A_577 {strides = array<i32>} : memref<2x256xi32, #tpu.memory_space<vmem>>, vector<16xi32>,
        }
        %scan3A_560 = arith.constant 16 : i32
        %dma_start3A_561 = arith.constant 0 : i32
        %dma_start3A_562 = arith.constant 0 : i32
        %dma_start3A_563 = tpu.memref_slice %arg16[%dma_start3A_561, %dma_start3A_562] : memref<2x256xi32, #tpu.memory_space<vmem>> -> memref<1x256xi32, #tpu.memory_space<vmem>>
        %dma_start3A_564 = tpu.memref_squeeze %dma_start3A_563 : memref<1x256xi32, #tpu.memory_space<vmem>> -> memref<256xi32, #tpu.memory_space<vmem>>
        %dma_start3A_565 = arith.constant 0 : i32
        %dma_start3A_566 = arith.constant 0 : i32
        %dma_start3A_567 = tpu.memref_slice %arg5[%dma_start3A_565, %dma_start3A_566] : memref<200704x16xf32, #tpu.memory_space<hbm>> -> memref<200704x16xf32, #tpu.memory_space<hbm>>
        tpu.enqueue_indirect_dma source(%dma_start3A_567 : memref<200704x16xf32, #tpu.memory_space<hbm>>) target(%arg22 : memref<256x16xf32, #tpu.memory_space<vmem>>) offsets(%dma_start3A_564 : memref<256xi32, #tpu.memory_space<vmem>>) semaphore(%arg25 : memref<!tpu.dma_semaphore, #tpu.memory_space<semaphore_mem>>)
      } else {
      }
      %add3A_343 = arith.constant 4 : i32
      %add3A_344 = arith.addi %add3A_316, %add3A_343 : i32
      %lt3A_345 = arith.constant 396 : i32
      %lt3A_346 = arith.cmpi slt, %add3A_344, %lt3A_345 : i32
      %convert_element_type3A_347 = arith.extui %lt3A_346 : i1 to i32
      %cond3A_348 = arith.constant 0 : i32
      %cond3A_349 = arith.cmpi ne, %convert_element_type3A_347, %cond3A_348 : i32
      scf.if %cond3A_349 {
        %add3A_550 = arith.constant 4 : i32
        %add3A_551 = arith.addi %add3A_316, %add3A_550 : i32
        %mul3A_552 = arith.constant 2 : i32
        %mul3A_553 = arith.muli %add3A_551, %mul3A_552 : i32
        %add3A_554 = arith.addi %mul3A_2, %mul3A_553 : i32
        %dma_start3A_555 = arith.constant 0 : i32
        %dma_start3A_556 = tpu.memref_slice %arg3[%add3A_554, %dma_start3A_555] : memref<12672x256xi32, #tpu.memory_space<hbm>> -> memref<2x256xi32, #tpu.memory_space<hbm>>
        %dma_start3A_557 = arith.constant 0 : i32
        %dma_start3A_558 = tpu.memref_slice %arg3[%add3A_554, %dma_start3A_557] : memref<12672x256xi32, #tpu.memory_space<hbm>> -> memref<2x256xi32, #tpu.memory_space<hbm>>
        tpu.enqueue_dma source(%dma_start3A_558 : memref<2x256xi32, #tpu.memory_space<hbm>>) target(%arg18 : memref<2x256xi32, #tpu.memory_space<vmem>>) target_semaphore(%arg33 : memref<!tpu.dma_semaphore, #tpu.memory_space<semaphore_mem>>)
      } else {
      }
      %add3A_350 = arith.constant 1 : i32
      %add3A_351 = arith.addi %add3A_314, %add3A_350 : i32
      %dma_wait3A_352 = arith.constant 0 : i32
      %dma_wait3A_353 = arith.constant 0 : i32
      %dma_wait3A_354 = tpu.memref_slice %arg15[%dma_wait3A_352, %dma_wait3A_353] : memref<2x256xi32, #tpu.memory_space<vmem>> -> memref<1x256xi32, #tpu.memory_space<vmem>>
      %dma_wait3A_355 = tpu.memref_squeeze %dma_wait3A_354 : memref<1x256xi32, #tpu.memory_space<vmem>> -> memref<256xi32, #tpu.memory_space<vmem>>
      %dma_wait3A_356 = arith.constant 0 : i32
      %dma_wait3A_357 = arith.constant 0 : i32
      %dma_wait3A_358 = tpu.memref_slice %arg5[%dma_wait3A_356, %dma_wait3A_357] : memref<200704x16xf32, #tpu.memory_space<hbm>> -> memref<200704x16xf32, #tpu.memory_space<hbm>>
      tpu.wait_indirect_dma semaphore(%arg24 : memref<!tpu.dma_semaphore, #tpu.memory_space<semaphore_mem>>) src(%dma_wait3A_358 : memref<200704x16xf32, #tpu.memory_space<hbm>>) dst(%arg21 : memref<256x16xf32, #tpu.memory_space<vmem>>)
      %dma_start3A_359 = arith.constant 1 : i32
      %dma_start3A_360 = arith.constant 0 : i32
      %dma_start3A_361 = tpu.memref_slice %arg15[%dma_start3A_359, %dma_start3A_360] : memref<2x256xi32, #tpu.memory_space<vmem>> -> memref<1x256xi32, #tpu.memory_space<vmem>>
      %dma_start3A_362 = tpu.memref_squeeze %dma_start3A_361 : memref<1x256xi32, #tpu.memory_space<vmem>> -> memref<256xi32, #tpu.memory_space<vmem>>
      %dma_start3A_363 = arith.constant 0 : i32
      %dma_start3A_364 = arith.constant 0 : i32
      %dma_start3A_365 = tpu.memref_slice %arg7[%dma_start3A_363, %dma_start3A_364] : memref<100352x16xf32, #tpu.memory_space<vmem_shared>> -> memref<100352x16xf32, #tpu.memory_space<vmem_shared>>
      tpu.enqueue_indirect_dma source(%arg21 : memref<256x16xf32, #tpu.memory_space<vmem>>) target(%dma_start3A_365 : memref<100352x16xf32, #tpu.memory_space<vmem_shared>>) offsets(%dma_start3A_362 : memref<256xi32, #tpu.memory_space<vmem>>) semaphore(%arg27 : memref<!tpu.dma_semaphore, #tpu.memory_space<semaphore_mem>>) {add = true}
      %add3A_366 = arith.constant 2 : i32
      %add3A_367 = arith.addi %add3A_351, %add3A_366 : i32
      %lt3A_368 = arith.constant 396 : i32
      %lt3A_369 = arith.cmpi slt, %add3A_367, %lt3A_368 : i32
      %ge3A_370 = arith.constant 1 : i32
      %ge3A_371 = arith.cmpi sge, %add3A_351, %ge3A_370 : i32
      %and3A_372 = arith.andi %lt3A_369, %ge3A_371 : i1
      %convert_element_type3A_373 = arith.extui %and3A_372 : i1 to i32
      %cond3A_374 = arith.constant 0 : i32
      %cond3A_375 = arith.cmpi ne, %convert_element_type3A_373, %cond3A_374 : i32
      scf.if %cond3A_375 {
        %dma_wait3A_550 = arith.constant 0 : i32
        %dma_wait3A_551 = arith.constant 0 : i32
        %dma_wait3A_552 = tpu.memref_slice %arg5[%dma_wait3A_550, %dma_wait3A_551] : memref<200704x16xf32, #tpu.memory_space<hbm>> -> memref<256x16xf32, #tpu.memory_space<hbm>>
        %dma_wait3A_553 = arith.constant 0 : i32
        %dma_wait3A_554 = arith.constant 0 : i32
        %dma_wait3A_555 = tpu.memref_slice %arg5[%dma_wait3A_553, %dma_wait3A_554] : memref<200704x16xf32, #tpu.memory_space<hbm>> -> memref<256x16xf32, #tpu.memory_space<hbm>>
        tpu.wait_dma2 semaphore(%arg26 : memref<!tpu.dma_semaphore, #tpu.memory_space<semaphore_mem>>) src(%dma_wait3A_555 : memref<256x16xf32, #tpu.memory_space<hbm>>) dst(%arg20 : memref<256x16xf32, #tpu.memory_space<vmem>>)
      } else {
      }
      %add3A_376 = arith.constant 2 : i32
      %add3A_377 = arith.addi %add3A_351, %add3A_376 : i32
      %lt3A_378 = arith.constant 396 : i32
      %lt3A_379 = arith.cmpi slt, %add3A_377, %lt3A_378 : i32
      %convert_element_type3A_380 = arith.extui %lt3A_379 : i1 to i32
      %cond3A_381 = arith.constant 0 : i32
      %cond3A_382 = arith.cmpi ne, %convert_element_type3A_380, %cond3A_381 : i32
      scf.if %cond3A_382 {
        %dma_wait3A_550 = arith.constant 0 : i32
        %dma_wait3A_551 = arith.constant 0 : i32
        %dma_wait3A_552 = tpu.memref_slice %arg3[%dma_wait3A_550, %dma_wait3A_551] : memref<12672x256xi32, #tpu.memory_space<hbm>> -> memref<2x256xi32, #tpu.memory_space<hbm>>
        %dma_wait3A_553 = arith.constant 0 : i32
        %dma_wait3A_554 = arith.constant 0 : i32
        %dma_wait3A_555 = tpu.memref_slice %arg3[%dma_wait3A_553, %dma_wait3A_554] : memref<12672x256xi32, #tpu.memory_space<hbm>> -> memref<2x256xi32, #tpu.memory_space<hbm>>
        tpu.wait_dma2 semaphore(%arg32 : memref<!tpu.dma_semaphore, #tpu.memory_space<semaphore_mem>>) src(%dma_wait3A_555 : memref<2x256xi32, #tpu.memory_space<hbm>>) dst(%arg17 : memref<2x256xi32, #tpu.memory_space<vmem>>)
        %scan3A_556 = arith.constant 0 : i32
        %scan3A_557 = arith.constant 16 : i32
        %scan3A_558 = arith.addi %scan3A_556, %scan3A_557 : i32
        %scan3A_559 = arith.constant 1 : i32
        scf.for %scan3A_568 = %scan3A_556 to %scan3A_558 step %scan3A_559  : i32 {
          %mul3A_569 = arith.constant 16 : i32
          %mul3A_570 = arith.muli %scan3A_568, %mul3A_569 : i32
          %add3A_571 = arith.constant 0 : i32
          %add3A_572 = arith.addi %add3A_571, %mul3A_570 : i32
          %get3A = arith.constant 0 : i32
          %get3A_573 = arith.index_cast %get3A : i32 to index
          %get3A_574 = arith.index_cast %add3A_572 : i32 to index
          %get3A_575 = tpu.vector_load %arg17[%get3A_573, %get3A_574] {strides = array<i32>} : memref<2x256xi32, #tpu.memory_space<vmem>>, vector<16xi32>,
          %add3A_576 = vector.broadcast %mul3A_4 : i32 to vector<16xi32>
          %add3A_577 = arith.addi %get3A_575, %add3A_576 : vector<16xi32>
          %swap3A = arith.constant 0 : i32
          %swap3A_578 = arith.index_cast %swap3A : i32 to index
          %swap3A_579 = arith.index_cast %add3A_572 : i32 to index
          %swap3A_580 = tpu.vector_load %arg17[%swap3A_578, %swap3A_579] {strides = array<i32>} : memref<2x256xi32, #tpu.memory_space<vmem>>, vector<16xi32>,
          tpu.vector_store %arg17[%swap3A_578, %swap3A_579], %add3A_577 {strides = array<i32>} : memref<2x256xi32, #tpu.memory_space<vmem>>, vector<16xi32>,
        }
        %scan3A_560 = arith.constant 16 : i32
        %dma_start3A_561 = arith.constant 0 : i32
        %dma_start3A_562 = arith.constant 0 : i32
        %dma_start3A_563 = tpu.memref_slice %arg17[%dma_start3A_561, %dma_start3A_562] : memref<2x256xi32, #tpu.memory_space<vmem>> -> memref<1x256xi32, #tpu.memory_space<vmem>>
        %dma_start3A_564 = tpu.memref_squeeze %dma_start3A_563 : memref<1x256xi32, #tpu.memory_space<vmem>> -> memref<256xi32, #tpu.memory_space<vmem>>
        %dma_start3A_565 = arith.constant 0 : i32
        %dma_start3A_566 = arith.constant 0 : i32
        %dma_start3A_567 = tpu.memref_slice %arg5[%dma_start3A_565, %dma_start3A_566] : memref<200704x16xf32, #tpu.memory_space<hbm>> -> memref<200704x16xf32, #tpu.memory_space<hbm>>
        tpu.enqueue_indirect_dma source(%dma_start3A_567 : memref<200704x16xf32, #tpu.memory_space<hbm>>) target(%arg20 : memref<256x16xf32, #tpu.memory_space<vmem>>) offsets(%dma_start3A_564 : memref<256xi32, #tpu.memory_space<vmem>>) semaphore(%arg23 : memref<!tpu.dma_semaphore, #tpu.memory_space<semaphore_mem>>)
      } else {
      }
      %add3A_383 = arith.constant 4 : i32
      %add3A_384 = arith.addi %add3A_351, %add3A_383 : i32
      %lt3A_385 = arith.constant 396 : i32
      %lt3A_386 = arith.cmpi slt, %add3A_384, %lt3A_385 : i32
      %convert_element_type3A_387 = arith.extui %lt3A_386 : i1 to i32
      %cond3A_388 = arith.constant 0 : i32
      %cond3A_389 = arith.cmpi ne, %convert_element_type3A_387, %cond3A_388 : i32
      scf.if %cond3A_389 {
        %add3A_550 = arith.constant 4 : i32
        %add3A_551 = arith.addi %add3A_351, %add3A_550 : i32
        %mul3A_552 = arith.constant 2 : i32
        %mul3A_553 = arith.muli %add3A_551, %mul3A_552 : i32
        %add3A_554 = arith.addi %mul3A_2, %mul3A_553 : i32
        %dma_start3A_555 = arith.constant 0 : i32
        %dma_start3A_556 = tpu.memref_slice %arg3[%add3A_554, %dma_start3A_555] : memref<12672x256xi32, #tpu.memory_space<hbm>> -> memref<2x256xi32, #tpu.memory_space<hbm>>
        %dma_start3A_557 = arith.constant 0 : i32
        %dma_start3A_558 = tpu.memref_slice %arg3[%add3A_554, %dma_start3A_557] : memref<12672x256xi32, #tpu.memory_space<hbm>> -> memref<2x256xi32, #tpu.memory_space<hbm>>
        tpu.enqueue_dma source(%dma_start3A_558 : memref<2x256xi32, #tpu.memory_space<hbm>>) target(%arg19 : memref<2x256xi32, #tpu.memory_space<vmem>>) target_semaphore(%arg34 : memref<!tpu.dma_semaphore, #tpu.memory_space<semaphore_mem>>)
      } else {
      }
      %add3A_390 = arith.constant 2 : i32
      %add3A_391 = arith.addi %add3A_314, %add3A_390 : i32
      %dma_wait3A_392 = arith.constant 0 : i32
      %dma_wait3A_393 = arith.constant 0 : i32
      %dma_wait3A_394 = tpu.memref_slice %arg16[%dma_wait3A_392, %dma_wait3A_393] : memref<2x256xi32, #tpu.memory_space<vmem>> -> memref<1x256xi32, #tpu.memory_space<vmem>>
      %dma_wait3A_395 = tpu.memref_squeeze %dma_wait3A_394 : memref<1x256xi32, #tpu.memory_space<vmem>> -> memref<256xi32, #tpu.memory_space<vmem>>
      %dma_wait3A_396 = arith.constant 0 : i32
      %dma_wait3A_397 = arith.constant 0 : i32
      %dma_wait3A_398 = tpu.memref_slice %arg5[%dma_wait3A_396, %dma_wait3A_397] : memref<200704x16xf32, #tpu.memory_space<hbm>> -> memref<200704x16xf32, #tpu.memory_space<hbm>>
      tpu.wait_indirect_dma semaphore(%arg25 : memref<!tpu.dma_semaphore, #tpu.memory_space<semaphore_mem>>) src(%dma_wait3A_398 : memref<200704x16xf32, #tpu.memory_space<hbm>>) dst(%arg22 : memref<256x16xf32, #tpu.memory_space<vmem>>)
      %dma_start3A_399 = arith.constant 1 : i32
      %dma_start3A_400 = arith.constant 0 : i32
      %dma_start3A_401 = tpu.memref_slice %arg16[%dma_start3A_399, %dma_start3A_400] : memref<2x256xi32, #tpu.memory_space<vmem>> -> memref<1x256xi32, #tpu.memory_space<vmem>>
      %dma_start3A_402 = tpu.memref_squeeze %dma_start3A_401 : memref<1x256xi32, #tpu.memory_space<vmem>> -> memref<256xi32, #tpu.memory_space<vmem>>
      %dma_start3A_403 = arith.constant 0 : i32
      %dma_start3A_404 = arith.constant 0 : i32
      %dma_start3A_405 = tpu.memref_slice %arg7[%dma_start3A_403, %dma_start3A_404] : memref<100352x16xf32, #tpu.memory_space<vmem_shared>> -> memref<100352x16xf32, #tpu.memory_space<vmem_shared>>
      tpu.enqueue_indirect_dma source(%arg22 : memref<256x16xf32, #tpu.memory_space<vmem>>) target(%dma_start3A_405 : memref<100352x16xf32, #tpu.memory_space<vmem_shared>>) offsets(%dma_start3A_402 : memref<256xi32, #tpu.memory_space<vmem>>) semaphore(%arg28 : memref<!tpu.dma_semaphore, #tpu.memory_space<semaphore_mem>>) {add = true}
      %add3A_406 = arith.constant 2 : i32
      %add3A_407 = arith.addi %add3A_391, %add3A_406 : i32
      %lt3A_408 = arith.constant 396 : i32
      %lt3A_409 = arith.cmpi slt, %add3A_407, %lt3A_408 : i32
      %ge3A_410 = arith.constant 1 : i32
      %ge3A_411 = arith.cmpi sge, %add3A_391, %ge3A_410 : i32
      %and3A_412 = arith.andi %lt3A_409, %ge3A_411 : i1
      %convert_element_type3A_413 = arith.extui %and3A_412 : i1 to i32
      %cond3A_414 = arith.constant 0 : i32
      %cond3A_415 = arith.cmpi ne, %convert_element_type3A_413, %cond3A_414 : i32
      scf.if %cond3A_415 {
        %dma_wait3A_550 = arith.constant 0 : i32
        %dma_wait3A_551 = arith.constant 0 : i32
        %dma_wait3A_552 = tpu.memref_slice %arg5[%dma_wait3A_550, %dma_wait3A_551] : memref<200704x16xf32, #tpu.memory_space<hbm>> -> memref<256x16xf32, #tpu.memory_space<hbm>>
        %dma_wait3A_553 = arith.constant 0 : i32
        %dma_wait3A_554 = arith.constant 0 : i32
        %dma_wait3A_555 = tpu.memref_slice %arg5[%dma_wait3A_553, %dma_wait3A_554] : memref<200704x16xf32, #tpu.memory_space<hbm>> -> memref<256x16xf32, #tpu.memory_space<hbm>>
        tpu.wait_dma2 semaphore(%arg27 : memref<!tpu.dma_semaphore, #tpu.memory_space<semaphore_mem>>) src(%dma_wait3A_555 : memref<256x16xf32, #tpu.memory_space<hbm>>) dst(%arg21 : memref<256x16xf32, #tpu.memory_space<vmem>>)
      } else {
      }
      %add3A_416 = arith.constant 2 : i32
      %add3A_417 = arith.addi %add3A_391, %add3A_416 : i32
      %lt3A_418 = arith.constant 396 : i32
      %lt3A_419 = arith.cmpi slt, %add3A_417, %lt3A_418 : i32
      %convert_element_type3A_420 = arith.extui %lt3A_419 : i1 to i32
      %cond3A_421 = arith.constant 0 : i32
      %cond3A_422 = arith.cmpi ne, %convert_element_type3A_420, %cond3A_421 : i32
      scf.if %cond3A_422 {
        %dma_wait3A_550 = arith.constant 0 : i32
        %dma_wait3A_551 = arith.constant 0 : i32
        %dma_wait3A_552 = tpu.memref_slice %arg3[%dma_wait3A_550, %dma_wait3A_551] : memref<12672x256xi32, #tpu.memory_space<hbm>> -> memref<2x256xi32, #tpu.memory_space<hbm>>
        %dma_wait3A_553 = arith.constant 0 : i32
        %dma_wait3A_554 = arith.constant 0 : i32
        %dma_wait3A_555 = tpu.memref_slice %arg3[%dma_wait3A_553, %dma_wait3A_554] : memref<12672x256xi32, #tpu.memory_space<hbm>> -> memref<2x256xi32, #tpu.memory_space<hbm>>
        tpu.wait_dma2 semaphore(%arg33 : memref<!tpu.dma_semaphore, #tpu.memory_space<semaphore_mem>>) src(%dma_wait3A_555 : memref<2x256xi32, #tpu.memory_space<hbm>>) dst(%arg18 : memref<2x256xi32, #tpu.memory_space<vmem>>)
        %scan3A_556 = arith.constant 0 : i32
        %scan3A_557 = arith.constant 16 : i32
        %scan3A_558 = arith.addi %scan3A_556, %scan3A_557 : i32
        %scan3A_559 = arith.constant 1 : i32
        scf.for %scan3A_568 = %scan3A_556 to %scan3A_558 step %scan3A_559  : i32 {
          %mul3A_569 = arith.constant 16 : i32
          %mul3A_570 = arith.muli %scan3A_568, %mul3A_569 : i32
          %add3A_571 = arith.constant 0 : i32
          %add3A_572 = arith.addi %add3A_571, %mul3A_570 : i32
          %get3A = arith.constant 0 : i32
          %get3A_573 = arith.index_cast %get3A : i32 to index
          %get3A_574 = arith.index_cast %add3A_572 : i32 to index
          %get3A_575 = tpu.vector_load %arg18[%get3A_573, %get3A_574] {strides = array<i32>} : memref<2x256xi32, #tpu.memory_space<vmem>>, vector<16xi32>,
          %add3A_576 = vector.broadcast %mul3A_4 : i32 to vector<16xi32>
          %add3A_577 = arith.addi %get3A_575, %add3A_576 : vector<16xi32>
          %swap3A = arith.constant 0 : i32
          %swap3A_578 = arith.index_cast %swap3A : i32 to index
          %swap3A_579 = arith.index_cast %add3A_572 : i32 to index
          %swap3A_580 = tpu.vector_load %arg18[%swap3A_578, %swap3A_579] {strides = array<i32>} : memref<2x256xi32, #tpu.memory_space<vmem>>, vector<16xi32>,
          tpu.vector_store %arg18[%swap3A_578, %swap3A_579], %add3A_577 {strides = array<i32>} : memref<2x256xi32, #tpu.memory_space<vmem>>, vector<16xi32>,
        }
        %scan3A_560 = arith.constant 16 : i32
        %dma_start3A_561 = arith.constant 0 : i32
        %dma_start3A_562 = arith.constant 0 : i32
        %dma_start3A_563 = tpu.memref_slice %arg18[%dma_start3A_561, %dma_start3A_562] : memref<2x256xi32, #tpu.memory_space<vmem>> -> memref<1x256xi32, #tpu.memory_space<vmem>>
        %dma_start3A_564 = tpu.memref_squeeze %dma_start3A_563 : memref<1x256xi32, #tpu.memory_space<vmem>> -> memref<256xi32, #tpu.memory_space<vmem>>
        %dma_start3A_565 = arith.constant 0 : i32
        %dma_start3A_566 = arith.constant 0 : i32
        %dma_start3A_567 = tpu.memref_slice %arg5[%dma_start3A_565, %dma_start3A_566] : memref<200704x16xf32, #tpu.memory_space<hbm>> -> memref<200704x16xf32, #tpu.memory_space<hbm>>
        tpu.enqueue_indirect_dma source(%dma_start3A_567 : memref<200704x16xf32, #tpu.memory_space<hbm>>) target(%arg21 : memref<256x16xf32, #tpu.memory_space<vmem>>) offsets(%dma_start3A_564 : memref<256xi32, #tpu.memory_space<vmem>>) semaphore(%arg24 : memref<!tpu.dma_semaphore, #tpu.memory_space<semaphore_mem>>)
      } else {
      }
      %add3A_423 = arith.constant 4 : i32
      %add3A_424 = arith.addi %add3A_391, %add3A_423 : i32
      %lt3A_425 = arith.constant 396 : i32
      %lt3A_426 = arith.cmpi slt, %add3A_424, %lt3A_425 : i32
      %convert_element_type3A_427 = arith.extui %lt3A_426 : i1 to i32
      %cond3A_428 = arith.constant 0 : i32
      %cond3A_429 = arith.cmpi ne, %convert_element_type3A_427, %cond3A_428 : i32
      scf.if %cond3A_429 {
        %add3A_550 = arith.constant 4 : i32
        %add3A_551 = arith.addi %add3A_391, %add3A_550 : i32
        %mul3A_552 = arith.constant 2 : i32
        %mul3A_553 = arith.muli %add3A_551, %mul3A_552 : i32
        %add3A_554 = arith.addi %mul3A_2, %mul3A_553 : i32
        %dma_start3A_555 = arith.constant 0 : i32
        %dma_start3A_556 = tpu.memref_slice %arg3[%add3A_554, %dma_start3A_555] : memref<12672x256xi32, #tpu.memory_space<hbm>> -> memref<2x256xi32, #tpu.memory_space<hbm>>
        %dma_start3A_557 = arith.constant 0 : i32
        %dma_start3A_558 = tpu.memref_slice %arg3[%add3A_554, %dma_start3A_557] : memref<12672x256xi32, #tpu.memory_space<hbm>> -> memref<2x256xi32, #tpu.memory_space<hbm>>
        tpu.enqueue_dma source(%dma_start3A_558 : memref<2x256xi32, #tpu.memory_space<hbm>>) target(%arg14 : memref<2x256xi32, #tpu.memory_space<vmem>>) target_semaphore(%arg29 : memref<!tpu.dma_semaphore, #tpu.memory_space<semaphore_mem>>)
      } else {
      }
      %add3A_430 = arith.constant 3 : i32
      %add3A_431 = arith.addi %add3A_314, %add3A_430 : i32
      %dma_wait3A_432 = arith.constant 0 : i32
      %dma_wait3A_433 = arith.constant 0 : i32
      %dma_wait3A_434 = tpu.memref_slice %arg17[%dma_wait3A_432, %dma_wait3A_433] : memref<2x256xi32, #tpu.memory_space<vmem>> -> memref<1x256xi32, #tpu.memory_space<vmem>>
      %dma_wait3A_435 = tpu.memref_squeeze %dma_wait3A_434 : memref<1x256xi32, #tpu.memory_space<vmem>> -> memref<256xi32, #tpu.memory_space<vmem>>
      %dma_wait3A_436 = arith.constant 0 : i32
      %dma_wait3A_437 = arith.constant 0 : i32
      %dma_wait3A_438 = tpu.memref_slice %arg5[%dma_wait3A_436, %dma_wait3A_437] : memref<200704x16xf32, #tpu.memory_space<hbm>> -> memref<200704x16xf32, #tpu.memory_space<hbm>>
      tpu.wait_indirect_dma semaphore(%arg23 : memref<!tpu.dma_semaphore, #tpu.memory_space<semaphore_mem>>) src(%dma_wait3A_438 : memref<200704x16xf32, #tpu.memory_space<hbm>>) dst(%arg20 : memref<256x16xf32, #tpu.memory_space<vmem>>)
      %dma_start3A_439 = arith.constant 1 : i32
      %dma_start3A_440 = arith.constant 0 : i32
      %dma_start3A_441 = tpu.memref_slice %arg17[%dma_start3A_439, %dma_start3A_440] : memref<2x256xi32, #tpu.memory_space<vmem>> -> memref<1x256xi32, #tpu.memory_space<vmem>>
      %dma_start3A_442 = tpu.memref_squeeze %dma_start3A_441 : memref<1x256xi32, #tpu.memory_space<vmem>> -> memref<256xi32, #tpu.memory_space<vmem>>
      %dma_start3A_443 = arith.constant 0 : i32
      %dma_start3A_444 = arith.constant 0 : i32
      %dma_start3A_445 = tpu.memref_slice %arg7[%dma_start3A_443, %dma_start3A_444] : memref<100352x16xf32, #tpu.memory_space<vmem_shared>> -> memref<100352x16xf32, #tpu.memory_space<vmem_shared>>
      tpu.enqueue_indirect_dma source(%arg20 : memref<256x16xf32, #tpu.memory_space<vmem>>) target(%dma_start3A_445 : memref<100352x16xf32, #tpu.memory_space<vmem_shared>>) offsets(%dma_start3A_442 : memref<256xi32, #tpu.memory_space<vmem>>) semaphore(%arg26 : memref<!tpu.dma_semaphore, #tpu.memory_space<semaphore_mem>>) {add = true}
      %add3A_446 = arith.constant 2 : i32
      %add3A_447 = arith.addi %add3A_431, %add3A_446 : i32
      %lt3A_448 = arith.constant 396 : i32
      %lt3A_449 = arith.cmpi slt, %add3A_447, %lt3A_448 : i32
      %ge3A_450 = arith.constant 1 : i32
      %ge3A_451 = arith.cmpi sge, %add3A_431, %ge3A_450 : i32
      %and3A_452 = arith.andi %lt3A_449, %ge3A_451 : i1
      %convert_element_type3A_453 = arith.extui %and3A_452 : i1 to i32
      %cond3A_454 = arith.constant 0 : i32
      %cond3A_455 = arith.cmpi ne, %convert_element_type3A_453, %cond3A_454 : i32
      scf.if %cond3A_455 {
        %dma_wait3A_550 = arith.constant 0 : i32
        %dma_wait3A_551 = arith.constant 0 : i32
        %dma_wait3A_552 = tpu.memref_slice %arg5[%dma_wait3A_550, %dma_wait3A_551] : memref<200704x16xf32, #tpu.memory_space<hbm>> -> memref<256x16xf32, #tpu.memory_space<hbm>>
        %dma_wait3A_553 = arith.constant 0 : i32
        %dma_wait3A_554 = arith.constant 0 : i32
        %dma_wait3A_555 = tpu.memref_slice %arg5[%dma_wait3A_553, %dma_wait3A_554] : memref<200704x16xf32, #tpu.memory_space<hbm>> -> memref<256x16xf32, #tpu.memory_space<hbm>>
        tpu.wait_dma2 semaphore(%arg28 : memref<!tpu.dma_semaphore, #tpu.memory_space<semaphore_mem>>) src(%dma_wait3A_555 : memref<256x16xf32, #tpu.memory_space<hbm>>) dst(%arg22 : memref<256x16xf32, #tpu.memory_space<vmem>>)
      } else {
      }
      %add3A_456 = arith.constant 2 : i32
      %add3A_457 = arith.addi %add3A_431, %add3A_456 : i32
      %lt3A_458 = arith.constant 396 : i32
      %lt3A_459 = arith.cmpi slt, %add3A_457, %lt3A_458 : i32
      %convert_element_type3A_460 = arith.extui %lt3A_459 : i1 to i32
      %cond3A_461 = arith.constant 0 : i32
      %cond3A_462 = arith.cmpi ne, %convert_element_type3A_460, %cond3A_461 : i32
      scf.if %cond3A_462 {
        %dma_wait3A_550 = arith.constant 0 : i32
        %dma_wait3A_551 = arith.constant 0 : i32
        %dma_wait3A_552 = tpu.memref_slice %arg3[%dma_wait3A_550, %dma_wait3A_551] : memref<12672x256xi32, #tpu.memory_space<hbm>> -> memref<2x256xi32, #tpu.memory_space<hbm>>
        %dma_wait3A_553 = arith.constant 0 : i32
        %dma_wait3A_554 = arith.constant 0 : i32
        %dma_wait3A_555 = tpu.memref_slice %arg3[%dma_wait3A_553, %dma_wait3A_554] : memref<12672x256xi32, #tpu.memory_space<hbm>> -> memref<2x256xi32, #tpu.memory_space<hbm>>
        tpu.wait_dma2 semaphore(%arg34 : memref<!tpu.dma_semaphore, #tpu.memory_space<semaphore_mem>>) src(%dma_wait3A_555 : memref<2x256xi32, #tpu.memory_space<hbm>>) dst(%arg19 : memref<2x256xi32, #tpu.memory_space<vmem>>)
        %scan3A_556 = arith.constant 0 : i32
        %scan3A_557 = arith.constant 16 : i32
        %scan3A_558 = arith.addi %scan3A_556, %scan3A_557 : i32
        %scan3A_559 = arith.constant 1 : i32
        scf.for %scan3A_568 = %scan3A_556 to %scan3A_558 step %scan3A_559  : i32 {
          %mul3A_569 = arith.constant 16 : i32
          %mul3A_570 = arith.muli %scan3A_568, %mul3A_569 : i32
          %add3A_571 = arith.constant 0 : i32
          %add3A_572 = arith.addi %add3A_571, %mul3A_570 : i32
          %get3A = arith.constant 0 : i32
          %get3A_573 = arith.index_cast %get3A : i32 to index
          %get3A_574 = arith.index_cast %add3A_572 : i32 to index
          %get3A_575 = tpu.vector_load %arg19[%get3A_573, %get3A_574] {strides = array<i32>} : memref<2x256xi32, #tpu.memory_space<vmem>>, vector<16xi32>,
          %add3A_576 = vector.broadcast %mul3A_4 : i32 to vector<16xi32>
          %add3A_577 = arith.addi %get3A_575, %add3A_576 : vector<16xi32>
          %swap3A = arith.constant 0 : i32
          %swap3A_578 = arith.index_cast %swap3A : i32 to index
          %swap3A_579 = arith.index_cast %add3A_572 : i32 to index
          %swap3A_580 = tpu.vector_load %arg19[%swap3A_578, %swap3A_579] {strides = array<i32>} : memref<2x256xi32, #tpu.memory_space<vmem>>, vector<16xi32>,
          tpu.vector_store %arg19[%swap3A_578, %swap3A_579], %add3A_577 {strides = array<i32>} : memref<2x256xi32, #tpu.memory_space<vmem>>, vector<16xi32>,
        }
        %scan3A_560 = arith.constant 16 : i32
        %dma_start3A_561 = arith.constant 0 : i32
        %dma_start3A_562 = arith.constant 0 : i32
        %dma_start3A_563 = tpu.memref_slice %arg19[%dma_start3A_561, %dma_start3A_562] : memref<2x256xi32, #tpu.memory_space<vmem>> -> memref<1x256xi32, #tpu.memory_space<vmem>>
        %dma_start3A_564 = tpu.memref_squeeze %dma_start3A_563 : memref<1x256xi32, #tpu.memory_space<vmem>> -> memref<256xi32, #tpu.memory_space<vmem>>
        %dma_start3A_565 = arith.constant 0 : i32
        %dma_start3A_566 = arith.constant 0 : i32
        %dma_start3A_567 = tpu.memref_slice %arg5[%dma_start3A_565, %dma_start3A_566] : memref<200704x16xf32, #tpu.memory_space<hbm>> -> memref<200704x16xf32, #tpu.memory_space<hbm>>
        tpu.enqueue_indirect_dma source(%dma_start3A_567 : memref<200704x16xf32, #tpu.memory_space<hbm>>) target(%arg22 : memref<256x16xf32, #tpu.memory_space<vmem>>) offsets(%dma_start3A_564 : memref<256xi32, #tpu.memory_space<vmem>>) semaphore(%arg25 : memref<!tpu.dma_semaphore, #tpu.memory_space<semaphore_mem>>)
      } else {
      }
      %add3A_463 = arith.constant 4 : i32
      %add3A_464 = arith.addi %add3A_431, %add3A_463 : i32
      %lt3A_465 = arith.constant 396 : i32
      %lt3A_466 = arith.cmpi slt, %add3A_464, %lt3A_465 : i32
      %convert_element_type3A_467 = arith.extui %lt3A_466 : i1 to i32
      %cond3A_468 = arith.constant 0 : i32
      %cond3A_469 = arith.cmpi ne, %convert_element_type3A_467, %cond3A_468 : i32
      scf.if %cond3A_469 {
        %add3A_550 = arith.constant 4 : i32
        %add3A_551 = arith.addi %add3A_431, %add3A_550 : i32
        %mul3A_552 = arith.constant 2 : i32
        %mul3A_553 = arith.muli %add3A_551, %mul3A_552 : i32
        %add3A_554 = arith.addi %mul3A_2, %mul3A_553 : i32
        %dma_start3A_555 = arith.constant 0 : i32
        %dma_start3A_556 = tpu.memref_slice %arg3[%add3A_554, %dma_start3A_555] : memref<12672x256xi32, #tpu.memory_space<hbm>> -> memref<2x256xi32, #tpu.memory_space<hbm>>
        %dma_start3A_557 = arith.constant 0 : i32
        %dma_start3A_558 = tpu.memref_slice %arg3[%add3A_554, %dma_start3A_557] : memref<12672x256xi32, #tpu.memory_space<hbm>> -> memref<2x256xi32, #tpu.memory_space<hbm>>
        tpu.enqueue_dma source(%dma_start3A_558 : memref<2x256xi32, #tpu.memory_space<hbm>>) target(%arg15 : memref<2x256xi32, #tpu.memory_space<vmem>>) target_semaphore(%arg30 : memref<!tpu.dma_semaphore, #tpu.memory_space<semaphore_mem>>)
      } else {
      }
      %add3A_470 = arith.constant 4 : i32
      %add3A_471 = arith.addi %add3A_314, %add3A_470 : i32
      %dma_wait3A_472 = arith.constant 0 : i32
      %dma_wait3A_473 = arith.constant 0 : i32
      %dma_wait3A_474 = tpu.memref_slice %arg18[%dma_wait3A_472, %dma_wait3A_473] : memref<2x256xi32, #tpu.memory_space<vmem>> -> memref<1x256xi32, #tpu.memory_space<vmem>>
      %dma_wait3A_475 = tpu.memref_squeeze %dma_wait3A_474 : memref<1x256xi32, #tpu.memory_space<vmem>> -> memref<256xi32, #tpu.memory_space<vmem>>
      %dma_wait3A_476 = arith.constant 0 : i32
      %dma_wait3A_477 = arith.constant 0 : i32
      %dma_wait3A_478 = tpu.memref_slice %arg5[%dma_wait3A_476, %dma_wait3A_477] : memref<200704x16xf32, #tpu.memory_space<hbm>> -> memref<200704x16xf32, #tpu.memory_space<hbm>>
      tpu.wait_indirect_dma semaphore(%arg24 : memref<!tpu.dma_semaphore, #tpu.memory_space<semaphore_mem>>) src(%dma_wait3A_478 : memref<200704x16xf32, #tpu.memory_space<hbm>>) dst(%arg21 : memref<256x16xf32, #tpu.memory_space<vmem>>)
      %dma_start3A_479 = arith.constant 1 : i32
      %dma_start3A_480 = arith.constant 0 : i32
      %dma_start3A_481 = tpu.memref_slice %arg18[%dma_start3A_479, %dma_start3A_480] : memref<2x256xi32, #tpu.memory_space<vmem>> -> memref<1x256xi32, #tpu.memory_space<vmem>>
      %dma_start3A_482 = tpu.memref_squeeze %dma_start3A_481 : memref<1x256xi32, #tpu.memory_space<vmem>> -> memref<256xi32, #tpu.memory_space<vmem>>
      %dma_start3A_483 = arith.constant 0 : i32
      %dma_start3A_484 = arith.constant 0 : i32
      %dma_start3A_485 = tpu.memref_slice %arg7[%dma_start3A_483, %dma_start3A_484] : memref<100352x16xf32, #tpu.memory_space<vmem_shared>> -> memref<100352x16xf32, #tpu.memory_space<vmem_shared>>
      tpu.enqueue_indirect_dma source(%arg21 : memref<256x16xf32, #tpu.memory_space<vmem>>) target(%dma_start3A_485 : memref<100352x16xf32, #tpu.memory_space<vmem_shared>>) offsets(%dma_start3A_482 : memref<256xi32, #tpu.memory_space<vmem>>) semaphore(%arg27 : memref<!tpu.dma_semaphore, #tpu.memory_space<semaphore_mem>>) {add = true}
      %add3A_486 = arith.constant 2 : i32
      %add3A_487 = arith.addi %add3A_471, %add3A_486 : i32
      %lt3A_488 = arith.constant 396 : i32
      %lt3A_489 = arith.cmpi slt, %add3A_487, %lt3A_488 : i32
      %ge3A_490 = arith.constant 1 : i32
      %ge3A_491 = arith.cmpi sge, %add3A_471, %ge3A_490 : i32
      %and3A_492 = arith.andi %lt3A_489, %ge3A_491 : i1
      %convert_element_type3A_493 = arith.extui %and3A_492 : i1 to i32
      %cond3A_494 = arith.constant 0 : i32
      %cond3A_495 = arith.cmpi ne, %convert_element_type3A_493, %cond3A_494 : i32
      scf.if %cond3A_495 {
        %dma_wait3A_550 = arith.constant 0 : i32
        %dma_wait3A_551 = arith.constant 0 : i32
        %dma_wait3A_552 = tpu.memref_slice %arg5[%dma_wait3A_550, %dma_wait3A_551] : memref<200704x16xf32, #tpu.memory_space<hbm>> -> memref<256x16xf32, #tpu.memory_space<hbm>>
        %dma_wait3A_553 = arith.constant 0 : i32
        %dma_wait3A_554 = arith.constant 0 : i32
        %dma_wait3A_555 = tpu.memref_slice %arg5[%dma_wait3A_553, %dma_wait3A_554] : memref<200704x16xf32, #tpu.memory_space<hbm>> -> memref<256x16xf32, #tpu.memory_space<hbm>>
        tpu.wait_dma2 semaphore(%arg26 : memref<!tpu.dma_semaphore, #tpu.memory_space<semaphore_mem>>) src(%dma_wait3A_555 : memref<256x16xf32, #tpu.memory_space<hbm>>) dst(%arg20 : memref<256x16xf32, #tpu.memory_space<vmem>>)
      } else {
      }
      %add3A_496 = arith.constant 2 : i32
      %add3A_497 = arith.addi %add3A_471, %add3A_496 : i32
      %lt3A_498 = arith.constant 396 : i32
      %lt3A_499 = arith.cmpi slt, %add3A_497, %lt3A_498 : i32
      %convert_element_type3A_500 = arith.extui %lt3A_499 : i1 to i32
      %cond3A_501 = arith.constant 0 : i32
      %cond3A_502 = arith.cmpi ne, %convert_element_type3A_500, %cond3A_501 : i32
      scf.if %cond3A_502 {
        %dma_wait3A_550 = arith.constant 0 : i32
        %dma_wait3A_551 = arith.constant 0 : i32
        %dma_wait3A_552 = tpu.memref_slice %arg3[%dma_wait3A_550, %dma_wait3A_551] : memref<12672x256xi32, #tpu.memory_space<hbm>> -> memref<2x256xi32, #tpu.memory_space<hbm>>
        %dma_wait3A_553 = arith.constant 0 : i32
        %dma_wait3A_554 = arith.constant 0 : i32
        %dma_wait3A_555 = tpu.memref_slice %arg3[%dma_wait3A_553, %dma_wait3A_554] : memref<12672x256xi32, #tpu.memory_space<hbm>> -> memref<2x256xi32, #tpu.memory_space<hbm>>
        tpu.wait_dma2 semaphore(%arg29 : memref<!tpu.dma_semaphore, #tpu.memory_space<semaphore_mem>>) src(%dma_wait3A_555 : memref<2x256xi32, #tpu.memory_space<hbm>>) dst(%arg14 : memref<2x256xi32, #tpu.memory_space<vmem>>)
        %scan3A_556 = arith.constant 0 : i32
        %scan3A_557 = arith.constant 16 : i32
        %scan3A_558 = arith.addi %scan3A_556, %scan3A_557 : i32
        %scan3A_559 = arith.constant 1 : i32
        scf.for %scan3A_568 = %scan3A_556 to %scan3A_558 step %scan3A_559  : i32 {
          %mul3A_569 = arith.constant 16 : i32
          %mul3A_570 = arith.muli %scan3A_568, %mul3A_569 : i32
          %add3A_571 = arith.constant 0 : i32
          %add3A_572 = arith.addi %add3A_571, %mul3A_570 : i32
          %get3A = arith.constant 0 : i32
          %get3A_573 = arith.index_cast %get3A : i32 to index
          %get3A_574 = arith.index_cast %add3A_572 : i32 to index
          %get3A_575 = tpu.vector_load %arg14[%get3A_573, %get3A_574] {strides = array<i32>} : memref<2x256xi32, #tpu.memory_space<vmem>>, vector<16xi32>,
          %add3A_576 = vector.broadcast %mul3A_4 : i32 to vector<16xi32>
          %add3A_577 = arith.addi %get3A_575, %add3A_576 : vector<16xi32>
          %swap3A = arith.constant 0 : i32
          %swap3A_578 = arith.index_cast %swap3A : i32 to index
          %swap3A_579 = arith.index_cast %add3A_572 : i32 to index
          %swap3A_580 = tpu.vector_load %arg14[%swap3A_578, %swap3A_579] {strides = array<i32>} : memref<2x256xi32, #tpu.memory_space<vmem>>, vector<16xi32>,
          tpu.vector_store %arg14[%swap3A_578, %swap3A_579], %add3A_577 {strides = array<i32>} : memref<2x256xi32, #tpu.memory_space<vmem>>, vector<16xi32>,
        }
        %scan3A_560 = arith.constant 16 : i32
        %dma_start3A_561 = arith.constant 0 : i32
        %dma_start3A_562 = arith.constant 0 : i32
        %dma_start3A_563 = tpu.memref_slice %arg14[%dma_start3A_561, %dma_start3A_562] : memref<2x256xi32, #tpu.memory_space<vmem>> -> memref<1x256xi32, #tpu.memory_space<vmem>>
        %dma_start3A_564 = tpu.memref_squeeze %dma_start3A_563 : memref<1x256xi32, #tpu.memory_space<vmem>> -> memref<256xi32, #tpu.memory_space<vmem>>
        %dma_start3A_565 = arith.constant 0 : i32
        %dma_start3A_566 = arith.constant 0 : i32
        %dma_start3A_567 = tpu.memref_slice %arg5[%dma_start3A_565, %dma_start3A_566] : memref<200704x16xf32, #tpu.memory_space<hbm>> -> memref<200704x16xf32, #tpu.memory_space<hbm>>
        tpu.enqueue_indirect_dma source(%dma_start3A_567 : memref<200704x16xf32, #tpu.memory_space<hbm>>) target(%arg20 : memref<256x16xf32, #tpu.memory_space<vmem>>) offsets(%dma_start3A_564 : memref<256xi32, #tpu.memory_space<vmem>>) semaphore(%arg23 : memref<!tpu.dma_semaphore, #tpu.memory_space<semaphore_mem>>)
      } else {
      }
      %add3A_503 = arith.constant 4 : i32
      %add3A_504 = arith.addi %add3A_471, %add3A_503 : i32
      %lt3A_505 = arith.constant 396 : i32
      %lt3A_506 = arith.cmpi slt, %add3A_504, %lt3A_505 : i32
      %convert_element_type3A_507 = arith.extui %lt3A_506 : i1 to i32
      %cond3A_508 = arith.constant 0 : i32
      %cond3A_509 = arith.cmpi ne, %convert_element_type3A_507, %cond3A_508 : i32
      scf.if %cond3A_509 {
        %add3A_550 = arith.constant 4 : i32
        %add3A_551 = arith.addi %add3A_471, %add3A_550 : i32
        %mul3A_552 = arith.constant 2 : i32
        %mul3A_553 = arith.muli %add3A_551, %mul3A_552 : i32
        %add3A_554 = arith.addi %mul3A_2, %mul3A_553 : i32
        %dma_start3A_555 = arith.constant 0 : i32
        %dma_start3A_556 = tpu.memref_slice %arg3[%add3A_554, %dma_start3A_555] : memref<12672x256xi32, #tpu.memory_space<hbm>> -> memref<2x256xi32, #tpu.memory_space<hbm>>
        %dma_start3A_557 = arith.constant 0 : i32
        %dma_start3A_558 = tpu.memref_slice %arg3[%add3A_554, %dma_start3A_557] : memref<12672x256xi32, #tpu.memory_space<hbm>> -> memref<2x256xi32, #tpu.memory_space<hbm>>
        tpu.enqueue_dma source(%dma_start3A_558 : memref<2x256xi32, #tpu.memory_space<hbm>>) target(%arg16 : memref<2x256xi32, #tpu.memory_space<vmem>>) target_semaphore(%arg31 : memref<!tpu.dma_semaphore, #tpu.memory_space<semaphore_mem>>)
      } else {
      }
      %add3A_510 = arith.constant 5 : i32
      %add3A_511 = arith.addi %add3A_314, %add3A_510 : i32
      %dma_wait3A_512 = arith.constant 0 : i32
      %dma_wait3A_513 = arith.constant 0 : i32
      %dma_wait3A_514 = tpu.memref_slice %arg19[%dma_wait3A_512, %dma_wait3A_513] : memref<2x256xi32, #tpu.memory_space<vmem>> -> memref<1x256xi32, #tpu.memory_space<vmem>>
      %dma_wait3A_515 = tpu.memref_squeeze %dma_wait3A_514 : memref<1x256xi32, #tpu.memory_space<vmem>> -> memref<256xi32, #tpu.memory_space<vmem>>
      %dma_wait3A_516 = arith.constant 0 : i32
      %dma_wait3A_517 = arith.constant 0 : i32
      %dma_wait3A_518 = tpu.memref_slice %arg5[%dma_wait3A_516, %dma_wait3A_517] : memref<200704x16xf32, #tpu.memory_space<hbm>> -> memref<200704x16xf32, #tpu.memory_space<hbm>>
      tpu.wait_indirect_dma semaphore(%arg25 : memref<!tpu.dma_semaphore, #tpu.memory_space<semaphore_mem>>) src(%dma_wait3A_518 : memref<200704x16xf32, #tpu.memory_space<hbm>>) dst(%arg22 : memref<256x16xf32, #tpu.memory_space<vmem>>)
      %dma_start3A_519 = arith.constant 1 : i32
      %dma_start3A_520 = arith.constant 0 : i32
      %dma_start3A_521 = tpu.memref_slice %arg19[%dma_start3A_519, %dma_start3A_520] : memref<2x256xi32, #tpu.memory_space<vmem>> -> memref<1x256xi32, #tpu.memory_space<vmem>>
      %dma_start3A_522 = tpu.memref_squeeze %dma_start3A_521 : memref<1x256xi32, #tpu.memory_space<vmem>> -> memref<256xi32, #tpu.memory_space<vmem>>
      %dma_start3A_523 = arith.constant 0 : i32
      %dma_start3A_524 = arith.constant 0 : i32
      %dma_start3A_525 = tpu.memref_slice %arg7[%dma_start3A_523, %dma_start3A_524] : memref<100352x16xf32, #tpu.memory_space<vmem_shared>> -> memref<100352x16xf32, #tpu.memory_space<vmem_shared>>
      tpu.enqueue_indirect_dma source(%arg22 : memref<256x16xf32, #tpu.memory_space<vmem>>) target(%dma_start3A_525 : memref<100352x16xf32, #tpu.memory_space<vmem_shared>>) offsets(%dma_start3A_522 : memref<256xi32, #tpu.memory_space<vmem>>) semaphore(%arg28 : memref<!tpu.dma_semaphore, #tpu.memory_space<semaphore_mem>>) {add = true}
      %add3A_526 = arith.constant 2 : i32
      %add3A_527 = arith.addi %add3A_511, %add3A_526 : i32
      %lt3A_528 = arith.constant 396 : i32
      %lt3A_529 = arith.cmpi slt, %add3A_527, %lt3A_528 : i32
      %ge3A_530 = arith.constant 1 : i32
      %ge3A_531 = arith.cmpi sge, %add3A_511, %ge3A_530 : i32
      %and3A_532 = arith.andi %lt3A_529, %ge3A_531 : i1
      %convert_element_type3A_533 = arith.extui %and3A_532 : i1 to i32
      %cond3A_534 = arith.constant 0 : i32
      %cond3A_535 = arith.cmpi ne, %convert_element_type3A_533, %cond3A_534 : i32
      scf.if %cond3A_535 {
        %dma_wait3A_550 = arith.constant 0 : i32
        %dma_wait3A_551 = arith.constant 0 : i32
        %dma_wait3A_552 = tpu.memref_slice %arg5[%dma_wait3A_550, %dma_wait3A_551] : memref<200704x16xf32, #tpu.memory_space<hbm>> -> memref<256x16xf32, #tpu.memory_space<hbm>>
        %dma_wait3A_553 = arith.constant 0 : i32
        %dma_wait3A_554 = arith.constant 0 : i32
        %dma_wait3A_555 = tpu.memref_slice %arg5[%dma_wait3A_553, %dma_wait3A_554] : memref<200704x16xf32, #tpu.memory_space<hbm>> -> memref<256x16xf32, #tpu.memory_space<hbm>>
        tpu.wait_dma2 semaphore(%arg27 : memref<!tpu.dma_semaphore, #tpu.memory_space<semaphore_mem>>) src(%dma_wait3A_555 : memref<256x16xf32, #tpu.memory_space<hbm>>) dst(%arg21 : memref<256x16xf32, #tpu.memory_space<vmem>>)
      } else {
      }
      %add3A_536 = arith.constant 2 : i32
      %add3A_537 = arith.addi %add3A_511, %add3A_536 : i32
      %lt3A_538 = arith.constant 396 : i32
      %lt3A_539 = arith.cmpi slt, %add3A_537, %lt3A_538 : i32
      %convert_element_type3A_540 = arith.extui %lt3A_539 : i1 to i32
      %cond3A_541 = arith.constant 0 : i32
      %cond3A_542 = arith.cmpi ne, %convert_element_type3A_540, %cond3A_541 : i32
      scf.if %cond3A_542 {
        %dma_wait3A_550 = arith.constant 0 : i32
        %dma_wait3A_551 = arith.constant 0 : i32
        %dma_wait3A_552 = tpu.memref_slice %arg3[%dma_wait3A_550, %dma_wait3A_551] : memref<12672x256xi32, #tpu.memory_space<hbm>> -> memref<2x256xi32, #tpu.memory_space<hbm>>
        %dma_wait3A_553 = arith.constant 0 : i32
        %dma_wait3A_554 = arith.constant 0 : i32
        %dma_wait3A_555 = tpu.memref_slice %arg3[%dma_wait3A_553, %dma_wait3A_554] : memref<12672x256xi32, #tpu.memory_space<hbm>> -> memref<2x256xi32, #tpu.memory_space<hbm>>
        tpu.wait_dma2 semaphore(%arg30 : memref<!tpu.dma_semaphore, #tpu.memory_space<semaphore_mem>>) src(%dma_wait3A_555 : memref<2x256xi32, #tpu.memory_space<hbm>>) dst(%arg15 : memref<2x256xi32, #tpu.memory_space<vmem>>)
        %scan3A_556 = arith.constant 0 : i32
        %scan3A_557 = arith.constant 16 : i32
        %scan3A_558 = arith.addi %scan3A_556, %scan3A_557 : i32
        %scan3A_559 = arith.constant 1 : i32
        scf.for %scan3A_568 = %scan3A_556 to %scan3A_558 step %scan3A_559  : i32 {
          %mul3A_569 = arith.constant 16 : i32
          %mul3A_570 = arith.muli %scan3A_568, %mul3A_569 : i32
          %add3A_571 = arith.constant 0 : i32
          %add3A_572 = arith.addi %add3A_571, %mul3A_570 : i32
          %get3A = arith.constant 0 : i32
          %get3A_573 = arith.index_cast %get3A : i32 to index
          %get3A_574 = arith.index_cast %add3A_572 : i32 to index
          %get3A_575 = tpu.vector_load %arg15[%get3A_573, %get3A_574] {strides = array<i32>} : memref<2x256xi32, #tpu.memory_space<vmem>>, vector<16xi32>,
          %add3A_576 = vector.broadcast %mul3A_4 : i32 to vector<16xi32>
          %add3A_577 = arith.addi %get3A_575, %add3A_576 : vector<16xi32>
          %swap3A = arith.constant 0 : i32
          %swap3A_578 = arith.index_cast %swap3A : i32 to index
          %swap3A_579 = arith.index_cast %add3A_572 : i32 to index
          %swap3A_580 = tpu.vector_load %arg15[%swap3A_578, %swap3A_579] {strides = array<i32>} : memref<2x256xi32, #tpu.memory_space<vmem>>, vector<16xi32>,
          tpu.vector_store %arg15[%swap3A_578, %swap3A_579], %add3A_577 {strides = array<i32>} : memref<2x256xi32, #tpu.memory_space<vmem>>, vector<16xi32>,
        }
        %scan3A_560 = arith.constant 16 : i32
        %dma_start3A_561 = arith.constant 0 : i32
        %dma_start3A_562 = arith.constant 0 : i32
        %dma_start3A_563 = tpu.memref_slice %arg15[%dma_start3A_561, %dma_start3A_562] : memref<2x256xi32, #tpu.memory_space<vmem>> -> memref<1x256xi32, #tpu.memory_space<vmem>>
        %dma_start3A_564 = tpu.memref_squeeze %dma_start3A_563 : memref<1x256xi32, #tpu.memory_space<vmem>> -> memref<256xi32, #tpu.memory_space<vmem>>
        %dma_start3A_565 = arith.constant 0 : i32
        %dma_start3A_566 = arith.constant 0 : i32
        %dma_start3A_567 = tpu.memref_slice %arg5[%dma_start3A_565, %dma_start3A_566] : memref<200704x16xf32, #tpu.memory_space<hbm>> -> memref<200704x16xf32, #tpu.memory_space<hbm>>
        tpu.enqueue_indirect_dma source(%dma_start3A_567 : memref<200704x16xf32, #tpu.memory_space<hbm>>) target(%arg21 : memref<256x16xf32, #tpu.memory_space<vmem>>) offsets(%dma_start3A_564 : memref<256xi32, #tpu.memory_space<vmem>>) semaphore(%arg24 : memref<!tpu.dma_semaphore, #tpu.memory_space<semaphore_mem>>)
      } else {
      }
      %add3A_543 = arith.constant 4 : i32
      %add3A_544 = arith.addi %add3A_511, %add3A_543 : i32
      %lt3A_545 = arith.constant 396 : i32
      %lt3A_546 = arith.cmpi slt, %add3A_544, %lt3A_545 : i32
      %convert_element_type3A_547 = arith.extui %lt3A_546 : i1 to i32
      %cond3A_548 = arith.constant 0 : i32
      %cond3A_549 = arith.cmpi ne, %convert_element_type3A_547, %cond3A_548 : i32
      scf.if %cond3A_549 {
        %add3A_550 = arith.constant 4 : i32
        %add3A_551 = arith.addi %add3A_511, %add3A_550 : i32
        %mul3A_552 = arith.constant 2 : i32
        %mul3A_553 = arith.muli %add3A_551, %mul3A_552 : i32
        %add3A_554 = arith.addi %mul3A_2, %mul3A_553 : i32
        %dma_start3A_555 = arith.constant 0 : i32
        %dma_start3A_556 = tpu.memref_slice %arg3[%add3A_554, %dma_start3A_555] : memref<12672x256xi32, #tpu.memory_space<hbm>> -> memref<2x256xi32, #tpu.memory_space<hbm>>
        %dma_start3A_557 = arith.constant 0 : i32
        %dma_start3A_558 = tpu.memref_slice %arg3[%add3A_554, %dma_start3A_557] : memref<12672x256xi32, #tpu.memory_space<hbm>> -> memref<2x256xi32, #tpu.memory_space<hbm>>
        tpu.enqueue_dma source(%dma_start3A_558 : memref<2x256xi32, #tpu.memory_space<hbm>>) target(%arg17 : memref<2x256xi32, #tpu.memory_space<vmem>>) target_semaphore(%arg32 : memref<!tpu.dma_semaphore, #tpu.memory_space<semaphore_mem>>)
      } else {
      }
    }
    %scan3A_104 = arith.constant 66 : i32
    %dma_wait3A_105 = arith.constant 0 : i32
    %dma_wait3A_106 = arith.constant 0 : i32
    %dma_wait3A_107 = tpu.memref_slice %arg5[%dma_wait3A_105, %dma_wait3A_106] : memref<200704x16xf32, #tpu.memory_space<hbm>> -> memref<256x16xf32, #tpu.memory_space<hbm>>
    %dma_wait3A_108 = arith.constant 0 : i32
    %dma_wait3A_109 = arith.constant 0 : i32
    %dma_wait3A_110 = tpu.memref_slice %arg5[%dma_wait3A_108, %dma_wait3A_109] : memref<200704x16xf32, #tpu.memory_space<hbm>> -> memref<256x16xf32, #tpu.memory_space<hbm>>
    tpu.wait_dma2 semaphore(%arg26 : memref<!tpu.dma_semaphore, #tpu.memory_space<semaphore_mem>>) src(%dma_wait3A_110 : memref<256x16xf32, #tpu.memory_space<hbm>>) dst(%arg20 : memref<256x16xf32, #tpu.memory_space<vmem>>)
    %dma_wait3A_111 = arith.constant 0 : i32
    %dma_wait3A_112 = arith.constant 0 : i32
    %dma_wait3A_113 = tpu.memref_slice %arg5[%dma_wait3A_111, %dma_wait3A_112] : memref<200704x16xf32, #tpu.memory_space<hbm>> -> memref<256x16xf32, #tpu.memory_space<hbm>>
    %dma_wait3A_114 = arith.constant 0 : i32
    %dma_wait3A_115 = arith.constant 0 : i32
    %dma_wait3A_116 = tpu.memref_slice %arg5[%dma_wait3A_114, %dma_wait3A_115] : memref<200704x16xf32, #tpu.memory_space<hbm>> -> memref<256x16xf32, #tpu.memory_space<hbm>>
    tpu.wait_dma2 semaphore(%arg27 : memref<!tpu.dma_semaphore, #tpu.memory_space<semaphore_mem>>) src(%dma_wait3A_116 : memref<256x16xf32, #tpu.memory_space<hbm>>) dst(%arg21 : memref<256x16xf32, #tpu.memory_space<vmem>>)
    %dma_wait3A_117 = arith.constant 0 : i32
    %dma_wait3A_118 = arith.constant 0 : i32
    %dma_wait3A_119 = tpu.memref_slice %arg5[%dma_wait3A_117, %dma_wait3A_118] : memref<200704x16xf32, #tpu.memory_space<hbm>> -> memref<256x16xf32, #tpu.memory_space<hbm>>
    %dma_wait3A_120 = arith.constant 0 : i32
    %dma_wait3A_121 = arith.constant 0 : i32
    %dma_wait3A_122 = tpu.memref_slice %arg5[%dma_wait3A_120, %dma_wait3A_121] : memref<200704x16xf32, #tpu.memory_space<hbm>> -> memref<256x16xf32, #tpu.memory_space<hbm>>
    tpu.wait_dma2 semaphore(%arg28 : memref<!tpu.dma_semaphore, #tpu.memory_space<semaphore_mem>>) src(%dma_wait3A_122 : memref<256x16xf32, #tpu.memory_space<hbm>>) dst(%arg22 : memref<256x16xf32, #tpu.memory_space<vmem>>)
    %barrier3A_123 = arith.constant 0 : index
    tpu.barrier barrier_id(%barrier3A_123)
    %scan3A_124 = arith.constant 0 : i32
    %scan3A_125 = arith.constant 56 : i32
    %scan3A_126 = arith.addi %scan3A_124, %scan3A_125 : i32
    %scan3A_127 = arith.constant 1 : i32
    scf.for %scan3A_310 = %scan3A_124 to %scan3A_126 step %scan3A_127  : i32 {
      %mul3A_311 = arith.constant 112 : i32
      %mul3A_312 = arith.muli %scan3A_310, %mul3A_311 : i32
      %add3A_313 = arith.constant 0 : i32
      %add3A_314 = arith.addi %add3A_313, %mul3A_312 : i32
      %add3A_315 = arith.addi %mul3A_0, %add3A_314 : i32
      "tpu.region"() ({
        %run_scoped3A = tpu.sem_alloc : memref<!tpu.dma_semaphore, #tpu.memory_space<semaphore_mem>>
        %dma_start3A_324 = arith.constant 0 : i32
        %dma_start3A_325 = tpu.memref_slice %arg7[%add3A_315, %dma_start3A_324] : memref<100352x16xf32, #tpu.memory_space<vmem_shared>> -> memref<112x16xf32, #tpu.memory_space<vmem_shared>>
        %dma_start3A_326 = arith.constant 0 : i32
        %dma_start3A_327 = tpu.memref_slice %arg7[%add3A_315, %dma_start3A_326] : memref<100352x16xf32, #tpu.memory_space<vmem_shared>> -> memref<112x16xf32, #tpu.memory_space<vmem_shared>>
        tpu.enqueue_dma source(%dma_start3A_327 : memref<112x16xf32, #tpu.memory_space<vmem_shared>>) target(%arg11 : memref<112x16xf32, #tpu.memory_space<vmem>>) target_semaphore(%run_scoped3A : memref<!tpu.dma_semaphore, #tpu.memory_space<semaphore_mem>>)
        %dma_wait3A_328 = arith.constant 0 : i32
        %dma_wait3A_329 = tpu.memref_slice %arg7[%add3A_315, %dma_wait3A_328] : memref<100352x16xf32, #tpu.memory_space<vmem_shared>> -> memref<112x16xf32, #tpu.memory_space<vmem_shared>>
        %dma_wait3A_330 = arith.constant 0 : i32
        %dma_wait3A_331 = tpu.memref_slice %arg7[%add3A_315, %dma_wait3A_330] : memref<100352x16xf32, #tpu.memory_space<vmem_shared>> -> memref<112x16xf32, #tpu.memory_space<vmem_shared>>
        tpu.wait_dma2 semaphore(%run_scoped3A : memref<!tpu.dma_semaphore, #tpu.memory_space<semaphore_mem>>) src(%dma_wait3A_331 : memref<112x16xf32, #tpu.memory_space<vmem_shared>>) dst(%arg11 : memref<112x16xf32, #tpu.memory_space<vmem>>)
        tpu.yield
      }) : () -> ()
      "tpu.region"() ({
        %run_scoped3A = tpu.sem_alloc : memref<!tpu.dma_semaphore, #tpu.memory_space<semaphore_mem>>
        %dma_start3A_324 = arith.constant 0 : i32
        %dma_start3A_325 = tpu.memref_slice %arg7[%add3A_315, %dma_start3A_324] : memref<100352x16xf32, #tpu.memory_space<vmem_shared>> -> memref<112x16xf32, #tpu.memory_space<vmem_shared>>
        %dma_start3A_326 = arith.constant 0 : i32
        %dma_start3A_327 = tpu.memref_slice %arg7[%add3A_315, %dma_start3A_326] : memref<100352x16xf32, #tpu.memory_space<vmem_shared>> -> memref<112x16xf32, #tpu.memory_space<vmem_shared>>
        tpu.enqueue_dma source(%arg9 : memref<112x16xf32, #tpu.memory_space<vmem>>) target(%dma_start3A_327 : memref<112x16xf32, #tpu.memory_space<vmem_shared>>) target_semaphore(%run_scoped3A : memref<!tpu.dma_semaphore, #tpu.memory_space<semaphore_mem>>)
        %dma_wait3A_328 = arith.constant 0 : i32
        %dma_wait3A_329 = tpu.memref_slice %arg7[%add3A_315, %dma_wait3A_328] : memref<100352x16xf32, #tpu.memory_space<vmem_shared>> -> memref<112x16xf32, #tpu.memory_space<vmem_shared>>
        %dma_wait3A_330 = arith.constant 0 : i32
        %dma_wait3A_331 = tpu.memref_slice %arg7[%add3A_315, %dma_wait3A_330] : memref<100352x16xf32, #tpu.memory_space<vmem_shared>> -> memref<112x16xf32, #tpu.memory_space<vmem_shared>>
        tpu.wait_dma2 semaphore(%run_scoped3A : memref<!tpu.dma_semaphore, #tpu.memory_space<semaphore_mem>>) src(%arg9 : memref<112x16xf32, #tpu.memory_space<vmem>>) dst(%dma_wait3A_331 : memref<112x16xf32, #tpu.memory_space<vmem_shared>>)
        tpu.yield
      }) : () -> ()
      "tpu.region"() ({
        %run_scoped3A = tpu.sem_alloc : memref<!tpu.dma_semaphore, #tpu.memory_space<semaphore_mem>>
        %dma_start3A_324 = tpu.memref_slice %arg8[%add3A_315] : memref<100352xf32, #tpu.memory_space<vmem_shared>> -> memref<112xf32, #tpu.memory_space<vmem_shared>>
        %dma_start3A_325 = tpu.memref_slice %arg8[%add3A_315] : memref<100352xf32, #tpu.memory_space<vmem_shared>> -> memref<112xf32, #tpu.memory_space<vmem_shared>>
        tpu.enqueue_dma source(%dma_start3A_325 : memref<112xf32, #tpu.memory_space<vmem_shared>>) target(%arg12 : memref<112xf32, #tpu.memory_space<vmem>>) target_semaphore(%run_scoped3A : memref<!tpu.dma_semaphore, #tpu.memory_space<semaphore_mem>>)
        %dma_wait3A_326 = tpu.memref_slice %arg8[%add3A_315] : memref<100352xf32, #tpu.memory_space<vmem_shared>> -> memref<112xf32, #tpu.memory_space<vmem_shared>>
        %dma_wait3A_327 = tpu.memref_slice %arg8[%add3A_315] : memref<100352xf32, #tpu.memory_space<vmem_shared>> -> memref<112xf32, #tpu.memory_space<vmem_shared>>
        tpu.wait_dma2 semaphore(%run_scoped3A : memref<!tpu.dma_semaphore, #tpu.memory_space<semaphore_mem>>) src(%dma_wait3A_327 : memref<112xf32, #tpu.memory_space<vmem_shared>>) dst(%arg12 : memref<112xf32, #tpu.memory_space<vmem>>)
        tpu.yield
      }) : () -> ()
      %add3A_316 = arith.addi %mul3A_4, %add3A_315 : i32
      "tpu.region"() ({
        %run_scoped3A = tpu.sem_alloc : memref<!tpu.dma_semaphore, #tpu.memory_space<semaphore_mem>>
        %dma_start3A_324 = arith.constant 0 : i32
        %dma_start3A_325 = tpu.memref_slice %arg2[%add3A_316, %dma_start3A_324] : memref<200704x16xf32, #tpu.memory_space<hbm>> -> memref<112x16xf32, #tpu.memory_space<hbm>>
        %dma_start3A_326 = arith.constant 0 : i32
        %dma_start3A_327 = tpu.memref_slice %arg2[%add3A_316, %dma_start3A_326] : memref<200704x16xf32, #tpu.memory_space<hbm>> -> memref<112x16xf32, #tpu.memory_space<hbm>>
        tpu.enqueue_dma source(%dma_start3A_327 : memref<112x16xf32, #tpu.memory_space<hbm>>) target(%arg13 : memref<112x16xf32, #tpu.memory_space<vmem>>) target_semaphore(%run_scoped3A : memref<!tpu.dma_semaphore, #tpu.memory_space<semaphore_mem>>)
        %dma_wait3A_328 = arith.constant 0 : i32
        %dma_wait3A_329 = tpu.memref_slice %arg2[%add3A_316, %dma_wait3A_328] : memref<200704x16xf32, #tpu.memory_space<hbm>> -> memref<112x16xf32, #tpu.memory_space<hbm>>
        %dma_wait3A_330 = arith.constant 0 : i32
        %dma_wait3A_331 = tpu.memref_slice %arg2[%add3A_316, %dma_wait3A_330] : memref<200704x16xf32, #tpu.memory_space<hbm>> -> memref<112x16xf32, #tpu.memory_space<hbm>>
        tpu.wait_dma2 semaphore(%run_scoped3A : memref<!tpu.dma_semaphore, #tpu.memory_space<semaphore_mem>>) src(%dma_wait3A_331 : memref<112x16xf32, #tpu.memory_space<hbm>>) dst(%arg13 : memref<112x16xf32, #tpu.memory_space<vmem>>)
        tpu.yield
      }) : () -> ()
      %scan3A_317 = arith.constant 0 : i32
      %scan3A_318 = arith.constant 112 : i32
      %scan3A_319 = arith.addi %scan3A_317, %scan3A_318 : i32
      %scan3A_320 = arith.constant 1 : i32
      scf.for %scan3A_324 = %scan3A_317 to %scan3A_319 step %scan3A_320  : i32 {
        %mul3A_325 = arith.constant 1 : i32
        %mul3A_326 = arith.muli %scan3A_324, %mul3A_325 : i32
        %add3A_327 = arith.constant 0 : i32
        %add3A_328 = arith.addi %add3A_327, %mul3A_326 : i32
        %broadcast_in_dim3A_329 = vector.broadcast %add3A_328 : i32 to vector<16xi32>
        %gather3A = tpu.vector_load_idx %arg12[%broadcast_in_dim3A_329] : memref<112xf32, #tpu.memory_space<vmem>>[vector<16xi32>], vector<16xf32>,
        %get3A = arith.index_cast %add3A_328 : i32 to index
        %get3A_330 = arith.constant 0 : index
        %get3A_331 = tpu.vector_load %arg11[%get3A, %get3A_330] {strides = array<i32>} : memref<112x16xf32, #tpu.memory_space<vmem>>, vector<16xf32>,
        %mul3A_332 = arith.mulf %get3A_331, %gather3A : vector<16xf32>
        %get3A_333 = arith.index_cast %add3A_328 : i32 to index
        %get3A_334 = arith.constant 0 : index
        %get3A_335 = tpu.vector_load %arg13[%get3A_333, %get3A_334] {strides = array<i32>} : memref<112x16xf32, #tpu.memory_space<vmem>>, vector<16xf32>,
        %add3A_336 = arith.addf %get3A_335, %mul3A_332 : vector<16xf32>
        %swap3A = arith.index_cast %add3A_328 : i32 to index
        %swap3A_337 = arith.constant 0 : index
        %swap3A_338 = tpu.vector_load %arg13[%swap3A, %swap3A_337] {strides = array<i32>} : memref<112x16xf32, #tpu.memory_space<vmem>>, vector<16xf32>,
        tpu.vector_store %arg13[%swap3A, %swap3A_337], %add3A_336 {strides = array<i32>} : memref<112x16xf32, #tpu.memory_space<vmem>>, vector<16xf32>,
        %mul3A_339 = arith.mulf %mul3A_332, %gather3A : vector<16xf32>
        %swap3A_340 = arith.index_cast %add3A_328 : i32 to index
        %swap3A_341 = arith.constant 0 : index
        %swap3A_342 = tpu.vector_load %arg11[%swap3A_340, %swap3A_341] {strides = array<i32>} : memref<112x16xf32, #tpu.memory_space<vmem>>, vector<16xf32>,
        tpu.vector_store %arg11[%swap3A_340, %swap3A_341], %mul3A_339 {strides = array<i32>} : memref<112x16xf32, #tpu.memory_space<vmem>>, vector<16xf32>,
      }
      %scan3A_321 = arith.constant 112 : i32
      %add3A_322 = arith.addi %mul3A_4, %add3A_315 : i32
      "tpu.region"() ({
        %run_scoped3A = tpu.sem_alloc : memref<!tpu.dma_semaphore, #tpu.memory_space<semaphore_mem>>
        %dma_start3A_324 = arith.constant 0 : i32
        %dma_start3A_325 = tpu.memref_slice %arg6[%add3A_322, %dma_start3A_324] : memref<200704x16xf32, #tpu.memory_space<hbm>> -> memref<112x16xf32, #tpu.memory_space<hbm>>
        %dma_start3A_326 = arith.constant 0 : i32
        %dma_start3A_327 = tpu.memref_slice %arg6[%add3A_322, %dma_start3A_326] : memref<200704x16xf32, #tpu.memory_space<hbm>> -> memref<112x16xf32, #tpu.memory_space<hbm>>
        tpu.enqueue_dma source(%arg13 : memref<112x16xf32, #tpu.memory_space<vmem>>) target(%dma_start3A_327 : memref<112x16xf32, #tpu.memory_space<hbm>>) target_semaphore(%run_scoped3A : memref<!tpu.dma_semaphore, #tpu.memory_space<semaphore_mem>>)
        %dma_wait3A_328 = arith.constant 0 : i32
        %dma_wait3A_329 = tpu.memref_slice %arg6[%add3A_322, %dma_wait3A_328] : memref<200704x16xf32, #tpu.memory_space<hbm>> -> memref<112x16xf32, #tpu.memory_space<hbm>>
        %dma_wait3A_330 = arith.constant 0 : i32
        %dma_wait3A_331 = tpu.memref_slice %arg6[%add3A_322, %dma_wait3A_330] : memref<200704x16xf32, #tpu.memory_space<hbm>> -> memref<112x16xf32, #tpu.memory_space<hbm>>
        tpu.wait_dma2 semaphore(%run_scoped3A : memref<!tpu.dma_semaphore, #tpu.memory_space<semaphore_mem>>) src(%arg13 : memref<112x16xf32, #tpu.memory_space<vmem>>) dst(%dma_wait3A_331 : memref<112x16xf32, #tpu.memory_space<hbm>>)
        tpu.yield
      }) : () -> ()
      %add3A_323 = arith.addi %mul3A_4, %add3A_315 : i32
      "tpu.region"() ({
        %run_scoped3A = tpu.sem_alloc : memref<!tpu.dma_semaphore, #tpu.memory_space<semaphore_mem>>
        %dma_start3A_324 = arith.constant 0 : i32
        %dma_start3A_325 = tpu.memref_slice %arg5[%add3A_323, %dma_start3A_324] : memref<200704x16xf32, #tpu.memory_space<hbm>> -> memref<112x16xf32, #tpu.memory_space<hbm>>
        %dma_start3A_326 = arith.constant 0 : i32
        %dma_start3A_327 = tpu.memref_slice %arg5[%add3A_323, %dma_start3A_326] : memref<200704x16xf32, #tpu.memory_space<hbm>> -> memref<112x16xf32, #tpu.memory_space<hbm>>
        tpu.enqueue_dma source(%arg11 : memref<112x16xf32, #tpu.memory_space<vmem>>) target(%dma_start3A_327 : memref<112x16xf32, #tpu.memory_space<hbm>>) target_semaphore(%run_scoped3A : memref<!tpu.dma_semaphore, #tpu.memory_space<semaphore_mem>>)
        %dma_wait3A_328 = arith.constant 0 : i32
        %dma_wait3A_329 = tpu.memref_slice %arg5[%add3A_323, %dma_wait3A_328] : memref<200704x16xf32, #tpu.memory_space<hbm>> -> memref<112x16xf32, #tpu.memory_space<hbm>>
        %dma_wait3A_330 = arith.constant 0 : i32
        %dma_wait3A_331 = tpu.memref_slice %arg5[%add3A_323, %dma_wait3A_330] : memref<200704x16xf32, #tpu.memory_space<hbm>> -> memref<112x16xf32, #tpu.memory_space<hbm>>
        tpu.wait_dma2 semaphore(%run_scoped3A : memref<!tpu.dma_semaphore, #tpu.memory_space<semaphore_mem>>) src(%arg11 : memref<112x16xf32, #tpu.memory_space<vmem>>) dst(%dma_wait3A_331 : memref<112x16xf32, #tpu.memory_space<hbm>>)
        tpu.yield
      }) : () -> ()
    }
    %scan3A_128 = arith.constant 56 : i32
    %barrier3A_129 = arith.constant 0 : index
    tpu.barrier barrier_id(%barrier3A_129)
    %add3A_130 = arith.constant 0 : i32
    %add3A_131 = arith.addi %mul3A_2, %add3A_130 : i32
    %dma_start3A_132 = arith.constant 0 : i32
    %dma_start3A_133 = tpu.memref_slice %arg3[%add3A_131, %dma_start3A_132] : memref<12672x256xi32, #tpu.memory_space<hbm>> -> memref<2x256xi32, #tpu.memory_space<hbm>>
    %dma_start3A_134 = arith.constant 0 : i32
    %dma_start3A_135 = tpu.memref_slice %arg3[%add3A_131, %dma_start3A_134] : memref<12672x256xi32, #tpu.memory_space<hbm>> -> memref<2x256xi32, #tpu.memory_space<hbm>>
    tpu.enqueue_dma source(%dma_start3A_135 : memref<2x256xi32, #tpu.memory_space<hbm>>) target(%arg14 : memref<2x256xi32, #tpu.memory_space<vmem>>) target_semaphore(%arg29 : memref<!tpu.dma_semaphore, #tpu.memory_space<semaphore_mem>>)
    %add3A_136 = arith.constant 2 : i32
    %add3A_137 = arith.addi %mul3A_2, %add3A_136 : i32
    %dma_start3A_138 = arith.constant 0 : i32
    %dma_start3A_139 = tpu.memref_slice %arg3[%add3A_137, %dma_start3A_138] : memref<12672x256xi32, #tpu.memory_space<hbm>> -> memref<2x256xi32, #tpu.memory_space<hbm>>
    %dma_start3A_140 = arith.constant 0 : i32
    %dma_start3A_141 = tpu.memref_slice %arg3[%add3A_137, %dma_start3A_140] : memref<12672x256xi32, #tpu.memory_space<hbm>> -> memref<2x256xi32, #tpu.memory_space<hbm>>
    tpu.enqueue_dma source(%dma_start3A_141 : memref<2x256xi32, #tpu.memory_space<hbm>>) target(%arg15 : memref<2x256xi32, #tpu.memory_space<vmem>>) target_semaphore(%arg30 : memref<!tpu.dma_semaphore, #tpu.memory_space<semaphore_mem>>)
    %add3A_142 = arith.constant 4 : i32
    %add3A_143 = arith.addi %mul3A_2, %add3A_142 : i32
    %dma_start3A_144 = arith.constant 0 : i32
    %dma_start3A_145 = tpu.memref_slice %arg3[%add3A_143, %dma_start3A_144] : memref<12672x256xi32, #tpu.memory_space<hbm>> -> memref<2x256xi32, #tpu.memory_space<hbm>>
    %dma_start3A_146 = arith.constant 0 : i32
    %dma_start3A_147 = tpu.memref_slice %arg3[%add3A_143, %dma_start3A_146] : memref<12672x256xi32, #tpu.memory_space<hbm>> -> memref<2x256xi32, #tpu.memory_space<hbm>>
    tpu.enqueue_dma source(%dma_start3A_147 : memref<2x256xi32, #tpu.memory_space<hbm>>) target(%arg16 : memref<2x256xi32, #tpu.memory_space<vmem>>) target_semaphore(%arg31 : memref<!tpu.dma_semaphore, #tpu.memory_space<semaphore_mem>>)
    %add3A_148 = arith.constant 6 : i32
    %add3A_149 = arith.addi %mul3A_2, %add3A_148 : i32
    %dma_start3A_150 = arith.constant 0 : i32
    %dma_start3A_151 = tpu.memref_slice %arg3[%add3A_149, %dma_start3A_150] : memref<12672x256xi32, #tpu.memory_space<hbm>> -> memref<2x256xi32, #tpu.memory_space<hbm>>
    %dma_start3A_152 = arith.constant 0 : i32
    %dma_start3A_153 = tpu.memref_slice %arg3[%add3A_149, %dma_start3A_152] : memref<12672x256xi32, #tpu.memory_space<hbm>> -> memref<2x256xi32, #tpu.memory_space<hbm>>
    tpu.enqueue_dma source(%dma_start3A_153 : memref<2x256xi32, #tpu.memory_space<hbm>>) target(%arg17 : memref<2x256xi32, #tpu.memory_space<vmem>>) target_semaphore(%arg32 : memref<!tpu.dma_semaphore, #tpu.memory_space<semaphore_mem>>)
    %dma_wait3A_154 = arith.constant 0 : i32
    %dma_wait3A_155 = arith.constant 0 : i32
    %dma_wait3A_156 = tpu.memref_slice %arg3[%dma_wait3A_154, %dma_wait3A_155] : memref<12672x256xi32, #tpu.memory_space<hbm>> -> memref<2x256xi32, #tpu.memory_space<hbm>>
    %dma_wait3A_157 = arith.constant 0 : i32
    %dma_wait3A_158 = arith.constant 0 : i32
    %dma_wait3A_159 = tpu.memref_slice %arg3[%dma_wait3A_157, %dma_wait3A_158] : memref<12672x256xi32, #tpu.memory_space<hbm>> -> memref<2x256xi32, #tpu.memory_space<hbm>>
    tpu.wait_dma2 semaphore(%arg29 : memref<!tpu.dma_semaphore, #tpu.memory_space<semaphore_mem>>) src(%dma_wait3A_159 : memref<2x256xi32, #tpu.memory_space<hbm>>) dst(%arg14 : memref<2x256xi32, #tpu.memory_space<vmem>>)
    %scan3A_160 = arith.constant 0 : i32
    %scan3A_161 = arith.constant 16 : i32
    %scan3A_162 = arith.addi %scan3A_160, %scan3A_161 : i32
    %scan3A_163 = arith.constant 1 : i32
    scf.for %scan3A_310 = %scan3A_160 to %scan3A_162 step %scan3A_163  : i32 {
      %mul3A_311 = arith.constant 16 : i32
      %mul3A_312 = arith.muli %scan3A_310, %mul3A_311 : i32
      %add3A_313 = arith.constant 0 : i32
      %add3A_314 = arith.addi %add3A_313, %mul3A_312 : i32
      %get3A = arith.constant 0 : i32
      %get3A_315 = arith.index_cast %get3A : i32 to index
      %get3A_316 = arith.index_cast %add3A_314 : i32 to index
      %get3A_317 = tpu.vector_load %arg14[%get3A_315, %get3A_316] {strides = array<i32>} : memref<2x256xi32, #tpu.memory_space<vmem>>, vector<16xi32>,
      %add3A_318 = vector.broadcast %mul3A_4 : i32 to vector<16xi32>
      %add3A_319 = arith.addi %get3A_317, %add3A_318 : vector<16xi32>
      %swap3A = arith.constant 0 : i32
      %swap3A_320 = arith.index_cast %swap3A : i32 to index
      %swap3A_321 = arith.index_cast %add3A_314 : i32 to index
      %swap3A_322 = tpu.vector_load %arg14[%swap3A_320, %swap3A_321] {strides = array<i32>} : memref<2x256xi32, #tpu.memory_space<vmem>>, vector<16xi32>,
      tpu.vector_store %arg14[%swap3A_320, %swap3A_321], %add3A_319 {strides = array<i32>} : memref<2x256xi32, #tpu.memory_space<vmem>>, vector<16xi32>,
    }
    %scan3A_164 = arith.constant 16 : i32
    %dma_start3A_165 = arith.constant 0 : i32
    %dma_start3A_166 = arith.constant 0 : i32
    %dma_start3A_167 = tpu.memref_slice %arg14[%dma_start3A_165, %dma_start3A_166] : memref<2x256xi32, #tpu.memory_space<vmem>> -> memref<1x256xi32, #tpu.memory_space<vmem>>
    %dma_start3A_168 = tpu.memref_squeeze %dma_start3A_167 : memref<1x256xi32, #tpu.memory_space<vmem>> -> memref<256xi32, #tpu.memory_space<vmem>>
    %dma_start3A_169 = arith.constant 0 : i32
    %dma_start3A_170 = arith.constant 0 : i32
    %dma_start3A_171 = tpu.memref_slice %arg5[%dma_start3A_169, %dma_start3A_170] : memref<200704x16xf32, #tpu.memory_space<hbm>> -> memref<200704x16xf32, #tpu.memory_space<hbm>>
    tpu.enqueue_indirect_dma source(%dma_start3A_171 : memref<200704x16xf32, #tpu.memory_space<hbm>>) target(%arg20 : memref<256x16xf32, #tpu.memory_space<vmem>>) offsets(%dma_start3A_168 : memref<256xi32, #tpu.memory_space<vmem>>) semaphore(%arg23 : memref<!tpu.dma_semaphore, #tpu.memory_space<semaphore_mem>>)
    %dma_wait3A_172 = arith.constant 0 : i32
    %dma_wait3A_173 = arith.constant 0 : i32
    %dma_wait3A_174 = tpu.memref_slice %arg3[%dma_wait3A_172, %dma_wait3A_173] : memref<12672x256xi32, #tpu.memory_space<hbm>> -> memref<2x256xi32, #tpu.memory_space<hbm>>
    %dma_wait3A_175 = arith.constant 0 : i32
    %dma_wait3A_176 = arith.constant 0 : i32
    %dma_wait3A_177 = tpu.memref_slice %arg3[%dma_wait3A_175, %dma_wait3A_176] : memref<12672x256xi32, #tpu.memory_space<hbm>> -> memref<2x256xi32, #tpu.memory_space<hbm>>
    tpu.wait_dma2 semaphore(%arg30 : memref<!tpu.dma_semaphore, #tpu.memory_space<semaphore_mem>>) src(%dma_wait3A_177 : memref<2x256xi32, #tpu.memory_space<hbm>>) dst(%arg15 : memref<2x256xi32, #tpu.memory_space<vmem>>)
    %scan3A_178 = arith.constant 0 : i32
    %scan3A_179 = arith.constant 16 : i32
    %scan3A_180 = arith.addi %scan3A_178, %scan3A_179 : i32
    %scan3A_181 = arith.constant 1 : i32
    scf.for %scan3A_310 = %scan3A_178 to %scan3A_180 step %scan3A_181  : i32 {
      %mul3A_311 = arith.constant 16 : i32
      %mul3A_312 = arith.muli %scan3A_310, %mul3A_311 : i32
      %add3A_313 = arith.constant 0 : i32
      %add3A_314 = arith.addi %add3A_313, %mul3A_312 : i32
      %get3A = arith.constant 0 : i32
      %get3A_315 = arith.index_cast %get3A : i32 to index
      %get3A_316 = arith.index_cast %add3A_314 : i32 to index
      %get3A_317 = tpu.vector_load %arg15[%get3A_315, %get3A_316] {strides = array<i32>} : memref<2x256xi32, #tpu.memory_space<vmem>>, vector<16xi32>,
      %add3A_318 = vector.broadcast %mul3A_4 : i32 to vector<16xi32>
      %add3A_319 = arith.addi %get3A_317, %add3A_318 : vector<16xi32>
      %swap3A = arith.constant 0 : i32
      %swap3A_320 = arith.index_cast %swap3A : i32 to index
      %swap3A_321 = arith.index_cast %add3A_314 : i32 to index
      %swap3A_322 = tpu.vector_load %arg15[%swap3A_320, %swap3A_321] {strides = array<i32>} : memref<2x256xi32, #tpu.memory_space<vmem>>, vector<16xi32>,
      tpu.vector_store %arg15[%swap3A_320, %swap3A_321], %add3A_319 {strides = array<i32>} : memref<2x256xi32, #tpu.memory_space<vmem>>, vector<16xi32>,
    }
    %scan3A_182 = arith.constant 16 : i32
    %dma_start3A_183 = arith.constant 0 : i32
    %dma_start3A_184 = arith.constant 0 : i32
    %dma_start3A_185 = tpu.memref_slice %arg15[%dma_start3A_183, %dma_start3A_184] : memref<2x256xi32, #tpu.memory_space<vmem>> -> memref<1x256xi32, #tpu.memory_space<vmem>>
    %dma_start3A_186 = tpu.memref_squeeze %dma_start3A_185 : memref<1x256xi32, #tpu.memory_space<vmem>> -> memref<256xi32, #tpu.memory_space<vmem>>
    %dma_start3A_187 = arith.constant 0 : i32
    %dma_start3A_188 = arith.constant 0 : i32
    %dma_start3A_189 = tpu.memref_slice %arg5[%dma_start3A_187, %dma_start3A_188] : memref<200704x16xf32, #tpu.memory_space<hbm>> -> memref<200704x16xf32, #tpu.memory_space<hbm>>
    tpu.enqueue_indirect_dma source(%dma_start3A_189 : memref<200704x16xf32, #tpu.memory_space<hbm>>) target(%arg21 : memref<256x16xf32, #tpu.memory_space<vmem>>) offsets(%dma_start3A_186 : memref<256xi32, #tpu.memory_space<vmem>>) semaphore(%arg24 : memref<!tpu.dma_semaphore, #tpu.memory_space<semaphore_mem>>)
    %scan3A_190 = arith.constant 0 : i32
    %scan3A_191 = arith.constant 66 : i32
    %scan3A_192 = arith.addi %scan3A_190, %scan3A_191 : i32
    %scan3A_193 = arith.constant 1 : i32
    scf.for %scan3A_310 = %scan3A_190 to %scan3A_192 step %scan3A_193  : i32 {
      %mul3A_311 = arith.constant 6 : i32
      %mul3A_312 = arith.muli %scan3A_310, %mul3A_311 : i32
      %add3A_313 = arith.constant 0 : i32
      %add3A_314 = arith.addi %add3A_313, %mul3A_312 : i32
      %add3A_315 = arith.constant 0 : i32
      %add3A_316 = arith.addi %add3A_314, %add3A_315 : i32
      %dma_wait3A_317 = arith.constant 0 : i32
      %dma_wait3A_318 = arith.constant 0 : i32
      %dma_wait3A_319 = tpu.memref_slice %arg14[%dma_wait3A_317, %dma_wait3A_318] : memref<2x256xi32, #tpu.memory_space<vmem>> -> memref<1x256xi32, #tpu.memory_space<vmem>>
      %dma_wait3A_320 = tpu.memref_squeeze %dma_wait3A_319 : memref<1x256xi32, #tpu.memory_space<vmem>> -> memref<256xi32, #tpu.memory_space<vmem>>
      %dma_wait3A_321 = arith.constant 0 : i32
      %dma_wait3A_322 = arith.constant 0 : i32
      %dma_wait3A_323 = tpu.memref_slice %arg5[%dma_wait3A_321, %dma_wait3A_322] : memref<200704x16xf32, #tpu.memory_space<hbm>> -> memref<200704x16xf32, #tpu.memory_space<hbm>>
      tpu.wait_indirect_dma semaphore(%arg23 : memref<!tpu.dma_semaphore, #tpu.memory_space<semaphore_mem>>) src(%dma_wait3A_323 : memref<200704x16xf32, #tpu.memory_space<hbm>>) dst(%arg20 : memref<256x16xf32, #tpu.memory_space<vmem>>)
      %dma_start3A_324 = arith.constant 1 : i32
      %dma_start3A_325 = arith.constant 0 : i32
      %dma_start3A_326 = tpu.memref_slice %arg14[%dma_start3A_324, %dma_start3A_325] : memref<2x256xi32, #tpu.memory_space<vmem>> -> memref<1x256xi32, #tpu.memory_space<vmem>>
      %dma_start3A_327 = tpu.memref_squeeze %dma_start3A_326 : memref<1x256xi32, #tpu.memory_space<vmem>> -> memref<256xi32, #tpu.memory_space<vmem>>
      %dma_start3A_328 = arith.constant 0 : i32
      %dma_start3A_329 = arith.constant 0 : i32
      %dma_start3A_330 = tpu.memref_slice %arg7[%dma_start3A_328, %dma_start3A_329] : memref<100352x16xf32, #tpu.memory_space<vmem_shared>> -> memref<100352x16xf32, #tpu.memory_space<vmem_shared>>
      tpu.enqueue_indirect_dma source(%arg20 : memref<256x16xf32, #tpu.memory_space<vmem>>) target(%dma_start3A_330 : memref<100352x16xf32, #tpu.memory_space<vmem_shared>>) offsets(%dma_start3A_327 : memref<256xi32, #tpu.memory_space<vmem>>) semaphore(%arg26 : memref<!tpu.dma_semaphore, #tpu.memory_space<semaphore_mem>>) {add = true}
      %add3A_331 = arith.constant 2 : i32
      %add3A_332 = arith.addi %add3A_316, %add3A_331 : i32
      %lt3A = arith.constant 396 : i32
      %lt3A_333 = arith.cmpi slt, %add3A_332, %lt3A : i32
      %ge3A = arith.constant 1 : i32
      %ge3A_334 = arith.cmpi sge, %add3A_316, %ge3A : i32
      %and3A = arith.andi %lt3A_333, %ge3A_334 : i1
      %convert_element_type3A = arith.extui %and3A : i1 to i32
      %cond3A = arith.constant 0 : i32
      %cond3A_335 = arith.cmpi ne, %convert_element_type3A, %cond3A : i32
      scf.if %cond3A_335 {
        %dma_wait3A_550 = arith.constant 0 : i32
        %dma_wait3A_551 = arith.constant 0 : i32
        %dma_wait3A_552 = tpu.memref_slice %arg5[%dma_wait3A_550, %dma_wait3A_551] : memref<200704x16xf32, #tpu.memory_space<hbm>> -> memref<256x16xf32, #tpu.memory_space<hbm>>
        %dma_wait3A_553 = arith.constant 0 : i32
        %dma_wait3A_554 = arith.constant 0 : i32
        %dma_wait3A_555 = tpu.memref_slice %arg5[%dma_wait3A_553, %dma_wait3A_554] : memref<200704x16xf32, #tpu.memory_space<hbm>> -> memref<256x16xf32, #tpu.memory_space<hbm>>
        tpu.wait_dma2 semaphore(%arg28 : memref<!tpu.dma_semaphore, #tpu.memory_space<semaphore_mem>>) src(%dma_wait3A_555 : memref<256x16xf32, #tpu.memory_space<hbm>>) dst(%arg22 : memref<256x16xf32, #tpu.memory_space<vmem>>)
      } else {
      }
      %add3A_336 = arith.constant 2 : i32
      %add3A_337 = arith.addi %add3A_316, %add3A_336 : i32
      %lt3A_338 = arith.constant 396 : i32
      %lt3A_339 = arith.cmpi slt, %add3A_337, %lt3A_338 : i32
      %convert_element_type3A_340 = arith.extui %lt3A_339 : i1 to i32
      %cond3A_341 = arith.constant 0 : i32
      %cond3A_342 = arith.cmpi ne, %convert_element_type3A_340, %cond3A_341 : i32
      scf.if %cond3A_342 {
        %dma_wait3A_550 = arith.constant 0 : i32
        %dma_wait3A_551 = arith.constant 0 : i32
        %dma_wait3A_552 = tpu.memref_slice %arg3[%dma_wait3A_550, %dma_wait3A_551] : memref<12672x256xi32, #tpu.memory_space<hbm>> -> memref<2x256xi32, #tpu.memory_space<hbm>>
        %dma_wait3A_553 = arith.constant 0 : i32
        %dma_wait3A_554 = arith.constant 0 : i32
        %dma_wait3A_555 = tpu.memref_slice %arg3[%dma_wait3A_553, %dma_wait3A_554] : memref<12672x256xi32, #tpu.memory_space<hbm>> -> memref<2x256xi32, #tpu.memory_space<hbm>>
        tpu.wait_dma2 semaphore(%arg31 : memref<!tpu.dma_semaphore, #tpu.memory_space<semaphore_mem>>) src(%dma_wait3A_555 : memref<2x256xi32, #tpu.memory_space<hbm>>) dst(%arg16 : memref<2x256xi32, #tpu.memory_space<vmem>>)
        %scan3A_556 = arith.constant 0 : i32
        %scan3A_557 = arith.constant 16 : i32
        %scan3A_558 = arith.addi %scan3A_556, %scan3A_557 : i32
        %scan3A_559 = arith.constant 1 : i32
        scf.for %scan3A_568 = %scan3A_556 to %scan3A_558 step %scan3A_559  : i32 {
          %mul3A_569 = arith.constant 16 : i32
          %mul3A_570 = arith.muli %scan3A_568, %mul3A_569 : i32
          %add3A_571 = arith.constant 0 : i32
          %add3A_572 = arith.addi %add3A_571, %mul3A_570 : i32
          %get3A = arith.constant 0 : i32
          %get3A_573 = arith.index_cast %get3A : i32 to index
          %get3A_574 = arith.index_cast %add3A_572 : i32 to index
          %get3A_575 = tpu.vector_load %arg16[%get3A_573, %get3A_574] {strides = array<i32>} : memref<2x256xi32, #tpu.memory_space<vmem>>, vector<16xi32>,
          %add3A_576 = vector.broadcast %mul3A_4 : i32 to vector<16xi32>
          %add3A_577 = arith.addi %get3A_575, %add3A_576 : vector<16xi32>
          %swap3A = arith.constant 0 : i32
          %swap3A_578 = arith.index_cast %swap3A : i32 to index
          %swap3A_579 = arith.index_cast %add3A_572 : i32 to index
          %swap3A_580 = tpu.vector_load %arg16[%swap3A_578, %swap3A_579] {strides = array<i32>} : memref<2x256xi32, #tpu.memory_space<vmem>>, vector<16xi32>,
          tpu.vector_store %arg16[%swap3A_578, %swap3A_579], %add3A_577 {strides = array<i32>} : memref<2x256xi32, #tpu.memory_space<vmem>>, vector<16xi32>,
        }
        %scan3A_560 = arith.constant 16 : i32
        %dma_start3A_561 = arith.constant 0 : i32
        %dma_start3A_562 = arith.constant 0 : i32
        %dma_start3A_563 = tpu.memref_slice %arg16[%dma_start3A_561, %dma_start3A_562] : memref<2x256xi32, #tpu.memory_space<vmem>> -> memref<1x256xi32, #tpu.memory_space<vmem>>
        %dma_start3A_564 = tpu.memref_squeeze %dma_start3A_563 : memref<1x256xi32, #tpu.memory_space<vmem>> -> memref<256xi32, #tpu.memory_space<vmem>>
        %dma_start3A_565 = arith.constant 0 : i32
        %dma_start3A_566 = arith.constant 0 : i32
        %dma_start3A_567 = tpu.memref_slice %arg5[%dma_start3A_565, %dma_start3A_566] : memref<200704x16xf32, #tpu.memory_space<hbm>> -> memref<200704x16xf32, #tpu.memory_space<hbm>>
        tpu.enqueue_indirect_dma source(%dma_start3A_567 : memref<200704x16xf32, #tpu.memory_space<hbm>>) target(%arg22 : memref<256x16xf32, #tpu.memory_space<vmem>>) offsets(%dma_start3A_564 : memref<256xi32, #tpu.memory_space<vmem>>) semaphore(%arg25 : memref<!tpu.dma_semaphore, #tpu.memory_space<semaphore_mem>>)
      } else {
      }
      %add3A_343 = arith.constant 4 : i32
      %add3A_344 = arith.addi %add3A_316, %add3A_343 : i32
      %lt3A_345 = arith.constant 396 : i32
      %lt3A_346 = arith.cmpi slt, %add3A_344, %lt3A_345 : i32
      %convert_element_type3A_347 = arith.extui %lt3A_346 : i1 to i32
      %cond3A_348 = arith.constant 0 : i32
      %cond3A_349 = arith.cmpi ne, %convert_element_type3A_347, %cond3A_348 : i32
      scf.if %cond3A_349 {
        %add3A_550 = arith.constant 4 : i32
        %add3A_551 = arith.addi %add3A_316, %add3A_550 : i32
        %mul3A_552 = arith.constant 2 : i32
        %mul3A_553 = arith.muli %add3A_551, %mul3A_552 : i32
        %add3A_554 = arith.addi %mul3A_2, %mul3A_553 : i32
        %dma_start3A_555 = arith.constant 0 : i32
        %dma_start3A_556 = tpu.memref_slice %arg3[%add3A_554, %dma_start3A_555] : memref<12672x256xi32, #tpu.memory_space<hbm>> -> memref<2x256xi32, #tpu.memory_space<hbm>>
        %dma_start3A_557 = arith.constant 0 : i32
        %dma_start3A_558 = tpu.memref_slice %arg3[%add3A_554, %dma_start3A_557] : memref<12672x256xi32, #tpu.memory_space<hbm>> -> memref<2x256xi32, #tpu.memory_space<hbm>>
        tpu.enqueue_dma source(%dma_start3A_558 : memref<2x256xi32, #tpu.memory_space<hbm>>) target(%arg18 : memref<2x256xi32, #tpu.memory_space<vmem>>) target_semaphore(%arg33 : memref<!tpu.dma_semaphore, #tpu.memory_space<semaphore_mem>>)
      } else {
      }
      %add3A_350 = arith.constant 1 : i32
      %add3A_351 = arith.addi %add3A_314, %add3A_350 : i32
      %dma_wait3A_352 = arith.constant 0 : i32
      %dma_wait3A_353 = arith.constant 0 : i32
      %dma_wait3A_354 = tpu.memref_slice %arg15[%dma_wait3A_352, %dma_wait3A_353] : memref<2x256xi32, #tpu.memory_space<vmem>> -> memref<1x256xi32, #tpu.memory_space<vmem>>
      %dma_wait3A_355 = tpu.memref_squeeze %dma_wait3A_354 : memref<1x256xi32, #tpu.memory_space<vmem>> -> memref<256xi32, #tpu.memory_space<vmem>>
      %dma_wait3A_356 = arith.constant 0 : i32
      %dma_wait3A_357 = arith.constant 0 : i32
      %dma_wait3A_358 = tpu.memref_slice %arg5[%dma_wait3A_356, %dma_wait3A_357] : memref<200704x16xf32, #tpu.memory_space<hbm>> -> memref<200704x16xf32, #tpu.memory_space<hbm>>
      tpu.wait_indirect_dma semaphore(%arg24 : memref<!tpu.dma_semaphore, #tpu.memory_space<semaphore_mem>>) src(%dma_wait3A_358 : memref<200704x16xf32, #tpu.memory_space<hbm>>) dst(%arg21 : memref<256x16xf32, #tpu.memory_space<vmem>>)
      %dma_start3A_359 = arith.constant 1 : i32
      %dma_start3A_360 = arith.constant 0 : i32
      %dma_start3A_361 = tpu.memref_slice %arg15[%dma_start3A_359, %dma_start3A_360] : memref<2x256xi32, #tpu.memory_space<vmem>> -> memref<1x256xi32, #tpu.memory_space<vmem>>
      %dma_start3A_362 = tpu.memref_squeeze %dma_start3A_361 : memref<1x256xi32, #tpu.memory_space<vmem>> -> memref<256xi32, #tpu.memory_space<vmem>>
      %dma_start3A_363 = arith.constant 0 : i32
      %dma_start3A_364 = arith.constant 0 : i32
      %dma_start3A_365 = tpu.memref_slice %arg7[%dma_start3A_363, %dma_start3A_364] : memref<100352x16xf32, #tpu.memory_space<vmem_shared>> -> memref<100352x16xf32, #tpu.memory_space<vmem_shared>>
      tpu.enqueue_indirect_dma source(%arg21 : memref<256x16xf32, #tpu.memory_space<vmem>>) target(%dma_start3A_365 : memref<100352x16xf32, #tpu.memory_space<vmem_shared>>) offsets(%dma_start3A_362 : memref<256xi32, #tpu.memory_space<vmem>>) semaphore(%arg27 : memref<!tpu.dma_semaphore, #tpu.memory_space<semaphore_mem>>) {add = true}
      %add3A_366 = arith.constant 2 : i32
      %add3A_367 = arith.addi %add3A_351, %add3A_366 : i32
      %lt3A_368 = arith.constant 396 : i32
      %lt3A_369 = arith.cmpi slt, %add3A_367, %lt3A_368 : i32
      %ge3A_370 = arith.constant 1 : i32
      %ge3A_371 = arith.cmpi sge, %add3A_351, %ge3A_370 : i32
      %and3A_372 = arith.andi %lt3A_369, %ge3A_371 : i1
      %convert_element_type3A_373 = arith.extui %and3A_372 : i1 to i32
      %cond3A_374 = arith.constant 0 : i32
      %cond3A_375 = arith.cmpi ne, %convert_element_type3A_373, %cond3A_374 : i32
      scf.if %cond3A_375 {
        %dma_wait3A_550 = arith.constant 0 : i32
        %dma_wait3A_551 = arith.constant 0 : i32
        %dma_wait3A_552 = tpu.memref_slice %arg5[%dma_wait3A_550, %dma_wait3A_551] : memref<200704x16xf32, #tpu.memory_space<hbm>> -> memref<256x16xf32, #tpu.memory_space<hbm>>
        %dma_wait3A_553 = arith.constant 0 : i32
        %dma_wait3A_554 = arith.constant 0 : i32
        %dma_wait3A_555 = tpu.memref_slice %arg5[%dma_wait3A_553, %dma_wait3A_554] : memref<200704x16xf32, #tpu.memory_space<hbm>> -> memref<256x16xf32, #tpu.memory_space<hbm>>
        tpu.wait_dma2 semaphore(%arg26 : memref<!tpu.dma_semaphore, #tpu.memory_space<semaphore_mem>>) src(%dma_wait3A_555 : memref<256x16xf32, #tpu.memory_space<hbm>>) dst(%arg20 : memref<256x16xf32, #tpu.memory_space<vmem>>)
      } else {
      }
      %add3A_376 = arith.constant 2 : i32
      %add3A_377 = arith.addi %add3A_351, %add3A_376 : i32
      %lt3A_378 = arith.constant 396 : i32
      %lt3A_379 = arith.cmpi slt, %add3A_377, %lt3A_378 : i32
      %convert_element_type3A_380 = arith.extui %lt3A_379 : i1 to i32
      %cond3A_381 = arith.constant 0 : i32
      %cond3A_382 = arith.cmpi ne, %convert_element_type3A_380, %cond3A_381 : i32
      scf.if %cond3A_382 {
        %dma_wait3A_550 = arith.constant 0 : i32
        %dma_wait3A_551 = arith.constant 0 : i32
        %dma_wait3A_552 = tpu.memref_slice %arg3[%dma_wait3A_550, %dma_wait3A_551] : memref<12672x256xi32, #tpu.memory_space<hbm>> -> memref<2x256xi32, #tpu.memory_space<hbm>>
        %dma_wait3A_553 = arith.constant 0 : i32
        %dma_wait3A_554 = arith.constant 0 : i32
        %dma_wait3A_555 = tpu.memref_slice %arg3[%dma_wait3A_553, %dma_wait3A_554] : memref<12672x256xi32, #tpu.memory_space<hbm>> -> memref<2x256xi32, #tpu.memory_space<hbm>>
        tpu.wait_dma2 semaphore(%arg32 : memref<!tpu.dma_semaphore, #tpu.memory_space<semaphore_mem>>) src(%dma_wait3A_555 : memref<2x256xi32, #tpu.memory_space<hbm>>) dst(%arg17 : memref<2x256xi32, #tpu.memory_space<vmem>>)
        %scan3A_556 = arith.constant 0 : i32
        %scan3A_557 = arith.constant 16 : i32
        %scan3A_558 = arith.addi %scan3A_556, %scan3A_557 : i32
        %scan3A_559 = arith.constant 1 : i32
        scf.for %scan3A_568 = %scan3A_556 to %scan3A_558 step %scan3A_559  : i32 {
          %mul3A_569 = arith.constant 16 : i32
          %mul3A_570 = arith.muli %scan3A_568, %mul3A_569 : i32
          %add3A_571 = arith.constant 0 : i32
          %add3A_572 = arith.addi %add3A_571, %mul3A_570 : i32
          %get3A = arith.constant 0 : i32
          %get3A_573 = arith.index_cast %get3A : i32 to index
          %get3A_574 = arith.index_cast %add3A_572 : i32 to index
          %get3A_575 = tpu.vector_load %arg17[%get3A_573, %get3A_574] {strides = array<i32>} : memref<2x256xi32, #tpu.memory_space<vmem>>, vector<16xi32>,
          %add3A_576 = vector.broadcast %mul3A_4 : i32 to vector<16xi32>
          %add3A_577 = arith.addi %get3A_575, %add3A_576 : vector<16xi32>
          %swap3A = arith.constant 0 : i32
          %swap3A_578 = arith.index_cast %swap3A : i32 to index
          %swap3A_579 = arith.index_cast %add3A_572 : i32 to index
          %swap3A_580 = tpu.vector_load %arg17[%swap3A_578, %swap3A_579] {strides = array<i32>} : memref<2x256xi32, #tpu.memory_space<vmem>>, vector<16xi32>,
          tpu.vector_store %arg17[%swap3A_578, %swap3A_579], %add3A_577 {strides = array<i32>} : memref<2x256xi32, #tpu.memory_space<vmem>>, vector<16xi32>,
        }
        %scan3A_560 = arith.constant 16 : i32
        %dma_start3A_561 = arith.constant 0 : i32
        %dma_start3A_562 = arith.constant 0 : i32
        %dma_start3A_563 = tpu.memref_slice %arg17[%dma_start3A_561, %dma_start3A_562] : memref<2x256xi32, #tpu.memory_space<vmem>> -> memref<1x256xi32, #tpu.memory_space<vmem>>
        %dma_start3A_564 = tpu.memref_squeeze %dma_start3A_563 : memref<1x256xi32, #tpu.memory_space<vmem>> -> memref<256xi32, #tpu.memory_space<vmem>>
        %dma_start3A_565 = arith.constant 0 : i32
        %dma_start3A_566 = arith.constant 0 : i32
        %dma_start3A_567 = tpu.memref_slice %arg5[%dma_start3A_565, %dma_start3A_566] : memref<200704x16xf32, #tpu.memory_space<hbm>> -> memref<200704x16xf32, #tpu.memory_space<hbm>>
        tpu.enqueue_indirect_dma source(%dma_start3A_567 : memref<200704x16xf32, #tpu.memory_space<hbm>>) target(%arg20 : memref<256x16xf32, #tpu.memory_space<vmem>>) offsets(%dma_start3A_564 : memref<256xi32, #tpu.memory_space<vmem>>) semaphore(%arg23 : memref<!tpu.dma_semaphore, #tpu.memory_space<semaphore_mem>>)
      } else {
      }
      %add3A_383 = arith.constant 4 : i32
      %add3A_384 = arith.addi %add3A_351, %add3A_383 : i32
      %lt3A_385 = arith.constant 396 : i32
      %lt3A_386 = arith.cmpi slt, %add3A_384, %lt3A_385 : i32
      %convert_element_type3A_387 = arith.extui %lt3A_386 : i1 to i32
      %cond3A_388 = arith.constant 0 : i32
      %cond3A_389 = arith.cmpi ne, %convert_element_type3A_387, %cond3A_388 : i32
      scf.if %cond3A_389 {
        %add3A_550 = arith.constant 4 : i32
        %add3A_551 = arith.addi %add3A_351, %add3A_550 : i32
        %mul3A_552 = arith.constant 2 : i32
        %mul3A_553 = arith.muli %add3A_551, %mul3A_552 : i32
        %add3A_554 = arith.addi %mul3A_2, %mul3A_553 : i32
        %dma_start3A_555 = arith.constant 0 : i32
        %dma_start3A_556 = tpu.memref_slice %arg3[%add3A_554, %dma_start3A_555] : memref<12672x256xi32, #tpu.memory_space<hbm>> -> memref<2x256xi32, #tpu.memory_space<hbm>>
        %dma_start3A_557 = arith.constant 0 : i32
        %dma_start3A_558 = tpu.memref_slice %arg3[%add3A_554, %dma_start3A_557] : memref<12672x256xi32, #tpu.memory_space<hbm>> -> memref<2x256xi32, #tpu.memory_space<hbm>>
        tpu.enqueue_dma source(%dma_start3A_558 : memref<2x256xi32, #tpu.memory_space<hbm>>) target(%arg19 : memref<2x256xi32, #tpu.memory_space<vmem>>) target_semaphore(%arg34 : memref<!tpu.dma_semaphore, #tpu.memory_space<semaphore_mem>>)
      } else {
      }
      %add3A_390 = arith.constant 2 : i32
      %add3A_391 = arith.addi %add3A_314, %add3A_390 : i32
      %dma_wait3A_392 = arith.constant 0 : i32
      %dma_wait3A_393 = arith.constant 0 : i32
      %dma_wait3A_394 = tpu.memref_slice %arg16[%dma_wait3A_392, %dma_wait3A_393] : memref<2x256xi32, #tpu.memory_space<vmem>> -> memref<1x256xi32, #tpu.memory_space<vmem>>
      %dma_wait3A_395 = tpu.memref_squeeze %dma_wait3A_394 : memref<1x256xi32, #tpu.memory_space<vmem>> -> memref<256xi32, #tpu.memory_space<vmem>>
      %dma_wait3A_396 = arith.constant 0 : i32
      %dma_wait3A_397 = arith.constant 0 : i32
      %dma_wait3A_398 = tpu.memref_slice %arg5[%dma_wait3A_396, %dma_wait3A_397] : memref<200704x16xf32, #tpu.memory_space<hbm>> -> memref<200704x16xf32, #tpu.memory_space<hbm>>
      tpu.wait_indirect_dma semaphore(%arg25 : memref<!tpu.dma_semaphore, #tpu.memory_space<semaphore_mem>>) src(%dma_wait3A_398 : memref<200704x16xf32, #tpu.memory_space<hbm>>) dst(%arg22 : memref<256x16xf32, #tpu.memory_space<vmem>>)
      %dma_start3A_399 = arith.constant 1 : i32
      %dma_start3A_400 = arith.constant 0 : i32
      %dma_start3A_401 = tpu.memref_slice %arg16[%dma_start3A_399, %dma_start3A_400] : memref<2x256xi32, #tpu.memory_space<vmem>> -> memref<1x256xi32, #tpu.memory_space<vmem>>
      %dma_start3A_402 = tpu.memref_squeeze %dma_start3A_401 : memref<1x256xi32, #tpu.memory_space<vmem>> -> memref<256xi32, #tpu.memory_space<vmem>>
      %dma_start3A_403 = arith.constant 0 : i32
      %dma_start3A_404 = arith.constant 0 : i32
      %dma_start3A_405 = tpu.memref_slice %arg7[%dma_start3A_403, %dma_start3A_404] : memref<100352x16xf32, #tpu.memory_space<vmem_shared>> -> memref<100352x16xf32, #tpu.memory_space<vmem_shared>>
      tpu.enqueue_indirect_dma source(%arg22 : memref<256x16xf32, #tpu.memory_space<vmem>>) target(%dma_start3A_405 : memref<100352x16xf32, #tpu.memory_space<vmem_shared>>) offsets(%dma_start3A_402 : memref<256xi32, #tpu.memory_space<vmem>>) semaphore(%arg28 : memref<!tpu.dma_semaphore, #tpu.memory_space<semaphore_mem>>) {add = true}
      %add3A_406 = arith.constant 2 : i32
      %add3A_407 = arith.addi %add3A_391, %add3A_406 : i32
      %lt3A_408 = arith.constant 396 : i32
      %lt3A_409 = arith.cmpi slt, %add3A_407, %lt3A_408 : i32
      %ge3A_410 = arith.constant 1 : i32
      %ge3A_411 = arith.cmpi sge, %add3A_391, %ge3A_410 : i32
      %and3A_412 = arith.andi %lt3A_409, %ge3A_411 : i1
      %convert_element_type3A_413 = arith.extui %and3A_412 : i1 to i32
      %cond3A_414 = arith.constant 0 : i32
      %cond3A_415 = arith.cmpi ne, %convert_element_type3A_413, %cond3A_414 : i32
      scf.if %cond3A_415 {
        %dma_wait3A_550 = arith.constant 0 : i32
        %dma_wait3A_551 = arith.constant 0 : i32
        %dma_wait3A_552 = tpu.memref_slice %arg5[%dma_wait3A_550, %dma_wait3A_551] : memref<200704x16xf32, #tpu.memory_space<hbm>> -> memref<256x16xf32, #tpu.memory_space<hbm>>
        %dma_wait3A_553 = arith.constant 0 : i32
        %dma_wait3A_554 = arith.constant 0 : i32
        %dma_wait3A_555 = tpu.memref_slice %arg5[%dma_wait3A_553, %dma_wait3A_554] : memref<200704x16xf32, #tpu.memory_space<hbm>> -> memref<256x16xf32, #tpu.memory_space<hbm>>
        tpu.wait_dma2 semaphore(%arg27 : memref<!tpu.dma_semaphore, #tpu.memory_space<semaphore_mem>>) src(%dma_wait3A_555 : memref<256x16xf32, #tpu.memory_space<hbm>>) dst(%arg21 : memref<256x16xf32, #tpu.memory_space<vmem>>)
      } else {
      }
      %add3A_416 = arith.constant 2 : i32
      %add3A_417 = arith.addi %add3A_391, %add3A_416 : i32
      %lt3A_418 = arith.constant 396 : i32
      %lt3A_419 = arith.cmpi slt, %add3A_417, %lt3A_418 : i32
      %convert_element_type3A_420 = arith.extui %lt3A_419 : i1 to i32
      %cond3A_421 = arith.constant 0 : i32
      %cond3A_422 = arith.cmpi ne, %convert_element_type3A_420, %cond3A_421 : i32
      scf.if %cond3A_422 {
        %dma_wait3A_550 = arith.constant 0 : i32
        %dma_wait3A_551 = arith.constant 0 : i32
        %dma_wait3A_552 = tpu.memref_slice %arg3[%dma_wait3A_550, %dma_wait3A_551] : memref<12672x256xi32, #tpu.memory_space<hbm>> -> memref<2x256xi32, #tpu.memory_space<hbm>>
        %dma_wait3A_553 = arith.constant 0 : i32
        %dma_wait3A_554 = arith.constant 0 : i32
        %dma_wait3A_555 = tpu.memref_slice %arg3[%dma_wait3A_553, %dma_wait3A_554] : memref<12672x256xi32, #tpu.memory_space<hbm>> -> memref<2x256xi32, #tpu.memory_space<hbm>>
        tpu.wait_dma2 semaphore(%arg33 : memref<!tpu.dma_semaphore, #tpu.memory_space<semaphore_mem>>) src(%dma_wait3A_555 : memref<2x256xi32, #tpu.memory_space<hbm>>) dst(%arg18 : memref<2x256xi32, #tpu.memory_space<vmem>>)
        %scan3A_556 = arith.constant 0 : i32
        %scan3A_557 = arith.constant 16 : i32
        %scan3A_558 = arith.addi %scan3A_556, %scan3A_557 : i32
        %scan3A_559 = arith.constant 1 : i32
        scf.for %scan3A_568 = %scan3A_556 to %scan3A_558 step %scan3A_559  : i32 {
          %mul3A_569 = arith.constant 16 : i32
          %mul3A_570 = arith.muli %scan3A_568, %mul3A_569 : i32
          %add3A_571 = arith.constant 0 : i32
          %add3A_572 = arith.addi %add3A_571, %mul3A_570 : i32
          %get3A = arith.constant 0 : i32
          %get3A_573 = arith.index_cast %get3A : i32 to index
          %get3A_574 = arith.index_cast %add3A_572 : i32 to index
          %get3A_575 = tpu.vector_load %arg18[%get3A_573, %get3A_574] {strides = array<i32>} : memref<2x256xi32, #tpu.memory_space<vmem>>, vector<16xi32>,
          %add3A_576 = vector.broadcast %mul3A_4 : i32 to vector<16xi32>
          %add3A_577 = arith.addi %get3A_575, %add3A_576 : vector<16xi32>
          %swap3A = arith.constant 0 : i32
          %swap3A_578 = arith.index_cast %swap3A : i32 to index
          %swap3A_579 = arith.index_cast %add3A_572 : i32 to index
          %swap3A_580 = tpu.vector_load %arg18[%swap3A_578, %swap3A_579] {strides = array<i32>} : memref<2x256xi32, #tpu.memory_space<vmem>>, vector<16xi32>,
          tpu.vector_store %arg18[%swap3A_578, %swap3A_579], %add3A_577 {strides = array<i32>} : memref<2x256xi32, #tpu.memory_space<vmem>>, vector<16xi32>,
        }
        %scan3A_560 = arith.constant 16 : i32
        %dma_start3A_561 = arith.constant 0 : i32
        %dma_start3A_562 = arith.constant 0 : i32
        %dma_start3A_563 = tpu.memref_slice %arg18[%dma_start3A_561, %dma_start3A_562] : memref<2x256xi32, #tpu.memory_space<vmem>> -> memref<1x256xi32, #tpu.memory_space<vmem>>
        %dma_start3A_564 = tpu.memref_squeeze %dma_start3A_563 : memref<1x256xi32, #tpu.memory_space<vmem>> -> memref<256xi32, #tpu.memory_space<vmem>>
        %dma_start3A_565 = arith.constant 0 : i32
        %dma_start3A_566 = arith.constant 0 : i32
        %dma_start3A_567 = tpu.memref_slice %arg5[%dma_start3A_565, %dma_start3A_566] : memref<200704x16xf32, #tpu.memory_space<hbm>> -> memref<200704x16xf32, #tpu.memory_space<hbm>>
        tpu.enqueue_indirect_dma source(%dma_start3A_567 : memref<200704x16xf32, #tpu.memory_space<hbm>>) target(%arg21 : memref<256x16xf32, #tpu.memory_space<vmem>>) offsets(%dma_start3A_564 : memref<256xi32, #tpu.memory_space<vmem>>) semaphore(%arg24 : memref<!tpu.dma_semaphore, #tpu.memory_space<semaphore_mem>>)
      } else {
      }
      %add3A_423 = arith.constant 4 : i32
      %add3A_424 = arith.addi %add3A_391, %add3A_423 : i32
      %lt3A_425 = arith.constant 396 : i32
      %lt3A_426 = arith.cmpi slt, %add3A_424, %lt3A_425 : i32
      %convert_element_type3A_427 = arith.extui %lt3A_426 : i1 to i32
      %cond3A_428 = arith.constant 0 : i32
      %cond3A_429 = arith.cmpi ne, %convert_element_type3A_427, %cond3A_428 : i32
      scf.if %cond3A_429 {
        %add3A_550 = arith.constant 4 : i32
        %add3A_551 = arith.addi %add3A_391, %add3A_550 : i32
        %mul3A_552 = arith.constant 2 : i32
        %mul3A_553 = arith.muli %add3A_551, %mul3A_552 : i32
        %add3A_554 = arith.addi %mul3A_2, %mul3A_553 : i32
        %dma_start3A_555 = arith.constant 0 : i32
        %dma_start3A_556 = tpu.memref_slice %arg3[%add3A_554, %dma_start3A_555] : memref<12672x256xi32, #tpu.memory_space<hbm>> -> memref<2x256xi32, #tpu.memory_space<hbm>>
        %dma_start3A_557 = arith.constant 0 : i32
        %dma_start3A_558 = tpu.memref_slice %arg3[%add3A_554, %dma_start3A_557] : memref<12672x256xi32, #tpu.memory_space<hbm>> -> memref<2x256xi32, #tpu.memory_space<hbm>>
        tpu.enqueue_dma source(%dma_start3A_558 : memref<2x256xi32, #tpu.memory_space<hbm>>) target(%arg14 : memref<2x256xi32, #tpu.memory_space<vmem>>) target_semaphore(%arg29 : memref<!tpu.dma_semaphore, #tpu.memory_space<semaphore_mem>>)
      } else {
      }
      %add3A_430 = arith.constant 3 : i32
      %add3A_431 = arith.addi %add3A_314, %add3A_430 : i32
      %dma_wait3A_432 = arith.constant 0 : i32
      %dma_wait3A_433 = arith.constant 0 : i32
      %dma_wait3A_434 = tpu.memref_slice %arg17[%dma_wait3A_432, %dma_wait3A_433] : memref<2x256xi32, #tpu.memory_space<vmem>> -> memref<1x256xi32, #tpu.memory_space<vmem>>
      %dma_wait3A_435 = tpu.memref_squeeze %dma_wait3A_434 : memref<1x256xi32, #tpu.memory_space<vmem>> -> memref<256xi32, #tpu.memory_space<vmem>>
      %dma_wait3A_436 = arith.constant 0 : i32
      %dma_wait3A_437 = arith.constant 0 : i32
      %dma_wait3A_438 = tpu.memref_slice %arg5[%dma_wait3A_436, %dma_wait3A_437] : memref<200704x16xf32, #tpu.memory_space<hbm>> -> memref<200704x16xf32, #tpu.memory_space<hbm>>
      tpu.wait_indirect_dma semaphore(%arg23 : memref<!tpu.dma_semaphore, #tpu.memory_space<semaphore_mem>>) src(%dma_wait3A_438 : memref<200704x16xf32, #tpu.memory_space<hbm>>) dst(%arg20 : memref<256x16xf32, #tpu.memory_space<vmem>>)
      %dma_start3A_439 = arith.constant 1 : i32
      %dma_start3A_440 = arith.constant 0 : i32
      %dma_start3A_441 = tpu.memref_slice %arg17[%dma_start3A_439, %dma_start3A_440] : memref<2x256xi32, #tpu.memory_space<vmem>> -> memref<1x256xi32, #tpu.memory_space<vmem>>
      %dma_start3A_442 = tpu.memref_squeeze %dma_start3A_441 : memref<1x256xi32, #tpu.memory_space<vmem>> -> memref<256xi32, #tpu.memory_space<vmem>>
      %dma_start3A_443 = arith.constant 0 : i32
      %dma_start3A_444 = arith.constant 0 : i32
      %dma_start3A_445 = tpu.memref_slice %arg7[%dma_start3A_443, %dma_start3A_444] : memref<100352x16xf32, #tpu.memory_space<vmem_shared>> -> memref<100352x16xf32, #tpu.memory_space<vmem_shared>>
      tpu.enqueue_indirect_dma source(%arg20 : memref<256x16xf32, #tpu.memory_space<vmem>>) target(%dma_start3A_445 : memref<100352x16xf32, #tpu.memory_space<vmem_shared>>) offsets(%dma_start3A_442 : memref<256xi32, #tpu.memory_space<vmem>>) semaphore(%arg26 : memref<!tpu.dma_semaphore, #tpu.memory_space<semaphore_mem>>) {add = true}
      %add3A_446 = arith.constant 2 : i32
      %add3A_447 = arith.addi %add3A_431, %add3A_446 : i32
      %lt3A_448 = arith.constant 396 : i32
      %lt3A_449 = arith.cmpi slt, %add3A_447, %lt3A_448 : i32
      %ge3A_450 = arith.constant 1 : i32
      %ge3A_451 = arith.cmpi sge, %add3A_431, %ge3A_450 : i32
      %and3A_452 = arith.andi %lt3A_449, %ge3A_451 : i1
      %convert_element_type3A_453 = arith.extui %and3A_452 : i1 to i32
      %cond3A_454 = arith.constant 0 : i32
      %cond3A_455 = arith.cmpi ne, %convert_element_type3A_453, %cond3A_454 : i32
      scf.if %cond3A_455 {
        %dma_wait3A_550 = arith.constant 0 : i32
        %dma_wait3A_551 = arith.constant 0 : i32
        %dma_wait3A_552 = tpu.memref_slice %arg5[%dma_wait3A_550, %dma_wait3A_551] : memref<200704x16xf32, #tpu.memory_space<hbm>> -> memref<256x16xf32, #tpu.memory_space<hbm>>
        %dma_wait3A_553 = arith.constant 0 : i32
        %dma_wait3A_554 = arith.constant 0 : i32
        %dma_wait3A_555 = tpu.memref_slice %arg5[%dma_wait3A_553, %dma_wait3A_554] : memref<200704x16xf32, #tpu.memory_space<hbm>> -> memref<256x16xf32, #tpu.memory_space<hbm>>
        tpu.wait_dma2 semaphore(%arg28 : memref<!tpu.dma_semaphore, #tpu.memory_space<semaphore_mem>>) src(%dma_wait3A_555 : memref<256x16xf32, #tpu.memory_space<hbm>>) dst(%arg22 : memref<256x16xf32, #tpu.memory_space<vmem>>)
      } else {
      }
      %add3A_456 = arith.constant 2 : i32
      %add3A_457 = arith.addi %add3A_431, %add3A_456 : i32
      %lt3A_458 = arith.constant 396 : i32
      %lt3A_459 = arith.cmpi slt, %add3A_457, %lt3A_458 : i32
      %convert_element_type3A_460 = arith.extui %lt3A_459 : i1 to i32
      %cond3A_461 = arith.constant 0 : i32
      %cond3A_462 = arith.cmpi ne, %convert_element_type3A_460, %cond3A_461 : i32
      scf.if %cond3A_462 {
        %dma_wait3A_550 = arith.constant 0 : i32
        %dma_wait3A_551 = arith.constant 0 : i32
        %dma_wait3A_552 = tpu.memref_slice %arg3[%dma_wait3A_550, %dma_wait3A_551] : memref<12672x256xi32, #tpu.memory_space<hbm>> -> memref<2x256xi32, #tpu.memory_space<hbm>>
        %dma_wait3A_553 = arith.constant 0 : i32
        %dma_wait3A_554 = arith.constant 0 : i32
        %dma_wait3A_555 = tpu.memref_slice %arg3[%dma_wait3A_553, %dma_wait3A_554] : memref<12672x256xi32, #tpu.memory_space<hbm>> -> memref<2x256xi32, #tpu.memory_space<hbm>>
        tpu.wait_dma2 semaphore(%arg34 : memref<!tpu.dma_semaphore, #tpu.memory_space<semaphore_mem>>) src(%dma_wait3A_555 : memref<2x256xi32, #tpu.memory_space<hbm>>) dst(%arg19 : memref<2x256xi32, #tpu.memory_space<vmem>>)
        %scan3A_556 = arith.constant 0 : i32
        %scan3A_557 = arith.constant 16 : i32
        %scan3A_558 = arith.addi %scan3A_556, %scan3A_557 : i32
        %scan3A_559 = arith.constant 1 : i32
        scf.for %scan3A_568 = %scan3A_556 to %scan3A_558 step %scan3A_559  : i32 {
          %mul3A_569 = arith.constant 16 : i32
          %mul3A_570 = arith.muli %scan3A_568, %mul3A_569 : i32
          %add3A_571 = arith.constant 0 : i32
          %add3A_572 = arith.addi %add3A_571, %mul3A_570 : i32
          %get3A = arith.constant 0 : i32
          %get3A_573 = arith.index_cast %get3A : i32 to index
          %get3A_574 = arith.index_cast %add3A_572 : i32 to index
          %get3A_575 = tpu.vector_load %arg19[%get3A_573, %get3A_574] {strides = array<i32>} : memref<2x256xi32, #tpu.memory_space<vmem>>, vector<16xi32>,
          %add3A_576 = vector.broadcast %mul3A_4 : i32 to vector<16xi32>
          %add3A_577 = arith.addi %get3A_575, %add3A_576 : vector<16xi32>
          %swap3A = arith.constant 0 : i32
          %swap3A_578 = arith.index_cast %swap3A : i32 to index
          %swap3A_579 = arith.index_cast %add3A_572 : i32 to index
          %swap3A_580 = tpu.vector_load %arg19[%swap3A_578, %swap3A_579] {strides = array<i32>} : memref<2x256xi32, #tpu.memory_space<vmem>>, vector<16xi32>,
          tpu.vector_store %arg19[%swap3A_578, %swap3A_579], %add3A_577 {strides = array<i32>} : memref<2x256xi32, #tpu.memory_space<vmem>>, vector<16xi32>,
        }
        %scan3A_560 = arith.constant 16 : i32
        %dma_start3A_561 = arith.constant 0 : i32
        %dma_start3A_562 = arith.constant 0 : i32
        %dma_start3A_563 = tpu.memref_slice %arg19[%dma_start3A_561, %dma_start3A_562] : memref<2x256xi32, #tpu.memory_space<vmem>> -> memref<1x256xi32, #tpu.memory_space<vmem>>
        %dma_start3A_564 = tpu.memref_squeeze %dma_start3A_563 : memref<1x256xi32, #tpu.memory_space<vmem>> -> memref<256xi32, #tpu.memory_space<vmem>>
        %dma_start3A_565 = arith.constant 0 : i32
        %dma_start3A_566 = arith.constant 0 : i32
        %dma_start3A_567 = tpu.memref_slice %arg5[%dma_start3A_565, %dma_start3A_566] : memref<200704x16xf32, #tpu.memory_space<hbm>> -> memref<200704x16xf32, #tpu.memory_space<hbm>>
        tpu.enqueue_indirect_dma source(%dma_start3A_567 : memref<200704x16xf32, #tpu.memory_space<hbm>>) target(%arg22 : memref<256x16xf32, #tpu.memory_space<vmem>>) offsets(%dma_start3A_564 : memref<256xi32, #tpu.memory_space<vmem>>) semaphore(%arg25 : memref<!tpu.dma_semaphore, #tpu.memory_space<semaphore_mem>>)
      } else {
      }
      %add3A_463 = arith.constant 4 : i32
      %add3A_464 = arith.addi %add3A_431, %add3A_463 : i32
      %lt3A_465 = arith.constant 396 : i32
      %lt3A_466 = arith.cmpi slt, %add3A_464, %lt3A_465 : i32
      %convert_element_type3A_467 = arith.extui %lt3A_466 : i1 to i32
      %cond3A_468 = arith.constant 0 : i32
      %cond3A_469 = arith.cmpi ne, %convert_element_type3A_467, %cond3A_468 : i32
      scf.if %cond3A_469 {
        %add3A_550 = arith.constant 4 : i32
        %add3A_551 = arith.addi %add3A_431, %add3A_550 : i32
        %mul3A_552 = arith.constant 2 : i32
        %mul3A_553 = arith.muli %add3A_551, %mul3A_552 : i32
        %add3A_554 = arith.addi %mul3A_2, %mul3A_553 : i32
        %dma_start3A_555 = arith.constant 0 : i32
        %dma_start3A_556 = tpu.memref_slice %arg3[%add3A_554, %dma_start3A_555] : memref<12672x256xi32, #tpu.memory_space<hbm>> -> memref<2x256xi32, #tpu.memory_space<hbm>>
        %dma_start3A_557 = arith.constant 0 : i32
        %dma_start3A_558 = tpu.memref_slice %arg3[%add3A_554, %dma_start3A_557] : memref<12672x256xi32, #tpu.memory_space<hbm>> -> memref<2x256xi32, #tpu.memory_space<hbm>>
        tpu.enqueue_dma source(%dma_start3A_558 : memref<2x256xi32, #tpu.memory_space<hbm>>) target(%arg15 : memref<2x256xi32, #tpu.memory_space<vmem>>) target_semaphore(%arg30 : memref<!tpu.dma_semaphore, #tpu.memory_space<semaphore_mem>>)
      } else {
      }
      %add3A_470 = arith.constant 4 : i32
      %add3A_471 = arith.addi %add3A_314, %add3A_470 : i32
      %dma_wait3A_472 = arith.constant 0 : i32
      %dma_wait3A_473 = arith.constant 0 : i32
      %dma_wait3A_474 = tpu.memref_slice %arg18[%dma_wait3A_472, %dma_wait3A_473] : memref<2x256xi32, #tpu.memory_space<vmem>> -> memref<1x256xi32, #tpu.memory_space<vmem>>
      %dma_wait3A_475 = tpu.memref_squeeze %dma_wait3A_474 : memref<1x256xi32, #tpu.memory_space<vmem>> -> memref<256xi32, #tpu.memory_space<vmem>>
      %dma_wait3A_476 = arith.constant 0 : i32
      %dma_wait3A_477 = arith.constant 0 : i32
      %dma_wait3A_478 = tpu.memref_slice %arg5[%dma_wait3A_476, %dma_wait3A_477] : memref<200704x16xf32, #tpu.memory_space<hbm>> -> memref<200704x16xf32, #tpu.memory_space<hbm>>
      tpu.wait_indirect_dma semaphore(%arg24 : memref<!tpu.dma_semaphore, #tpu.memory_space<semaphore_mem>>) src(%dma_wait3A_478 : memref<200704x16xf32, #tpu.memory_space<hbm>>) dst(%arg21 : memref<256x16xf32, #tpu.memory_space<vmem>>)
      %dma_start3A_479 = arith.constant 1 : i32
      %dma_start3A_480 = arith.constant 0 : i32
      %dma_start3A_481 = tpu.memref_slice %arg18[%dma_start3A_479, %dma_start3A_480] : memref<2x256xi32, #tpu.memory_space<vmem>> -> memref<1x256xi32, #tpu.memory_space<vmem>>
      %dma_start3A_482 = tpu.memref_squeeze %dma_start3A_481 : memref<1x256xi32, #tpu.memory_space<vmem>> -> memref<256xi32, #tpu.memory_space<vmem>>
      %dma_start3A_483 = arith.constant 0 : i32
      %dma_start3A_484 = arith.constant 0 : i32
      %dma_start3A_485 = tpu.memref_slice %arg7[%dma_start3A_483, %dma_start3A_484] : memref<100352x16xf32, #tpu.memory_space<vmem_shared>> -> memref<100352x16xf32, #tpu.memory_space<vmem_shared>>
      tpu.enqueue_indirect_dma source(%arg21 : memref<256x16xf32, #tpu.memory_space<vmem>>) target(%dma_start3A_485 : memref<100352x16xf32, #tpu.memory_space<vmem_shared>>) offsets(%dma_start3A_482 : memref<256xi32, #tpu.memory_space<vmem>>) semaphore(%arg27 : memref<!tpu.dma_semaphore, #tpu.memory_space<semaphore_mem>>) {add = true}
      %add3A_486 = arith.constant 2 : i32
      %add3A_487 = arith.addi %add3A_471, %add3A_486 : i32
      %lt3A_488 = arith.constant 396 : i32
      %lt3A_489 = arith.cmpi slt, %add3A_487, %lt3A_488 : i32
      %ge3A_490 = arith.constant 1 : i32
      %ge3A_491 = arith.cmpi sge, %add3A_471, %ge3A_490 : i32
      %and3A_492 = arith.andi %lt3A_489, %ge3A_491 : i1
      %convert_element_type3A_493 = arith.extui %and3A_492 : i1 to i32
      %cond3A_494 = arith.constant 0 : i32
      %cond3A_495 = arith.cmpi ne, %convert_element_type3A_493, %cond3A_494 : i32
      scf.if %cond3A_495 {
        %dma_wait3A_550 = arith.constant 0 : i32
        %dma_wait3A_551 = arith.constant 0 : i32
        %dma_wait3A_552 = tpu.memref_slice %arg5[%dma_wait3A_550, %dma_wait3A_551] : memref<200704x16xf32, #tpu.memory_space<hbm>> -> memref<256x16xf32, #tpu.memory_space<hbm>>
        %dma_wait3A_553 = arith.constant 0 : i32
        %dma_wait3A_554 = arith.constant 0 : i32
        %dma_wait3A_555 = tpu.memref_slice %arg5[%dma_wait3A_553, %dma_wait3A_554] : memref<200704x16xf32, #tpu.memory_space<hbm>> -> memref<256x16xf32, #tpu.memory_space<hbm>>
        tpu.wait_dma2 semaphore(%arg26 : memref<!tpu.dma_semaphore, #tpu.memory_space<semaphore_mem>>) src(%dma_wait3A_555 : memref<256x16xf32, #tpu.memory_space<hbm>>) dst(%arg20 : memref<256x16xf32, #tpu.memory_space<vmem>>)
      } else {
      }
      %add3A_496 = arith.constant 2 : i32
      %add3A_497 = arith.addi %add3A_471, %add3A_496 : i32
      %lt3A_498 = arith.constant 396 : i32
      %lt3A_499 = arith.cmpi slt, %add3A_497, %lt3A_498 : i32
      %convert_element_type3A_500 = arith.extui %lt3A_499 : i1 to i32
      %cond3A_501 = arith.constant 0 : i32
      %cond3A_502 = arith.cmpi ne, %convert_element_type3A_500, %cond3A_501 : i32
      scf.if %cond3A_502 {
        %dma_wait3A_550 = arith.constant 0 : i32
        %dma_wait3A_551 = arith.constant 0 : i32
        %dma_wait3A_552 = tpu.memref_slice %arg3[%dma_wait3A_550, %dma_wait3A_551] : memref<12672x256xi32, #tpu.memory_space<hbm>> -> memref<2x256xi32, #tpu.memory_space<hbm>>
        %dma_wait3A_553 = arith.constant 0 : i32
        %dma_wait3A_554 = arith.constant 0 : i32
        %dma_wait3A_555 = tpu.memref_slice %arg3[%dma_wait3A_553, %dma_wait3A_554] : memref<12672x256xi32, #tpu.memory_space<hbm>> -> memref<2x256xi32, #tpu.memory_space<hbm>>
        tpu.wait_dma2 semaphore(%arg29 : memref<!tpu.dma_semaphore, #tpu.memory_space<semaphore_mem>>) src(%dma_wait3A_555 : memref<2x256xi32, #tpu.memory_space<hbm>>) dst(%arg14 : memref<2x256xi32, #tpu.memory_space<vmem>>)
        %scan3A_556 = arith.constant 0 : i32
        %scan3A_557 = arith.constant 16 : i32
        %scan3A_558 = arith.addi %scan3A_556, %scan3A_557 : i32
        %scan3A_559 = arith.constant 1 : i32
        scf.for %scan3A_568 = %scan3A_556 to %scan3A_558 step %scan3A_559  : i32 {
          %mul3A_569 = arith.constant 16 : i32
          %mul3A_570 = arith.muli %scan3A_568, %mul3A_569 : i32
          %add3A_571 = arith.constant 0 : i32
          %add3A_572 = arith.addi %add3A_571, %mul3A_570 : i32
          %get3A = arith.constant 0 : i32
          %get3A_573 = arith.index_cast %get3A : i32 to index
          %get3A_574 = arith.index_cast %add3A_572 : i32 to index
          %get3A_575 = tpu.vector_load %arg14[%get3A_573, %get3A_574] {strides = array<i32>} : memref<2x256xi32, #tpu.memory_space<vmem>>, vector<16xi32>,
          %add3A_576 = vector.broadcast %mul3A_4 : i32 to vector<16xi32>
          %add3A_577 = arith.addi %get3A_575, %add3A_576 : vector<16xi32>
          %swap3A = arith.constant 0 : i32
          %swap3A_578 = arith.index_cast %swap3A : i32 to index
          %swap3A_579 = arith.index_cast %add3A_572 : i32 to index
          %swap3A_580 = tpu.vector_load %arg14[%swap3A_578, %swap3A_579] {strides = array<i32>} : memref<2x256xi32, #tpu.memory_space<vmem>>, vector<16xi32>,
          tpu.vector_store %arg14[%swap3A_578, %swap3A_579], %add3A_577 {strides = array<i32>} : memref<2x256xi32, #tpu.memory_space<vmem>>, vector<16xi32>,
        }
        %scan3A_560 = arith.constant 16 : i32
        %dma_start3A_561 = arith.constant 0 : i32
        %dma_start3A_562 = arith.constant 0 : i32
        %dma_start3A_563 = tpu.memref_slice %arg14[%dma_start3A_561, %dma_start3A_562] : memref<2x256xi32, #tpu.memory_space<vmem>> -> memref<1x256xi32, #tpu.memory_space<vmem>>
        %dma_start3A_564 = tpu.memref_squeeze %dma_start3A_563 : memref<1x256xi32, #tpu.memory_space<vmem>> -> memref<256xi32, #tpu.memory_space<vmem>>
        %dma_start3A_565 = arith.constant 0 : i32
        %dma_start3A_566 = arith.constant 0 : i32
        %dma_start3A_567 = tpu.memref_slice %arg5[%dma_start3A_565, %dma_start3A_566] : memref<200704x16xf32, #tpu.memory_space<hbm>> -> memref<200704x16xf32, #tpu.memory_space<hbm>>
        tpu.enqueue_indirect_dma source(%dma_start3A_567 : memref<200704x16xf32, #tpu.memory_space<hbm>>) target(%arg20 : memref<256x16xf32, #tpu.memory_space<vmem>>) offsets(%dma_start3A_564 : memref<256xi32, #tpu.memory_space<vmem>>) semaphore(%arg23 : memref<!tpu.dma_semaphore, #tpu.memory_space<semaphore_mem>>)
      } else {
      }
      %add3A_503 = arith.constant 4 : i32
      %add3A_504 = arith.addi %add3A_471, %add3A_503 : i32
      %lt3A_505 = arith.constant 396 : i32
      %lt3A_506 = arith.cmpi slt, %add3A_504, %lt3A_505 : i32
      %convert_element_type3A_507 = arith.extui %lt3A_506 : i1 to i32
      %cond3A_508 = arith.constant 0 : i32
      %cond3A_509 = arith.cmpi ne, %convert_element_type3A_507, %cond3A_508 : i32
      scf.if %cond3A_509 {
        %add3A_550 = arith.constant 4 : i32
        %add3A_551 = arith.addi %add3A_471, %add3A_550 : i32
        %mul3A_552 = arith.constant 2 : i32
        %mul3A_553 = arith.muli %add3A_551, %mul3A_552 : i32
        %add3A_554 = arith.addi %mul3A_2, %mul3A_553 : i32
        %dma_start3A_555 = arith.constant 0 : i32
        %dma_start3A_556 = tpu.memref_slice %arg3[%add3A_554, %dma_start3A_555] : memref<12672x256xi32, #tpu.memory_space<hbm>> -> memref<2x256xi32, #tpu.memory_space<hbm>>
        %dma_start3A_557 = arith.constant 0 : i32
        %dma_start3A_558 = tpu.memref_slice %arg3[%add3A_554, %dma_start3A_557] : memref<12672x256xi32, #tpu.memory_space<hbm>> -> memref<2x256xi32, #tpu.memory_space<hbm>>
        tpu.enqueue_dma source(%dma_start3A_558 : memref<2x256xi32, #tpu.memory_space<hbm>>) target(%arg16 : memref<2x256xi32, #tpu.memory_space<vmem>>) target_semaphore(%arg31 : memref<!tpu.dma_semaphore, #tpu.memory_space<semaphore_mem>>)
      } else {
      }
      %add3A_510 = arith.constant 5 : i32
      %add3A_511 = arith.addi %add3A_314, %add3A_510 : i32
      %dma_wait3A_512 = arith.constant 0 : i32
      %dma_wait3A_513 = arith.constant 0 : i32
      %dma_wait3A_514 = tpu.memref_slice %arg19[%dma_wait3A_512, %dma_wait3A_513] : memref<2x256xi32, #tpu.memory_space<vmem>> -> memref<1x256xi32, #tpu.memory_space<vmem>>
      %dma_wait3A_515 = tpu.memref_squeeze %dma_wait3A_514 : memref<1x256xi32, #tpu.memory_space<vmem>> -> memref<256xi32, #tpu.memory_space<vmem>>
      %dma_wait3A_516 = arith.constant 0 : i32
      %dma_wait3A_517 = arith.constant 0 : i32
      %dma_wait3A_518 = tpu.memref_slice %arg5[%dma_wait3A_516, %dma_wait3A_517] : memref<200704x16xf32, #tpu.memory_space<hbm>> -> memref<200704x16xf32, #tpu.memory_space<hbm>>
      tpu.wait_indirect_dma semaphore(%arg25 : memref<!tpu.dma_semaphore, #tpu.memory_space<semaphore_mem>>) src(%dma_wait3A_518 : memref<200704x16xf32, #tpu.memory_space<hbm>>) dst(%arg22 : memref<256x16xf32, #tpu.memory_space<vmem>>)
      %dma_start3A_519 = arith.constant 1 : i32
      %dma_start3A_520 = arith.constant 0 : i32
      %dma_start3A_521 = tpu.memref_slice %arg19[%dma_start3A_519, %dma_start3A_520] : memref<2x256xi32, #tpu.memory_space<vmem>> -> memref<1x256xi32, #tpu.memory_space<vmem>>
      %dma_start3A_522 = tpu.memref_squeeze %dma_start3A_521 : memref<1x256xi32, #tpu.memory_space<vmem>> -> memref<256xi32, #tpu.memory_space<vmem>>
      %dma_start3A_523 = arith.constant 0 : i32
      %dma_start3A_524 = arith.constant 0 : i32
      %dma_start3A_525 = tpu.memref_slice %arg7[%dma_start3A_523, %dma_start3A_524] : memref<100352x16xf32, #tpu.memory_space<vmem_shared>> -> memref<100352x16xf32, #tpu.memory_space<vmem_shared>>
      tpu.enqueue_indirect_dma source(%arg22 : memref<256x16xf32, #tpu.memory_space<vmem>>) target(%dma_start3A_525 : memref<100352x16xf32, #tpu.memory_space<vmem_shared>>) offsets(%dma_start3A_522 : memref<256xi32, #tpu.memory_space<vmem>>) semaphore(%arg28 : memref<!tpu.dma_semaphore, #tpu.memory_space<semaphore_mem>>) {add = true}
      %add3A_526 = arith.constant 2 : i32
      %add3A_527 = arith.addi %add3A_511, %add3A_526 : i32
      %lt3A_528 = arith.constant 396 : i32
      %lt3A_529 = arith.cmpi slt, %add3A_527, %lt3A_528 : i32
      %ge3A_530 = arith.constant 1 : i32
      %ge3A_531 = arith.cmpi sge, %add3A_511, %ge3A_530 : i32
      %and3A_532 = arith.andi %lt3A_529, %ge3A_531 : i1
      %convert_element_type3A_533 = arith.extui %and3A_532 : i1 to i32
      %cond3A_534 = arith.constant 0 : i32
      %cond3A_535 = arith.cmpi ne, %convert_element_type3A_533, %cond3A_534 : i32
      scf.if %cond3A_535 {
        %dma_wait3A_550 = arith.constant 0 : i32
        %dma_wait3A_551 = arith.constant 0 : i32
        %dma_wait3A_552 = tpu.memref_slice %arg5[%dma_wait3A_550, %dma_wait3A_551] : memref<200704x16xf32, #tpu.memory_space<hbm>> -> memref<256x16xf32, #tpu.memory_space<hbm>>
        %dma_wait3A_553 = arith.constant 0 : i32
        %dma_wait3A_554 = arith.constant 0 : i32
        %dma_wait3A_555 = tpu.memref_slice %arg5[%dma_wait3A_553, %dma_wait3A_554] : memref<200704x16xf32, #tpu.memory_space<hbm>> -> memref<256x16xf32, #tpu.memory_space<hbm>>
        tpu.wait_dma2 semaphore(%arg27 : memref<!tpu.dma_semaphore, #tpu.memory_space<semaphore_mem>>) src(%dma_wait3A_555 : memref<256x16xf32, #tpu.memory_space<hbm>>) dst(%arg21 : memref<256x16xf32, #tpu.memory_space<vmem>>)
      } else {
      }
      %add3A_536 = arith.constant 2 : i32
      %add3A_537 = arith.addi %add3A_511, %add3A_536 : i32
      %lt3A_538 = arith.constant 396 : i32
      %lt3A_539 = arith.cmpi slt, %add3A_537, %lt3A_538 : i32
      %convert_element_type3A_540 = arith.extui %lt3A_539 : i1 to i32
      %cond3A_541 = arith.constant 0 : i32
      %cond3A_542 = arith.cmpi ne, %convert_element_type3A_540, %cond3A_541 : i32
      scf.if %cond3A_542 {
        %dma_wait3A_550 = arith.constant 0 : i32
        %dma_wait3A_551 = arith.constant 0 : i32
        %dma_wait3A_552 = tpu.memref_slice %arg3[%dma_wait3A_550, %dma_wait3A_551] : memref<12672x256xi32, #tpu.memory_space<hbm>> -> memref<2x256xi32, #tpu.memory_space<hbm>>
        %dma_wait3A_553 = arith.constant 0 : i32
        %dma_wait3A_554 = arith.constant 0 : i32
        %dma_wait3A_555 = tpu.memref_slice %arg3[%dma_wait3A_553, %dma_wait3A_554] : memref<12672x256xi32, #tpu.memory_space<hbm>> -> memref<2x256xi32, #tpu.memory_space<hbm>>
        tpu.wait_dma2 semaphore(%arg30 : memref<!tpu.dma_semaphore, #tpu.memory_space<semaphore_mem>>) src(%dma_wait3A_555 : memref<2x256xi32, #tpu.memory_space<hbm>>) dst(%arg15 : memref<2x256xi32, #tpu.memory_space<vmem>>)
        %scan3A_556 = arith.constant 0 : i32
        %scan3A_557 = arith.constant 16 : i32
        %scan3A_558 = arith.addi %scan3A_556, %scan3A_557 : i32
        %scan3A_559 = arith.constant 1 : i32
        scf.for %scan3A_568 = %scan3A_556 to %scan3A_558 step %scan3A_559  : i32 {
          %mul3A_569 = arith.constant 16 : i32
          %mul3A_570 = arith.muli %scan3A_568, %mul3A_569 : i32
          %add3A_571 = arith.constant 0 : i32
          %add3A_572 = arith.addi %add3A_571, %mul3A_570 : i32
          %get3A = arith.constant 0 : i32
          %get3A_573 = arith.index_cast %get3A : i32 to index
          %get3A_574 = arith.index_cast %add3A_572 : i32 to index
          %get3A_575 = tpu.vector_load %arg15[%get3A_573, %get3A_574] {strides = array<i32>} : memref<2x256xi32, #tpu.memory_space<vmem>>, vector<16xi32>,
          %add3A_576 = vector.broadcast %mul3A_4 : i32 to vector<16xi32>
          %add3A_577 = arith.addi %get3A_575, %add3A_576 : vector<16xi32>
          %swap3A = arith.constant 0 : i32
          %swap3A_578 = arith.index_cast %swap3A : i32 to index
          %swap3A_579 = arith.index_cast %add3A_572 : i32 to index
          %swap3A_580 = tpu.vector_load %arg15[%swap3A_578, %swap3A_579] {strides = array<i32>} : memref<2x256xi32, #tpu.memory_space<vmem>>, vector<16xi32>,
          tpu.vector_store %arg15[%swap3A_578, %swap3A_579], %add3A_577 {strides = array<i32>} : memref<2x256xi32, #tpu.memory_space<vmem>>, vector<16xi32>,
        }
        %scan3A_560 = arith.constant 16 : i32
        %dma_start3A_561 = arith.constant 0 : i32
        %dma_start3A_562 = arith.constant 0 : i32
        %dma_start3A_563 = tpu.memref_slice %arg15[%dma_start3A_561, %dma_start3A_562] : memref<2x256xi32, #tpu.memory_space<vmem>> -> memref<1x256xi32, #tpu.memory_space<vmem>>
        %dma_start3A_564 = tpu.memref_squeeze %dma_start3A_563 : memref<1x256xi32, #tpu.memory_space<vmem>> -> memref<256xi32, #tpu.memory_space<vmem>>
        %dma_start3A_565 = arith.constant 0 : i32
        %dma_start3A_566 = arith.constant 0 : i32
        %dma_start3A_567 = tpu.memref_slice %arg5[%dma_start3A_565, %dma_start3A_566] : memref<200704x16xf32, #tpu.memory_space<hbm>> -> memref<200704x16xf32, #tpu.memory_space<hbm>>
        tpu.enqueue_indirect_dma source(%dma_start3A_567 : memref<200704x16xf32, #tpu.memory_space<hbm>>) target(%arg21 : memref<256x16xf32, #tpu.memory_space<vmem>>) offsets(%dma_start3A_564 : memref<256xi32, #tpu.memory_space<vmem>>) semaphore(%arg24 : memref<!tpu.dma_semaphore, #tpu.memory_space<semaphore_mem>>)
      } else {
      }
      %add3A_543 = arith.constant 4 : i32
      %add3A_544 = arith.addi %add3A_511, %add3A_543 : i32
      %lt3A_545 = arith.constant 396 : i32
      %lt3A_546 = arith.cmpi slt, %add3A_544, %lt3A_545 : i32
      %convert_element_type3A_547 = arith.extui %lt3A_546 : i1 to i32
      %cond3A_548 = arith.constant 0 : i32
      %cond3A_549 = arith.cmpi ne, %convert_element_type3A_547, %cond3A_548 : i32
      scf.if %cond3A_549 {
        %add3A_550 = arith.constant 4 : i32
        %add3A_551 = arith.addi %add3A_511, %add3A_550 : i32
        %mul3A_552 = arith.constant 2 : i32
        %mul3A_553 = arith.muli %add3A_551, %mul3A_552 : i32
        %add3A_554 = arith.addi %mul3A_2, %mul3A_553 : i32
        %dma_start3A_555 = arith.constant 0 : i32
        %dma_start3A_556 = tpu.memref_slice %arg3[%add3A_554, %dma_start3A_555] : memref<12672x256xi32, #tpu.memory_space<hbm>> -> memref<2x256xi32, #tpu.memory_space<hbm>>
        %dma_start3A_557 = arith.constant 0 : i32
        %dma_start3A_558 = tpu.memref_slice %arg3[%add3A_554, %dma_start3A_557] : memref<12672x256xi32, #tpu.memory_space<hbm>> -> memref<2x256xi32, #tpu.memory_space<hbm>>
        tpu.enqueue_dma source(%dma_start3A_558 : memref<2x256xi32, #tpu.memory_space<hbm>>) target(%arg17 : memref<2x256xi32, #tpu.memory_space<vmem>>) target_semaphore(%arg32 : memref<!tpu.dma_semaphore, #tpu.memory_space<semaphore_mem>>)
      } else {
      }
    }
    %scan3A_194 = arith.constant 66 : i32
    %dma_wait3A_195 = arith.constant 0 : i32
    %dma_wait3A_196 = arith.constant 0 : i32
    %dma_wait3A_197 = tpu.memref_slice %arg5[%dma_wait3A_195, %dma_wait3A_196] : memref<200704x16xf32, #tpu.memory_space<hbm>> -> memref<256x16xf32, #tpu.memory_space<hbm>>
    %dma_wait3A_198 = arith.constant 0 : i32
    %dma_wait3A_199 = arith.constant 0 : i32
    %dma_wait3A_200 = tpu.memref_slice %arg5[%dma_wait3A_198, %dma_wait3A_199] : memref<200704x16xf32, #tpu.memory_space<hbm>> -> memref<256x16xf32, #tpu.memory_space<hbm>>
    tpu.wait_dma2 semaphore(%arg26 : memref<!tpu.dma_semaphore, #tpu.memory_space<semaphore_mem>>) src(%dma_wait3A_200 : memref<256x16xf32, #tpu.memory_space<hbm>>) dst(%arg20 : memref<256x16xf32, #tpu.memory_space<vmem>>)
    %dma_wait3A_201 = arith.constant 0 : i32
    %dma_wait3A_202 = arith.constant 0 : i32
    %dma_wait3A_203 = tpu.memref_slice %arg5[%dma_wait3A_201, %dma_wait3A_202] : memref<200704x16xf32, #tpu.memory_space<hbm>> -> memref<256x16xf32, #tpu.memory_space<hbm>>
    %dma_wait3A_204 = arith.constant 0 : i32
    %dma_wait3A_205 = arith.constant 0 : i32
    %dma_wait3A_206 = tpu.memref_slice %arg5[%dma_wait3A_204, %dma_wait3A_205] : memref<200704x16xf32, #tpu.memory_space<hbm>> -> memref<256x16xf32, #tpu.memory_space<hbm>>
    tpu.wait_dma2 semaphore(%arg27 : memref<!tpu.dma_semaphore, #tpu.memory_space<semaphore_mem>>) src(%dma_wait3A_206 : memref<256x16xf32, #tpu.memory_space<hbm>>) dst(%arg21 : memref<256x16xf32, #tpu.memory_space<vmem>>)
    %dma_wait3A_207 = arith.constant 0 : i32
    %dma_wait3A_208 = arith.constant 0 : i32
    %dma_wait3A_209 = tpu.memref_slice %arg5[%dma_wait3A_207, %dma_wait3A_208] : memref<200704x16xf32, #tpu.memory_space<hbm>> -> memref<256x16xf32, #tpu.memory_space<hbm>>
    %dma_wait3A_210 = arith.constant 0 : i32
    %dma_wait3A_211 = arith.constant 0 : i32
    %dma_wait3A_212 = tpu.memref_slice %arg5[%dma_wait3A_210, %dma_wait3A_211] : memref<200704x16xf32, #tpu.memory_space<hbm>> -> memref<256x16xf32, #tpu.memory_space<hbm>>
    tpu.wait_dma2 semaphore(%arg28 : memref<!tpu.dma_semaphore, #tpu.memory_space<semaphore_mem>>) src(%dma_wait3A_212 : memref<256x16xf32, #tpu.memory_space<hbm>>) dst(%arg22 : memref<256x16xf32, #tpu.memory_space<vmem>>)
    %barrier3A_213 = arith.constant 0 : index
    tpu.barrier barrier_id(%barrier3A_213)
    %scan3A_214 = arith.constant 0 : i32
    %scan3A_215 = arith.constant 56 : i32
    %scan3A_216 = arith.addi %scan3A_214, %scan3A_215 : i32
    %scan3A_217 = arith.constant 1 : i32
    scf.for %scan3A_310 = %scan3A_214 to %scan3A_216 step %scan3A_217  : i32 {
      %mul3A_311 = arith.constant 112 : i32
      %mul3A_312 = arith.muli %scan3A_310, %mul3A_311 : i32
      %add3A_313 = arith.constant 0 : i32
      %add3A_314 = arith.addi %add3A_313, %mul3A_312 : i32
      %add3A_315 = arith.addi %mul3A_0, %add3A_314 : i32
      "tpu.region"() ({
        %run_scoped3A = tpu.sem_alloc : memref<!tpu.dma_semaphore, #tpu.memory_space<semaphore_mem>>
        %dma_start3A_324 = arith.constant 0 : i32
        %dma_start3A_325 = tpu.memref_slice %arg7[%add3A_315, %dma_start3A_324] : memref<100352x16xf32, #tpu.memory_space<vmem_shared>> -> memref<112x16xf32, #tpu.memory_space<vmem_shared>>
        %dma_start3A_326 = arith.constant 0 : i32
        %dma_start3A_327 = tpu.memref_slice %arg7[%add3A_315, %dma_start3A_326] : memref<100352x16xf32, #tpu.memory_space<vmem_shared>> -> memref<112x16xf32, #tpu.memory_space<vmem_shared>>
        tpu.enqueue_dma source(%dma_start3A_327 : memref<112x16xf32, #tpu.memory_space<vmem_shared>>) target(%arg11 : memref<112x16xf32, #tpu.memory_space<vmem>>) target_semaphore(%run_scoped3A : memref<!tpu.dma_semaphore, #tpu.memory_space<semaphore_mem>>)
        %dma_wait3A_328 = arith.constant 0 : i32
        %dma_wait3A_329 = tpu.memref_slice %arg7[%add3A_315, %dma_wait3A_328] : memref<100352x16xf32, #tpu.memory_space<vmem_shared>> -> memref<112x16xf32, #tpu.memory_space<vmem_shared>>
        %dma_wait3A_330 = arith.constant 0 : i32
        %dma_wait3A_331 = tpu.memref_slice %arg7[%add3A_315, %dma_wait3A_330] : memref<100352x16xf32, #tpu.memory_space<vmem_shared>> -> memref<112x16xf32, #tpu.memory_space<vmem_shared>>
        tpu.wait_dma2 semaphore(%run_scoped3A : memref<!tpu.dma_semaphore, #tpu.memory_space<semaphore_mem>>) src(%dma_wait3A_331 : memref<112x16xf32, #tpu.memory_space<vmem_shared>>) dst(%arg11 : memref<112x16xf32, #tpu.memory_space<vmem>>)
        tpu.yield
      }) : () -> ()
      "tpu.region"() ({
        %run_scoped3A = tpu.sem_alloc : memref<!tpu.dma_semaphore, #tpu.memory_space<semaphore_mem>>
        %dma_start3A_324 = arith.constant 0 : i32
        %dma_start3A_325 = tpu.memref_slice %arg7[%add3A_315, %dma_start3A_324] : memref<100352x16xf32, #tpu.memory_space<vmem_shared>> -> memref<112x16xf32, #tpu.memory_space<vmem_shared>>
        %dma_start3A_326 = arith.constant 0 : i32
        %dma_start3A_327 = tpu.memref_slice %arg7[%add3A_315, %dma_start3A_326] : memref<100352x16xf32, #tpu.memory_space<vmem_shared>> -> memref<112x16xf32, #tpu.memory_space<vmem_shared>>
        tpu.enqueue_dma source(%arg9 : memref<112x16xf32, #tpu.memory_space<vmem>>) target(%dma_start3A_327 : memref<112x16xf32, #tpu.memory_space<vmem_shared>>) target_semaphore(%run_scoped3A : memref<!tpu.dma_semaphore, #tpu.memory_space<semaphore_mem>>)
        %dma_wait3A_328 = arith.constant 0 : i32
        %dma_wait3A_329 = tpu.memref_slice %arg7[%add3A_315, %dma_wait3A_328] : memref<100352x16xf32, #tpu.memory_space<vmem_shared>> -> memref<112x16xf32, #tpu.memory_space<vmem_shared>>
        %dma_wait3A_330 = arith.constant 0 : i32
        %dma_wait3A_331 = tpu.memref_slice %arg7[%add3A_315, %dma_wait3A_330] : memref<100352x16xf32, #tpu.memory_space<vmem_shared>> -> memref<112x16xf32, #tpu.memory_space<vmem_shared>>
        tpu.wait_dma2 semaphore(%run_scoped3A : memref<!tpu.dma_semaphore, #tpu.memory_space<semaphore_mem>>) src(%arg9 : memref<112x16xf32, #tpu.memory_space<vmem>>) dst(%dma_wait3A_331 : memref<112x16xf32, #tpu.memory_space<vmem_shared>>)
        tpu.yield
      }) : () -> ()
      "tpu.region"() ({
        %run_scoped3A = tpu.sem_alloc : memref<!tpu.dma_semaphore, #tpu.memory_space<semaphore_mem>>
        %dma_start3A_324 = tpu.memref_slice %arg8[%add3A_315] : memref<100352xf32, #tpu.memory_space<vmem_shared>> -> memref<112xf32, #tpu.memory_space<vmem_shared>>
        %dma_start3A_325 = tpu.memref_slice %arg8[%add3A_315] : memref<100352xf32, #tpu.memory_space<vmem_shared>> -> memref<112xf32, #tpu.memory_space<vmem_shared>>
        tpu.enqueue_dma source(%dma_start3A_325 : memref<112xf32, #tpu.memory_space<vmem_shared>>) target(%arg12 : memref<112xf32, #tpu.memory_space<vmem>>) target_semaphore(%run_scoped3A : memref<!tpu.dma_semaphore, #tpu.memory_space<semaphore_mem>>)
        %dma_wait3A_326 = tpu.memref_slice %arg8[%add3A_315] : memref<100352xf32, #tpu.memory_space<vmem_shared>> -> memref<112xf32, #tpu.memory_space<vmem_shared>>
        %dma_wait3A_327 = tpu.memref_slice %arg8[%add3A_315] : memref<100352xf32, #tpu.memory_space<vmem_shared>> -> memref<112xf32, #tpu.memory_space<vmem_shared>>
        tpu.wait_dma2 semaphore(%run_scoped3A : memref<!tpu.dma_semaphore, #tpu.memory_space<semaphore_mem>>) src(%dma_wait3A_327 : memref<112xf32, #tpu.memory_space<vmem_shared>>) dst(%arg12 : memref<112xf32, #tpu.memory_space<vmem>>)
        tpu.yield
      }) : () -> ()
      %add3A_316 = arith.addi %mul3A_4, %add3A_315 : i32
      "tpu.region"() ({
        %run_scoped3A = tpu.sem_alloc : memref<!tpu.dma_semaphore, #tpu.memory_space<semaphore_mem>>
        %dma_start3A_324 = arith.constant 0 : i32
        %dma_start3A_325 = tpu.memref_slice %arg6[%add3A_316, %dma_start3A_324] : memref<200704x16xf32, #tpu.memory_space<hbm>> -> memref<112x16xf32, #tpu.memory_space<hbm>>
        %dma_start3A_326 = arith.constant 0 : i32
        %dma_start3A_327 = tpu.memref_slice %arg6[%add3A_316, %dma_start3A_326] : memref<200704x16xf32, #tpu.memory_space<hbm>> -> memref<112x16xf32, #tpu.memory_space<hbm>>
        tpu.enqueue_dma source(%dma_start3A_327 : memref<112x16xf32, #tpu.memory_space<hbm>>) target(%arg13 : memref<112x16xf32, #tpu.memory_space<vmem>>) target_semaphore(%run_scoped3A : memref<!tpu.dma_semaphore, #tpu.memory_space<semaphore_mem>>)
        %dma_wait3A_328 = arith.constant 0 : i32
        %dma_wait3A_329 = tpu.memref_slice %arg6[%add3A_316, %dma_wait3A_328] : memref<200704x16xf32, #tpu.memory_space<hbm>> -> memref<112x16xf32, #tpu.memory_space<hbm>>
        %dma_wait3A_330 = arith.constant 0 : i32
        %dma_wait3A_331 = tpu.memref_slice %arg6[%add3A_316, %dma_wait3A_330] : memref<200704x16xf32, #tpu.memory_space<hbm>> -> memref<112x16xf32, #tpu.memory_space<hbm>>
        tpu.wait_dma2 semaphore(%run_scoped3A : memref<!tpu.dma_semaphore, #tpu.memory_space<semaphore_mem>>) src(%dma_wait3A_331 : memref<112x16xf32, #tpu.memory_space<hbm>>) dst(%arg13 : memref<112x16xf32, #tpu.memory_space<vmem>>)
        tpu.yield
      }) : () -> ()
      %scan3A_317 = arith.constant 0 : i32
      %scan3A_318 = arith.constant 112 : i32
      %scan3A_319 = arith.addi %scan3A_317, %scan3A_318 : i32
      %scan3A_320 = arith.constant 1 : i32
      scf.for %scan3A_324 = %scan3A_317 to %scan3A_319 step %scan3A_320  : i32 {
        %mul3A_325 = arith.constant 1 : i32
        %mul3A_326 = arith.muli %scan3A_324, %mul3A_325 : i32
        %add3A_327 = arith.constant 0 : i32
        %add3A_328 = arith.addi %add3A_327, %mul3A_326 : i32
        %broadcast_in_dim3A_329 = vector.broadcast %add3A_328 : i32 to vector<16xi32>
        %gather3A = tpu.vector_load_idx %arg12[%broadcast_in_dim3A_329] : memref<112xf32, #tpu.memory_space<vmem>>[vector<16xi32>], vector<16xf32>,
        %get3A = arith.index_cast %add3A_328 : i32 to index
        %get3A_330 = arith.constant 0 : index
        %get3A_331 = tpu.vector_load %arg11[%get3A, %get3A_330] {strides = array<i32>} : memref<112x16xf32, #tpu.memory_space<vmem>>, vector<16xf32>,
        %mul3A_332 = arith.mulf %get3A_331, %gather3A : vector<16xf32>
        %get3A_333 = arith.index_cast %add3A_328 : i32 to index
        %get3A_334 = arith.constant 0 : index
        %get3A_335 = tpu.vector_load %arg13[%get3A_333, %get3A_334] {strides = array<i32>} : memref<112x16xf32, #tpu.memory_space<vmem>>, vector<16xf32>,
        %add3A_336 = arith.addf %get3A_335, %mul3A_332 : vector<16xf32>
        %swap3A = arith.index_cast %add3A_328 : i32 to index
        %swap3A_337 = arith.constant 0 : index
        %swap3A_338 = tpu.vector_load %arg13[%swap3A, %swap3A_337] {strides = array<i32>} : memref<112x16xf32, #tpu.memory_space<vmem>>, vector<16xf32>,
        tpu.vector_store %arg13[%swap3A, %swap3A_337], %add3A_336 {strides = array<i32>} : memref<112x16xf32, #tpu.memory_space<vmem>>, vector<16xf32>,
        %mul3A_339 = arith.mulf %mul3A_332, %gather3A : vector<16xf32>
        %swap3A_340 = arith.index_cast %add3A_328 : i32 to index
        %swap3A_341 = arith.constant 0 : index
        %swap3A_342 = tpu.vector_load %arg11[%swap3A_340, %swap3A_341] {strides = array<i32>} : memref<112x16xf32, #tpu.memory_space<vmem>>, vector<16xf32>,
        tpu.vector_store %arg11[%swap3A_340, %swap3A_341], %mul3A_339 {strides = array<i32>} : memref<112x16xf32, #tpu.memory_space<vmem>>, vector<16xf32>,
      }
      %scan3A_321 = arith.constant 112 : i32
      %add3A_322 = arith.addi %mul3A_4, %add3A_315 : i32
      "tpu.region"() ({
        %run_scoped3A = tpu.sem_alloc : memref<!tpu.dma_semaphore, #tpu.memory_space<semaphore_mem>>
        %dma_start3A_324 = arith.constant 0 : i32
        %dma_start3A_325 = tpu.memref_slice %arg6[%add3A_322, %dma_start3A_324] : memref<200704x16xf32, #tpu.memory_space<hbm>> -> memref<112x16xf32, #tpu.memory_space<hbm>>
        %dma_start3A_326 = arith.constant 0 : i32
        %dma_start3A_327 = tpu.memref_slice %arg6[%add3A_322, %dma_start3A_326] : memref<200704x16xf32, #tpu.memory_space<hbm>> -> memref<112x16xf32, #tpu.memory_space<hbm>>
        tpu.enqueue_dma source(%arg13 : memref<112x16xf32, #tpu.memory_space<vmem>>) target(%dma_start3A_327 : memref<112x16xf32, #tpu.memory_space<hbm>>) target_semaphore(%run_scoped3A : memref<!tpu.dma_semaphore, #tpu.memory_space<semaphore_mem>>)
        %dma_wait3A_328 = arith.constant 0 : i32
        %dma_wait3A_329 = tpu.memref_slice %arg6[%add3A_322, %dma_wait3A_328] : memref<200704x16xf32, #tpu.memory_space<hbm>> -> memref<112x16xf32, #tpu.memory_space<hbm>>
        %dma_wait3A_330 = arith.constant 0 : i32
        %dma_wait3A_331 = tpu.memref_slice %arg6[%add3A_322, %dma_wait3A_330] : memref<200704x16xf32, #tpu.memory_space<hbm>> -> memref<112x16xf32, #tpu.memory_space<hbm>>
        tpu.wait_dma2 semaphore(%run_scoped3A : memref<!tpu.dma_semaphore, #tpu.memory_space<semaphore_mem>>) src(%arg13 : memref<112x16xf32, #tpu.memory_space<vmem>>) dst(%dma_wait3A_331 : memref<112x16xf32, #tpu.memory_space<hbm>>)
        tpu.yield
      }) : () -> ()
      %add3A_323 = arith.addi %mul3A_4, %add3A_315 : i32
      "tpu.region"() ({
        %run_scoped3A = tpu.sem_alloc : memref<!tpu.dma_semaphore, #tpu.memory_space<semaphore_mem>>
        %dma_start3A_324 = arith.constant 0 : i32
        %dma_start3A_325 = tpu.memref_slice %arg5[%add3A_323, %dma_start3A_324] : memref<200704x16xf32, #tpu.memory_space<hbm>> -> memref<112x16xf32, #tpu.memory_space<hbm>>
        %dma_start3A_326 = arith.constant 0 : i32
        %dma_start3A_327 = tpu.memref_slice %arg5[%add3A_323, %dma_start3A_326] : memref<200704x16xf32, #tpu.memory_space<hbm>> -> memref<112x16xf32, #tpu.memory_space<hbm>>
        tpu.enqueue_dma source(%arg11 : memref<112x16xf32, #tpu.memory_space<vmem>>) target(%dma_start3A_327 : memref<112x16xf32, #tpu.memory_space<hbm>>) target_semaphore(%run_scoped3A : memref<!tpu.dma_semaphore, #tpu.memory_space<semaphore_mem>>)
        %dma_wait3A_328 = arith.constant 0 : i32
        %dma_wait3A_329 = tpu.memref_slice %arg5[%add3A_323, %dma_wait3A_328] : memref<200704x16xf32, #tpu.memory_space<hbm>> -> memref<112x16xf32, #tpu.memory_space<hbm>>
        %dma_wait3A_330 = arith.constant 0 : i32
        %dma_wait3A_331 = tpu.memref_slice %arg5[%add3A_323, %dma_wait3A_330] : memref<200704x16xf32, #tpu.memory_space<hbm>> -> memref<112x16xf32, #tpu.memory_space<hbm>>
        tpu.wait_dma2 semaphore(%run_scoped3A : memref<!tpu.dma_semaphore, #tpu.memory_space<semaphore_mem>>) src(%arg11 : memref<112x16xf32, #tpu.memory_space<vmem>>) dst(%dma_wait3A_331 : memref<112x16xf32, #tpu.memory_space<hbm>>)
        tpu.yield
      }) : () -> ()
    }
    %scan3A_218 = arith.constant 56 : i32
    %barrier3A_219 = arith.constant 0 : index
    tpu.barrier barrier_id(%barrier3A_219)
    %add3A_220 = arith.constant 0 : i32
    %add3A_221 = arith.addi %mul3A_2, %add3A_220 : i32
    %dma_start3A_222 = arith.constant 0 : i32
    %dma_start3A_223 = tpu.memref_slice %arg3[%add3A_221, %dma_start3A_222] : memref<12672x256xi32, #tpu.memory_space<hbm>> -> memref<2x256xi32, #tpu.memory_space<hbm>>
    %dma_start3A_224 = arith.constant 0 : i32
    %dma_start3A_225 = tpu.memref_slice %arg3[%add3A_221, %dma_start3A_224] : memref<12672x256xi32, #tpu.memory_space<hbm>> -> memref<2x256xi32, #tpu.memory_space<hbm>>
    tpu.enqueue_dma source(%dma_start3A_225 : memref<2x256xi32, #tpu.memory_space<hbm>>) target(%arg14 : memref<2x256xi32, #tpu.memory_space<vmem>>) target_semaphore(%arg29 : memref<!tpu.dma_semaphore, #tpu.memory_space<semaphore_mem>>)
    %add3A_226 = arith.constant 2 : i32
    %add3A_227 = arith.addi %mul3A_2, %add3A_226 : i32
    %dma_start3A_228 = arith.constant 0 : i32
    %dma_start3A_229 = tpu.memref_slice %arg3[%add3A_227, %dma_start3A_228] : memref<12672x256xi32, #tpu.memory_space<hbm>> -> memref<2x256xi32, #tpu.memory_space<hbm>>
    %dma_start3A_230 = arith.constant 0 : i32
    %dma_start3A_231 = tpu.memref_slice %arg3[%add3A_227, %dma_start3A_230] : memref<12672x256xi32, #tpu.memory_space<hbm>> -> memref<2x256xi32, #tpu.memory_space<hbm>>
    tpu.enqueue_dma source(%dma_start3A_231 : memref<2x256xi32, #tpu.memory_space<hbm>>) target(%arg15 : memref<2x256xi32, #tpu.memory_space<vmem>>) target_semaphore(%arg30 : memref<!tpu.dma_semaphore, #tpu.memory_space<semaphore_mem>>)
    %add3A_232 = arith.constant 4 : i32
    %add3A_233 = arith.addi %mul3A_2, %add3A_232 : i32
    %dma_start3A_234 = arith.constant 0 : i32
    %dma_start3A_235 = tpu.memref_slice %arg3[%add3A_233, %dma_start3A_234] : memref<12672x256xi32, #tpu.memory_space<hbm>> -> memref<2x256xi32, #tpu.memory_space<hbm>>
    %dma_start3A_236 = arith.constant 0 : i32
    %dma_start3A_237 = tpu.memref_slice %arg3[%add3A_233, %dma_start3A_236] : memref<12672x256xi32, #tpu.memory_space<hbm>> -> memref<2x256xi32, #tpu.memory_space<hbm>>
    tpu.enqueue_dma source(%dma_start3A_237 : memref<2x256xi32, #tpu.memory_space<hbm>>) target(%arg16 : memref<2x256xi32, #tpu.memory_space<vmem>>) target_semaphore(%arg31 : memref<!tpu.dma_semaphore, #tpu.memory_space<semaphore_mem>>)
    %add3A_238 = arith.constant 6 : i32
    %add3A_239 = arith.addi %mul3A_2, %add3A_238 : i32
    %dma_start3A_240 = arith.constant 0 : i32
    %dma_start3A_241 = tpu.memref_slice %arg3[%add3A_239, %dma_start3A_240] : memref<12672x256xi32, #tpu.memory_space<hbm>> -> memref<2x256xi32, #tpu.memory_space<hbm>>
    %dma_start3A_242 = arith.constant 0 : i32
    %dma_start3A_243 = tpu.memref_slice %arg3[%add3A_239, %dma_start3A_242] : memref<12672x256xi32, #tpu.memory_space<hbm>> -> memref<2x256xi32, #tpu.memory_space<hbm>>
    tpu.enqueue_dma source(%dma_start3A_243 : memref<2x256xi32, #tpu.memory_space<hbm>>) target(%arg17 : memref<2x256xi32, #tpu.memory_space<vmem>>) target_semaphore(%arg32 : memref<!tpu.dma_semaphore, #tpu.memory_space<semaphore_mem>>)
    %dma_wait3A_244 = arith.constant 0 : i32
    %dma_wait3A_245 = arith.constant 0 : i32
    %dma_wait3A_246 = tpu.memref_slice %arg3[%dma_wait3A_244, %dma_wait3A_245] : memref<12672x256xi32, #tpu.memory_space<hbm>> -> memref<2x256xi32, #tpu.memory_space<hbm>>
    %dma_wait3A_247 = arith.constant 0 : i32
    %dma_wait3A_248 = arith.constant 0 : i32
    %dma_wait3A_249 = tpu.memref_slice %arg3[%dma_wait3A_247, %dma_wait3A_248] : memref<12672x256xi32, #tpu.memory_space<hbm>> -> memref<2x256xi32, #tpu.memory_space<hbm>>
    tpu.wait_dma2 semaphore(%arg29 : memref<!tpu.dma_semaphore, #tpu.memory_space<semaphore_mem>>) src(%dma_wait3A_249 : memref<2x256xi32, #tpu.memory_space<hbm>>) dst(%arg14 : memref<2x256xi32, #tpu.memory_space<vmem>>)
    %scan3A_250 = arith.constant 0 : i32
    %scan3A_251 = arith.constant 16 : i32
    %scan3A_252 = arith.addi %scan3A_250, %scan3A_251 : i32
    %scan3A_253 = arith.constant 1 : i32
    scf.for %scan3A_310 = %scan3A_250 to %scan3A_252 step %scan3A_253  : i32 {
      %mul3A_311 = arith.constant 16 : i32
      %mul3A_312 = arith.muli %scan3A_310, %mul3A_311 : i32
      %add3A_313 = arith.constant 0 : i32
      %add3A_314 = arith.addi %add3A_313, %mul3A_312 : i32
      %get3A = arith.constant 0 : i32
      %get3A_315 = arith.index_cast %get3A : i32 to index
      %get3A_316 = arith.index_cast %add3A_314 : i32 to index
      %get3A_317 = tpu.vector_load %arg14[%get3A_315, %get3A_316] {strides = array<i32>} : memref<2x256xi32, #tpu.memory_space<vmem>>, vector<16xi32>,
      %add3A_318 = vector.broadcast %mul3A_4 : i32 to vector<16xi32>
      %add3A_319 = arith.addi %get3A_317, %add3A_318 : vector<16xi32>
      %swap3A = arith.constant 0 : i32
      %swap3A_320 = arith.index_cast %swap3A : i32 to index
      %swap3A_321 = arith.index_cast %add3A_314 : i32 to index
      %swap3A_322 = tpu.vector_load %arg14[%swap3A_320, %swap3A_321] {strides = array<i32>} : memref<2x256xi32, #tpu.memory_space<vmem>>, vector<16xi32>,
      tpu.vector_store %arg14[%swap3A_320, %swap3A_321], %add3A_319 {strides = array<i32>} : memref<2x256xi32, #tpu.memory_space<vmem>>, vector<16xi32>,
    }
    %scan3A_254 = arith.constant 16 : i32
    %dma_start3A_255 = arith.constant 0 : i32
    %dma_start3A_256 = arith.constant 0 : i32
    %dma_start3A_257 = tpu.memref_slice %arg14[%dma_start3A_255, %dma_start3A_256] : memref<2x256xi32, #tpu.memory_space<vmem>> -> memref<1x256xi32, #tpu.memory_space<vmem>>
    %dma_start3A_258 = tpu.memref_squeeze %dma_start3A_257 : memref<1x256xi32, #tpu.memory_space<vmem>> -> memref<256xi32, #tpu.memory_space<vmem>>
    %dma_start3A_259 = arith.constant 0 : i32
    %dma_start3A_260 = arith.constant 0 : i32
    %dma_start3A_261 = tpu.memref_slice %arg5[%dma_start3A_259, %dma_start3A_260] : memref<200704x16xf32, #tpu.memory_space<hbm>> -> memref<200704x16xf32, #tpu.memory_space<hbm>>
    tpu.enqueue_indirect_dma source(%dma_start3A_261 : memref<200704x16xf32, #tpu.memory_space<hbm>>) target(%arg20 : memref<256x16xf32, #tpu.memory_space<vmem>>) offsets(%dma_start3A_258 : memref<256xi32, #tpu.memory_space<vmem>>) semaphore(%arg23 : memref<!tpu.dma_semaphore, #tpu.memory_space<semaphore_mem>>)
    %dma_wait3A_262 = arith.constant 0 : i32
    %dma_wait3A_263 = arith.constant 0 : i32
    %dma_wait3A_264 = tpu.memref_slice %arg3[%dma_wait3A_262, %dma_wait3A_263] : memref<12672x256xi32, #tpu.memory_space<hbm>> -> memref<2x256xi32, #tpu.memory_space<hbm>>
    %dma_wait3A_265 = arith.constant 0 : i32
    %dma_wait3A_266 = arith.constant 0 : i32
    %dma_wait3A_267 = tpu.memref_slice %arg3[%dma_wait3A_265, %dma_wait3A_266] : memref<12672x256xi32, #tpu.memory_space<hbm>> -> memref<2x256xi32, #tpu.memory_space<hbm>>
    tpu.wait_dma2 semaphore(%arg30 : memref<!tpu.dma_semaphore, #tpu.memory_space<semaphore_mem>>) src(%dma_wait3A_267 : memref<2x256xi32, #tpu.memory_space<hbm>>) dst(%arg15 : memref<2x256xi32, #tpu.memory_space<vmem>>)
    %scan3A_268 = arith.constant 0 : i32
    %scan3A_269 = arith.constant 16 : i32
    %scan3A_270 = arith.addi %scan3A_268, %scan3A_269 : i32
    %scan3A_271 = arith.constant 1 : i32
    scf.for %scan3A_310 = %scan3A_268 to %scan3A_270 step %scan3A_271  : i32 {
      %mul3A_311 = arith.constant 16 : i32
      %mul3A_312 = arith.muli %scan3A_310, %mul3A_311 : i32
      %add3A_313 = arith.constant 0 : i32
      %add3A_314 = arith.addi %add3A_313, %mul3A_312 : i32
      %get3A = arith.constant 0 : i32
      %get3A_315 = arith.index_cast %get3A : i32 to index
      %get3A_316 = arith.index_cast %add3A_314 : i32 to index
      %get3A_317 = tpu.vector_load %arg15[%get3A_315, %get3A_316] {strides = array<i32>} : memref<2x256xi32, #tpu.memory_space<vmem>>, vector<16xi32>,
      %add3A_318 = vector.broadcast %mul3A_4 : i32 to vector<16xi32>
      %add3A_319 = arith.addi %get3A_317, %add3A_318 : vector<16xi32>
      %swap3A = arith.constant 0 : i32
      %swap3A_320 = arith.index_cast %swap3A : i32 to index
      %swap3A_321 = arith.index_cast %add3A_314 : i32 to index
      %swap3A_322 = tpu.vector_load %arg15[%swap3A_320, %swap3A_321] {strides = array<i32>} : memref<2x256xi32, #tpu.memory_space<vmem>>, vector<16xi32>,
      tpu.vector_store %arg15[%swap3A_320, %swap3A_321], %add3A_319 {strides = array<i32>} : memref<2x256xi32, #tpu.memory_space<vmem>>, vector<16xi32>,
    }
    %scan3A_272 = arith.constant 16 : i32
    %dma_start3A_273 = arith.constant 0 : i32
    %dma_start3A_274 = arith.constant 0 : i32
    %dma_start3A_275 = tpu.memref_slice %arg15[%dma_start3A_273, %dma_start3A_274] : memref<2x256xi32, #tpu.memory_space<vmem>> -> memref<1x256xi32, #tpu.memory_space<vmem>>
    %dma_start3A_276 = tpu.memref_squeeze %dma_start3A_275 : memref<1x256xi32, #tpu.memory_space<vmem>> -> memref<256xi32, #tpu.memory_space<vmem>>
    %dma_start3A_277 = arith.constant 0 : i32
    %dma_start3A_278 = arith.constant 0 : i32
    %dma_start3A_279 = tpu.memref_slice %arg5[%dma_start3A_277, %dma_start3A_278] : memref<200704x16xf32, #tpu.memory_space<hbm>> -> memref<200704x16xf32, #tpu.memory_space<hbm>>
    tpu.enqueue_indirect_dma source(%dma_start3A_279 : memref<200704x16xf32, #tpu.memory_space<hbm>>) target(%arg21 : memref<256x16xf32, #tpu.memory_space<vmem>>) offsets(%dma_start3A_276 : memref<256xi32, #tpu.memory_space<vmem>>) semaphore(%arg24 : memref<!tpu.dma_semaphore, #tpu.memory_space<semaphore_mem>>)
    %scan3A_280 = arith.constant 0 : i32
    %scan3A_281 = arith.constant 66 : i32
    %scan3A_282 = arith.addi %scan3A_280, %scan3A_281 : i32
    %scan3A_283 = arith.constant 1 : i32
    scf.for %scan3A_310 = %scan3A_280 to %scan3A_282 step %scan3A_283  : i32 {
      %mul3A_311 = arith.constant 6 : i32
      %mul3A_312 = arith.muli %scan3A_310, %mul3A_311 : i32
      %add3A_313 = arith.constant 0 : i32
      %add3A_314 = arith.addi %add3A_313, %mul3A_312 : i32
      %add3A_315 = arith.constant 0 : i32
      %add3A_316 = arith.addi %add3A_314, %add3A_315 : i32
      %dma_wait3A_317 = arith.constant 0 : i32
      %dma_wait3A_318 = arith.constant 0 : i32
      %dma_wait3A_319 = tpu.memref_slice %arg14[%dma_wait3A_317, %dma_wait3A_318] : memref<2x256xi32, #tpu.memory_space<vmem>> -> memref<1x256xi32, #tpu.memory_space<vmem>>
      %dma_wait3A_320 = tpu.memref_squeeze %dma_wait3A_319 : memref<1x256xi32, #tpu.memory_space<vmem>> -> memref<256xi32, #tpu.memory_space<vmem>>
      %dma_wait3A_321 = arith.constant 0 : i32
      %dma_wait3A_322 = arith.constant 0 : i32
      %dma_wait3A_323 = tpu.memref_slice %arg5[%dma_wait3A_321, %dma_wait3A_322] : memref<200704x16xf32, #tpu.memory_space<hbm>> -> memref<200704x16xf32, #tpu.memory_space<hbm>>
      tpu.wait_indirect_dma semaphore(%arg23 : memref<!tpu.dma_semaphore, #tpu.memory_space<semaphore_mem>>) src(%dma_wait3A_323 : memref<200704x16xf32, #tpu.memory_space<hbm>>) dst(%arg20 : memref<256x16xf32, #tpu.memory_space<vmem>>)
      %dma_start3A_324 = arith.constant 1 : i32
      %dma_start3A_325 = arith.constant 0 : i32
      %dma_start3A_326 = tpu.memref_slice %arg14[%dma_start3A_324, %dma_start3A_325] : memref<2x256xi32, #tpu.memory_space<vmem>> -> memref<1x256xi32, #tpu.memory_space<vmem>>
      %dma_start3A_327 = tpu.memref_squeeze %dma_start3A_326 : memref<1x256xi32, #tpu.memory_space<vmem>> -> memref<256xi32, #tpu.memory_space<vmem>>
      %dma_start3A_328 = arith.constant 0 : i32
      %dma_start3A_329 = arith.constant 0 : i32
      %dma_start3A_330 = tpu.memref_slice %arg7[%dma_start3A_328, %dma_start3A_329] : memref<100352x16xf32, #tpu.memory_space<vmem_shared>> -> memref<100352x16xf32, #tpu.memory_space<vmem_shared>>
      tpu.enqueue_indirect_dma source(%arg20 : memref<256x16xf32, #tpu.memory_space<vmem>>) target(%dma_start3A_330 : memref<100352x16xf32, #tpu.memory_space<vmem_shared>>) offsets(%dma_start3A_327 : memref<256xi32, #tpu.memory_space<vmem>>) semaphore(%arg26 : memref<!tpu.dma_semaphore, #tpu.memory_space<semaphore_mem>>) {add = true}
      %add3A_331 = arith.constant 2 : i32
      %add3A_332 = arith.addi %add3A_316, %add3A_331 : i32
      %lt3A = arith.constant 396 : i32
      %lt3A_333 = arith.cmpi slt, %add3A_332, %lt3A : i32
      %ge3A = arith.constant 1 : i32
      %ge3A_334 = arith.cmpi sge, %add3A_316, %ge3A : i32
      %and3A = arith.andi %lt3A_333, %ge3A_334 : i1
      %convert_element_type3A = arith.extui %and3A : i1 to i32
      %cond3A = arith.constant 0 : i32
      %cond3A_335 = arith.cmpi ne, %convert_element_type3A, %cond3A : i32
      scf.if %cond3A_335 {
        %dma_wait3A_550 = arith.constant 0 : i32
        %dma_wait3A_551 = arith.constant 0 : i32
        %dma_wait3A_552 = tpu.memref_slice %arg5[%dma_wait3A_550, %dma_wait3A_551] : memref<200704x16xf32, #tpu.memory_space<hbm>> -> memref<256x16xf32, #tpu.memory_space<hbm>>
        %dma_wait3A_553 = arith.constant 0 : i32
        %dma_wait3A_554 = arith.constant 0 : i32
        %dma_wait3A_555 = tpu.memref_slice %arg5[%dma_wait3A_553, %dma_wait3A_554] : memref<200704x16xf32, #tpu.memory_space<hbm>> -> memref<256x16xf32, #tpu.memory_space<hbm>>
        tpu.wait_dma2 semaphore(%arg28 : memref<!tpu.dma_semaphore, #tpu.memory_space<semaphore_mem>>) src(%dma_wait3A_555 : memref<256x16xf32, #tpu.memory_space<hbm>>) dst(%arg22 : memref<256x16xf32, #tpu.memory_space<vmem>>)
      } else {
      }
      %add3A_336 = arith.constant 2 : i32
      %add3A_337 = arith.addi %add3A_316, %add3A_336 : i32
      %lt3A_338 = arith.constant 396 : i32
      %lt3A_339 = arith.cmpi slt, %add3A_337, %lt3A_338 : i32
      %convert_element_type3A_340 = arith.extui %lt3A_339 : i1 to i32
      %cond3A_341 = arith.constant 0 : i32
      %cond3A_342 = arith.cmpi ne, %convert_element_type3A_340, %cond3A_341 : i32
      scf.if %cond3A_342 {
        %dma_wait3A_550 = arith.constant 0 : i32
        %dma_wait3A_551 = arith.constant 0 : i32
        %dma_wait3A_552 = tpu.memref_slice %arg3[%dma_wait3A_550, %dma_wait3A_551] : memref<12672x256xi32, #tpu.memory_space<hbm>> -> memref<2x256xi32, #tpu.memory_space<hbm>>
        %dma_wait3A_553 = arith.constant 0 : i32
        %dma_wait3A_554 = arith.constant 0 : i32
        %dma_wait3A_555 = tpu.memref_slice %arg3[%dma_wait3A_553, %dma_wait3A_554] : memref<12672x256xi32, #tpu.memory_space<hbm>> -> memref<2x256xi32, #tpu.memory_space<hbm>>
        tpu.wait_dma2 semaphore(%arg31 : memref<!tpu.dma_semaphore, #tpu.memory_space<semaphore_mem>>) src(%dma_wait3A_555 : memref<2x256xi32, #tpu.memory_space<hbm>>) dst(%arg16 : memref<2x256xi32, #tpu.memory_space<vmem>>)
        %scan3A_556 = arith.constant 0 : i32
        %scan3A_557 = arith.constant 16 : i32
        %scan3A_558 = arith.addi %scan3A_556, %scan3A_557 : i32
        %scan3A_559 = arith.constant 1 : i32
        scf.for %scan3A_568 = %scan3A_556 to %scan3A_558 step %scan3A_559  : i32 {
          %mul3A_569 = arith.constant 16 : i32
          %mul3A_570 = arith.muli %scan3A_568, %mul3A_569 : i32
          %add3A_571 = arith.constant 0 : i32
          %add3A_572 = arith.addi %add3A_571, %mul3A_570 : i32
          %get3A = arith.constant 0 : i32
          %get3A_573 = arith.index_cast %get3A : i32 to index
          %get3A_574 = arith.index_cast %add3A_572 : i32 to index
          %get3A_575 = tpu.vector_load %arg16[%get3A_573, %get3A_574] {strides = array<i32>} : memref<2x256xi32, #tpu.memory_space<vmem>>, vector<16xi32>,
          %add3A_576 = vector.broadcast %mul3A_4 : i32 to vector<16xi32>
          %add3A_577 = arith.addi %get3A_575, %add3A_576 : vector<16xi32>
          %swap3A = arith.constant 0 : i32
          %swap3A_578 = arith.index_cast %swap3A : i32 to index
          %swap3A_579 = arith.index_cast %add3A_572 : i32 to index
          %swap3A_580 = tpu.vector_load %arg16[%swap3A_578, %swap3A_579] {strides = array<i32>} : memref<2x256xi32, #tpu.memory_space<vmem>>, vector<16xi32>,
          tpu.vector_store %arg16[%swap3A_578, %swap3A_579], %add3A_577 {strides = array<i32>} : memref<2x256xi32, #tpu.memory_space<vmem>>, vector<16xi32>,
        }
        %scan3A_560 = arith.constant 16 : i32
        %dma_start3A_561 = arith.constant 0 : i32
        %dma_start3A_562 = arith.constant 0 : i32
        %dma_start3A_563 = tpu.memref_slice %arg16[%dma_start3A_561, %dma_start3A_562] : memref<2x256xi32, #tpu.memory_space<vmem>> -> memref<1x256xi32, #tpu.memory_space<vmem>>
        %dma_start3A_564 = tpu.memref_squeeze %dma_start3A_563 : memref<1x256xi32, #tpu.memory_space<vmem>> -> memref<256xi32, #tpu.memory_space<vmem>>
        %dma_start3A_565 = arith.constant 0 : i32
        %dma_start3A_566 = arith.constant 0 : i32
        %dma_start3A_567 = tpu.memref_slice %arg5[%dma_start3A_565, %dma_start3A_566] : memref<200704x16xf32, #tpu.memory_space<hbm>> -> memref<200704x16xf32, #tpu.memory_space<hbm>>
        tpu.enqueue_indirect_dma source(%dma_start3A_567 : memref<200704x16xf32, #tpu.memory_space<hbm>>) target(%arg22 : memref<256x16xf32, #tpu.memory_space<vmem>>) offsets(%dma_start3A_564 : memref<256xi32, #tpu.memory_space<vmem>>) semaphore(%arg25 : memref<!tpu.dma_semaphore, #tpu.memory_space<semaphore_mem>>)
      } else {
      }
      %add3A_343 = arith.constant 4 : i32
      %add3A_344 = arith.addi %add3A_316, %add3A_343 : i32
      %lt3A_345 = arith.constant 396 : i32
      %lt3A_346 = arith.cmpi slt, %add3A_344, %lt3A_345 : i32
      %convert_element_type3A_347 = arith.extui %lt3A_346 : i1 to i32
      %cond3A_348 = arith.constant 0 : i32
      %cond3A_349 = arith.cmpi ne, %convert_element_type3A_347, %cond3A_348 : i32
      scf.if %cond3A_349 {
        %add3A_550 = arith.constant 4 : i32
        %add3A_551 = arith.addi %add3A_316, %add3A_550 : i32
        %mul3A_552 = arith.constant 2 : i32
        %mul3A_553 = arith.muli %add3A_551, %mul3A_552 : i32
        %add3A_554 = arith.addi %mul3A_2, %mul3A_553 : i32
        %dma_start3A_555 = arith.constant 0 : i32
        %dma_start3A_556 = tpu.memref_slice %arg3[%add3A_554, %dma_start3A_555] : memref<12672x256xi32, #tpu.memory_space<hbm>> -> memref<2x256xi32, #tpu.memory_space<hbm>>
        %dma_start3A_557 = arith.constant 0 : i32
        %dma_start3A_558 = tpu.memref_slice %arg3[%add3A_554, %dma_start3A_557] : memref<12672x256xi32, #tpu.memory_space<hbm>> -> memref<2x256xi32, #tpu.memory_space<hbm>>
        tpu.enqueue_dma source(%dma_start3A_558 : memref<2x256xi32, #tpu.memory_space<hbm>>) target(%arg18 : memref<2x256xi32, #tpu.memory_space<vmem>>) target_semaphore(%arg33 : memref<!tpu.dma_semaphore, #tpu.memory_space<semaphore_mem>>)
      } else {
      }
      %add3A_350 = arith.constant 1 : i32
      %add3A_351 = arith.addi %add3A_314, %add3A_350 : i32
      %dma_wait3A_352 = arith.constant 0 : i32
      %dma_wait3A_353 = arith.constant 0 : i32
      %dma_wait3A_354 = tpu.memref_slice %arg15[%dma_wait3A_352, %dma_wait3A_353] : memref<2x256xi32, #tpu.memory_space<vmem>> -> memref<1x256xi32, #tpu.memory_space<vmem>>
      %dma_wait3A_355 = tpu.memref_squeeze %dma_wait3A_354 : memref<1x256xi32, #tpu.memory_space<vmem>> -> memref<256xi32, #tpu.memory_space<vmem>>
      %dma_wait3A_356 = arith.constant 0 : i32
      %dma_wait3A_357 = arith.constant 0 : i32
      %dma_wait3A_358 = tpu.memref_slice %arg5[%dma_wait3A_356, %dma_wait3A_357] : memref<200704x16xf32, #tpu.memory_space<hbm>> -> memref<200704x16xf32, #tpu.memory_space<hbm>>
      tpu.wait_indirect_dma semaphore(%arg24 : memref<!tpu.dma_semaphore, #tpu.memory_space<semaphore_mem>>) src(%dma_wait3A_358 : memref<200704x16xf32, #tpu.memory_space<hbm>>) dst(%arg21 : memref<256x16xf32, #tpu.memory_space<vmem>>)
      %dma_start3A_359 = arith.constant 1 : i32
      %dma_start3A_360 = arith.constant 0 : i32
      %dma_start3A_361 = tpu.memref_slice %arg15[%dma_start3A_359, %dma_start3A_360] : memref<2x256xi32, #tpu.memory_space<vmem>> -> memref<1x256xi32, #tpu.memory_space<vmem>>
      %dma_start3A_362 = tpu.memref_squeeze %dma_start3A_361 : memref<1x256xi32, #tpu.memory_space<vmem>> -> memref<256xi32, #tpu.memory_space<vmem>>
      %dma_start3A_363 = arith.constant 0 : i32
      %dma_start3A_364 = arith.constant 0 : i32
      %dma_start3A_365 = tpu.memref_slice %arg7[%dma_start3A_363, %dma_start3A_364] : memref<100352x16xf32, #tpu.memory_space<vmem_shared>> -> memref<100352x16xf32, #tpu.memory_space<vmem_shared>>
      tpu.enqueue_indirect_dma source(%arg21 : memref<256x16xf32, #tpu.memory_space<vmem>>) target(%dma_start3A_365 : memref<100352x16xf32, #tpu.memory_space<vmem_shared>>) offsets(%dma_start3A_362 : memref<256xi32, #tpu.memory_space<vmem>>) semaphore(%arg27 : memref<!tpu.dma_semaphore, #tpu.memory_space<semaphore_mem>>) {add = true}
      %add3A_366 = arith.constant 2 : i32
      %add3A_367 = arith.addi %add3A_351, %add3A_366 : i32
      %lt3A_368 = arith.constant 396 : i32
      %lt3A_369 = arith.cmpi slt, %add3A_367, %lt3A_368 : i32
      %ge3A_370 = arith.constant 1 : i32
      %ge3A_371 = arith.cmpi sge, %add3A_351, %ge3A_370 : i32
      %and3A_372 = arith.andi %lt3A_369, %ge3A_371 : i1
      %convert_element_type3A_373 = arith.extui %and3A_372 : i1 to i32
      %cond3A_374 = arith.constant 0 : i32
      %cond3A_375 = arith.cmpi ne, %convert_element_type3A_373, %cond3A_374 : i32
      scf.if %cond3A_375 {
        %dma_wait3A_550 = arith.constant 0 : i32
        %dma_wait3A_551 = arith.constant 0 : i32
        %dma_wait3A_552 = tpu.memref_slice %arg5[%dma_wait3A_550, %dma_wait3A_551] : memref<200704x16xf32, #tpu.memory_space<hbm>> -> memref<256x16xf32, #tpu.memory_space<hbm>>
        %dma_wait3A_553 = arith.constant 0 : i32
        %dma_wait3A_554 = arith.constant 0 : i32
        %dma_wait3A_555 = tpu.memref_slice %arg5[%dma_wait3A_553, %dma_wait3A_554] : memref<200704x16xf32, #tpu.memory_space<hbm>> -> memref<256x16xf32, #tpu.memory_space<hbm>>
        tpu.wait_dma2 semaphore(%arg26 : memref<!tpu.dma_semaphore, #tpu.memory_space<semaphore_mem>>) src(%dma_wait3A_555 : memref<256x16xf32, #tpu.memory_space<hbm>>) dst(%arg20 : memref<256x16xf32, #tpu.memory_space<vmem>>)
      } else {
      }
      %add3A_376 = arith.constant 2 : i32
      %add3A_377 = arith.addi %add3A_351, %add3A_376 : i32
      %lt3A_378 = arith.constant 396 : i32
      %lt3A_379 = arith.cmpi slt, %add3A_377, %lt3A_378 : i32
      %convert_element_type3A_380 = arith.extui %lt3A_379 : i1 to i32
      %cond3A_381 = arith.constant 0 : i32
      %cond3A_382 = arith.cmpi ne, %convert_element_type3A_380, %cond3A_381 : i32
      scf.if %cond3A_382 {
        %dma_wait3A_550 = arith.constant 0 : i32
        %dma_wait3A_551 = arith.constant 0 : i32
        %dma_wait3A_552 = tpu.memref_slice %arg3[%dma_wait3A_550, %dma_wait3A_551] : memref<12672x256xi32, #tpu.memory_space<hbm>> -> memref<2x256xi32, #tpu.memory_space<hbm>>
        %dma_wait3A_553 = arith.constant 0 : i32
        %dma_wait3A_554 = arith.constant 0 : i32
        %dma_wait3A_555 = tpu.memref_slice %arg3[%dma_wait3A_553, %dma_wait3A_554] : memref<12672x256xi32, #tpu.memory_space<hbm>> -> memref<2x256xi32, #tpu.memory_space<hbm>>
        tpu.wait_dma2 semaphore(%arg32 : memref<!tpu.dma_semaphore, #tpu.memory_space<semaphore_mem>>) src(%dma_wait3A_555 : memref<2x256xi32, #tpu.memory_space<hbm>>) dst(%arg17 : memref<2x256xi32, #tpu.memory_space<vmem>>)
        %scan3A_556 = arith.constant 0 : i32
        %scan3A_557 = arith.constant 16 : i32
        %scan3A_558 = arith.addi %scan3A_556, %scan3A_557 : i32
        %scan3A_559 = arith.constant 1 : i32
        scf.for %scan3A_568 = %scan3A_556 to %scan3A_558 step %scan3A_559  : i32 {
          %mul3A_569 = arith.constant 16 : i32
          %mul3A_570 = arith.muli %scan3A_568, %mul3A_569 : i32
          %add3A_571 = arith.constant 0 : i32
          %add3A_572 = arith.addi %add3A_571, %mul3A_570 : i32
          %get3A = arith.constant 0 : i32
          %get3A_573 = arith.index_cast %get3A : i32 to index
          %get3A_574 = arith.index_cast %add3A_572 : i32 to index
          %get3A_575 = tpu.vector_load %arg17[%get3A_573, %get3A_574] {strides = array<i32>} : memref<2x256xi32, #tpu.memory_space<vmem>>, vector<16xi32>,
          %add3A_576 = vector.broadcast %mul3A_4 : i32 to vector<16xi32>
          %add3A_577 = arith.addi %get3A_575, %add3A_576 : vector<16xi32>
          %swap3A = arith.constant 0 : i32
          %swap3A_578 = arith.index_cast %swap3A : i32 to index
          %swap3A_579 = arith.index_cast %add3A_572 : i32 to index
          %swap3A_580 = tpu.vector_load %arg17[%swap3A_578, %swap3A_579] {strides = array<i32>} : memref<2x256xi32, #tpu.memory_space<vmem>>, vector<16xi32>,
          tpu.vector_store %arg17[%swap3A_578, %swap3A_579], %add3A_577 {strides = array<i32>} : memref<2x256xi32, #tpu.memory_space<vmem>>, vector<16xi32>,
        }
        %scan3A_560 = arith.constant 16 : i32
        %dma_start3A_561 = arith.constant 0 : i32
        %dma_start3A_562 = arith.constant 0 : i32
        %dma_start3A_563 = tpu.memref_slice %arg17[%dma_start3A_561, %dma_start3A_562] : memref<2x256xi32, #tpu.memory_space<vmem>> -> memref<1x256xi32, #tpu.memory_space<vmem>>
        %dma_start3A_564 = tpu.memref_squeeze %dma_start3A_563 : memref<1x256xi32, #tpu.memory_space<vmem>> -> memref<256xi32, #tpu.memory_space<vmem>>
        %dma_start3A_565 = arith.constant 0 : i32
        %dma_start3A_566 = arith.constant 0 : i32
        %dma_start3A_567 = tpu.memref_slice %arg5[%dma_start3A_565, %dma_start3A_566] : memref<200704x16xf32, #tpu.memory_space<hbm>> -> memref<200704x16xf32, #tpu.memory_space<hbm>>
        tpu.enqueue_indirect_dma source(%dma_start3A_567 : memref<200704x16xf32, #tpu.memory_space<hbm>>) target(%arg20 : memref<256x16xf32, #tpu.memory_space<vmem>>) offsets(%dma_start3A_564 : memref<256xi32, #tpu.memory_space<vmem>>) semaphore(%arg23 : memref<!tpu.dma_semaphore, #tpu.memory_space<semaphore_mem>>)
      } else {
      }
      %add3A_383 = arith.constant 4 : i32
      %add3A_384 = arith.addi %add3A_351, %add3A_383 : i32
      %lt3A_385 = arith.constant 396 : i32
      %lt3A_386 = arith.cmpi slt, %add3A_384, %lt3A_385 : i32
      %convert_element_type3A_387 = arith.extui %lt3A_386 : i1 to i32
      %cond3A_388 = arith.constant 0 : i32
      %cond3A_389 = arith.cmpi ne, %convert_element_type3A_387, %cond3A_388 : i32
      scf.if %cond3A_389 {
        %add3A_550 = arith.constant 4 : i32
        %add3A_551 = arith.addi %add3A_351, %add3A_550 : i32
        %mul3A_552 = arith.constant 2 : i32
        %mul3A_553 = arith.muli %add3A_551, %mul3A_552 : i32
        %add3A_554 = arith.addi %mul3A_2, %mul3A_553 : i32
        %dma_start3A_555 = arith.constant 0 : i32
        %dma_start3A_556 = tpu.memref_slice %arg3[%add3A_554, %dma_start3A_555] : memref<12672x256xi32, #tpu.memory_space<hbm>> -> memref<2x256xi32, #tpu.memory_space<hbm>>
        %dma_start3A_557 = arith.constant 0 : i32
        %dma_start3A_558 = tpu.memref_slice %arg3[%add3A_554, %dma_start3A_557] : memref<12672x256xi32, #tpu.memory_space<hbm>> -> memref<2x256xi32, #tpu.memory_space<hbm>>
        tpu.enqueue_dma source(%dma_start3A_558 : memref<2x256xi32, #tpu.memory_space<hbm>>) target(%arg19 : memref<2x256xi32, #tpu.memory_space<vmem>>) target_semaphore(%arg34 : memref<!tpu.dma_semaphore, #tpu.memory_space<semaphore_mem>>)
      } else {
      }
      %add3A_390 = arith.constant 2 : i32
      %add3A_391 = arith.addi %add3A_314, %add3A_390 : i32
      %dma_wait3A_392 = arith.constant 0 : i32
      %dma_wait3A_393 = arith.constant 0 : i32
      %dma_wait3A_394 = tpu.memref_slice %arg16[%dma_wait3A_392, %dma_wait3A_393] : memref<2x256xi32, #tpu.memory_space<vmem>> -> memref<1x256xi32, #tpu.memory_space<vmem>>
      %dma_wait3A_395 = tpu.memref_squeeze %dma_wait3A_394 : memref<1x256xi32, #tpu.memory_space<vmem>> -> memref<256xi32, #tpu.memory_space<vmem>>
      %dma_wait3A_396 = arith.constant 0 : i32
      %dma_wait3A_397 = arith.constant 0 : i32
      %dma_wait3A_398 = tpu.memref_slice %arg5[%dma_wait3A_396, %dma_wait3A_397] : memref<200704x16xf32, #tpu.memory_space<hbm>> -> memref<200704x16xf32, #tpu.memory_space<hbm>>
      tpu.wait_indirect_dma semaphore(%arg25 : memref<!tpu.dma_semaphore, #tpu.memory_space<semaphore_mem>>) src(%dma_wait3A_398 : memref<200704x16xf32, #tpu.memory_space<hbm>>) dst(%arg22 : memref<256x16xf32, #tpu.memory_space<vmem>>)
      %dma_start3A_399 = arith.constant 1 : i32
      %dma_start3A_400 = arith.constant 0 : i32
      %dma_start3A_401 = tpu.memref_slice %arg16[%dma_start3A_399, %dma_start3A_400] : memref<2x256xi32, #tpu.memory_space<vmem>> -> memref<1x256xi32, #tpu.memory_space<vmem>>
      %dma_start3A_402 = tpu.memref_squeeze %dma_start3A_401 : memref<1x256xi32, #tpu.memory_space<vmem>> -> memref<256xi32, #tpu.memory_space<vmem>>
      %dma_start3A_403 = arith.constant 0 : i32
      %dma_start3A_404 = arith.constant 0 : i32
      %dma_start3A_405 = tpu.memref_slice %arg7[%dma_start3A_403, %dma_start3A_404] : memref<100352x16xf32, #tpu.memory_space<vmem_shared>> -> memref<100352x16xf32, #tpu.memory_space<vmem_shared>>
      tpu.enqueue_indirect_dma source(%arg22 : memref<256x16xf32, #tpu.memory_space<vmem>>) target(%dma_start3A_405 : memref<100352x16xf32, #tpu.memory_space<vmem_shared>>) offsets(%dma_start3A_402 : memref<256xi32, #tpu.memory_space<vmem>>) semaphore(%arg28 : memref<!tpu.dma_semaphore, #tpu.memory_space<semaphore_mem>>) {add = true}
      %add3A_406 = arith.constant 2 : i32
      %add3A_407 = arith.addi %add3A_391, %add3A_406 : i32
      %lt3A_408 = arith.constant 396 : i32
      %lt3A_409 = arith.cmpi slt, %add3A_407, %lt3A_408 : i32
      %ge3A_410 = arith.constant 1 : i32
      %ge3A_411 = arith.cmpi sge, %add3A_391, %ge3A_410 : i32
      %and3A_412 = arith.andi %lt3A_409, %ge3A_411 : i1
      %convert_element_type3A_413 = arith.extui %and3A_412 : i1 to i32
      %cond3A_414 = arith.constant 0 : i32
      %cond3A_415 = arith.cmpi ne, %convert_element_type3A_413, %cond3A_414 : i32
      scf.if %cond3A_415 {
        %dma_wait3A_550 = arith.constant 0 : i32
        %dma_wait3A_551 = arith.constant 0 : i32
        %dma_wait3A_552 = tpu.memref_slice %arg5[%dma_wait3A_550, %dma_wait3A_551] : memref<200704x16xf32, #tpu.memory_space<hbm>> -> memref<256x16xf32, #tpu.memory_space<hbm>>
        %dma_wait3A_553 = arith.constant 0 : i32
        %dma_wait3A_554 = arith.constant 0 : i32
        %dma_wait3A_555 = tpu.memref_slice %arg5[%dma_wait3A_553, %dma_wait3A_554] : memref<200704x16xf32, #tpu.memory_space<hbm>> -> memref<256x16xf32, #tpu.memory_space<hbm>>
        tpu.wait_dma2 semaphore(%arg27 : memref<!tpu.dma_semaphore, #tpu.memory_space<semaphore_mem>>) src(%dma_wait3A_555 : memref<256x16xf32, #tpu.memory_space<hbm>>) dst(%arg21 : memref<256x16xf32, #tpu.memory_space<vmem>>)
      } else {
      }
      %add3A_416 = arith.constant 2 : i32
      %add3A_417 = arith.addi %add3A_391, %add3A_416 : i32
      %lt3A_418 = arith.constant 396 : i32
      %lt3A_419 = arith.cmpi slt, %add3A_417, %lt3A_418 : i32
      %convert_element_type3A_420 = arith.extui %lt3A_419 : i1 to i32
      %cond3A_421 = arith.constant 0 : i32
      %cond3A_422 = arith.cmpi ne, %convert_element_type3A_420, %cond3A_421 : i32
      scf.if %cond3A_422 {
        %dma_wait3A_550 = arith.constant 0 : i32
        %dma_wait3A_551 = arith.constant 0 : i32
        %dma_wait3A_552 = tpu.memref_slice %arg3[%dma_wait3A_550, %dma_wait3A_551] : memref<12672x256xi32, #tpu.memory_space<hbm>> -> memref<2x256xi32, #tpu.memory_space<hbm>>
        %dma_wait3A_553 = arith.constant 0 : i32
        %dma_wait3A_554 = arith.constant 0 : i32
        %dma_wait3A_555 = tpu.memref_slice %arg3[%dma_wait3A_553, %dma_wait3A_554] : memref<12672x256xi32, #tpu.memory_space<hbm>> -> memref<2x256xi32, #tpu.memory_space<hbm>>
        tpu.wait_dma2 semaphore(%arg33 : memref<!tpu.dma_semaphore, #tpu.memory_space<semaphore_mem>>) src(%dma_wait3A_555 : memref<2x256xi32, #tpu.memory_space<hbm>>) dst(%arg18 : memref<2x256xi32, #tpu.memory_space<vmem>>)
        %scan3A_556 = arith.constant 0 : i32
        %scan3A_557 = arith.constant 16 : i32
        %scan3A_558 = arith.addi %scan3A_556, %scan3A_557 : i32
        %scan3A_559 = arith.constant 1 : i32
        scf.for %scan3A_568 = %scan3A_556 to %scan3A_558 step %scan3A_559  : i32 {
          %mul3A_569 = arith.constant 16 : i32
          %mul3A_570 = arith.muli %scan3A_568, %mul3A_569 : i32
          %add3A_571 = arith.constant 0 : i32
          %add3A_572 = arith.addi %add3A_571, %mul3A_570 : i32
          %get3A = arith.constant 0 : i32
          %get3A_573 = arith.index_cast %get3A : i32 to index
          %get3A_574 = arith.index_cast %add3A_572 : i32 to index
          %get3A_575 = tpu.vector_load %arg18[%get3A_573, %get3A_574] {strides = array<i32>} : memref<2x256xi32, #tpu.memory_space<vmem>>, vector<16xi32>,
          %add3A_576 = vector.broadcast %mul3A_4 : i32 to vector<16xi32>
          %add3A_577 = arith.addi %get3A_575, %add3A_576 : vector<16xi32>
          %swap3A = arith.constant 0 : i32
          %swap3A_578 = arith.index_cast %swap3A : i32 to index
          %swap3A_579 = arith.index_cast %add3A_572 : i32 to index
          %swap3A_580 = tpu.vector_load %arg18[%swap3A_578, %swap3A_579] {strides = array<i32>} : memref<2x256xi32, #tpu.memory_space<vmem>>, vector<16xi32>,
          tpu.vector_store %arg18[%swap3A_578, %swap3A_579], %add3A_577 {strides = array<i32>} : memref<2x256xi32, #tpu.memory_space<vmem>>, vector<16xi32>,
        }
        %scan3A_560 = arith.constant 16 : i32
        %dma_start3A_561 = arith.constant 0 : i32
        %dma_start3A_562 = arith.constant 0 : i32
        %dma_start3A_563 = tpu.memref_slice %arg18[%dma_start3A_561, %dma_start3A_562] : memref<2x256xi32, #tpu.memory_space<vmem>> -> memref<1x256xi32, #tpu.memory_space<vmem>>
        %dma_start3A_564 = tpu.memref_squeeze %dma_start3A_563 : memref<1x256xi32, #tpu.memory_space<vmem>> -> memref<256xi32, #tpu.memory_space<vmem>>
        %dma_start3A_565 = arith.constant 0 : i32
        %dma_start3A_566 = arith.constant 0 : i32
        %dma_start3A_567 = tpu.memref_slice %arg5[%dma_start3A_565, %dma_start3A_566] : memref<200704x16xf32, #tpu.memory_space<hbm>> -> memref<200704x16xf32, #tpu.memory_space<hbm>>
        tpu.enqueue_indirect_dma source(%dma_start3A_567 : memref<200704x16xf32, #tpu.memory_space<hbm>>) target(%arg21 : memref<256x16xf32, #tpu.memory_space<vmem>>) offsets(%dma_start3A_564 : memref<256xi32, #tpu.memory_space<vmem>>) semaphore(%arg24 : memref<!tpu.dma_semaphore, #tpu.memory_space<semaphore_mem>>)
      } else {
      }
      %add3A_423 = arith.constant 4 : i32
      %add3A_424 = arith.addi %add3A_391, %add3A_423 : i32
      %lt3A_425 = arith.constant 396 : i32
      %lt3A_426 = arith.cmpi slt, %add3A_424, %lt3A_425 : i32
      %convert_element_type3A_427 = arith.extui %lt3A_426 : i1 to i32
      %cond3A_428 = arith.constant 0 : i32
      %cond3A_429 = arith.cmpi ne, %convert_element_type3A_427, %cond3A_428 : i32
      scf.if %cond3A_429 {
        %add3A_550 = arith.constant 4 : i32
        %add3A_551 = arith.addi %add3A_391, %add3A_550 : i32
        %mul3A_552 = arith.constant 2 : i32
        %mul3A_553 = arith.muli %add3A_551, %mul3A_552 : i32
        %add3A_554 = arith.addi %mul3A_2, %mul3A_553 : i32
        %dma_start3A_555 = arith.constant 0 : i32
        %dma_start3A_556 = tpu.memref_slice %arg3[%add3A_554, %dma_start3A_555] : memref<12672x256xi32, #tpu.memory_space<hbm>> -> memref<2x256xi32, #tpu.memory_space<hbm>>
        %dma_start3A_557 = arith.constant 0 : i32
        %dma_start3A_558 = tpu.memref_slice %arg3[%add3A_554, %dma_start3A_557] : memref<12672x256xi32, #tpu.memory_space<hbm>> -> memref<2x256xi32, #tpu.memory_space<hbm>>
        tpu.enqueue_dma source(%dma_start3A_558 : memref<2x256xi32, #tpu.memory_space<hbm>>) target(%arg14 : memref<2x256xi32, #tpu.memory_space<vmem>>) target_semaphore(%arg29 : memref<!tpu.dma_semaphore, #tpu.memory_space<semaphore_mem>>)
      } else {
      }
      %add3A_430 = arith.constant 3 : i32
      %add3A_431 = arith.addi %add3A_314, %add3A_430 : i32
      %dma_wait3A_432 = arith.constant 0 : i32
      %dma_wait3A_433 = arith.constant 0 : i32
      %dma_wait3A_434 = tpu.memref_slice %arg17[%dma_wait3A_432, %dma_wait3A_433] : memref<2x256xi32, #tpu.memory_space<vmem>> -> memref<1x256xi32, #tpu.memory_space<vmem>>
      %dma_wait3A_435 = tpu.memref_squeeze %dma_wait3A_434 : memref<1x256xi32, #tpu.memory_space<vmem>> -> memref<256xi32, #tpu.memory_space<vmem>>
      %dma_wait3A_436 = arith.constant 0 : i32
      %dma_wait3A_437 = arith.constant 0 : i32
      %dma_wait3A_438 = tpu.memref_slice %arg5[%dma_wait3A_436, %dma_wait3A_437] : memref<200704x16xf32, #tpu.memory_space<hbm>> -> memref<200704x16xf32, #tpu.memory_space<hbm>>
      tpu.wait_indirect_dma semaphore(%arg23 : memref<!tpu.dma_semaphore, #tpu.memory_space<semaphore_mem>>) src(%dma_wait3A_438 : memref<200704x16xf32, #tpu.memory_space<hbm>>) dst(%arg20 : memref<256x16xf32, #tpu.memory_space<vmem>>)
      %dma_start3A_439 = arith.constant 1 : i32
      %dma_start3A_440 = arith.constant 0 : i32
      %dma_start3A_441 = tpu.memref_slice %arg17[%dma_start3A_439, %dma_start3A_440] : memref<2x256xi32, #tpu.memory_space<vmem>> -> memref<1x256xi32, #tpu.memory_space<vmem>>
      %dma_start3A_442 = tpu.memref_squeeze %dma_start3A_441 : memref<1x256xi32, #tpu.memory_space<vmem>> -> memref<256xi32, #tpu.memory_space<vmem>>
      %dma_start3A_443 = arith.constant 0 : i32
      %dma_start3A_444 = arith.constant 0 : i32
      %dma_start3A_445 = tpu.memref_slice %arg7[%dma_start3A_443, %dma_start3A_444] : memref<100352x16xf32, #tpu.memory_space<vmem_shared>> -> memref<100352x16xf32, #tpu.memory_space<vmem_shared>>
      tpu.enqueue_indirect_dma source(%arg20 : memref<256x16xf32, #tpu.memory_space<vmem>>) target(%dma_start3A_445 : memref<100352x16xf32, #tpu.memory_space<vmem_shared>>) offsets(%dma_start3A_442 : memref<256xi32, #tpu.memory_space<vmem>>) semaphore(%arg26 : memref<!tpu.dma_semaphore, #tpu.memory_space<semaphore_mem>>) {add = true}
      %add3A_446 = arith.constant 2 : i32
      %add3A_447 = arith.addi %add3A_431, %add3A_446 : i32
      %lt3A_448 = arith.constant 396 : i32
      %lt3A_449 = arith.cmpi slt, %add3A_447, %lt3A_448 : i32
      %ge3A_450 = arith.constant 1 : i32
      %ge3A_451 = arith.cmpi sge, %add3A_431, %ge3A_450 : i32
      %and3A_452 = arith.andi %lt3A_449, %ge3A_451 : i1
      %convert_element_type3A_453 = arith.extui %and3A_452 : i1 to i32
      %cond3A_454 = arith.constant 0 : i32
      %cond3A_455 = arith.cmpi ne, %convert_element_type3A_453, %cond3A_454 : i32
      scf.if %cond3A_455 {
        %dma_wait3A_550 = arith.constant 0 : i32
        %dma_wait3A_551 = arith.constant 0 : i32
        %dma_wait3A_552 = tpu.memref_slice %arg5[%dma_wait3A_550, %dma_wait3A_551] : memref<200704x16xf32, #tpu.memory_space<hbm>> -> memref<256x16xf32, #tpu.memory_space<hbm>>
        %dma_wait3A_553 = arith.constant 0 : i32
        %dma_wait3A_554 = arith.constant 0 : i32
        %dma_wait3A_555 = tpu.memref_slice %arg5[%dma_wait3A_553, %dma_wait3A_554] : memref<200704x16xf32, #tpu.memory_space<hbm>> -> memref<256x16xf32, #tpu.memory_space<hbm>>
        tpu.wait_dma2 semaphore(%arg28 : memref<!tpu.dma_semaphore, #tpu.memory_space<semaphore_mem>>) src(%dma_wait3A_555 : memref<256x16xf32, #tpu.memory_space<hbm>>) dst(%arg22 : memref<256x16xf32, #tpu.memory_space<vmem>>)
      } else {
      }
      %add3A_456 = arith.constant 2 : i32
      %add3A_457 = arith.addi %add3A_431, %add3A_456 : i32
      %lt3A_458 = arith.constant 396 : i32
      %lt3A_459 = arith.cmpi slt, %add3A_457, %lt3A_458 : i32
      %convert_element_type3A_460 = arith.extui %lt3A_459 : i1 to i32
      %cond3A_461 = arith.constant 0 : i32
      %cond3A_462 = arith.cmpi ne, %convert_element_type3A_460, %cond3A_461 : i32
      scf.if %cond3A_462 {
        %dma_wait3A_550 = arith.constant 0 : i32
        %dma_wait3A_551 = arith.constant 0 : i32
        %dma_wait3A_552 = tpu.memref_slice %arg3[%dma_wait3A_550, %dma_wait3A_551] : memref<12672x256xi32, #tpu.memory_space<hbm>> -> memref<2x256xi32, #tpu.memory_space<hbm>>
        %dma_wait3A_553 = arith.constant 0 : i32
        %dma_wait3A_554 = arith.constant 0 : i32
        %dma_wait3A_555 = tpu.memref_slice %arg3[%dma_wait3A_553, %dma_wait3A_554] : memref<12672x256xi32, #tpu.memory_space<hbm>> -> memref<2x256xi32, #tpu.memory_space<hbm>>
        tpu.wait_dma2 semaphore(%arg34 : memref<!tpu.dma_semaphore, #tpu.memory_space<semaphore_mem>>) src(%dma_wait3A_555 : memref<2x256xi32, #tpu.memory_space<hbm>>) dst(%arg19 : memref<2x256xi32, #tpu.memory_space<vmem>>)
        %scan3A_556 = arith.constant 0 : i32
        %scan3A_557 = arith.constant 16 : i32
        %scan3A_558 = arith.addi %scan3A_556, %scan3A_557 : i32
        %scan3A_559 = arith.constant 1 : i32
        scf.for %scan3A_568 = %scan3A_556 to %scan3A_558 step %scan3A_559  : i32 {
          %mul3A_569 = arith.constant 16 : i32
          %mul3A_570 = arith.muli %scan3A_568, %mul3A_569 : i32
          %add3A_571 = arith.constant 0 : i32
          %add3A_572 = arith.addi %add3A_571, %mul3A_570 : i32
          %get3A = arith.constant 0 : i32
          %get3A_573 = arith.index_cast %get3A : i32 to index
          %get3A_574 = arith.index_cast %add3A_572 : i32 to index
          %get3A_575 = tpu.vector_load %arg19[%get3A_573, %get3A_574] {strides = array<i32>} : memref<2x256xi32, #tpu.memory_space<vmem>>, vector<16xi32>,
          %add3A_576 = vector.broadcast %mul3A_4 : i32 to vector<16xi32>
          %add3A_577 = arith.addi %get3A_575, %add3A_576 : vector<16xi32>
          %swap3A = arith.constant 0 : i32
          %swap3A_578 = arith.index_cast %swap3A : i32 to index
          %swap3A_579 = arith.index_cast %add3A_572 : i32 to index
          %swap3A_580 = tpu.vector_load %arg19[%swap3A_578, %swap3A_579] {strides = array<i32>} : memref<2x256xi32, #tpu.memory_space<vmem>>, vector<16xi32>,
          tpu.vector_store %arg19[%swap3A_578, %swap3A_579], %add3A_577 {strides = array<i32>} : memref<2x256xi32, #tpu.memory_space<vmem>>, vector<16xi32>,
        }
        %scan3A_560 = arith.constant 16 : i32
        %dma_start3A_561 = arith.constant 0 : i32
        %dma_start3A_562 = arith.constant 0 : i32
        %dma_start3A_563 = tpu.memref_slice %arg19[%dma_start3A_561, %dma_start3A_562] : memref<2x256xi32, #tpu.memory_space<vmem>> -> memref<1x256xi32, #tpu.memory_space<vmem>>
        %dma_start3A_564 = tpu.memref_squeeze %dma_start3A_563 : memref<1x256xi32, #tpu.memory_space<vmem>> -> memref<256xi32, #tpu.memory_space<vmem>>
        %dma_start3A_565 = arith.constant 0 : i32
        %dma_start3A_566 = arith.constant 0 : i32
        %dma_start3A_567 = tpu.memref_slice %arg5[%dma_start3A_565, %dma_start3A_566] : memref<200704x16xf32, #tpu.memory_space<hbm>> -> memref<200704x16xf32, #tpu.memory_space<hbm>>
        tpu.enqueue_indirect_dma source(%dma_start3A_567 : memref<200704x16xf32, #tpu.memory_space<hbm>>) target(%arg22 : memref<256x16xf32, #tpu.memory_space<vmem>>) offsets(%dma_start3A_564 : memref<256xi32, #tpu.memory_space<vmem>>) semaphore(%arg25 : memref<!tpu.dma_semaphore, #tpu.memory_space<semaphore_mem>>)
      } else {
      }
      %add3A_463 = arith.constant 4 : i32
      %add3A_464 = arith.addi %add3A_431, %add3A_463 : i32
      %lt3A_465 = arith.constant 396 : i32
      %lt3A_466 = arith.cmpi slt, %add3A_464, %lt3A_465 : i32
      %convert_element_type3A_467 = arith.extui %lt3A_466 : i1 to i32
      %cond3A_468 = arith.constant 0 : i32
      %cond3A_469 = arith.cmpi ne, %convert_element_type3A_467, %cond3A_468 : i32
      scf.if %cond3A_469 {
        %add3A_550 = arith.constant 4 : i32
        %add3A_551 = arith.addi %add3A_431, %add3A_550 : i32
        %mul3A_552 = arith.constant 2 : i32
        %mul3A_553 = arith.muli %add3A_551, %mul3A_552 : i32
        %add3A_554 = arith.addi %mul3A_2, %mul3A_553 : i32
        %dma_start3A_555 = arith.constant 0 : i32
        %dma_start3A_556 = tpu.memref_slice %arg3[%add3A_554, %dma_start3A_555] : memref<12672x256xi32, #tpu.memory_space<hbm>> -> memref<2x256xi32, #tpu.memory_space<hbm>>
        %dma_start3A_557 = arith.constant 0 : i32
        %dma_start3A_558 = tpu.memref_slice %arg3[%add3A_554, %dma_start3A_557] : memref<12672x256xi32, #tpu.memory_space<hbm>> -> memref<2x256xi32, #tpu.memory_space<hbm>>
        tpu.enqueue_dma source(%dma_start3A_558 : memref<2x256xi32, #tpu.memory_space<hbm>>) target(%arg15 : memref<2x256xi32, #tpu.memory_space<vmem>>) target_semaphore(%arg30 : memref<!tpu.dma_semaphore, #tpu.memory_space<semaphore_mem>>)
      } else {
      }
      %add3A_470 = arith.constant 4 : i32
      %add3A_471 = arith.addi %add3A_314, %add3A_470 : i32
      %dma_wait3A_472 = arith.constant 0 : i32
      %dma_wait3A_473 = arith.constant 0 : i32
      %dma_wait3A_474 = tpu.memref_slice %arg18[%dma_wait3A_472, %dma_wait3A_473] : memref<2x256xi32, #tpu.memory_space<vmem>> -> memref<1x256xi32, #tpu.memory_space<vmem>>
      %dma_wait3A_475 = tpu.memref_squeeze %dma_wait3A_474 : memref<1x256xi32, #tpu.memory_space<vmem>> -> memref<256xi32, #tpu.memory_space<vmem>>
      %dma_wait3A_476 = arith.constant 0 : i32
      %dma_wait3A_477 = arith.constant 0 : i32
      %dma_wait3A_478 = tpu.memref_slice %arg5[%dma_wait3A_476, %dma_wait3A_477] : memref<200704x16xf32, #tpu.memory_space<hbm>> -> memref<200704x16xf32, #tpu.memory_space<hbm>>
      tpu.wait_indirect_dma semaphore(%arg24 : memref<!tpu.dma_semaphore, #tpu.memory_space<semaphore_mem>>) src(%dma_wait3A_478 : memref<200704x16xf32, #tpu.memory_space<hbm>>) dst(%arg21 : memref<256x16xf32, #tpu.memory_space<vmem>>)
      %dma_start3A_479 = arith.constant 1 : i32
      %dma_start3A_480 = arith.constant 0 : i32
      %dma_start3A_481 = tpu.memref_slice %arg18[%dma_start3A_479, %dma_start3A_480] : memref<2x256xi32, #tpu.memory_space<vmem>> -> memref<1x256xi32, #tpu.memory_space<vmem>>
      %dma_start3A_482 = tpu.memref_squeeze %dma_start3A_481 : memref<1x256xi32, #tpu.memory_space<vmem>> -> memref<256xi32, #tpu.memory_space<vmem>>
      %dma_start3A_483 = arith.constant 0 : i32
      %dma_start3A_484 = arith.constant 0 : i32
      %dma_start3A_485 = tpu.memref_slice %arg7[%dma_start3A_483, %dma_start3A_484] : memref<100352x16xf32, #tpu.memory_space<vmem_shared>> -> memref<100352x16xf32, #tpu.memory_space<vmem_shared>>
      tpu.enqueue_indirect_dma source(%arg21 : memref<256x16xf32, #tpu.memory_space<vmem>>) target(%dma_start3A_485 : memref<100352x16xf32, #tpu.memory_space<vmem_shared>>) offsets(%dma_start3A_482 : memref<256xi32, #tpu.memory_space<vmem>>) semaphore(%arg27 : memref<!tpu.dma_semaphore, #tpu.memory_space<semaphore_mem>>) {add = true}
      %add3A_486 = arith.constant 2 : i32
      %add3A_487 = arith.addi %add3A_471, %add3A_486 : i32
      %lt3A_488 = arith.constant 396 : i32
      %lt3A_489 = arith.cmpi slt, %add3A_487, %lt3A_488 : i32
      %ge3A_490 = arith.constant 1 : i32
      %ge3A_491 = arith.cmpi sge, %add3A_471, %ge3A_490 : i32
      %and3A_492 = arith.andi %lt3A_489, %ge3A_491 : i1
      %convert_element_type3A_493 = arith.extui %and3A_492 : i1 to i32
      %cond3A_494 = arith.constant 0 : i32
      %cond3A_495 = arith.cmpi ne, %convert_element_type3A_493, %cond3A_494 : i32
      scf.if %cond3A_495 {
        %dma_wait3A_550 = arith.constant 0 : i32
        %dma_wait3A_551 = arith.constant 0 : i32
        %dma_wait3A_552 = tpu.memref_slice %arg5[%dma_wait3A_550, %dma_wait3A_551] : memref<200704x16xf32, #tpu.memory_space<hbm>> -> memref<256x16xf32, #tpu.memory_space<hbm>>
        %dma_wait3A_553 = arith.constant 0 : i32
        %dma_wait3A_554 = arith.constant 0 : i32
        %dma_wait3A_555 = tpu.memref_slice %arg5[%dma_wait3A_553, %dma_wait3A_554] : memref<200704x16xf32, #tpu.memory_space<hbm>> -> memref<256x16xf32, #tpu.memory_space<hbm>>
        tpu.wait_dma2 semaphore(%arg26 : memref<!tpu.dma_semaphore, #tpu.memory_space<semaphore_mem>>) src(%dma_wait3A_555 : memref<256x16xf32, #tpu.memory_space<hbm>>) dst(%arg20 : memref<256x16xf32, #tpu.memory_space<vmem>>)
      } else {
      }
      %add3A_496 = arith.constant 2 : i32
      %add3A_497 = arith.addi %add3A_471, %add3A_496 : i32
      %lt3A_498 = arith.constant 396 : i32
      %lt3A_499 = arith.cmpi slt, %add3A_497, %lt3A_498 : i32
      %convert_element_type3A_500 = arith.extui %lt3A_499 : i1 to i32
      %cond3A_501 = arith.constant 0 : i32
      %cond3A_502 = arith.cmpi ne, %convert_element_type3A_500, %cond3A_501 : i32
      scf.if %cond3A_502 {
        %dma_wait3A_550 = arith.constant 0 : i32
        %dma_wait3A_551 = arith.constant 0 : i32
        %dma_wait3A_552 = tpu.memref_slice %arg3[%dma_wait3A_550, %dma_wait3A_551] : memref<12672x256xi32, #tpu.memory_space<hbm>> -> memref<2x256xi32, #tpu.memory_space<hbm>>
        %dma_wait3A_553 = arith.constant 0 : i32
        %dma_wait3A_554 = arith.constant 0 : i32
        %dma_wait3A_555 = tpu.memref_slice %arg3[%dma_wait3A_553, %dma_wait3A_554] : memref<12672x256xi32, #tpu.memory_space<hbm>> -> memref<2x256xi32, #tpu.memory_space<hbm>>
        tpu.wait_dma2 semaphore(%arg29 : memref<!tpu.dma_semaphore, #tpu.memory_space<semaphore_mem>>) src(%dma_wait3A_555 : memref<2x256xi32, #tpu.memory_space<hbm>>) dst(%arg14 : memref<2x256xi32, #tpu.memory_space<vmem>>)
        %scan3A_556 = arith.constant 0 : i32
        %scan3A_557 = arith.constant 16 : i32
        %scan3A_558 = arith.addi %scan3A_556, %scan3A_557 : i32
        %scan3A_559 = arith.constant 1 : i32
        scf.for %scan3A_568 = %scan3A_556 to %scan3A_558 step %scan3A_559  : i32 {
          %mul3A_569 = arith.constant 16 : i32
          %mul3A_570 = arith.muli %scan3A_568, %mul3A_569 : i32
          %add3A_571 = arith.constant 0 : i32
          %add3A_572 = arith.addi %add3A_571, %mul3A_570 : i32
          %get3A = arith.constant 0 : i32
          %get3A_573 = arith.index_cast %get3A : i32 to index
          %get3A_574 = arith.index_cast %add3A_572 : i32 to index
          %get3A_575 = tpu.vector_load %arg14[%get3A_573, %get3A_574] {strides = array<i32>} : memref<2x256xi32, #tpu.memory_space<vmem>>, vector<16xi32>,
          %add3A_576 = vector.broadcast %mul3A_4 : i32 to vector<16xi32>
          %add3A_577 = arith.addi %get3A_575, %add3A_576 : vector<16xi32>
          %swap3A = arith.constant 0 : i32
          %swap3A_578 = arith.index_cast %swap3A : i32 to index
          %swap3A_579 = arith.index_cast %add3A_572 : i32 to index
          %swap3A_580 = tpu.vector_load %arg14[%swap3A_578, %swap3A_579] {strides = array<i32>} : memref<2x256xi32, #tpu.memory_space<vmem>>, vector<16xi32>,
          tpu.vector_store %arg14[%swap3A_578, %swap3A_579], %add3A_577 {strides = array<i32>} : memref<2x256xi32, #tpu.memory_space<vmem>>, vector<16xi32>,
        }
        %scan3A_560 = arith.constant 16 : i32
        %dma_start3A_561 = arith.constant 0 : i32
        %dma_start3A_562 = arith.constant 0 : i32
        %dma_start3A_563 = tpu.memref_slice %arg14[%dma_start3A_561, %dma_start3A_562] : memref<2x256xi32, #tpu.memory_space<vmem>> -> memref<1x256xi32, #tpu.memory_space<vmem>>
        %dma_start3A_564 = tpu.memref_squeeze %dma_start3A_563 : memref<1x256xi32, #tpu.memory_space<vmem>> -> memref<256xi32, #tpu.memory_space<vmem>>
        %dma_start3A_565 = arith.constant 0 : i32
        %dma_start3A_566 = arith.constant 0 : i32
        %dma_start3A_567 = tpu.memref_slice %arg5[%dma_start3A_565, %dma_start3A_566] : memref<200704x16xf32, #tpu.memory_space<hbm>> -> memref<200704x16xf32, #tpu.memory_space<hbm>>
        tpu.enqueue_indirect_dma source(%dma_start3A_567 : memref<200704x16xf32, #tpu.memory_space<hbm>>) target(%arg20 : memref<256x16xf32, #tpu.memory_space<vmem>>) offsets(%dma_start3A_564 : memref<256xi32, #tpu.memory_space<vmem>>) semaphore(%arg23 : memref<!tpu.dma_semaphore, #tpu.memory_space<semaphore_mem>>)
      } else {
      }
      %add3A_503 = arith.constant 4 : i32
      %add3A_504 = arith.addi %add3A_471, %add3A_503 : i32
      %lt3A_505 = arith.constant 396 : i32
      %lt3A_506 = arith.cmpi slt, %add3A_504, %lt3A_505 : i32
      %convert_element_type3A_507 = arith.extui %lt3A_506 : i1 to i32
      %cond3A_508 = arith.constant 0 : i32
      %cond3A_509 = arith.cmpi ne, %convert_element_type3A_507, %cond3A_508 : i32
      scf.if %cond3A_509 {
        %add3A_550 = arith.constant 4 : i32
        %add3A_551 = arith.addi %add3A_471, %add3A_550 : i32
        %mul3A_552 = arith.constant 2 : i32
        %mul3A_553 = arith.muli %add3A_551, %mul3A_552 : i32
        %add3A_554 = arith.addi %mul3A_2, %mul3A_553 : i32
        %dma_start3A_555 = arith.constant 0 : i32
        %dma_start3A_556 = tpu.memref_slice %arg3[%add3A_554, %dma_start3A_555] : memref<12672x256xi32, #tpu.memory_space<hbm>> -> memref<2x256xi32, #tpu.memory_space<hbm>>
        %dma_start3A_557 = arith.constant 0 : i32
        %dma_start3A_558 = tpu.memref_slice %arg3[%add3A_554, %dma_start3A_557] : memref<12672x256xi32, #tpu.memory_space<hbm>> -> memref<2x256xi32, #tpu.memory_space<hbm>>
        tpu.enqueue_dma source(%dma_start3A_558 : memref<2x256xi32, #tpu.memory_space<hbm>>) target(%arg16 : memref<2x256xi32, #tpu.memory_space<vmem>>) target_semaphore(%arg31 : memref<!tpu.dma_semaphore, #tpu.memory_space<semaphore_mem>>)
      } else {
      }
      %add3A_510 = arith.constant 5 : i32
      %add3A_511 = arith.addi %add3A_314, %add3A_510 : i32
      %dma_wait3A_512 = arith.constant 0 : i32
      %dma_wait3A_513 = arith.constant 0 : i32
      %dma_wait3A_514 = tpu.memref_slice %arg19[%dma_wait3A_512, %dma_wait3A_513] : memref<2x256xi32, #tpu.memory_space<vmem>> -> memref<1x256xi32, #tpu.memory_space<vmem>>
      %dma_wait3A_515 = tpu.memref_squeeze %dma_wait3A_514 : memref<1x256xi32, #tpu.memory_space<vmem>> -> memref<256xi32, #tpu.memory_space<vmem>>
      %dma_wait3A_516 = arith.constant 0 : i32
      %dma_wait3A_517 = arith.constant 0 : i32
      %dma_wait3A_518 = tpu.memref_slice %arg5[%dma_wait3A_516, %dma_wait3A_517] : memref<200704x16xf32, #tpu.memory_space<hbm>> -> memref<200704x16xf32, #tpu.memory_space<hbm>>
      tpu.wait_indirect_dma semaphore(%arg25 : memref<!tpu.dma_semaphore, #tpu.memory_space<semaphore_mem>>) src(%dma_wait3A_518 : memref<200704x16xf32, #tpu.memory_space<hbm>>) dst(%arg22 : memref<256x16xf32, #tpu.memory_space<vmem>>)
      %dma_start3A_519 = arith.constant 1 : i32
      %dma_start3A_520 = arith.constant 0 : i32
      %dma_start3A_521 = tpu.memref_slice %arg19[%dma_start3A_519, %dma_start3A_520] : memref<2x256xi32, #tpu.memory_space<vmem>> -> memref<1x256xi32, #tpu.memory_space<vmem>>
      %dma_start3A_522 = tpu.memref_squeeze %dma_start3A_521 : memref<1x256xi32, #tpu.memory_space<vmem>> -> memref<256xi32, #tpu.memory_space<vmem>>
      %dma_start3A_523 = arith.constant 0 : i32
      %dma_start3A_524 = arith.constant 0 : i32
      %dma_start3A_525 = tpu.memref_slice %arg7[%dma_start3A_523, %dma_start3A_524] : memref<100352x16xf32, #tpu.memory_space<vmem_shared>> -> memref<100352x16xf32, #tpu.memory_space<vmem_shared>>
      tpu.enqueue_indirect_dma source(%arg22 : memref<256x16xf32, #tpu.memory_space<vmem>>) target(%dma_start3A_525 : memref<100352x16xf32, #tpu.memory_space<vmem_shared>>) offsets(%dma_start3A_522 : memref<256xi32, #tpu.memory_space<vmem>>) semaphore(%arg28 : memref<!tpu.dma_semaphore, #tpu.memory_space<semaphore_mem>>) {add = true}
      %add3A_526 = arith.constant 2 : i32
      %add3A_527 = arith.addi %add3A_511, %add3A_526 : i32
      %lt3A_528 = arith.constant 396 : i32
      %lt3A_529 = arith.cmpi slt, %add3A_527, %lt3A_528 : i32
      %ge3A_530 = arith.constant 1 : i32
      %ge3A_531 = arith.cmpi sge, %add3A_511, %ge3A_530 : i32
      %and3A_532 = arith.andi %lt3A_529, %ge3A_531 : i1
      %convert_element_type3A_533 = arith.extui %and3A_532 : i1 to i32
      %cond3A_534 = arith.constant 0 : i32
      %cond3A_535 = arith.cmpi ne, %convert_element_type3A_533, %cond3A_534 : i32
      scf.if %cond3A_535 {
        %dma_wait3A_550 = arith.constant 0 : i32
        %dma_wait3A_551 = arith.constant 0 : i32
        %dma_wait3A_552 = tpu.memref_slice %arg5[%dma_wait3A_550, %dma_wait3A_551] : memref<200704x16xf32, #tpu.memory_space<hbm>> -> memref<256x16xf32, #tpu.memory_space<hbm>>
        %dma_wait3A_553 = arith.constant 0 : i32
        %dma_wait3A_554 = arith.constant 0 : i32
        %dma_wait3A_555 = tpu.memref_slice %arg5[%dma_wait3A_553, %dma_wait3A_554] : memref<200704x16xf32, #tpu.memory_space<hbm>> -> memref<256x16xf32, #tpu.memory_space<hbm>>
        tpu.wait_dma2 semaphore(%arg27 : memref<!tpu.dma_semaphore, #tpu.memory_space<semaphore_mem>>) src(%dma_wait3A_555 : memref<256x16xf32, #tpu.memory_space<hbm>>) dst(%arg21 : memref<256x16xf32, #tpu.memory_space<vmem>>)
      } else {
      }
      %add3A_536 = arith.constant 2 : i32
      %add3A_537 = arith.addi %add3A_511, %add3A_536 : i32
      %lt3A_538 = arith.constant 396 : i32
      %lt3A_539 = arith.cmpi slt, %add3A_537, %lt3A_538 : i32
      %convert_element_type3A_540 = arith.extui %lt3A_539 : i1 to i32
      %cond3A_541 = arith.constant 0 : i32
      %cond3A_542 = arith.cmpi ne, %convert_element_type3A_540, %cond3A_541 : i32
      scf.if %cond3A_542 {
        %dma_wait3A_550 = arith.constant 0 : i32
        %dma_wait3A_551 = arith.constant 0 : i32
        %dma_wait3A_552 = tpu.memref_slice %arg3[%dma_wait3A_550, %dma_wait3A_551] : memref<12672x256xi32, #tpu.memory_space<hbm>> -> memref<2x256xi32, #tpu.memory_space<hbm>>
        %dma_wait3A_553 = arith.constant 0 : i32
        %dma_wait3A_554 = arith.constant 0 : i32
        %dma_wait3A_555 = tpu.memref_slice %arg3[%dma_wait3A_553, %dma_wait3A_554] : memref<12672x256xi32, #tpu.memory_space<hbm>> -> memref<2x256xi32, #tpu.memory_space<hbm>>
        tpu.wait_dma2 semaphore(%arg30 : memref<!tpu.dma_semaphore, #tpu.memory_space<semaphore_mem>>) src(%dma_wait3A_555 : memref<2x256xi32, #tpu.memory_space<hbm>>) dst(%arg15 : memref<2x256xi32, #tpu.memory_space<vmem>>)
        %scan3A_556 = arith.constant 0 : i32
        %scan3A_557 = arith.constant 16 : i32
        %scan3A_558 = arith.addi %scan3A_556, %scan3A_557 : i32
        %scan3A_559 = arith.constant 1 : i32
        scf.for %scan3A_568 = %scan3A_556 to %scan3A_558 step %scan3A_559  : i32 {
          %mul3A_569 = arith.constant 16 : i32
          %mul3A_570 = arith.muli %scan3A_568, %mul3A_569 : i32
          %add3A_571 = arith.constant 0 : i32
          %add3A_572 = arith.addi %add3A_571, %mul3A_570 : i32
          %get3A = arith.constant 0 : i32
          %get3A_573 = arith.index_cast %get3A : i32 to index
          %get3A_574 = arith.index_cast %add3A_572 : i32 to index
          %get3A_575 = tpu.vector_load %arg15[%get3A_573, %get3A_574] {strides = array<i32>} : memref<2x256xi32, #tpu.memory_space<vmem>>, vector<16xi32>,
          %add3A_576 = vector.broadcast %mul3A_4 : i32 to vector<16xi32>
          %add3A_577 = arith.addi %get3A_575, %add3A_576 : vector<16xi32>
          %swap3A = arith.constant 0 : i32
          %swap3A_578 = arith.index_cast %swap3A : i32 to index
          %swap3A_579 = arith.index_cast %add3A_572 : i32 to index
          %swap3A_580 = tpu.vector_load %arg15[%swap3A_578, %swap3A_579] {strides = array<i32>} : memref<2x256xi32, #tpu.memory_space<vmem>>, vector<16xi32>,
          tpu.vector_store %arg15[%swap3A_578, %swap3A_579], %add3A_577 {strides = array<i32>} : memref<2x256xi32, #tpu.memory_space<vmem>>, vector<16xi32>,
        }
        %scan3A_560 = arith.constant 16 : i32
        %dma_start3A_561 = arith.constant 0 : i32
        %dma_start3A_562 = arith.constant 0 : i32
        %dma_start3A_563 = tpu.memref_slice %arg15[%dma_start3A_561, %dma_start3A_562] : memref<2x256xi32, #tpu.memory_space<vmem>> -> memref<1x256xi32, #tpu.memory_space<vmem>>
        %dma_start3A_564 = tpu.memref_squeeze %dma_start3A_563 : memref<1x256xi32, #tpu.memory_space<vmem>> -> memref<256xi32, #tpu.memory_space<vmem>>
        %dma_start3A_565 = arith.constant 0 : i32
        %dma_start3A_566 = arith.constant 0 : i32
        %dma_start3A_567 = tpu.memref_slice %arg5[%dma_start3A_565, %dma_start3A_566] : memref<200704x16xf32, #tpu.memory_space<hbm>> -> memref<200704x16xf32, #tpu.memory_space<hbm>>
        tpu.enqueue_indirect_dma source(%dma_start3A_567 : memref<200704x16xf32, #tpu.memory_space<hbm>>) target(%arg21 : memref<256x16xf32, #tpu.memory_space<vmem>>) offsets(%dma_start3A_564 : memref<256xi32, #tpu.memory_space<vmem>>) semaphore(%arg24 : memref<!tpu.dma_semaphore, #tpu.memory_space<semaphore_mem>>)
      } else {
      }
      %add3A_543 = arith.constant 4 : i32
      %add3A_544 = arith.addi %add3A_511, %add3A_543 : i32
      %lt3A_545 = arith.constant 396 : i32
      %lt3A_546 = arith.cmpi slt, %add3A_544, %lt3A_545 : i32
      %convert_element_type3A_547 = arith.extui %lt3A_546 : i1 to i32
      %cond3A_548 = arith.constant 0 : i32
      %cond3A_549 = arith.cmpi ne, %convert_element_type3A_547, %cond3A_548 : i32
      scf.if %cond3A_549 {
        %add3A_550 = arith.constant 4 : i32
        %add3A_551 = arith.addi %add3A_511, %add3A_550 : i32
        %mul3A_552 = arith.constant 2 : i32
        %mul3A_553 = arith.muli %add3A_551, %mul3A_552 : i32
        %add3A_554 = arith.addi %mul3A_2, %mul3A_553 : i32
        %dma_start3A_555 = arith.constant 0 : i32
        %dma_start3A_556 = tpu.memref_slice %arg3[%add3A_554, %dma_start3A_555] : memref<12672x256xi32, #tpu.memory_space<hbm>> -> memref<2x256xi32, #tpu.memory_space<hbm>>
        %dma_start3A_557 = arith.constant 0 : i32
        %dma_start3A_558 = tpu.memref_slice %arg3[%add3A_554, %dma_start3A_557] : memref<12672x256xi32, #tpu.memory_space<hbm>> -> memref<2x256xi32, #tpu.memory_space<hbm>>
        tpu.enqueue_dma source(%dma_start3A_558 : memref<2x256xi32, #tpu.memory_space<hbm>>) target(%arg17 : memref<2x256xi32, #tpu.memory_space<vmem>>) target_semaphore(%arg32 : memref<!tpu.dma_semaphore, #tpu.memory_space<semaphore_mem>>)
      } else {
      }
    }
    %scan3A_284 = arith.constant 66 : i32
    %dma_wait3A_285 = arith.constant 0 : i32
    %dma_wait3A_286 = arith.constant 0 : i32
    %dma_wait3A_287 = tpu.memref_slice %arg5[%dma_wait3A_285, %dma_wait3A_286] : memref<200704x16xf32, #tpu.memory_space<hbm>> -> memref<256x16xf32, #tpu.memory_space<hbm>>
    %dma_wait3A_288 = arith.constant 0 : i32
    %dma_wait3A_289 = arith.constant 0 : i32
    %dma_wait3A_290 = tpu.memref_slice %arg5[%dma_wait3A_288, %dma_wait3A_289] : memref<200704x16xf32, #tpu.memory_space<hbm>> -> memref<256x16xf32, #tpu.memory_space<hbm>>
    tpu.wait_dma2 semaphore(%arg26 : memref<!tpu.dma_semaphore, #tpu.memory_space<semaphore_mem>>) src(%dma_wait3A_290 : memref<256x16xf32, #tpu.memory_space<hbm>>) dst(%arg20 : memref<256x16xf32, #tpu.memory_space<vmem>>)
    %dma_wait3A_291 = arith.constant 0 : i32
    %dma_wait3A_292 = arith.constant 0 : i32
    %dma_wait3A_293 = tpu.memref_slice %arg5[%dma_wait3A_291, %dma_wait3A_292] : memref<200704x16xf32, #tpu.memory_space<hbm>> -> memref<256x16xf32, #tpu.memory_space<hbm>>
    %dma_wait3A_294 = arith.constant 0 : i32
    %dma_wait3A_295 = arith.constant 0 : i32
    %dma_wait3A_296 = tpu.memref_slice %arg5[%dma_wait3A_294, %dma_wait3A_295] : memref<200704x16xf32, #tpu.memory_space<hbm>> -> memref<256x16xf32, #tpu.memory_space<hbm>>
    tpu.wait_dma2 semaphore(%arg27 : memref<!tpu.dma_semaphore, #tpu.memory_space<semaphore_mem>>) src(%dma_wait3A_296 : memref<256x16xf32, #tpu.memory_space<hbm>>) dst(%arg21 : memref<256x16xf32, #tpu.memory_space<vmem>>)
    %dma_wait3A_297 = arith.constant 0 : i32
    %dma_wait3A_298 = arith.constant 0 : i32
    %dma_wait3A_299 = tpu.memref_slice %arg5[%dma_wait3A_297, %dma_wait3A_298] : memref<200704x16xf32, #tpu.memory_space<hbm>> -> memref<256x16xf32, #tpu.memory_space<hbm>>
    %dma_wait3A_300 = arith.constant 0 : i32
    %dma_wait3A_301 = arith.constant 0 : i32
    %dma_wait3A_302 = tpu.memref_slice %arg5[%dma_wait3A_300, %dma_wait3A_301] : memref<200704x16xf32, #tpu.memory_space<hbm>> -> memref<256x16xf32, #tpu.memory_space<hbm>>
    tpu.wait_dma2 semaphore(%arg28 : memref<!tpu.dma_semaphore, #tpu.memory_space<semaphore_mem>>) src(%dma_wait3A_302 : memref<256x16xf32, #tpu.memory_space<hbm>>) dst(%arg22 : memref<256x16xf32, #tpu.memory_space<vmem>>)
    %barrier3A_303 = arith.constant 0 : index
    tpu.barrier barrier_id(%barrier3A_303)
    %scan3A_304 = arith.constant 0 : i32
    %scan3A_305 = arith.constant 56 : i32
    %scan3A_306 = arith.addi %scan3A_304, %scan3A_305 : i32
    %scan3A_307 = arith.constant 1 : i32
    scf.for %scan3A_310 = %scan3A_304 to %scan3A_306 step %scan3A_307  : i32 {
      %mul3A_311 = arith.constant 112 : i32
      %mul3A_312 = arith.muli %scan3A_310, %mul3A_311 : i32
      %add3A_313 = arith.constant 0 : i32
      %add3A_314 = arith.addi %add3A_313, %mul3A_312 : i32
      %add3A_315 = arith.addi %mul3A_0, %add3A_314 : i32
      "tpu.region"() ({
        %run_scoped3A = tpu.sem_alloc : memref<!tpu.dma_semaphore, #tpu.memory_space<semaphore_mem>>
        %dma_start3A_324 = arith.constant 0 : i32
        %dma_start3A_325 = tpu.memref_slice %arg7[%add3A_315, %dma_start3A_324] : memref<100352x16xf32, #tpu.memory_space<vmem_shared>> -> memref<112x16xf32, #tpu.memory_space<vmem_shared>>
        %dma_start3A_326 = arith.constant 0 : i32
        %dma_start3A_327 = tpu.memref_slice %arg7[%add3A_315, %dma_start3A_326] : memref<100352x16xf32, #tpu.memory_space<vmem_shared>> -> memref<112x16xf32, #tpu.memory_space<vmem_shared>>
        tpu.enqueue_dma source(%dma_start3A_327 : memref<112x16xf32, #tpu.memory_space<vmem_shared>>) target(%arg11 : memref<112x16xf32, #tpu.memory_space<vmem>>) target_semaphore(%run_scoped3A : memref<!tpu.dma_semaphore, #tpu.memory_space<semaphore_mem>>)
        %dma_wait3A_328 = arith.constant 0 : i32
        %dma_wait3A_329 = tpu.memref_slice %arg7[%add3A_315, %dma_wait3A_328] : memref<100352x16xf32, #tpu.memory_space<vmem_shared>> -> memref<112x16xf32, #tpu.memory_space<vmem_shared>>
        %dma_wait3A_330 = arith.constant 0 : i32
        %dma_wait3A_331 = tpu.memref_slice %arg7[%add3A_315, %dma_wait3A_330] : memref<100352x16xf32, #tpu.memory_space<vmem_shared>> -> memref<112x16xf32, #tpu.memory_space<vmem_shared>>
        tpu.wait_dma2 semaphore(%run_scoped3A : memref<!tpu.dma_semaphore, #tpu.memory_space<semaphore_mem>>) src(%dma_wait3A_331 : memref<112x16xf32, #tpu.memory_space<vmem_shared>>) dst(%arg11 : memref<112x16xf32, #tpu.memory_space<vmem>>)
        tpu.yield
      }) : () -> ()
      "tpu.region"() ({
        %run_scoped3A = tpu.sem_alloc : memref<!tpu.dma_semaphore, #tpu.memory_space<semaphore_mem>>
        %dma_start3A_324 = arith.constant 0 : i32
        %dma_start3A_325 = tpu.memref_slice %arg7[%add3A_315, %dma_start3A_324] : memref<100352x16xf32, #tpu.memory_space<vmem_shared>> -> memref<112x16xf32, #tpu.memory_space<vmem_shared>>
        %dma_start3A_326 = arith.constant 0 : i32
        %dma_start3A_327 = tpu.memref_slice %arg7[%add3A_315, %dma_start3A_326] : memref<100352x16xf32, #tpu.memory_space<vmem_shared>> -> memref<112x16xf32, #tpu.memory_space<vmem_shared>>
        tpu.enqueue_dma source(%arg9 : memref<112x16xf32, #tpu.memory_space<vmem>>) target(%dma_start3A_327 : memref<112x16xf32, #tpu.memory_space<vmem_shared>>) target_semaphore(%run_scoped3A : memref<!tpu.dma_semaphore, #tpu.memory_space<semaphore_mem>>)
        %dma_wait3A_328 = arith.constant 0 : i32
        %dma_wait3A_329 = tpu.memref_slice %arg7[%add3A_315, %dma_wait3A_328] : memref<100352x16xf32, #tpu.memory_space<vmem_shared>> -> memref<112x16xf32, #tpu.memory_space<vmem_shared>>
        %dma_wait3A_330 = arith.constant 0 : i32
        %dma_wait3A_331 = tpu.memref_slice %arg7[%add3A_315, %dma_wait3A_330] : memref<100352x16xf32, #tpu.memory_space<vmem_shared>> -> memref<112x16xf32, #tpu.memory_space<vmem_shared>>
        tpu.wait_dma2 semaphore(%run_scoped3A : memref<!tpu.dma_semaphore, #tpu.memory_space<semaphore_mem>>) src(%arg9 : memref<112x16xf32, #tpu.memory_space<vmem>>) dst(%dma_wait3A_331 : memref<112x16xf32, #tpu.memory_space<vmem_shared>>)
        tpu.yield
      }) : () -> ()
      "tpu.region"() ({
        %run_scoped3A = tpu.sem_alloc : memref<!tpu.dma_semaphore, #tpu.memory_space<semaphore_mem>>
        %dma_start3A_324 = tpu.memref_slice %arg8[%add3A_315] : memref<100352xf32, #tpu.memory_space<vmem_shared>> -> memref<112xf32, #tpu.memory_space<vmem_shared>>
        %dma_start3A_325 = tpu.memref_slice %arg8[%add3A_315] : memref<100352xf32, #tpu.memory_space<vmem_shared>> -> memref<112xf32, #tpu.memory_space<vmem_shared>>
        tpu.enqueue_dma source(%dma_start3A_325 : memref<112xf32, #tpu.memory_space<vmem_shared>>) target(%arg12 : memref<112xf32, #tpu.memory_space<vmem>>) target_semaphore(%run_scoped3A : memref<!tpu.dma_semaphore, #tpu.memory_space<semaphore_mem>>)
        %dma_wait3A_326 = tpu.memref_slice %arg8[%add3A_315] : memref<100352xf32, #tpu.memory_space<vmem_shared>> -> memref<112xf32, #tpu.memory_space<vmem_shared>>
        %dma_wait3A_327 = tpu.memref_slice %arg8[%add3A_315] : memref<100352xf32, #tpu.memory_space<vmem_shared>> -> memref<112xf32, #tpu.memory_space<vmem_shared>>
        tpu.wait_dma2 semaphore(%run_scoped3A : memref<!tpu.dma_semaphore, #tpu.memory_space<semaphore_mem>>) src(%dma_wait3A_327 : memref<112xf32, #tpu.memory_space<vmem_shared>>) dst(%arg12 : memref<112xf32, #tpu.memory_space<vmem>>)
        tpu.yield
      }) : () -> ()
      %add3A_316 = arith.addi %mul3A_4, %add3A_315 : i32
      "tpu.region"() ({
        %run_scoped3A = tpu.sem_alloc : memref<!tpu.dma_semaphore, #tpu.memory_space<semaphore_mem>>
        %dma_start3A_324 = arith.constant 0 : i32
        %dma_start3A_325 = tpu.memref_slice %arg6[%add3A_316, %dma_start3A_324] : memref<200704x16xf32, #tpu.memory_space<hbm>> -> memref<112x16xf32, #tpu.memory_space<hbm>>
        %dma_start3A_326 = arith.constant 0 : i32
        %dma_start3A_327 = tpu.memref_slice %arg6[%add3A_316, %dma_start3A_326] : memref<200704x16xf32, #tpu.memory_space<hbm>> -> memref<112x16xf32, #tpu.memory_space<hbm>>
        tpu.enqueue_dma source(%dma_start3A_327 : memref<112x16xf32, #tpu.memory_space<hbm>>) target(%arg13 : memref<112x16xf32, #tpu.memory_space<vmem>>) target_semaphore(%run_scoped3A : memref<!tpu.dma_semaphore, #tpu.memory_space<semaphore_mem>>)
        %dma_wait3A_328 = arith.constant 0 : i32
        %dma_wait3A_329 = tpu.memref_slice %arg6[%add3A_316, %dma_wait3A_328] : memref<200704x16xf32, #tpu.memory_space<hbm>> -> memref<112x16xf32, #tpu.memory_space<hbm>>
        %dma_wait3A_330 = arith.constant 0 : i32
        %dma_wait3A_331 = tpu.memref_slice %arg6[%add3A_316, %dma_wait3A_330] : memref<200704x16xf32, #tpu.memory_space<hbm>> -> memref<112x16xf32, #tpu.memory_space<hbm>>
        tpu.wait_dma2 semaphore(%run_scoped3A : memref<!tpu.dma_semaphore, #tpu.memory_space<semaphore_mem>>) src(%dma_wait3A_331 : memref<112x16xf32, #tpu.memory_space<hbm>>) dst(%arg13 : memref<112x16xf32, #tpu.memory_space<vmem>>)
        tpu.yield
      }) : () -> ()
      %scan3A_317 = arith.constant 0 : i32
      %scan3A_318 = arith.constant 112 : i32
      %scan3A_319 = arith.addi %scan3A_317, %scan3A_318 : i32
      %scan3A_320 = arith.constant 1 : i32
      scf.for %scan3A_324 = %scan3A_317 to %scan3A_319 step %scan3A_320  : i32 {
        %mul3A_325 = arith.constant 1 : i32
        %mul3A_326 = arith.muli %scan3A_324, %mul3A_325 : i32
        %add3A_327 = arith.constant 0 : i32
        %add3A_328 = arith.addi %add3A_327, %mul3A_326 : i32
        %get3A = arith.index_cast %add3A_328 : i32 to index
        %get3A_329 = arith.constant 0 : index
        %get3A_330 = tpu.vector_load %arg11[%get3A, %get3A_329] {strides = array<i32>} : memref<112x16xf32, #tpu.memory_space<vmem>>, vector<16xf32>,
        %broadcast_in_dim3A_331 = vector.broadcast %add3A_328 : i32 to vector<16xi32>
        %gather3A = tpu.vector_load_idx %arg12[%broadcast_in_dim3A_331] : memref<112xf32, #tpu.memory_space<vmem>>[vector<16xi32>], vector<16xf32>,
        %mul3A_332 = arith.mulf %get3A_330, %gather3A : vector<16xf32>
        %get3A_333 = arith.index_cast %add3A_328 : i32 to index
        %get3A_334 = arith.constant 0 : index
        %get3A_335 = tpu.vector_load %arg13[%get3A_333, %get3A_334] {strides = array<i32>} : memref<112x16xf32, #tpu.memory_space<vmem>>, vector<16xf32>,
        %add3A_336 = arith.addf %get3A_335, %mul3A_332 : vector<16xf32>
        %mul3A_337 = arith.constant 2.500000e-01 : f32
        %mul3A_338 = vector.broadcast %mul3A_337 : f32 to vector<16xf32>
        %mul3A_339 = arith.mulf %add3A_336, %mul3A_338 : vector<16xf32>
        %swap3A = arith.index_cast %add3A_328 : i32 to index
        %swap3A_340 = arith.constant 0 : index
        %swap3A_341 = tpu.vector_load %arg13[%swap3A, %swap3A_340] {strides = array<i32>} : memref<112x16xf32, #tpu.memory_space<vmem>>, vector<16xf32>,
        tpu.vector_store %arg13[%swap3A, %swap3A_340], %mul3A_339 {strides = array<i32>} : memref<112x16xf32, #tpu.memory_space<vmem>>, vector<16xf32>,
      }
      %scan3A_321 = arith.constant 112 : i32
      %mul3A_322 = arith.constant 16 : i32
      %mul3A_323 = arith.muli %arg0, %mul3A_322 : i32
      "tpu.region"() ({
        %run_scoped3A = tpu.sem_alloc : memref<!tpu.dma_semaphore, #tpu.memory_space<semaphore_mem>>
        %dma_start3A_324 = tpu.memref_slice %arg4[%add3A_315, %mul3A_323] : memref<100352x32xf32, #tpu.memory_space<hbm>> -> memref<112x16xf32, #tpu.memory_space<hbm>>
        %dma_start3A_325 = tpu.memref_slice %arg4[%add3A_315, %mul3A_323] : memref<100352x32xf32, #tpu.memory_space<hbm>> -> memref<112x16xf32, #tpu.memory_space<hbm>>
        tpu.enqueue_dma source(%arg13 : memref<112x16xf32, #tpu.memory_space<vmem>>) target(%dma_start3A_325 : memref<112x16xf32, #tpu.memory_space<hbm>>) target_semaphore(%run_scoped3A : memref<!tpu.dma_semaphore, #tpu.memory_space<semaphore_mem>>)
        %dma_wait3A_326 = tpu.memref_slice %arg4[%add3A_315, %mul3A_323] : memref<100352x32xf32, #tpu.memory_space<hbm>> -> memref<112x16xf32, #tpu.memory_space<hbm>>
        %dma_wait3A_327 = tpu.memref_slice %arg4[%add3A_315, %mul3A_323] : memref<100352x32xf32, #tpu.memory_space<hbm>> -> memref<112x16xf32, #tpu.memory_space<hbm>>
        tpu.wait_dma2 semaphore(%run_scoped3A : memref<!tpu.dma_semaphore, #tpu.memory_space<semaphore_mem>>) src(%arg13 : memref<112x16xf32, #tpu.memory_space<vmem>>) dst(%dma_wait3A_327 : memref<112x16xf32, #tpu.memory_space<hbm>>)
        tpu.yield
      }) : () -> ()
    }
    %scan3A_308 = arith.constant 56 : i32
    %barrier3A_309 = arith.constant 0 : index
    tpu.barrier barrier_id(%barrier3A_309)
    return
  }
}

</mosaic_0001>

<sc_bundles>
// kernel: _lightgcn_sc.3.cloned.1.call-start
scs
__scs_entry_jumppad:
0x0: {  	(pc) =	sbr.rel $0x88, $3  }
0x1: {  	(tag) =	ssettag $0x0;
	lr =	simm.s32 $0x1  }
0x2: {  	[smem:$0x3F9F] =	sst lr;
	_ =	strace $0xD0000000  }
0x3: {  	_ = 	snop  }
0x4: {  	_ = 	snop  }
0x5: {  	_ = 	snop  }
0x6: {  	_ = 	snop  }
0x7: {  	_ = 	snop  }
__scs_overlays_trampoline_lowered:
0x8: {  	[smem:$0x3FAE] =	sst s0  }
0x9: {  	[smem:$0x3FAF] =	sst s1  }
0xa: {  	[smem:$0x3FB0] =	sst s2  }
0xb: {  	[smem:$0x3FB1] =	sst s3  }
0xc: {  	[smem:$0x3FB2] =	sst s4  }
0xd: {  	[smem:$0x3FB3] =	sst s5  }
0xe: {  	[smem:$0x3FB4] =	sst s6  }
0xf: {  	[smem:$0x3FB5] =	sst s7  }
0x10: {  	[smem:$0x3FB6] =	sst s8  }
0x11: {  	[smem:$0x3FB7] =	sst s9;
	s0 =	simm.s32 @!p0 $0x0  }
0x12: {  	s1 =	sld [smem:$0x3F9D];
	s0 =	simm.s32 @p0 $0x1  }
0x13: {  	[smem:$0x3FB8] =	sst s0;
	s0 =	simm.s32 @!p1 $0x0  }
0x14: {  	s2 =	sld [smem:$0x3F9C];
	s0 =	simm.s32 @p1 $0x1  }
0x15: {  	[smem:$0x3FB9] =	sst s0;
	s0 =	simm.s32 @!p2 $0x0  }
0x16: {  	s3 =	sld [smem:$0x3FDB];
	s0 =	simm.s32 @p2 $0x1  }
0x17: {  	s4 =	simm.s32 $0x1BF5;
	[smem:$0x3FBB] =	sst s0  }
0x18: {  	s0 =	sld [smem:$0x3F9E];
	_ =	swait.ge [sflag:s4], $0x0  }
0x19: {  	s7 =	sld [smem:$0x3F9F]  }
0x1a: {  	s8 =	sadd.s32 $0xFFFFE003, lr  }
0x1b: {  	s9 =	sadd.s32 $0xFFFFFEF7, lr;
	s5 =	simm.s32 $0xFFFFFFFF;
	p2 =	slt.u32 s8, $0xFFFFF086  }
0x1c: {  	p1 =	slt.u32 s9, $0xF7A;
	s5 =	simm.s32 @!p2 $0x0  }
0x1d: {  	s5 =	simm.s32 @p1 $0x1;
	p0 =	seq.s32 s7, s2  }
0x1e: {  	s7 =	smul.u32 @!p0 $0xF7A, s2;
	p2 =	seq.s32 @!p0 s5, $0x0  }
0x1f: {  	s9 =	smul.u32 $0xF7A, s1;
	s8 =	simm.s32 @!p0 $0x1BF5;
	p2 =	por !p2, p0  }
0x20: {  	[sflag:s8] =	ssyncset.s32 @!p0 $0xFFFFF086;
	s6 =	sadd.s32 @!p0 s3, s7;
	s7 =	simm.s32 @!p0 $0x108  }
0x21: {  	s3 =	sadd.s32 s3, s9;
	s6 =	sadd.s32 @!p0 $0x88, s6;
	s7 =	simm.s32 @p2 $0x1082  }
0x22: {  	[simem:s7], [sflag:s8] =	dma.local @!p0 [hbm:s6], $0xF7A  }
0x23: {  	s9 =	sor.u32 $0xD0000000, s2;
	s6 =	simm.s32 $0x108;
	_ =	swait.ge @!p0 [sflag:s8], $0x0  }
0x24: {  	s3 =	sadd.s32 $0x88, s3;
	s6 =	simm.s32 @!p1 $0x1082;
	[sflag:s4] =	ssyncset.s32 $0xFFFFF086  }
0x25: {  	[simem:s6], [sflag:s4] =	dma.local [hbm:s3], $0xF7A  }
0x26: {  	[smem:$0x3F9F] =	sst s1;
	(tag) =	ssettag s2;
	_ =	strace s9  }
0x27: {  	s1 =	sld [smem:$0x3FAF]  }
0x28: {  	s2 =	sld [smem:$0x3FB0]  }
0x29: {  	s4 =	sld [smem:$0x3FB2]  }
0x2a: {  	p0 =	seq.s32 s5, $0x0;
	s5 =	sld [smem:$0x3FB3]  }
0x2b: {  	s6 =	sld [smem:$0x3FB4]  }
0x2c: {  	s7 =	sld [smem:$0x3FB5]  }
0x2d: {  	s3 =	simm.s32 $0x108;
	s8 =	sld [smem:$0x3FB6]  }
0x2e: {  	s3 =	simm.s32 @!p0 $0x1082;
	s9 =	sld [smem:$0x3FB7]  }
0x2f: {  	lr =	sadd.s32 s0, s3;
	s0 =	sld [smem:$0x3FAE]  }
0x30: {  	s3 =	sld [smem:$0x3FB1]  }
0x31: {  	[smem:$0x3FBA] =	sst s10  }
0x32: {  	s10 =	sld [smem:$0x3FB8];
	_ =	sdelay $0x3  }
0x33: {  	p0 =	seq.s32 s10, $0x1;
	s10 =	sld [smem:$0x3FBA];
	_ =	sdelay $0x3  }
0x34: {  	[smem:$0x3FBA] =	sst s10  }
0x35: {  	s10 =	sld [smem:$0x3FB9];
	_ =	sdelay $0x3  }
0x36: {  	p1 =	seq.s32 s10, $0x1;
	s10 =	sld [smem:$0x3FBA];
	_ =	sdelay $0x3  }
0x37: {  	[smem:$0x3FBA] =	sst s10  }
0x38: {  	s10 =	sld [smem:$0x3FBB]  }
0x39: {  	_ = 	snop;
	(pc) =	sbr.ind lr, $3  }
0x3a: {  	_ = 	snop  }
0x3b: {  	_ = 	snop  }
0x3c: {  	p2 =	seq.s32 s10, $0x1;
	s10 =	sld [smem:$0x3FBA]  }
0x3d: {  	_ =	shalt  }
0x3e: {  	_ =	shalt  }
0x3f: {  	_ =	shalt  }
0x40: {  	_ =	shalt  }
0x41: {  	_ =	shalt  }
0x42: {  	_ =	shalt  }
0x43: {  	_ =	shalt  }
0x44: {  	_ =	shalt  }
0x45: {  	_ =	shalt  }
0x46: {  	_ =	shalt  }
0x47: {  	_ =	shalt  }
0x48: {  	_ =	shalt  }
0x49: {  	_ =	shalt  }
0x4a: {  	_ =	shalt  }
0x4b: {  	_ =	shalt  }
0x4c: {  	_ =	shalt  }
0x4d: {  	_ =	shalt  }
0x4e: {  	_ =	shalt  }
0x4f: {  	_ =	shalt  }
0x50: {  	_ =	shalt  }
0x51: {  	_ =	shalt  }
0x52: {  	_ =	shalt  }
0x53: {  	_ =	shalt  }
0x54: {  	_ =	shalt  }
0x55: {  	_ =	shalt  }
0x56: {  	_ =	shalt  }
0x57: {  	_ =	shalt  }
0x58: {  	_ =	shalt  }
0x59: {  	_ =	shalt  }
0x5a: {  	_ =	shalt  }
0x5b: {  	_ =	shalt  }
0x5c: {  	_ =	shalt  }
0x5d: {  	_ =	shalt  }
0x5e: {  	_ =	shalt  }
0x5f: {  	_ =	shalt  }
0x60: {  	_ =	shalt  }
0x61: {  	_ =	shalt  }
0x62: {  	_ =	shalt  }
0x63: {  	_ =	shalt  }
0x64: {  	_ =	shalt  }
0x65: {  	_ =	shalt  }
0x66: {  	_ =	shalt  }
0x67: {  	_ =	shalt  }
0x68: {  	_ =	shalt  }
0x69: {  	_ =	shalt  }
0x6a: {  	_ =	shalt  }
0x6b: {  	_ =	shalt  }
0x6c: {  	_ =	shalt  }
0x6d: {  	_ =	shalt  }
0x6e: {  	_ =	shalt  }
0x6f: {  	_ =	shalt  }
0x70: {  	_ =	shalt  }
0x71: {  	_ =	shalt  }
0x72: {  	_ =	shalt  }
0x73: {  	_ =	shalt  }
0x74: {  	_ =	shalt  }
0x75: {  	_ =	shalt  }
0x76: {  	_ =	shalt  }
0x77: {  	_ =	shalt  }
0x78: {  	_ =	shalt  }
0x79: {  	_ =	shalt  }
0x7a: {  	_ =	shalt  }
0x7b: {  	_ =	shalt  }
0x7c: {  	_ =	shalt  }
0x7d: {  	_ =	shalt  }
0x7e: {  	_ =	shalt  }
0x7f: {  	_ =	shalt  }
0x80: {  	_ =	shalt  }
0x81: {  	_ =	shalt  }
0x82: {  	_ =	shalt  }
0x83: {  	_ =	shalt  }
0x84: {  	_ =	shalt  }
0x85: {  	_ =	shalt  }
0x86: {  	_ =	shalt  }
0x87: {  	_ =	shalt  }
.Lfunc_end0:
.L_simem_size_0:
called_computation_lowered:
.L_overlay_start_0:
0x88: {  	s2 =	sld [smem:$0x3FD9]  }
0x89: {  	s3 =	sld [smem:$0x3FFE];
	_ =	sdelay $0x1  }
0x8a: {  	s1 =	srdreg.scid  }
0x8b: {  	s0 =	sand.u32 $0x1, s1  }
0x8c: {  	s17 =	sshll.u32 s0, $0xA;
	s2 =	sadd.s32 s3, s2  }
0x8d: {  	s3 =	sadd.s32 s2, s17  }
0x8e: {  	[smem:$0x3FC6] =	sst s3  }
0x8f: {  	_ = 	snop  }
0x90: {  	s3 =	sld [smem:$0x3FD0];
	(tm) =	ssettm $0x1  }
0x91: {  	s4 =	sld [smem:$0x3FFB];
	_ =	sdelay $0x3  }
0x92: {  	_ =	strace s4  }
0x93: {  	s4 =	sld [smem:$0x3FFC];
	_ =	sdelay $0x3  }
0x94: {  	_ =	strace s4  }
0x95: {  	s4 =	sld [smem:$0x3FFD];
	_ =	sdelay $0x3  }
0x96: {  	_ =	strace s4  }
0x97: {  	_ =	strace $0x8FFFFFFF  }
0x98: {  	s18 =	sld [smem:$0x3FDB];
	_ =	sdelay $0x1  }
0x99: {  	s5 =	simm.s32 $_scs_section_size  }
0x9a: {  	s6 =	simm.s32 $_size__tile_overlayer_lowered;
	s7 =	simm.s32 $_tile_overlayer_lowered  }
0x9b: {  	s21 =	simm.s32 $0x1BFF;
	s20 =	sshll.u32 s7, $0x1;
	s4 =	sadd.s32 s5, s18  }
0x9c: {  	s8 =	simm.s32 $0x0;
	s19 =	sshll.u32 s6, $0x1;
	s6 =	sadd.s32 s20, s4  }
0x9d: {  	[timem:s8], [sflag:s21] =	dma.local [hbm:s6], s19  }
0x9e: {  	_ =	swait.ge [sflag:s21], s19  }
0x9f: {  	s5 =	ssub.s32 $0x0, s19;
	[sflag:s21] =	ssyncset.done $0x0  }
0xa0: {  	[sflag:s21] =	ssyncadd.s32 s5;
	_ =	sdelay $0x1  }
0xa1: {  	s22 =	simm.s32 $0x1B8B  }
0xa2: {  	_ =	swait.ge [sflag:s22], $0x1  }
0xa3: {  	[sflag:s22] =	ssyncset.done $0x0  }
0xa4: {  	s24 =	simm.s32 $0x1B8E;
	s23 =	sld [smem:$0x3FFE];
	[sflag:s22] =	ssyncadd.s32 $0xFFFFFFFF  }
0xa5: {  	s25 =	simm.s32 $execute0_lowered;
	[smem:$0x3FD2] =	sst s24  }
0xa6: {  	s6 =	sshll.u32 s25, $0x1;
	_ =	strace $0x80000046;
	[dreg:$0x1] =	wrdreg $0xFFFFFFFF  }
0xa7: {  	s26 =	simm.s32 $_size_execute0_lowered;
	s4 =	sadd.s32 s4, s6;
	[dreg:$0x0] =	wrdreg $0x0  }
0xa8: {  	s6 =	sshll.u32 s26, $0x1;
	[dreg:$0x2] =	wrdreg s4  }
0xa9: {  	[dreg:$0x3] =	wrdreg s6  }
0xaa: {  	[dreg:$0x4] =	wrdreg $0xC0  }
0xab: {  	_ =	task [dreg:s8], $0x5FFFF  }
0xac: {  	[dreg:$0x1] =	wrdreg $0xFFFFFFFF  }
0xad: {  	[dreg:$0x0] =	wrdreg $0x60  }
0xae: {  	[dreg:$0x2] =	wrdreg s3  }
0xaf: {  	[dreg:$0x3] =	wrdreg s23  }
0xb0: {  	[dreg:$0x4] =	wrdreg $0x0  }
0xb1: {  	s28 =	sadd.s32 $0x800, s2;
	[dreg:$0x5] =	wrdreg $0x188000  }
0xb2: {  	s2 =	sadd.s32 $0x62800, s2;
	[dreg:$0x6] =	wrdreg s28  }
0xb3: {  	[dreg:$0x7] =	wrdreg s2  }
0xb4: {  	[dreg:$0x8] =	wrdreg $0x9  }
0xb5: {  	_ =	task.clear_ibuf [dreg:s8], $0x9FFFF;
	_ =	strace $0x90000046  }
0xb6: {  	s29 =	simm.s32 $0x9;
	_ =	strace $0x80000048  }
0xb7: {  	_ =	swait.ge [sflag:s29], $0x1  }
0xb8: {  	[sflag:s29] =	ssyncadd.s32 $0xFFFFFFFF  }
0xb9: {  	_ =	strace $0x90000048  }
0xba: {  	_ =	sfence  }
0xbb: {  	s30 =	sld [smem:$0x0];
	_ =	sdelay $0x2  }
0xbc: {  	s31 =	sshll.u32 s1, $0xD;
	s1 =	sshrl.u32 s1, $0x2  }
0xbd: {  	s3 =	sand.u32 $0x4000, s31;
	s1 =	sadd.s32 s1, s30  }
0xbe: {  	s0 =	sor.u32 s3, s0;
	s1 =	sshll.u32 s1, $0x11  }
0xbf: {  	s0 =	sor.u32 s1, s0  }
0xc0: {  	s0 =	sadd.s32 $0x8F2B, s0  }
0xc1: {  	[sflag:s0] =	ssyncadd.remote.s32 $0x1  }
0xc2: {  	_ =	sfence.sel $0xFFFF  }
0xc3: {  	[dreg:$0x0] =	wrdreg $0xFFFFFFFF;
	(pc) =	sbr.abs _section_cstart, $3  }
0xc4: {  	[dreg:$0x1] =	wrdreg $0xFFFFFFFF  }
0xc5: {  	_ =	task.clear_ibuf [dreg:s8], $0x2FFFF;
	_ =	strace $0x9FFFFFFF  }
0xc6: {  	(tm) =	ssettm $0x7FFFFFFF  }
0xc7: {  	_ =	shalt  }
tec
execute0_lowered:
.L_overlay_start_1:
0x0: {  	(tag) =	ssettag $0x1  }
0x1: {  	s0 =	rddreg [dreg:$0x1]  }
0x2: {  	s5 =	rddreg [dreg:$0x2]  }
0x3: {  	s4 =	rddreg [dreg:$0x3]  }
0x4: {  	s3 =	rddreg [dreg:$0x4];
	s9 =	stileid.u32  }
0x5: {  	s7 =	simm.s32 $0x0;
	s2 =	srdreg.scid;
	s28 =	simm.s32 $0x1A780  }
0x6: {  	s29 =	simm.s32 $0x8;
	s30 =	simm.s32 $0x1B9F0;
	s1 =	smul.u32 $0x6300, s9  }
0x7: {  	s12 =	simm.s32 $0x1E2F0;
	s14 =	simm.s32 $0x4;
	s18 =	smul.u32 $0x1880, s9  }
0x8: {  	[smem:$0x7FF] =	sst s7;
	s2 =	sand.u32 $0x1, s2;
	s17 =	smul.u32 $0x6200, s9  }
0x9: {  	s21 =	smul.u32 $0x62000, s9;
	_ =	strace $0x80000047;
	s6 =	sshll.u32 s2, $0x1  }
0xa: {  	s8 =	ssub.s32 $0x2, s2;
	s11 =	smul.u32 $0x18800, s2;
	s2 =	smov.u32 s3  }
0xb: {  	s3 =	smov.u32 s5;
	s1 =	sadd.s32 s1, s0;
	s0 =	sadd.s32 s6, s0  }
0xc: {  	s15 =	sshrl.u32 s8, $0x1;
	s25 =	sshrl.u32 s17, $0x2;
	s26 =	sshrl.u32 s21, $0x2  }
0xd: {  	s21 =	simm.s32 $0x1AF80;
	[dreg:$0x10] =	wrdreg s18;
	s16 =	ssub.s32 s8, s15  }
0xe: {  	s10 =	sadd.s32 $0x1400, s1;
	s19 =	sadd.s32 $0x1440, s1;
	[dreg:$0x7] =	wrdreg s11  }
0xf: {  	s20 =	sadd.s32 $0x1480, s1;
	s22 =	sadd.s32 $0x14C0, s1;
	[dreg:$0x8] =	wrdreg s19  }
0x10: {  	s0 =	sadd.s32 $0x64400, s0;
	s24 =	sadd.s32 $0x76C0, s1;
	[dreg:$0x9] =	wrdreg s20  }
0x11: {  	s17 =	sadd.s32 s25, s4;
	s31 =	sadd.s32 s26, s5;
	[dreg:$0xa] =	wrdreg s22  }
0x12: {  	s25 =	simm.s32 $0x100;
	s26 =	simm.s32 $0x1B7F0;
	[dreg:$0xb] =	wrdreg s0  }
0x13: {  	s15 =	simm.s32 $0x1BAF0;
	s1 =	simm.s32 $0x0;
	[dreg:$0xd] =	wrdreg s24  }
0x14: {  	s23 =	smax.u32 s16, $0x1;
	[dreg:$0xe] =	wrdreg s31;
	s19 =	simm.s32 $0x1A080  }
0x15: {  	s20 =	simm.s32 $0xD;
	s22 =	simm.s32 $0x1B6F0;
	s24 =	simm.s32 $0x7  }
0x16: {  	v1 =	vimm.f32 $0.0e+00;
	v2 =	vimm.f32 $1.000000000e+00;
	v0 =	vmov s11;
	s0 =	simm.s32 $0x2;
	[dreg:$0xc] =	wrdreg s23;
	s23 =	simm.s32 $0x1B8F0  }
.LBB2_1:
0x17: {  	s6 =	simm.s32 $0x40;
	s8 =	simm.s32 $0x0  }
.LBB2_2:
0x18: {  	p0 =	sne.s32 s6, $0x1BC0;
	[tilespmem:s8+$0x1A080] =	vst v1;
	s8 =	smov.u32 s6;
	s6 =	sadd.s32 $0x40, s6  }
.Ltmp0:
0x19: {  	(pc) =	sbr.rel @p0 .LBB2_2-.Ltmp0, $2  }
0x1a: {  	_ =	sdelay $0x2  }
0x1b: {  	s8 =	sshra.s32 s8, $0x2  }
0x1c: {  	[tilespmem:s8+$0x1A080] =	vst v1  }
0x1d: {  	[tilespmem:$0x1AF80] =	vst v1  }
0x1e: {  	[tilespmem:$0x1AF90] =	vst v1  }
0x1f: {  	[tilespmem:$0x1AFA0] =	vst v1  }
0x20: {  	[tilespmem:$0x1AFB0] =	vst v1  }
0x21: {  	[tilespmem:$0x1AFC0] =	vst v1  }
0x22: {  	[tilespmem:$0x1AFD0] =	vst v1  }
0x23: {  	[tilespmem:$0x1AFE0] =	vst v1  }
0x24: {  	[tilespmem:$0x1A780] =	vst v2  }
0x25: {  	[tilespmem:$0x1A790] =	vst v2  }
0x26: {  	[tilespmem:$0x1A7A0] =	vst v2  }
0x27: {  	[tilespmem:$0x1A7B0] =	vst v2  }
0x28: {  	[tilespmem:$0x1A7C0] =	vst v2  }
0x29: {  	[tilespmem:$0x1A7D0] =	vst v2  }
0x2a: {  	[tilespmem:$0x1A7E0] =	vst v2  }
0x2b: {  	[tilespmem:$0x1A7F0] =	vst v2  }
0x2c: {  	[tilespmem:$0x1A800] =	vst v2  }
0x2d: {  	[tilespmem:$0x1A810] =	vst v2  }
0x2e: {  	[tilespmem:$0x1A820] =	vst v2  }
0x2f: {  	[tilespmem:$0x1A830] =	vst v2  }
0x30: {  	[tilespmem:$0x1A840] =	vst v2  }
0x31: {  	[tilespmem:$0x1A850] =	vst v2  }
0x32: {  	[tilespmem:$0x1A860] =	vst v2  }
0x33: {  	s8 =	rddreg [dreg:$0xe];
	[tilespmem:$0x1A870] =	vst v2  }
0x34: {  	[spmem:s8] =	stream.linear.scatter [tilespmem:s19], [sflag:$0xD], $0x700, $0x38;
	[tilespmem:$0x1F2F0] =	vst v63  }
0x35: {  	_ =	swait.ge [sflag:s20], $0x700  }
0x36: {  	[sflag:s20] =	ssyncset.done $0x0  }
0x37: {  	s6 =	sadd.s32 $0x0, s17;
	[sflag:s20] =	ssyncadd.s32 $0xFFFFF900  }
0x38: {  	[spmem:s6] =	stream.linear.scatter [tilespmem:s21], [sflag:$0xD], $0x70, $0x38;
	[tilespmem:$0x1F2F0] =	vst v63  }
0x39: {  	_ =	swait.ge [sflag:s20], $0x70  }
0x3a: {  	s6 =	simm.s32 $0x1C0;
	[sflag:s20] =	ssyncset.done $0x0  }
.LBB2_4:
0x3b: {  	p0 =	sne.s32 s6, $0x6040;
	[sflag:s20] =	ssyncadd.s32 $0xFFFFFF90;
	s8 =	sadd.s32 $0x700, s8  }
0x3c: {  	[spmem:s8] =	stream.linear.scatter [tilespmem:s19], [sflag:$0xD], $0x700, $0x38;
	[tilespmem:$0x1F2F0] =	vst v63  }
0x3d: {  	s9 =	smov.u32 s6;
	s6 =	sadd.s32 $0x1C0, s6;
	_ =	swait.ge [sflag:s20], $0x700  }
.Ltmp1:
0x3e: {  	s9 =	sshra.s32 s9, $0x2;
	[sflag:s20] =	ssyncset.done $0x0;
	(pc) =	sbr.rel @p0 .LBB2_4-.Ltmp1, $4  }
0x3f: {  	s9 =	sadd.s32 s9, s17;
	[sflag:s20] =	ssyncadd.s32 $0xFFFFF900  }
0x40: {  	[spmem:s9] =	stream.linear.scatter [tilespmem:s21], [sflag:$0xD], $0x70, $0x38;
	[tilespmem:$0x1F2F0] =	vst v63  }
0x41: {  	_ =	swait.ge [sflag:s20], $0x70  }
0x42: {  	[sflag:s20] =	ssyncset.done $0x0  }
0x43: {  	[sflag:s20] =	ssyncadd.s32 $0xFFFFFF90  }
0x44: {  	s6 =	sadd.s32 $0xFFFF9D80, s10;
	[bflag:$0x0] =	sbarrier.arrive $0xFFFF  }
0x45: {  	[tilespmem:s22], [sflag:$0x7] =	stream.linear.gather [hbm4b:s10+s7], $0x200, $0x38;
	[tilespmem:$0x1F2F0] =	vst v63  }
0x46: {  	s8 =	sadd.s32 $0x62C0, s6  }
0x47: {  	[tilespmem:s23], [sflag:$0x8] =	stream.linear.gather [hbm4b:s8+s7], $0x200, $0x38;
	[tilespmem:$0x1F2F0] =	vst v63  }
0x48: {  	_ =	swait.ge [sflag:s24], $0x200  }
0x49: {  	[sflag:s24] =	ssyncset.done $0x0  }
0x4a: {  	[sflag:s24] =	ssyncadd.s32 $0xFFFFFE00  }
0x4b: {  	[spmem:s4] =	stream.indirect.scatter.add.f32 [tilespmem:s28], [sflag:$0xD], $0x1, s26, s25, $0xb8;
	[tilespmem:$0x1F2F0] =	vst v63  }
0x4c: {  	_ =	swait.ge [sflag:s20], $0x100  }
0x4d: {  	[sflag:s20] =	ssyncset.done $0x0  }
0x4e: {  	s6 =	sadd.s32 $0x6300, s6;
	[sflag:s20] =	ssyncadd.s32 $0xFFFFFF00  }
0x4f: {  	[tilespmem:s22], [sflag:$0x7] =	stream.linear.gather [hbm4b:s6+s7], $0x200, $0x38;
	[tilespmem:$0x1F2F0] =	vst v63  }
0x50: {  	_ =	swait.ge [sflag:s29], $0x200  }
0x51: {  	[sflag:s29] =	ssyncset.done $0x0  }
0x52: {  	[sflag:s29] =	ssyncadd.s32 $0xFFFFFE00  }
0x53: {  	[spmem:s4] =	stream.indirect.scatter.add.f32 [tilespmem:s28], [sflag:$0xD], $0x1, s30, s25, $0xb8;
	[tilespmem:$0x1F2F0] =	vst v63  }
0x54: {  	_ =	swait.ge [sflag:s20], $0x100  }
0x55: {  	s8 =	simm.s32 $0xFFFF9E80;
	s6 =	sadd.s32 $0xFFFF9E00, s10;
	[sflag:s20] =	ssyncset.done $0x0  }
.LBB2_6:
0x56: {  	s9 =	sadd.s32 $0x62C0, s6  }
0x57: {  	[sflag:s20] =	ssyncadd.s32 $0xFFFFFF00;
	s11 =	smov.u32 s8;
	s13 =	sadd.s32 $0x80, s8  }
0x58: {  	[tilespmem:s23], [sflag:$0x8] =	stream.linear.gather [hbm4b:s9+s7], $0x200, $0x38;
	[tilespmem:$0x1F2F0] =	vst v63  }
0x59: {  	p0 =	sne.s32 s8, $0xFFFFFF80;
	_ =	swait.ge [sflag:s24], $0x200  }
0x5a: {  	[sflag:s24] =	ssyncset.done $0x0  }
0x5b: {  	[sflag:s24] =	ssyncadd.s32 $0xFFFFFE00  }
0x5c: {  	[spmem:s4] =	stream.indirect.scatter.add.f32 [tilespmem:s28], [sflag:$0xD], $0x1, s26, s25, $0xb8;
	[tilespmem:$0x1F2F0] =	vst v63  }
0x5d: {  	_ =	swait.ge [sflag:s20], $0x100  }
0x5e: {  	[sflag:s20] =	ssyncset.done $0x0  }
0x5f: {  	s6 =	sadd.s32 $0x6300, s6;
	[sflag:s20] =	ssyncadd.s32 $0xFFFFFF00  }
0x60: {  	[tilespmem:s22], [sflag:$0x7] =	stream.linear.gather [hbm4b:s6+s7], $0x200, $0x38;
	[tilespmem:$0x1F2F0] =	vst v63  }
0x61: {  	_ =	swait.ge [sflag:s29], $0x200  }
.Ltmp2:
0x62: {  	[sflag:s29] =	ssyncset.done $0x0;
	(pc) =	sbr.rel @p0 .LBB2_6-.Ltmp2, $4  }
0x63: {  	[sflag:s29] =	ssyncadd.s32 $0xFFFFFE00  }
0x64: {  	[spmem:s4] =	stream.indirect.scatter.add.f32 [tilespmem:s28], [sflag:$0xD], $0x1, s30, s25, $0xb8;
	[tilespmem:$0x1F2F0] =	vst v63  }
0x65: {  	_ =	swait.ge [sflag:s20], $0x100  }
0x66: {  	s8 =	smov.u32 s13;
	s6 =	sadd.s32 s11, s10;
	[sflag:s20] =	ssyncset.done $0x0  }
0x67: {  	s8 =	sadd.s32 $0x62C0, s6;
	[sflag:s20] =	ssyncadd.s32 $0xFFFFFF00  }
0x68: {  	[tilespmem:s23], [sflag:$0x8] =	stream.linear.gather [hbm4b:s8+s7], $0x200, $0x38;
	[tilespmem:$0x1F2F0] =	vst v63  }
0x69: {  	_ =	swait.ge [sflag:s24], $0x200  }
0x6a: {  	[sflag:s24] =	ssyncset.done $0x0  }
0x6b: {  	[sflag:s24] =	ssyncadd.s32 $0xFFFFFE00  }
0x6c: {  	[spmem:s4] =	stream.indirect.scatter.add.f32 [tilespmem:s28], [sflag:$0xD], $0x1, s26, s25, $0xb8;
	[tilespmem:$0x1F2F0] =	vst v63  }
0x6d: {  	_ =	swait.ge [sflag:s20], $0x100  }
0x6e: {  	[sflag:s20] =	ssyncset.done $0x0  }
0x6f: {  	s16 =	sadd.s32 $0x6300, s6;
	[sflag:s20] =	ssyncadd.s32 $0xFFFFFF00  }
0x70: {  	[tilespmem:s22], [sflag:$0x7] =	stream.linear.gather [hbm4b:s16+s7], $0x200, $0x38;
	[tilespmem:$0x1F2F0] =	vst v63  }
0x71: {  	_ =	swait.ge [sflag:s29], $0x200  }
0x72: {  	[sflag:s29] =	ssyncset.done $0x0  }
0x73: {  	[sflag:s29] =	ssyncadd.s32 $0xFFFFFE00  }
0x74: {  	[spmem:s4] =	stream.indirect.scatter.add.f32 [tilespmem:s28], [sflag:$0xD], $0x1, s30, s25, $0xb8;
	[tilespmem:$0x1F2F0] =	vst v63  }
0x75: {  	_ =	swait.ge [sflag:s20], $0x100  }
0x76: {  	[sflag:s20] =	ssyncset.done $0x0  }
0x77: {  	s9 =	simm.s32 $0x0;
	s31 =	rddreg [dreg:$0xd];
	[sflag:s20] =	ssyncadd.s32 $0xFFFFFF00  }
0x78: {  	[tilespmem:s23], [sflag:$0x8] =	stream.linear.gather [hbm4b:s31+s9], $0x200, $0x38;
	[tilespmem:$0x1F2F0] =	vst v63  }
0x79: {  	_ =	swait.ge [sflag:s24], $0x200  }
0x7a: {  	[sflag:s24] =	ssyncset.done $0x0  }
0x7b: {  	[sflag:s24] =	ssyncadd.s32 $0xFFFFFE00  }
0x7c: {  	[spmem:s4] =	stream.indirect.scatter.add.f32 [tilespmem:s28], [sflag:$0xD], $0x1, s26, s25, $0xb8;
	[tilespmem:$0x1F2F0] =	vst v63  }
0x7d: {  	_ =	swait.ge [sflag:s20], $0x100  }
0x7e: {  	[sflag:s20] =	ssyncset.done $0x0  }
0x7f: {  	[sflag:s20] =	ssyncadd.s32 $0xFFFFFF00  }
0x80: {  	_ =	swait.ge [sflag:s29], $0x200  }
0x81: {  	[sflag:s29] =	ssyncset.done $0x0  }
0x82: {  	[sflag:s29] =	ssyncadd.s32 $0xFFFFFE00  }
0x83: {  	[spmem:s4] =	stream.indirect.scatter.add.f32 [tilespmem:s28], [sflag:$0xD], $0x1, s30, s25, $0xb8;
	[tilespmem:$0x1F2F0] =	vst v63  }
0x84: {  	_ =	swait.ge [sflag:s20], $0x100  }
0x85: {  	[sflag:s20] =	ssyncset.done $0x0  }
0x86: {  	[sflag:s20] =	ssyncadd.s32 $0xFFFFFF00  }
0x87: {  	s11 =	simm.s32 $0x0;
	[bflag:$0x0] =	sbarrier.arrive $0xFFFF  }
.LBB2_8:
0x88: {  	s6 =	smul.u32 $0x70, s11;
	_ =	sdelay $0x1  }
0x89: {  	s6 =	sadd.s32 s18, s6  }
0x8a: {  	s13 =	sadd.s32 s6, s4  }
0x8b: {  	[tilespmem:s21], [sflag:$0xD] =	stream.linear.gather [spmem:s13], $0x70, $0x38;
	[tilespmem:$0x1F2F0] =	vst v63  }
0x8c: {  	_ =	swait.ge [sflag:s20], $0x70  }
0x8d: {  	[sflag:s20] =	ssyncset.done $0x0  }
0x8e: {  	[sflag:s20] =	ssyncadd.s32 $0xFFFFFF90  }
0x8f: {  	v3 =	vld [tilespmem:$0x1AF80];
	_ =	sdelay $0x4  }
0x90: {  	v4 =	vshrl.u32 v3, $0x1;
	v5 =	vmul.f32 $5.000000000e-01, v3  }
0x91: {  	v4 =	vsub.s32 $0x5F3759DF, v4  }
0x92: {  	v6 =	vmul.f32 v4, v5  }
0x93: {  	v7 =	vld [tilespmem:$0x1AF90]  }
0x94: {  	v6 =	vmul.f32 v4, v6;
	_ =	sdelay $0x1  }
0x95: {  	v6 =	vsub.f32 $1.500000000e+00, v6;
	_ =	sdelay $0x1  }
0x96: {  	v8 =	vld [tilespmem:$0x1AFA0];
	v9 =	vmul.f32 $5.000000000e-01, v7;
	v4 =	vmul.f32 v4, v6;
	v6 =	vshrl.u32 v7, $0x1  }
0x97: {  	v6 =	vsub.s32 $0x5F3759DF, v6  }
0x98: {  	v10 =	vmul.f32 v4, v5;
	v11 =	vmul.f32 v6, v9;
	_ =	sdelay $0x1  }
0x99: {  	v10 =	vmul.f32 v10, v4;
	v11 =	vmul.f32 v6, v11  }
0x9a: {  	v12 =	vshrl.u32 v8, $0x1;
	v13 =	vmul.f32 $5.000000000e-01, v8  }
0x9b: {  	v12 =	vsub.s32 $0x5F3759DF, v12;
	v10 =	vsub.f32 $1.500000000e+00, v10;
	v11 =	vsub.f32 $1.500000000e+00, v11  }
0x9c: {  	v14 =	vmul.f32 v12, v13  }
0x9d: {  	v4 =	vmul.f32 v10, v4;
	v6 =	vmul.f32 v6, v11  }
0x9e: {  	v14 =	vmul.f32 v12, v14  }
0x9f: {  	v5 =	vmul.f32 v4, v5;
	v11 =	vmul.f32 v6, v9  }
0xa0: {  	v40 =	vld [tilespmem:$0x1AFB0];
	v39 =	vsub.f32 $1.500000000e+00, v14  }
0xa1: {  	v15 =	vld [tilespmem:$0x1AFC0];
	v5 =	vmul.f32 v5, v4;
	v11 =	vmul.f32 v11, v6  }
0xa2: {  	v16 =	vld [tilespmem:$0x1AFD0];
	v10 =	vmul.f32 v12, v39  }
0xa3: {  	v5 =	vsub.f32 $1.500000000e+00, v5;
	v11 =	vsub.f32 $1.500000000e+00, v11  }
0xa4: {  	v41 =	vmul.f32 v10, v13  }
0xa5: {  	v43 =	vshrl.u32 v40, $0x1;
	v4 =	vmul.f32 v5, v4;
	v5 =	vmul.f32 v11, v6;
	v6 =	vld [tilespmem:$0x1AFE0]  }
0xa6: {  	v18 =	vshrl.u32 v15, $0x1;
	v19 =	vmul.f32 $5.000000000e-01, v15;
	v14 =	vmul.f32 v41, v10  }
0xa7: {  	v17 =	vmul.f32 $5.000000000e-01, v40;
	v21 =	vshrl.u32 v16, $0x1;
	v18 =	vsub.s32 $0x5F3759DF, v18  }
0xa8: {  	v20 =	vmul.f32 v18, v19;
	v42 =	vsub.f32 $1.500000000e+00, v14;
	v14 =	vsub.s32 $0x5F3759DF, v43  }
0xa9: {  	v22 =	vmul.f32 $5.000000000e-01, v16;
	v21 =	vsub.s32 $0x5F3759DF, v21;
	v44 =	vmul.f32 v14, v17  }
0xaa: {  	v20 =	vmul.f32 v18, v20;
	v23 =	vshrl.u32 v6, $0x1;
	v24 =	vmul.f32 $5.000000000e-01, v6  }
0xab: {  	v25 =	vmul.f32 v21, v22;
	v11 =	vmul.f32 v14, v44;
	v23 =	vsub.s32 $0x5F3759DF, v23  }
0xac: {  	v20 =	vsub.f32 $1.500000000e+00, v20;
	v26 =	vmul.f32 v23, v24  }
0xad: {  	v25 =	vmul.f32 v21, v25;
	v11 =	vsub.f32 $1.500000000e+00, v11  }
0xae: {  	v18 =	vmul.f32 v18, v20;
	v26 =	vmul.f32 v23, v26  }
0xaf: {  	v45 =	vsub.f32 $1.500000000e+00, v25;
	v11 =	vmul.f32 v14, v11  }
0xb0: {  	v48 =	vmul.f32 v18, v19;
	v46 =	vsub.f32 $1.500000000e+00, v26  }
0xb1: {  	v14 =	vmul.f32 v21, v45;
	v47 =	vmul.f32 v11, v17  }
0xb2: {  	vm0 =	vgt.f32 v3, $0.0e+00;
	v10 =	vmul.f32 v42, v10;
	v20 =	vmul.f32 v23, v46  }
0xb3: {  	vm10 =	vgt.f32 v7, $0.0e+00;
	v50 =	vmul.f32 v14, v22;
	v49 =	vmul.f32 v47, v11  }
0xb4: {  	vm11 =	vgt.f32 v8, $0.0e+00;
	v21 =	vmul.f32 v48, v18;
	v51 =	vmul.f32 v20, v24  }
0xb5: {  	v9 =	vmul.f32 v5, v9;
	v25 =	vmul.f32 v50, v14;
	v23 =	vsub.f32 $1.500000000e+00, v49  }
0xb6: {  	v13 =	vmul.f32 v10, v13;
	v21 =	vsub.f32 $1.500000000e+00, v21;
	v26 =	vmul.f32 v51, v20  }
0xb7: {  	v9 =	vmul.f32 v9, v5;
	v53 =	vsub.f32 $1.500000000e+00, v25;
	v52 =	vmul.f32 v23, v11  }
0xb8: {  	v13 =	vmul.f32 v13, v10;
	v54 =	vmul.f32 v21, v18;
	v55 =	vsub.f32 $1.500000000e+00, v26  }
0xb9: {  	vm12 =	vgt.f32 v40, $0.0e+00;
	v11 =	vmul.f32 v53, v14;
	v56 =	vmul.f32 v52, v17  }
0xba: {  	v4 =	vnsel vm0, $0x0, v4;
	v57 =	vmul.f32 v54, v19;
	v3 =	vmul.f32 v55, v20  }
0xbb: {  	v9 =	vsub.f32 $1.500000000e+00, v9;
	v58 =	vmul.f32 v11, v22;
	v14 =	vmul.f32 v56, v52  }
0xbc: {  	v13 =	vsub.f32 $1.500000000e+00, v13;
	v7 =	vmul.f32 v57, v54;
	v59 =	vmul.f32 v3, v24  }
0xbd: {  	v5 =	vmul.f32 v9, v5;
	v18 =	vmul.f32 v58, v11;
	v14 =	vsub.f32 $1.500000000e+00, v14  }
0xbe: {  	v10 =	vmul.f32 v13, v10;
	v7 =	vsub.f32 $1.500000000e+00, v7;
	v60 =	vmul.f32 v59, v3  }
0xbf: {  	[tilespmem:$0x1AF80] =	vst v4;
	v5 =	vnsel vm10, $0x0, v5;
	v62 =	vsub.f32 $1.500000000e+00, v18;
	v4 =	vmul.f32 v14, v52  }
0xc0: {  	v61 =	vnsel vm11, $0x0, v10;
	[tilespmem:$0x1AF90] =	vst v5;
	v5 =	vmul.f32 v7, v54;
	v7 =	vsub.f32 $1.500000000e+00, v60  }
0xc1: {  	vm13 =	vgt.f32 v15, $0.0e+00;
	[tilespmem:$0x1AFA0] =	vst v61;
	v63 =	vmul.f32 v62, v11;
	v4 =	vnsel vm12, $0x0, v4  }
0xc2: {  	vm14 =	vgt.f32 v16, $0.0e+00;
	[tilespmem:$0x1AFB0] =	vst v4;
	v4 =	vnsel vm13, $0x0, v5;
	v3 =	vmul.f32 v7, v3  }
0xc3: {  	vm15 =	vgt.f32 v6, $0.0e+00;
	[tilespmem:$0x1AFC0] =	vst v4;
	v4 =	vnsel vm14, $0x0, v63  }
0xc4: {  	[tilespmem:$0x1AFD0] =	vst v4;
	v3 =	vnsel vm15, $0x0, v3  }
0xc5: {  	[tilespmem:$0x1AFE0] =	vst v3  }
0xc6: {  	[spmem:s13] =	stream.linear.scatter [tilespmem:s21], [sflag:$0xD], $0x70, $0x38;
	[tilespmem:$0x1F2F0] =	vst v63  }
0xc7: {  	_ =	swait.ge [sflag:s20], $0x70  }
0xc8: {  	s8 =	rddreg [dreg:$0x7];
	[sflag:s20] =	ssyncset.done $0x0  }
0xc9: {  	s6 =	sadd.s32 s8, s6;
	[sflag:s20] =	ssyncadd.s32 $0xFFFFFF90  }
0xca: {  	s6 =	sshll.u32 s6, $0x1;
	s13 =	rddreg [dreg:$0x0]  }
0xcb: {  	v3 =	vmov s9;
	s8 =	simm.s32 $0x1A880;
	s16 =	sadd.s32 s13, s6  }
0xcc: {  	[tilespmem:s8], [sflag:$0xD] =	stream.linear.gather [hbm4b:s16+s9], $0x700, $0x38;
	[tilespmem:$0x1F2F0] =	vst v63  }
0xcd: {  	_ =	swait.ge [sflag:s20], $0x700  }
0xce: {  	[sflag:s20] =	ssyncset.done $0x0  }
0xcf: {  	[sflag:s20] =	ssyncadd.s32 $0xFFFFF900  }
0xd0: {  	v3 =	vld.idx.msk [tilespmem:v3+s21+$0x0], $0xffff  }
0xd1: {  	v5 =	vld [tilespmem:s8+$0x0];
	_ =	sdelay $0x1  }
0xd2: {  	s31 =	simm.s32 $0x1  }
0xd3: {  	v4 =	vmov s31;
	s13 =	simm.s32 $0x2  }
.LBB2_9:
0xd4: {  	p0 =	sne.s32 s13, $0x6F  }
0xd5: {  	v3 =	vmul.f32 v3, v5;
	_ =	sdelay $0x1  }
0xd6: {  	[tilespmem:s8+$0x0] =	vst v3  }
.Ltmp3:
0xd7: {  	s8 =	sadd.s32 $0x10, s8;
	v3 =	vld.idx.msk [tilespmem:v4+s21+$0x0], $0xffff;
	(pc) =	sbr.rel @p0 .LBB2_9-.Ltmp3, $2  }
0xd8: {  	v5 =	vld [tilespmem:s8+$0x0];
	_ =	sdelay $0x2  }
0xd9: {  	v4 =	vmov s13;
	s13 =	sadd.s32 $0x1, s13  }
0xda: {  	_ = 	snop  }
0xdb: {  	v3 =	vmul.f32 v3, v5;
	_ =	sdelay $0x1  }
0xdc: {  	[tilespmem:s8+$0x0] =	vst v3  }
0xdd: {  	s16 =	sadd.s32 $0x10, s8;
	v3 =	vld.idx.msk [tilespmem:v4+s21+$0x0], $0xffff  }
0xde: {  	v63 =	vld [tilespmem:s16+$0x0];
	_ =	sdelay $0x4  }
0xdf: {  	s11 =	sadd.s32 $0x1, s11;
	v3 =	vmul.f32 v3, v63  }
0xe0: {  	p0 =	sne.s32 s11, $0x38  }
.Ltmp4:
0xe1: {  	s6 =	sadd.s32 s6, s2;
	s31 =	simm.s32 $0x1A880;
	[tilespmem:s16+$0x0] =	vst v3;
	(pc) =	sbr.rel @p0 .LBB2_8-.Ltmp4, $4  }
0xe2: {  	[hbm4b:s6+s7] =	stream.linear.scatter [tilespmem:s31], [sflag:$0xD], $0x700, $0x38;
	[tilespmem:$0x1F2F0] =	vst v63  }
0xe3: {  	_ =	swait.ge [sflag:s20], $0x700  }
0xe4: {  	[sflag:s20] =	ssyncset.done $0x0  }
0xe5: {  	[sflag:s20] =	ssyncadd.s32 $0xFFFFF900  }
0xe6: {  	[dreg:$0xf] =	wrdreg s1  }
0xe7: {  	s9 =	simm.s32 $0x0;
	[bflag:$0x0] =	sbarrier.arrive $0xFFFF  }
0xe8: {  	[tilespmem:s22], [sflag:$0x7] =	stream.linear.gather [hbm4b:s10+s9], $0x200, $0x38;
	[tilespmem:$0x1F2F0] =	vst v63  }
0xe9: {  	s6 =	rddreg [dreg:$0x8]  }
0xea: {  	[tilespmem:s23], [sflag:$0x8] =	stream.linear.gather [hbm4b:s6+s9], $0x200, $0x38;
	[tilespmem:$0x1F2F0] =	vst v63  }
0xeb: {  	s18 =	rddreg [dreg:$0x9]  }
0xec: {  	[tilespmem:s15], [sflag:$0x9] =	stream.linear.gather [hbm4b:s18+s9], $0x200, $0x38;
	[tilespmem:$0x1F2F0] =	vst v63  }
0xed: {  	s8 =	simm.s32 $0x1BCF0;
	s31 =	rddreg [dreg:$0xa]  }
0xee: {  	[tilespmem:s8], [sflag:$0xA] =	stream.linear.gather [hbm4b:s31+s9], $0x200, $0x38;
	[tilespmem:$0x1F2F0] =	vst v63  }
0xef: {  	_ =	swait.ge [sflag:s24], $0x200  }
0xf0: {  	[sflag:s24] =	ssyncset.done $0x0  }
0xf1: {  	[sflag:s24] =	ssyncadd.s32 $0xFFFFFE00  }
0xf2: {  	v3 =	vld [tilespmem:$0x1B6F0]  }
0xf3: {  	v4 =	vld [tilespmem:$0x1B700]  }
0xf4: {  	v5 =	vld [tilespmem:$0x1B710]  }
0xf5: {  	v6 =	vld [tilespmem:$0x1B720]  }
0xf6: {  	v7 =	vld [tilespmem:$0x1B730]  }
0xf7: {  	v8 =	vld [tilespmem:$0x1B740];
	v3 =	vadd.s32 v0, v3  }
0xf8: {  	v39 =	vld [tilespmem:$0x1B750];
	[tilespmem:$0x1B6F0] =	vst v3;
	v3 =	vadd.s32 v0, v4  }
0xf9: {  	v40 =	vld [tilespmem:$0x1B760];
	[tilespmem:$0x1B700] =	vst v3;
	v3 =	vadd.s32 v0, v5  }
0xfa: {  	v41 =	vld [tilespmem:$0x1B770];
	[tilespmem:$0x1B710] =	vst v3;
	v3 =	vadd.s32 v0, v6  }
0xfb: {  	v42 =	vld [tilespmem:$0x1B780];
	[tilespmem:$0x1B720] =	vst v3;
	v3 =	vadd.s32 v0, v7  }
0xfc: {  	v43 =	vld [tilespmem:$0x1B790];
	[tilespmem:$0x1B730] =	vst v3;
	v3 =	vadd.s32 v0, v8  }
0xfd: {  	v44 =	vld [tilespmem:$0x1B7A0];
	[tilespmem:$0x1B740] =	vst v3;
	v3 =	vadd.s32 v0, v39  }
0xfe: {  	v45 =	vld [tilespmem:$0x1B7B0];
	[tilespmem:$0x1B750] =	vst v3;
	v3 =	vadd.s32 v0, v40  }
0xff: {  	v46 =	vld [tilespmem:$0x1B7C0];
	[tilespmem:$0x1B760] =	vst v3;
	v3 =	vadd.s32 v0, v41  }
0x100: {  	v47 =	vld [tilespmem:$0x1B7D0];
	[tilespmem:$0x1B770] =	vst v3;
	v3 =	vadd.s32 v0, v42  }
0x101: {  	v48 =	vld [tilespmem:$0x1B7E0];
	[tilespmem:$0x1B780] =	vst v3;
	v3 =	vadd.s32 v0, v43  }
0x102: {  	[tilespmem:$0x1B790] =	vst v3;
	v3 =	vadd.s32 v0, v44  }
0x103: {  	[tilespmem:$0x1B7A0] =	vst v3;
	v3 =	vadd.s32 v0, v45  }
0x104: {  	[tilespmem:$0x1B7B0] =	vst v3;
	v3 =	vadd.s32 v0, v46  }
0x105: {  	[tilespmem:$0x1B7C0] =	vst v3;
	v3 =	vadd.s32 v0, v47  }
0x106: {  	[tilespmem:$0x1B7D0] =	vst v3;
	v3 =	vadd.s32 v0, v48  }
0x107: {  	s13 =	simm.s32 $0x1C2F0;
	[tilespmem:$0x1B7E0] =	vst v3  }
0x108: {  	[tilespmem:s13], [sflag:$0x1] =	stream.indirect.gather [hbm4b:s2+s25], $0x10, s22, s25, $0xb8;
	[tilespmem:$0x1F2F0] =	vst v63  }
0x109: {  	_ =	swait.ge [sflag:s29], $0x200  }
0x10a: {  	[sflag:s29] =	ssyncset.done $0x0  }
0x10b: {  	[sflag:s29] =	ssyncadd.s32 $0xFFFFFE00  }
0x10c: {  	v3 =	vld [tilespmem:$0x1B8F0]  }
0x10d: {  	v49 =	vld [tilespmem:$0x1B900]  }
0x10e: {  	v50 =	vld [tilespmem:$0x1B910]  }
0x10f: {  	v51 =	vld [tilespmem:$0x1B920]  }
0x110: {  	v52 =	vld [tilespmem:$0x1B930]  }
0x111: {  	v53 =	vld [tilespmem:$0x1B940];
	v3 =	vadd.s32 v0, v3  }
0x112: {  	v54 =	vld [tilespmem:$0x1B950];
	[tilespmem:$0x1B8F0] =	vst v3;
	v3 =	vadd.s32 v0, v49  }
0x113: {  	v55 =	vld [tilespmem:$0x1B960];
	[tilespmem:$0x1B900] =	vst v3;
	v3 =	vadd.s32 v0, v50  }
0x114: {  	v56 =	vld [tilespmem:$0x1B970];
	[tilespmem:$0x1B910] =	vst v3;
	v3 =	vadd.s32 v0, v51  }
0x115: {  	v57 =	vld [tilespmem:$0x1B980];
	[tilespmem:$0x1B920] =	vst v3;
	v3 =	vadd.s32 v0, v52  }
0x116: {  	v58 =	vld [tilespmem:$0x1B990];
	[tilespmem:$0x1B930] =	vst v3;
	v3 =	vadd.s32 v0, v53  }
0x117: {  	v59 =	vld [tilespmem:$0x1B9A0];
	[tilespmem:$0x1B940] =	vst v3;
	v3 =	vadd.s32 v0, v54  }
0x118: {  	v60 =	vld [tilespmem:$0x1B9B0];
	[tilespmem:$0x1B950] =	vst v3;
	v3 =	vadd.s32 v0, v55  }
0x119: {  	v61 =	vld [tilespmem:$0x1B9C0];
	[tilespmem:$0x1B960] =	vst v3;
	v3 =	vadd.s32 v0, v56  }
0x11a: {  	v62 =	vld [tilespmem:$0x1B9D0];
	[tilespmem:$0x1B970] =	vst v3;
	v3 =	vadd.s32 v0, v57  }
0x11b: {  	v63 =	vld [tilespmem:$0x1B9E0];
	[tilespmem:$0x1B980] =	vst v3;
	v3 =	vadd.s32 v0, v58  }
0x11c: {  	[tilespmem:$0x1B990] =	vst v3;
	v3 =	vadd.s32 v0, v59  }
0x11d: {  	[tilespmem:$0x1B9A0] =	vst v3;
	v3 =	vadd.s32 v0, v60  }
0x11e: {  	[tilespmem:$0x1B9B0] =	vst v3;
	v3 =	vadd.s32 v0, v61  }
0x11f: {  	[tilespmem:$0x1B9C0] =	vst v3;
	v3 =	vadd.s32 v0, v62  }
0x120: {  	[tilespmem:$0x1B9D0] =	vst v3;
	v3 =	vadd.s32 v0, v63  }
0x121: {  	s16 =	simm.s32 $0x1D2F0;
	s5 =	simm.s32 $0x5;
	[tilespmem:$0x1B9E0] =	vst v3  }
0x122: {  	[tilespmem:s16], [sflag:$0x2] =	stream.indirect.gather [hbm4b:s2+s25], $0x10, s23, s25, $0xb8;
	[tilespmem:$0x1F2F0] =	vst v63  }
.LBB2_12:
0x123: {  	s18 =	simm.s32 $0x1  }
0x124: {  	_ =	swait.ge [sflag:s18], $0x1000  }
0x125: {  	p0 =	seq.s32 s9, $0x0;
	[sflag:s18] =	ssyncset.done $0x0  }
0x126: {  	s6 =	simm.s32 @!p0 $0x6;
	[sflag:s18] =	ssyncadd.s32 $0xFFFFF000  }
0x127: {  	[spmem:s3] =	stream.indirect.scatter.add.f32 [tilespmem:s13], [sflag:$0x4], $0x10, s26, s25, $0xb8;
	[tilespmem:$0x1F2F0] =	vst v63  }
0x128: {  	_ =	swait.ge @!p0 [sflag:s6], $0x1000  }
0x129: {  	[sflag:s6] =	ssyncset.done @!p0 $0x0  }
0x12a: {  	s11 =	simm.s32 $0x9;
	[sflag:s6] =	ssyncadd.s32 @!p0 $0xFFFFF000  }
0x12b: {  	_ =	swait.ge [sflag:s11], $0x200  }
0x12c: {  	[sflag:s11] =	ssyncset.done $0x0  }
0x12d: {  	[sflag:s11] =	ssyncadd.s32 $0xFFFFFE00  }
0x12e: {  	v3 =	vld [tilespmem:$0x1BAF0]  }
0x12f: {  	v4 =	vld [tilespmem:$0x1BB00]  }
0x130: {  	v5 =	vld [tilespmem:$0x1BB10]  }
0x131: {  	v6 =	vld [tilespmem:$0x1BB20]  }
0x132: {  	v7 =	vld [tilespmem:$0x1BB30]  }
0x133: {  	v8 =	vld [tilespmem:$0x1BB40];
	v3 =	vadd.s32 v0, v3  }
0x134: {  	v61 =	vld [tilespmem:$0x1BB50];
	[tilespmem:$0x1BAF0] =	vst v3;
	v3 =	vadd.s32 v0, v4  }
0x135: {  	v62 =	vld [tilespmem:$0x1BB60];
	[tilespmem:$0x1BB00] =	vst v3;
	v3 =	vadd.s32 v0, v5  }
0x136: {  	v63 =	vld [tilespmem:$0x1BB70];
	[tilespmem:$0x1BB10] =	vst v3;
	v3 =	vadd.s32 v0, v6  }
0x137: {  	v12 =	vld [tilespmem:$0x1BB80];
	[tilespmem:$0x1BB20] =	vst v3;
	v3 =	vadd.s32 v0, v7  }
0x138: {  	v13 =	vld [tilespmem:$0x1BB90];
	[tilespmem:$0x1BB30] =	vst v3;
	v3 =	vadd.s32 v0, v8  }
0x139: {  	v14 =	vld [tilespmem:$0x1BBA0];
	[tilespmem:$0x1BB40] =	vst v3;
	v3 =	vadd.s32 v0, v61  }
0x13a: {  	v15 =	vld [tilespmem:$0x1BBB0];
	[tilespmem:$0x1BB50] =	vst v3;
	v3 =	vadd.s32 v0, v62  }
0x13b: {  	v16 =	vld [tilespmem:$0x1BBC0];
	[tilespmem:$0x1BB60] =	vst v3;
	v3 =	vadd.s32 v0, v63  }
0x13c: {  	v17 =	vld [tilespmem:$0x1BBD0];
	[tilespmem:$0x1BB70] =	vst v3;
	v3 =	vadd.s32 v0, v12  }
0x13d: {  	v18 =	vld [tilespmem:$0x1BBE0];
	[tilespmem:$0x1BB80] =	vst v3;
	v3 =	vadd.s32 v0, v13  }
0x13e: {  	[tilespmem:$0x1BB90] =	vst v3;
	v3 =	vadd.s32 v0, v14  }
0x13f: {  	[tilespmem:$0x1BBA0] =	vst v3;
	v3 =	vadd.s32 v0, v15  }
0x140: {  	[tilespmem:$0x1BBB0] =	vst v3;
	v3 =	vadd.s32 v0, v16  }
0x141: {  	[tilespmem:$0x1BBC0] =	vst v3;
	v3 =	vadd.s32 v0, v17  }
0x142: {  	[tilespmem:$0x1BBD0] =	vst v3;
	v3 =	vadd.s32 v0, v18  }
0x143: {  	s11 =	sadd.s32 s9, s10;
	[tilespmem:$0x1BBE0] =	vst v3  }
0x144: {  	[tilespmem:s12], [sflag:$0x3] =	stream.indirect.gather [hbm4b:s2+s25], $0x10, s15, s25, $0xb8;
	[tilespmem:$0x1F2F0] =	vst v63  }
0x145: {  	s1 =	sadd.s32 $0x100, s11;
	s15 =	simm.s32 $0x1BEF0  }
0x146: {  	[tilespmem:s15], [sflag:$0xB] =	stream.linear.gather [hbm4b:s1+s7], $0x200, $0x38;
	[tilespmem:$0x1F2F0] =	vst v63  }
0x147: {  	_ =	swait.ge [sflag:s0], $0x1000  }
0x148: {  	[sflag:s0] =	ssyncset.done $0x0  }
0x149: {  	[sflag:s0] =	ssyncadd.s32 $0xFFFFF000  }
0x14a: {  	[spmem:s3] =	stream.indirect.scatter.add.f32 [tilespmem:s16], [sflag:$0x5], $0x10, s30, s25, $0xb8;
	[tilespmem:$0x1F2F0] =	vst v63  }
0x14b: {  	_ =	swait.ge [sflag:s14], $0x1000  }
0x14c: {  	[sflag:s14] =	ssyncset.done $0x0  }
0x14d: {  	s1 =	simm.s32 $0xA;
	[sflag:s14] =	ssyncadd.s32 $0xFFFFF000  }
0x14e: {  	_ =	swait.ge [sflag:s1], $0x200  }
0x14f: {  	[sflag:s1] =	ssyncset.done $0x0  }
0x150: {  	[sflag:s1] =	ssyncadd.s32 $0xFFFFFE00  }
0x151: {  	v3 =	vld [tilespmem:$0x1BCF0]  }
0x152: {  	v19 =	vld [tilespmem:$0x1BD00]  }
0x153: {  	v20 =	vld [tilespmem:$0x1BD10]  }
0x154: {  	v21 =	vld [tilespmem:$0x1BD20]  }
0x155: {  	v22 =	vld [tilespmem:$0x1BD30]  }
0x156: {  	v23 =	vld [tilespmem:$0x1BD40];
	v3 =	vadd.s32 v0, v3  }
0x157: {  	v24 =	vld [tilespmem:$0x1BD50];
	[tilespmem:$0x1BCF0] =	vst v3;
	v3 =	vadd.s32 v0, v19  }
0x158: {  	v25 =	vld [tilespmem:$0x1BD60];
	[tilespmem:$0x1BD00] =	vst v3;
	v3 =	vadd.s32 v0, v20  }
0x159: {  	v26 =	vld [tilespmem:$0x1BD70];
	[tilespmem:$0x1BD10] =	vst v3;
	v3 =	vadd.s32 v0, v21  }
0x15a: {  	v27 =	vld [tilespmem:$0x1BD80];
	[tilespmem:$0x1BD20] =	vst v3;
	v3 =	vadd.s32 v0, v22  }
0x15b: {  	v28 =	vld [tilespmem:$0x1BD90];
	[tilespmem:$0x1BD30] =	vst v3;
	v3 =	vadd.s32 v0, v23  }
0x15c: {  	v29 =	vld [tilespmem:$0x1BDA0];
	[tilespmem:$0x1BD40] =	vst v3;
	v3 =	vadd.s32 v0, v24  }
0x15d: {  	v30 =	vld [tilespmem:$0x1BDB0];
	[tilespmem:$0x1BD50] =	vst v3;
	v3 =	vadd.s32 v0, v25  }
0x15e: {  	v31 =	vld [tilespmem:$0x1BDC0];
	[tilespmem:$0x1BD60] =	vst v3;
	v3 =	vadd.s32 v0, v26  }
0x15f: {  	v32 =	vld [tilespmem:$0x1BDD0];
	[tilespmem:$0x1BD70] =	vst v3;
	v3 =	vadd.s32 v0, v27  }
0x160: {  	v33 =	vld [tilespmem:$0x1BDE0];
	[tilespmem:$0x1BD80] =	vst v3;
	v3 =	vadd.s32 v0, v28  }
0x161: {  	[tilespmem:$0x1BD90] =	vst v3;
	v3 =	vadd.s32 v0, v29  }
0x162: {  	[tilespmem:$0x1BDA0] =	vst v3;
	v3 =	vadd.s32 v0, v30  }
0x163: {  	[tilespmem:$0x1BDB0] =	vst v3;
	v3 =	vadd.s32 v0, v31  }
0x164: {  	[tilespmem:$0x1BDC0] =	vst v3;
	v3 =	vadd.s32 v0, v32  }
0x165: {  	[tilespmem:$0x1BDD0] =	vst v3;
	v3 =	vadd.s32 v0, v33  }
0x166: {  	[tilespmem:$0x1BDE0] =	vst v3  }
0x167: {  	[tilespmem:s13], [sflag:$0x1] =	stream.indirect.gather [hbm4b:s2+s25], $0x10, s8, s25, $0xb8;
	[tilespmem:$0x1F2F0] =	vst v63  }
0x168: {  	s1 =	simm.s32 $0x1C0F0;
	s13 =	sadd.s32 $0x140, s11;
	s8 =	simm.s32 $0x3  }
0x169: {  	[tilespmem:s1], [sflag:$0xC] =	stream.linear.gather [hbm4b:s13+s7], $0x200, $0x38;
	[tilespmem:$0x1F2F0] =	vst v63  }
0x16a: {  	_ =	swait.ge [sflag:s8], $0x1000  }
0x16b: {  	[sflag:s8] =	ssyncset.done $0x0  }
0x16c: {  	s13 =	simm.s32 $0x1BBF0;
	[sflag:s8] =	ssyncadd.s32 $0xFFFFF000  }
0x16d: {  	[spmem:s3] =	stream.indirect.scatter.add.f32 [tilespmem:s12], [sflag:$0x6], $0x10, s13, s25, $0xb8;
	[tilespmem:$0x1F2F0] =	vst v63  }
0x16e: {  	_ =	swait.ge [sflag:s5], $0x1000  }
0x16f: {  	[sflag:s5] =	ssyncset.done $0x0  }
0x170: {  	s6 =	simm.s32 $0xB;
	[sflag:s5] =	ssyncadd.s32 $0xFFFFF000  }
0x171: {  	_ =	swait.ge [sflag:s6], $0x200  }
0x172: {  	[sflag:s6] =	ssyncset.done $0x0  }
0x173: {  	[sflag:s6] =	ssyncadd.s32 $0xFFFFFE00  }
0x174: {  	v3 =	vld [tilespmem:$0x1BEF0]  }
0x175: {  	v34 =	vld [tilespmem:$0x1BF00]  }
0x176: {  	v35 =	vld [tilespmem:$0x1BF10]  }
0x177: {  	v36 =	vld [tilespmem:$0x1BF20]  }
0x178: {  	v37 =	vld [tilespmem:$0x1BF30]  }
0x179: {  	v38 =	vld [tilespmem:$0x1BF40];
	v3 =	vadd.s32 v0, v3  }
0x17a: {  	v39 =	vld [tilespmem:$0x1BF50];
	[tilespmem:$0x1BEF0] =	vst v3;
	v3 =	vadd.s32 v0, v34  }
0x17b: {  	v40 =	vld [tilespmem:$0x1BF60];
	[tilespmem:$0x1BF00] =	vst v3;
	v3 =	vadd.s32 v0, v35  }
0x17c: {  	v41 =	vld [tilespmem:$0x1BF70];
	[tilespmem:$0x1BF10] =	vst v3;
	v3 =	vadd.s32 v0, v36  }
0x17d: {  	v42 =	vld [tilespmem:$0x1BF80];
	[tilespmem:$0x1BF20] =	vst v3;
	v3 =	vadd.s32 v0, v37  }
0x17e: {  	v43 =	vld [tilespmem:$0x1BF90];
	[tilespmem:$0x1BF30] =	vst v3;
	v3 =	vadd.s32 v0, v38  }
0x17f: {  	v44 =	vld [tilespmem:$0x1BFA0];
	[tilespmem:$0x1BF40] =	vst v3;
	v3 =	vadd.s32 v0, v39  }
0x180: {  	v45 =	vld [tilespmem:$0x1BFB0];
	[tilespmem:$0x1BF50] =	vst v3;
	v3 =	vadd.s32 v0, v40  }
0x181: {  	v46 =	vld [tilespmem:$0x1BFC0];
	[tilespmem:$0x1BF60] =	vst v3;
	v3 =	vadd.s32 v0, v41  }
0x182: {  	v47 =	vld [tilespmem:$0x1BFD0];
	[tilespmem:$0x1BF70] =	vst v3;
	v3 =	vadd.s32 v0, v42  }
0x183: {  	v48 =	vld [tilespmem:$0x1BFE0];
	[tilespmem:$0x1BF80] =	vst v3;
	v3 =	vadd.s32 v0, v43  }
0x184: {  	[tilespmem:$0x1BF90] =	vst v3;
	v3 =	vadd.s32 v0, v44  }
0x185: {  	[tilespmem:$0x1BFA0] =	vst v3;
	v3 =	vadd.s32 v0, v45  }
0x186: {  	[tilespmem:$0x1BFB0] =	vst v3;
	v3 =	vadd.s32 v0, v46  }
0x187: {  	[tilespmem:$0x1BFC0] =	vst v3;
	v3 =	vadd.s32 v0, v47  }
0x188: {  	p0 =	seq.s32 s9, $0x6180;
	[tilespmem:$0x1BFD0] =	vst v3;
	v3 =	vadd.s32 v0, v48  }
0x189: {  	s31 =	smov.u32 s2;
	s6 =	sadd.s32 @!p0 s9, s10;
	[tilespmem:$0x1BFE0] =	vst v3  }
0x18a: {  	[tilespmem:s16], [sflag:$0x2] =	stream.indirect.gather [hbm4b:s31+s25], $0x10, s15, s25, $0xb8;
	[tilespmem:$0x1F2F0] =	vst v63  }
0x18b: {  	s8 =	simm.s32 @!p0 $0x0;
	s13 =	simm.s32 @!p0 $0x1B6F0;
	s6 =	sadd.s32 @!p0 $0x180, s6  }
0x18c: {  	[tilespmem:s13], [sflag:$0x7] =	stream.linear.gather @!p0 [hbm4b:s6+s8], $0x200, $0x38;
	[tilespmem:$0x1F2F0] =	vst v63  }
0x18d: {  	_ =	swait.ge [sflag:s18], $0x1000  }
0x18e: {  	s15 =	simm.s32 $0x6;
	[sflag:s18] =	ssyncset.done $0x0  }
0x18f: {  	s13 =	simm.s32 $0x1C2F0;
	s8 =	simm.s32 $0x1BDF0;
	[sflag:s18] =	ssyncadd.s32 $0xFFFFF000  }
0x190: {  	[spmem:s3] =	stream.indirect.scatter.add.f32 [tilespmem:s13], [sflag:$0x4], $0x10, s8, s25, $0xb8;
	[tilespmem:$0x1F2F0] =	vst v63  }
0x191: {  	_ =	swait.ge [sflag:s15], $0x1000  }
0x192: {  	[sflag:s15] =	ssyncset.done $0x0  }
0x193: {  	s18 =	simm.s32 $0xC;
	[sflag:s15] =	ssyncadd.s32 $0xFFFFF000  }
0x194: {  	_ =	swait.ge [sflag:s18], $0x200  }
0x195: {  	[sflag:s18] =	ssyncset.done $0x0  }
0x196: {  	[sflag:s18] =	ssyncadd.s32 $0xFFFFFE00  }
0x197: {  	v3 =	vld [tilespmem:$0x1C0F0]  }
0x198: {  	v49 =	vld [tilespmem:$0x1C100]  }
0x199: {  	v50 =	vld [tilespmem:$0x1C110]  }
0x19a: {  	v51 =	vld [tilespmem:$0x1C120]  }
0x19b: {  	v52 =	vld [tilespmem:$0x1C130]  }
0x19c: {  	v53 =	vld [tilespmem:$0x1C140];
	v3 =	vadd.s32 v0, v3  }
0x19d: {  	v54 =	vld [tilespmem:$0x1C150];
	[tilespmem:$0x1C0F0] =	vst v3;
	v3 =	vadd.s32 v0, v49  }
0x19e: {  	v55 =	vld [tilespmem:$0x1C160];
	[tilespmem:$0x1C100] =	vst v3;
	v3 =	vadd.s32 v0, v50  }
0x19f: {  	v56 =	vld [tilespmem:$0x1C170];
	[tilespmem:$0x1C110] =	vst v3;
	v3 =	vadd.s32 v0, v51  }
0x1a0: {  	v57 =	vld [tilespmem:$0x1C180];
	[tilespmem:$0x1C120] =	vst v3;
	v3 =	vadd.s32 v0, v52  }
0x1a1: {  	v58 =	vld [tilespmem:$0x1C190];
	[tilespmem:$0x1C130] =	vst v3;
	v3 =	vadd.s32 v0, v53  }
0x1a2: {  	v59 =	vld [tilespmem:$0x1C1A0];
	[tilespmem:$0x1C140] =	vst v3;
	v3 =	vadd.s32 v0, v54  }
0x1a3: {  	v60 =	vld [tilespmem:$0x1C1B0];
	[tilespmem:$0x1C150] =	vst v3;
	v3 =	vadd.s32 v0, v55  }
0x1a4: {  	v61 =	vld [tilespmem:$0x1C1C0];
	[tilespmem:$0x1C160] =	vst v3;
	v3 =	vadd.s32 v0, v56  }
0x1a5: {  	v62 =	vld [tilespmem:$0x1C1D0];
	[tilespmem:$0x1C170] =	vst v3;
	v3 =	vadd.s32 v0, v57  }
0x1a6: {  	v63 =	vld [tilespmem:$0x1C1E0];
	[tilespmem:$0x1C180] =	vst v3;
	v3 =	vadd.s32 v0, v58  }
0x1a7: {  	[tilespmem:$0x1C190] =	vst v3;
	v3 =	vadd.s32 v0, v59  }
0x1a8: {  	[tilespmem:$0x1C1A0] =	vst v3;
	v3 =	vadd.s32 v0, v60  }
.Ltmp5:
0x1a9: {  	[tilespmem:$0x1C1B0] =	vst v3;
	v3 =	vadd.s32 v0, v61;
	(pc) =	sbr.rel @!p0 .LBB2_13-.Ltmp5, $4  }
0x1aa: {  	[tilespmem:$0x1C1C0] =	vst v3;
	v3 =	vadd.s32 v0, v62  }
0x1ab: {  	[tilespmem:$0x1C1D0] =	vst v3;
	v3 =	vadd.s32 v0, v63  }
0x1ac: {  	s2 =	simm.s32 $0x5;
	[tilespmem:$0x1C1E0] =	vst v3  }
0x1ad: {  	[tilespmem:s12], [sflag:$0x3] =	stream.indirect.gather [hbm4b:s31+s25], $0x10, s1, s25, $0xb8;
	[tilespmem:$0x1F2F0] =	vst v63  }
.Ltmp6:
0x1ae: {  	(pc) =	sbr.rel .LBB2_15-.Ltmp6, $4  }
0x1af: {  	_ =	swait.ge [sflag:s0], $0x1000  }
0x1b0: {  	s1 =	simm.s32 $0x1BFF0;
	[sflag:s0] =	ssyncset.done $0x0  }
0x1b1: {  	s6 =	simm.s32 $0x1D2F0;
	s15 =	simm.s32 $0x1BAF0;
	[sflag:s0] =	ssyncadd.s32 $0xFFFFF000  }
0x1b2: {  	[spmem:s3] =	stream.indirect.scatter.add.f32 [tilespmem:s16], [sflag:$0x5], $0x10, s1, s25, $0xb8;
	[tilespmem:$0x1F2F0] =	vst v63  }
.LBB2_13:
0x1b3: {  	s6 =	sadd.s32 $0x1C0, s11  }
0x1b4: {  	[tilespmem:s23], [sflag:$0x8] =	stream.linear.gather [hbm4b:s6+s7], $0x200, $0x38;
	[tilespmem:$0x1F2F0] =	vst v63  }
0x1b5: {  	_ =	swait.ge [sflag:s0], $0x1000  }
0x1b6: {  	[sflag:s0] =	ssyncset.done $0x0  }
0x1b7: {  	s1 =	simm.s32 $0x1BFF0;
	[sflag:s0] =	ssyncadd.s32 $0xFFFFF000  }
0x1b8: {  	[spmem:s3] =	stream.indirect.scatter.add.f32 [tilespmem:s16], [sflag:$0x5], $0x10, s1, s25, $0xb8;
	[tilespmem:$0x1F2F0] =	vst v63  }
0x1b9: {  	_ =	swait.ge [sflag:s14], $0x1000  }
0x1ba: {  	[sflag:s14] =	ssyncset.done $0x0  }
0x1bb: {  	[sflag:s14] =	ssyncadd.s32 $0xFFFFF000  }
0x1bc: {  	_ =	swait.ge [sflag:s24], $0x200  }
0x1bd: {  	[sflag:s24] =	ssyncset.done $0x0  }
0x1be: {  	[sflag:s24] =	ssyncadd.s32 $0xFFFFFE00  }
0x1bf: {  	v3 =	vld [tilespmem:$0x1B6F0]  }
0x1c0: {  	v4 =	vld [tilespmem:$0x1B700]  }
0x1c1: {  	v5 =	vld [tilespmem:$0x1B710]  }
0x1c2: {  	v6 =	vld [tilespmem:$0x1B720]  }
0x1c3: {  	v7 =	vld [tilespmem:$0x1B730]  }
0x1c4: {  	v8 =	vld [tilespmem:$0x1B740];
	v3 =	vadd.s32 v0, v3  }
0x1c5: {  	v54 =	vld [tilespmem:$0x1B750];
	[tilespmem:$0x1B6F0] =	vst v3;
	v3 =	vadd.s32 v0, v4  }
0x1c6: {  	v55 =	vld [tilespmem:$0x1B760];
	[tilespmem:$0x1B700] =	vst v3;
	v3 =	vadd.s32 v0, v5  }
0x1c7: {  	v56 =	vld [tilespmem:$0x1B770];
	[tilespmem:$0x1B710] =	vst v3;
	v3 =	vadd.s32 v0, v6  }
0x1c8: {  	v57 =	vld [tilespmem:$0x1B780];
	[tilespmem:$0x1B720] =	vst v3;
	v3 =	vadd.s32 v0, v7  }
0x1c9: {  	v58 =	vld [tilespmem:$0x1B790];
	[tilespmem:$0x1B730] =	vst v3;
	v3 =	vadd.s32 v0, v8  }
0x1ca: {  	v59 =	vld [tilespmem:$0x1B7A0];
	[tilespmem:$0x1B740] =	vst v3;
	v3 =	vadd.s32 v0, v54  }
0x1cb: {  	v60 =	vld [tilespmem:$0x1B7B0];
	[tilespmem:$0x1B750] =	vst v3;
	v3 =	vadd.s32 v0, v55  }
0x1cc: {  	v61 =	vld [tilespmem:$0x1B7C0];
	[tilespmem:$0x1B760] =	vst v3;
	v3 =	vadd.s32 v0, v56  }
0x1cd: {  	v62 =	vld [tilespmem:$0x1B7D0];
	[tilespmem:$0x1B770] =	vst v3;
	v3 =	vadd.s32 v0, v57  }
0x1ce: {  	v63 =	vld [tilespmem:$0x1B7E0];
	[tilespmem:$0x1B780] =	vst v3;
	v3 =	vadd.s32 v0, v58  }
0x1cf: {  	[tilespmem:$0x1B790] =	vst v3;
	v3 =	vadd.s32 v0, v59  }
0x1d0: {  	[tilespmem:$0x1B7A0] =	vst v3;
	v3 =	vadd.s32 v0, v60  }
0x1d1: {  	[tilespmem:$0x1B7B0] =	vst v3;
	v3 =	vadd.s32 v0, v61  }
0x1d2: {  	[tilespmem:$0x1B7C0] =	vst v3;
	v3 =	vadd.s32 v0, v62  }
0x1d3: {  	[tilespmem:$0x1B7D0] =	vst v3;
	v3 =	vadd.s32 v0, v63  }
0x1d4: {  	s18 =	sadd.s32 $0x200, s11;
	[tilespmem:$0x1B7E0] =	vst v3  }
0x1d5: {  	[tilespmem:s13], [sflag:$0x1] =	stream.indirect.gather [hbm4b:s31+s25], $0x10, s22, s25, $0xb8;
	[tilespmem:$0x1F2F0] =	vst v63  }
0x1d6: {  	s15 =	simm.s32 $0x1BAF0;
	s6 =	simm.s32 $0x1D2F0;
	s31 =	simm.s32 $0x1BAF0  }
0x1d7: {  	[tilespmem:s31], [sflag:$0x9] =	stream.linear.gather [hbm4b:s18+s7], $0x200, $0x38;
	[tilespmem:$0x1F2F0] =	vst v63  }
.LBB2_15:
.Ltmp7:
0x1d8: {  	s1 =	simm.s32 $0x3;
	(pc) =	sbr.rel @p0 .LBB2_17-.Ltmp7, $4  }
0x1d9: {  	_ =	swait.ge [sflag:s1], $0x1000  }
0x1da: {  	s31 =	simm.s32 $0x1C1F0;
	[sflag:s1] =	ssyncset.done $0x0  }
0x1db: {  	s8 =	simm.s32 $0x1BCF0;
	[sflag:s1] =	ssyncadd.s32 $0xFFFFF000;
	s1 =	rddreg [dreg:$0x10]  }
0x1dc: {  	[spmem:s3] =	stream.indirect.scatter.add.f32 [tilespmem:s12], [sflag:$0x6], $0x10, s31, s25, $0xb8;
	[tilespmem:$0x1F2F0] =	vst v63  }
0x1dd: {  	_ =	swait.ge [sflag:s2], $0x1000  }
0x1de: {  	[sflag:s2] =	ssyncset.done $0x0  }
0x1df: {  	[sflag:s2] =	ssyncadd.s32 $0xFFFFF000  }
0x1e0: {  	_ =	swait.ge [sflag:s29], $0x200  }
0x1e1: {  	[sflag:s29] =	ssyncset.done $0x0  }
0x1e2: {  	[sflag:s29] =	ssyncadd.s32 $0xFFFFFE00  }
0x1e3: {  	v3 =	vld [tilespmem:$0x1B8F0]  }
0x1e4: {  	v4 =	vld [tilespmem:$0x1B900]  }
0x1e5: {  	v5 =	vld [tilespmem:$0x1B910]  }
0x1e6: {  	v6 =	vld [tilespmem:$0x1B920]  }
0x1e7: {  	v7 =	vld [tilespmem:$0x1B930]  }
0x1e8: {  	v8 =	vld [tilespmem:$0x1B940];
	v3 =	vadd.s32 v0, v3  }
0x1e9: {  	v54 =	vld [tilespmem:$0x1B950];
	[tilespmem:$0x1B8F0] =	vst v3;
	v3 =	vadd.s32 v0, v4  }
0x1ea: {  	v55 =	vld [tilespmem:$0x1B960];
	[tilespmem:$0x1B900] =	vst v3;
	v3 =	vadd.s32 v0, v5  }
0x1eb: {  	v56 =	vld [tilespmem:$0x1B970];
	[tilespmem:$0x1B910] =	vst v3;
	v3 =	vadd.s32 v0, v6  }
0x1ec: {  	v57 =	vld [tilespmem:$0x1B980];
	[tilespmem:$0x1B920] =	vst v3;
	v3 =	vadd.s32 v0, v7  }
0x1ed: {  	v58 =	vld [tilespmem:$0x1B990];
	[tilespmem:$0x1B930] =	vst v3;
	v3 =	vadd.s32 v0, v8  }
0x1ee: {  	v59 =	vld [tilespmem:$0x1B9A0];
	[tilespmem:$0x1B940] =	vst v3;
	v3 =	vadd.s32 v0, v54  }
0x1ef: {  	v60 =	vld [tilespmem:$0x1B9B0];
	[tilespmem:$0x1B950] =	vst v3;
	v3 =	vadd.s32 v0, v55  }
0x1f0: {  	v61 =	vld [tilespmem:$0x1B9C0];
	[tilespmem:$0x1B960] =	vst v3;
	v3 =	vadd.s32 v0, v56  }
0x1f1: {  	v62 =	vld [tilespmem:$0x1B9D0];
	[tilespmem:$0x1B970] =	vst v3;
	v3 =	vadd.s32 v0, v57  }
0x1f2: {  	v63 =	vld [tilespmem:$0x1B9E0];
	[tilespmem:$0x1B980] =	vst v3;
	v3 =	vadd.s32 v0, v58  }
0x1f3: {  	[tilespmem:$0x1B990] =	vst v3;
	v3 =	vadd.s32 v0, v59  }
0x1f4: {  	[tilespmem:$0x1B9A0] =	vst v3;
	v3 =	vadd.s32 v0, v60  }
0x1f5: {  	[tilespmem:$0x1B9B0] =	vst v3;
	v3 =	vadd.s32 v0, v61  }
0x1f6: {  	[tilespmem:$0x1B9C0] =	vst v3;
	v3 =	vadd.s32 v0, v62  }
.Ltmp8:
0x1f7: {  	[tilespmem:$0x1B9D0] =	vst v3;
	v3 =	vadd.s32 v0, v63;
	(pc) =	sbr.rel .LBB2_12-.Ltmp8, $4  }
0x1f8: {  	s16 =	simm.s32 $0x1D2F0;
	s2 =	rddreg [dreg:$0x4];
	[tilespmem:$0x1B9E0] =	vst v3  }
0x1f9: {  	[tilespmem:s6], [sflag:$0x2] =	stream.indirect.gather [hbm4b:s2+s25], $0x10, s23, s25, $0xb8;
	[tilespmem:$0x1F2F0] =	vst v63  }
0x1fa: {  	s31 =	sadd.s32 $0x240, s11;
	s9 =	sadd.s32 $0x180, s9;
	s5 =	simm.s32 $0x5  }
0x1fb: {  	[tilespmem:s8], [sflag:$0xA] =	stream.linear.gather [hbm4b:s31+s7], $0x200, $0x38;
	[tilespmem:$0x1F2F0] =	vst v63  }
.LBB2_17:
0x1fc: {  	_ =	swait.ge [sflag:s14], $0x1000  }
0x1fd: {  	[sflag:s14] =	ssyncset.done $0x0  }
0x1fe: {  	[sflag:s14] =	ssyncadd.s32 $0xFFFFF000  }
0x1ff: {  	_ =	swait.ge [sflag:s2], $0x1000  }
0x200: {  	[sflag:s2] =	ssyncset.done $0x0  }
0x201: {  	s0 =	simm.s32 $0x6;
	[sflag:s2] =	ssyncadd.s32 $0xFFFFF000  }
0x202: {  	_ =	swait.ge [sflag:s0], $0x1000  }
0x203: {  	[sflag:s0] =	ssyncset.done $0x0  }
0x204: {  	[sflag:s0] =	ssyncadd.s32 $0xFFFFF000  }
0x205: {  	s6 =	simm.s32 $0x0;
	[bflag:$0x0] =	sbarrier.arrive $0xFFFF  }
0x206: {  	s9 =	simm.s32 $0x0;
	s0 =	simm.s32 $0x1AFF0;
	s2 =	rddreg [dreg:$0x4]  }
.LBB2_18:
0x207: {  	s8 =	smul.u32 $0x70, s9;
	_ =	sdelay $0x1  }
0x208: {  	s8 =	sadd.s32 s1, s8  }
0x209: {  	s11 =	sshll.u32 s8, $0x4  }
0x20a: {  	s11 =	sand.u32 $0x3FFFFFF0, s11  }
0x20b: {  	s13 =	simm.s32 $0x1A880;
	s11 =	sadd.s32 s11, s3  }
0x20c: {  	[tilespmem:s13], [sflag:$0xD] =	stream.linear.gather [spmem:s11], $0x700, $0x38;
	[tilespmem:$0x1F2F0] =	vst v63  }
0x20d: {  	_ =	swait.ge [sflag:s20], $0x700  }
0x20e: {  	[sflag:s20] =	ssyncset.done $0x0  }
0x20f: {  	[sflag:s20] =	ssyncadd.s32 $0xFFFFF900  }
0x210: {  	[spmem:s11] =	stream.linear.scatter [tilespmem:s19], [sflag:$0xD], $0x700, $0x38;
	[tilespmem:$0x1F2F0] =	vst v63  }
0x211: {  	_ =	swait.ge [sflag:s20], $0x700  }
0x212: {  	[sflag:s20] =	ssyncset.done $0x0  }
0x213: {  	s5 =	sadd.s32 s8, s4;
	[sflag:s20] =	ssyncadd.s32 $0xFFFFF900  }
0x214: {  	[tilespmem:s21], [sflag:$0xD] =	stream.linear.gather [spmem:s5], $0x70, $0x38;
	[tilespmem:$0x1F2F0] =	vst v63  }
0x215: {  	_ =	swait.ge [sflag:s20], $0x70  }
0x216: {  	s14 =	rddreg [dreg:$0x7];
	[sflag:s20] =	ssyncset.done $0x0  }
0x217: {  	s8 =	sadd.s32 s14, s8;
	[sflag:s20] =	ssyncadd.s32 $0xFFFFFF90  }
0x218: {  	s11 =	sshll.u32 s8, $0x1;
	s15 =	rddreg [dreg:$0x0]  }
0x219: {  	v3 =	vmov s6;
	s8 =	simm.s32 $0x1AFF0;
	s15 =	sadd.s32 s15, s11  }
0x21a: {  	[tilespmem:s8], [sflag:$0xD] =	stream.linear.gather [hbm4b:s15+s6], $0x700, $0x38;
	[tilespmem:$0x1F2F0] =	vst v63  }
0x21b: {  	_ =	swait.ge [sflag:s20], $0x700  }
0x21c: {  	[sflag:s20] =	ssyncset.done $0x0  }
0x21d: {  	[sflag:s20] =	ssyncadd.s32 $0xFFFFF900  }
0x21e: {  	v4 =	vld.idx.msk [tilespmem:v3+s21+$0x0], $0xffff  }
0x21f: {  	v3 =	vld [tilespmem:s13+$0x0];
	_ =	sdelay $0x1  }
0x220: {  	v5 =	vld [tilespmem:s8+$0x0];
	_ =	sdelay $0x2  }
0x221: {  	s18 =	simm.s32 $0x1;
	v6 =	vmul.f32 v3, v4  }
0x222: {  	v3 =	vmov s18  }
0x223: {  	s16 =	smov.u32 s1;
	s31 =	simm.s32 $0x2;
	v5 =	vadd.f32 v6, v5;
	v4 =	vmul.f32 v6, v4  }
.LBB2_19:
0x224: {  	p0 =	sne.s32 s31, $0x6F  }
0x225: {  	[tilespmem:s8+$0x0] =	vst v5  }
0x226: {  	[tilespmem:s13+$0x0] =	vst v4  }
0x227: {  	s13 =	sadd.s32 $0x10, s13;
	v4 =	vld.idx.msk [tilespmem:v3+s21+$0x0], $0xffff  }
0x228: {  	v3 =	vld [tilespmem:s13+$0x0]  }
0x229: {  	s8 =	sadd.s32 $0x10, s8  }
0x22a: {  	v5 =	vld [tilespmem:s8+$0x0]  }
.Ltmp9:
0x22b: {  	(pc) =	sbr.rel @p0 .LBB2_19-.Ltmp9, $4  }
0x22c: {  	_ = 	snop  }
0x22d: {  	v6 =	vmul.f32 v3, v4  }
0x22e: {  	v3 =	vmov s31  }
0x22f: {  	s31 =	sadd.s32 $0x1, s31;
	v5 =	vadd.f32 v6, v5;
	v4 =	vmul.f32 v6, v4  }
0x230: {  	_ =	sdelay $0x1  }
0x231: {  	[tilespmem:s8+$0x0] =	vst v5  }
0x232: {  	[tilespmem:s13+$0x0] =	vst v4  }
0x233: {  	s5 =	sadd.s32 $0x10, s13;
	v3 =	vld.idx.msk [tilespmem:v3+s21+$0x0], $0xffff  }
0x234: {  	v4 =	vld [tilespmem:s5+$0x0]  }
0x235: {  	s14 =	sadd.s32 $0x10, s8  }
0x236: {  	v5 =	vld [tilespmem:s14+$0x0];
	_ =	sdelay $0x2  }
0x237: {  	v4 =	vmul.f32 v4, v3;
	_ =	sdelay $0x1  }
0x238: {  	v5 =	vadd.f32 v4, v5  }
0x239: {  	v3 =	vmul.f32 v4, v3  }
0x23a: {  	s15 =	rddreg [dreg:$0x5];
	[tilespmem:s14+$0x0] =	vst v5  }
0x23b: {  	s8 =	sadd.s32 s11, s15;
	[tilespmem:s5+$0x0] =	vst v3  }
0x23c: {  	[hbm4b:s8+s7] =	stream.linear.scatter [tilespmem:s0], [sflag:$0xD], $0x700, $0x38;
	[tilespmem:$0x1F2F0] =	vst v63  }
0x23d: {  	s9 =	sadd.s32 $0x1, s9;
	_ =	swait.ge [sflag:s20], $0x700  }
0x23e: {  	s18 =	sadd.s32 s2, s11;
	p0 =	sne.s32 s9, $0x38;
	[sflag:s20] =	ssyncset.done $0x0  }
.Ltmp10:
0x23f: {  	s31 =	simm.s32 $0x1A880;
	[sflag:s20] =	ssyncadd.s32 $0xFFFFF900;
	(pc) =	sbr.rel @p0 .LBB2_18-.Ltmp10, $4  }
0x240: {  	[hbm4b:s18+s7] =	stream.linear.scatter [tilespmem:s31], [sflag:$0xD], $0x700, $0x38;
	[tilespmem:$0x1F2F0] =	vst v63  }
0x241: {  	_ =	swait.ge [sflag:s20], $0x700  }
0x242: {  	[sflag:s20] =	ssyncset.done $0x0  }
0x243: {  	s1 =	smov.u32 s16;
	[sflag:s20] =	ssyncadd.s32 $0xFFFFF900  }
0x244: {  	[bflag:$0x0] =	sbarrier.arrive $0xFFFF;
	s9 =	simm.s32 $0x0  }
0x245: {  	[tilespmem:s22], [sflag:$0x7] =	stream.linear.gather [hbm4b:s10+s9], $0x200, $0x38;
	[tilespmem:$0x1F2F0] =	vst v63  }
0x246: {  	s6 =	rddreg [dreg:$0x8]  }
0x247: {  	[tilespmem:s23], [sflag:$0x8] =	stream.linear.gather [hbm4b:s6+s9], $0x200, $0x38;
	[tilespmem:$0x1F2F0] =	vst v63  }
0x248: {  	s18 =	simm.s32 $0x1BAF0;
	s14 =	rddreg [dreg:$0x9]  }
0x249: {  	[tilespmem:s18], [sflag:$0x9] =	stream.linear.gather [hbm4b:s14+s9], $0x200, $0x38;
	[tilespmem:$0x1F2F0] =	vst v63  }
0x24a: {  	s8 =	simm.s32 $0x1BCF0;
	s15 =	rddreg [dreg:$0xa]  }
0x24b: {  	[tilespmem:s8], [sflag:$0xA] =	stream.linear.gather [hbm4b:s15+s9], $0x200, $0x38;
	[tilespmem:$0x1F2F0] =	vst v63  }
0x24c: {  	_ =	swait.ge [sflag:s24], $0x200  }
0x24d: {  	[sflag:s24] =	ssyncset.done $0x0  }
0x24e: {  	[sflag:s24] =	ssyncadd.s32 $0xFFFFFE00  }
0x24f: {  	v3 =	vld [tilespmem:$0x1B6F0]  }
0x250: {  	v4 =	vld [tilespmem:$0x1B700]  }
0x251: {  	v5 =	vld [tilespmem:$0x1B710]  }
0x252: {  	v6 =	vld [tilespmem:$0x1B720]  }
0x253: {  	v7 =	vld [tilespmem:$0x1B730]  }
0x254: {  	v8 =	vld [tilespmem:$0x1B740];
	v3 =	vadd.s32 v0, v3  }
0x255: {  	v39 =	vld [tilespmem:$0x1B750];
	[tilespmem:$0x1B6F0] =	vst v3;
	v3 =	vadd.s32 v0, v4  }
0x256: {  	v40 =	vld [tilespmem:$0x1B760];
	[tilespmem:$0x1B700] =	vst v3;
	v3 =	vadd.s32 v0, v5  }
0x257: {  	v41 =	vld [tilespmem:$0x1B770];
	[tilespmem:$0x1B710] =	vst v3;
	v3 =	vadd.s32 v0, v6  }
0x258: {  	v42 =	vld [tilespmem:$0x1B780];
	[tilespmem:$0x1B720] =	vst v3;
	v3 =	vadd.s32 v0, v7  }
0x259: {  	v43 =	vld [tilespmem:$0x1B790];
	[tilespmem:$0x1B730] =	vst v3;
	v3 =	vadd.s32 v0, v8  }
0x25a: {  	v44 =	vld [tilespmem:$0x1B7A0];
	[tilespmem:$0x1B740] =	vst v3;
	v3 =	vadd.s32 v0, v39  }
0x25b: {  	v45 =	vld [tilespmem:$0x1B7B0];
	[tilespmem:$0x1B750] =	vst v3;
	v3 =	vadd.s32 v0, v40  }
0x25c: {  	v46 =	vld [tilespmem:$0x1B7C0];
	[tilespmem:$0x1B760] =	vst v3;
	v3 =	vadd.s32 v0, v41  }
0x25d: {  	v47 =	vld [tilespmem:$0x1B7D0];
	[tilespmem:$0x1B770] =	vst v3;
	v3 =	vadd.s32 v0, v42  }
0x25e: {  	v48 =	vld [tilespmem:$0x1B7E0];
	[tilespmem:$0x1B780] =	vst v3;
	v3 =	vadd.s32 v0, v43  }
0x25f: {  	[tilespmem:$0x1B790] =	vst v3;
	v3 =	vadd.s32 v0, v44  }
0x260: {  	[tilespmem:$0x1B7A0] =	vst v3;
	v3 =	vadd.s32 v0, v45  }
0x261: {  	[tilespmem:$0x1B7B0] =	vst v3;
	v3 =	vadd.s32 v0, v46  }
0x262: {  	[tilespmem:$0x1B7C0] =	vst v3;
	v3 =	vadd.s32 v0, v47  }
0x263: {  	[tilespmem:$0x1B7D0] =	vst v3;
	v3 =	vadd.s32 v0, v48  }
0x264: {  	s13 =	simm.s32 $0x1C2F0;
	[tilespmem:$0x1B7E0] =	vst v3  }
0x265: {  	[tilespmem:s13], [sflag:$0x1] =	stream.indirect.gather [hbm4b:s2+s25], $0x10, s22, s25, $0xb8;
	[tilespmem:$0x1F2F0] =	vst v63  }
0x266: {  	_ =	swait.ge [sflag:s29], $0x200  }
0x267: {  	[sflag:s29] =	ssyncset.done $0x0  }
0x268: {  	[sflag:s29] =	ssyncadd.s32 $0xFFFFFE00  }
0x269: {  	v3 =	vld [tilespmem:$0x1B8F0]  }
0x26a: {  	v49 =	vld [tilespmem:$0x1B900]  }
0x26b: {  	v50 =	vld [tilespmem:$0x1B910]  }
0x26c: {  	v51 =	vld [tilespmem:$0x1B920]  }
0x26d: {  	v52 =	vld [tilespmem:$0x1B930]  }
0x26e: {  	v53 =	vld [tilespmem:$0x1B940];
	v3 =	vadd.s32 v0, v3  }
0x26f: {  	v54 =	vld [tilespmem:$0x1B950];
	[tilespmem:$0x1B8F0] =	vst v3;
	v3 =	vadd.s32 v0, v49  }
0x270: {  	v55 =	vld [tilespmem:$0x1B960];
	[tilespmem:$0x1B900] =	vst v3;
	v3 =	vadd.s32 v0, v50  }
0x271: {  	v56 =	vld [tilespmem:$0x1B970];
	[tilespmem:$0x1B910] =	vst v3;
	v3 =	vadd.s32 v0, v51  }
0x272: {  	v57 =	vld [tilespmem:$0x1B980];
	[tilespmem:$0x1B920] =	vst v3;
	v3 =	vadd.s32 v0, v52  }
0x273: {  	v58 =	vld [tilespmem:$0x1B990];
	[tilespmem:$0x1B930] =	vst v3;
	v3 =	vadd.s32 v0, v53  }
0x274: {  	v59 =	vld [tilespmem:$0x1B9A0];
	[tilespmem:$0x1B940] =	vst v3;
	v3 =	vadd.s32 v0, v54  }
0x275: {  	v60 =	vld [tilespmem:$0x1B9B0];
	[tilespmem:$0x1B950] =	vst v3;
	v3 =	vadd.s32 v0, v55  }
0x276: {  	v61 =	vld [tilespmem:$0x1B9C0];
	[tilespmem:$0x1B960] =	vst v3;
	v3 =	vadd.s32 v0, v56  }
0x277: {  	v62 =	vld [tilespmem:$0x1B9D0];
	[tilespmem:$0x1B970] =	vst v3;
	v3 =	vadd.s32 v0, v57  }
0x278: {  	v63 =	vld [tilespmem:$0x1B9E0];
	[tilespmem:$0x1B980] =	vst v3;
	v3 =	vadd.s32 v0, v58  }
0x279: {  	[tilespmem:$0x1B990] =	vst v3;
	v3 =	vadd.s32 v0, v59  }
0x27a: {  	[tilespmem:$0x1B9A0] =	vst v3;
	v3 =	vadd.s32 v0, v60  }
0x27b: {  	[tilespmem:$0x1B9B0] =	vst v3;
	v3 =	vadd.s32 v0, v61  }
0x27c: {  	[tilespmem:$0x1B9C0] =	vst v3;
	v3 =	vadd.s32 v0, v62  }
0x27d: {  	[tilespmem:$0x1B9D0] =	vst v3;
	v3 =	vadd.s32 v0, v63  }
0x27e: {  	s5 =	simm.s32 $0x5;
	s31 =	simm.s32 $0xB;
	s15 =	simm.s32 $0x1D2F0;
	[tilespmem:$0x1B9E0] =	vst v3  }
0x27f: {  	[tilespmem:s15], [sflag:$0x2] =	stream.indirect.gather [hbm4b:s2+s25], $0x10, s23, s25, $0xb8;
	[tilespmem:$0x1F2F0] =	vst v63  }
.LBB2_22:
0x280: {  	s0 =	simm.s32 $0x1  }
0x281: {  	_ =	swait.ge [sflag:s0], $0x1000  }
0x282: {  	p0 =	seq.s32 s9, $0x0;
	[sflag:s0] =	ssyncset.done $0x0  }
0x283: {  	s6 =	simm.s32 @!p0 $0x6;
	[sflag:s0] =	ssyncadd.s32 $0xFFFFF000  }
0x284: {  	[spmem:s3] =	stream.indirect.scatter.add.f32 [tilespmem:s13], [sflag:$0x4], $0x10, s26, s25, $0xb8;
	[tilespmem:$0x1F2F0] =	vst v63  }
0x285: {  	_ =	swait.ge @!p0 [sflag:s6], $0x1000  }
0x286: {  	[sflag:s6] =	ssyncset.done @!p0 $0x0  }
0x287: {  	s14 =	simm.s32 $0x9;
	[sflag:s6] =	ssyncadd.s32 @!p0 $0xFFFFF000  }
0x288: {  	_ =	swait.ge [sflag:s14], $0x200  }
0x289: {  	[sflag:s14] =	ssyncset.done $0x0  }
0x28a: {  	[sflag:s14] =	ssyncadd.s32 $0xFFFFFE00  }
0x28b: {  	v3 =	vld [tilespmem:$0x1BAF0]  }
0x28c: {  	v4 =	vld [tilespmem:$0x1BB00]  }
0x28d: {  	v5 =	vld [tilespmem:$0x1BB10]  }
0x28e: {  	v6 =	vld [tilespmem:$0x1BB20]  }
0x28f: {  	v7 =	vld [tilespmem:$0x1BB30]  }
0x290: {  	v8 =	vld [tilespmem:$0x1BB40];
	v3 =	vadd.s32 v0, v3  }
0x291: {  	v61 =	vld [tilespmem:$0x1BB50];
	[tilespmem:$0x1BAF0] =	vst v3;
	v3 =	vadd.s32 v0, v4  }
0x292: {  	v62 =	vld [tilespmem:$0x1BB60];
	[tilespmem:$0x1BB00] =	vst v3;
	v3 =	vadd.s32 v0, v5  }
0x293: {  	v63 =	vld [tilespmem:$0x1BB70];
	[tilespmem:$0x1BB10] =	vst v3;
	v3 =	vadd.s32 v0, v6  }
0x294: {  	v12 =	vld [tilespmem:$0x1BB80];
	[tilespmem:$0x1BB20] =	vst v3;
	v3 =	vadd.s32 v0, v7  }
0x295: {  	v13 =	vld [tilespmem:$0x1BB90];
	[tilespmem:$0x1BB30] =	vst v3;
	v3 =	vadd.s32 v0, v8  }
0x296: {  	v14 =	vld [tilespmem:$0x1BBA0];
	[tilespmem:$0x1BB40] =	vst v3;
	v3 =	vadd.s32 v0, v61  }
0x297: {  	v15 =	vld [tilespmem:$0x1BBB0];
	[tilespmem:$0x1BB50] =	vst v3;
	v3 =	vadd.s32 v0, v62  }
0x298: {  	v16 =	vld [tilespmem:$0x1BBC0];
	[tilespmem:$0x1BB60] =	vst v3;
	v3 =	vadd.s32 v0, v63  }
0x299: {  	v17 =	vld [tilespmem:$0x1BBD0];
	[tilespmem:$0x1BB70] =	vst v3;
	v3 =	vadd.s32 v0, v12  }
0x29a: {  	v18 =	vld [tilespmem:$0x1BBE0];
	[tilespmem:$0x1BB80] =	vst v3;
	v3 =	vadd.s32 v0, v13  }
0x29b: {  	[tilespmem:$0x1BB90] =	vst v3;
	v3 =	vadd.s32 v0, v14  }
0x29c: {  	[tilespmem:$0x1BBA0] =	vst v3;
	v3 =	vadd.s32 v0, v15  }
0x29d: {  	[tilespmem:$0x1BBB0] =	vst v3;
	v3 =	vadd.s32 v0, v16  }
0x29e: {  	[tilespmem:$0x1BBC0] =	vst v3;
	v3 =	vadd.s32 v0, v17  }
0x29f: {  	[tilespmem:$0x1BBD0] =	vst v3;
	v3 =	vadd.s32 v0, v18  }
0x2a0: {  	s11 =	sadd.s32 s9, s10;
	[tilespmem:$0x1BBE0] =	vst v3  }
0x2a1: {  	[tilespmem:s12], [sflag:$0x3] =	stream.indirect.gather [hbm4b:s2+s25], $0x10, s18, s25, $0xb8;
	[tilespmem:$0x1F2F0] =	vst v63  }
0x2a2: {  	s1 =	sadd.s32 $0x100, s11;
	s12 =	simm.s32 $0x1BEF0  }
0x2a3: {  	[tilespmem:s12], [sflag:$0xB] =	stream.linear.gather [hbm4b:s1+s7], $0x200, $0x38;
	[tilespmem:$0x1F2F0] =	vst v63  }
0x2a4: {  	s1 =	simm.s32 $0x2  }
0x2a5: {  	_ =	swait.ge [sflag:s1], $0x1000  }
0x2a6: {  	[sflag:s1] =	ssyncset.done $0x0  }
0x2a7: {  	s18 =	simm.s32 $0x4;
	[sflag:s1] =	ssyncadd.s32 $0xFFFFF000  }
0x2a8: {  	[spmem:s3] =	stream.indirect.scatter.add.f32 [tilespmem:s15], [sflag:$0x5], $0x10, s30, s25, $0xb8;
	[tilespmem:$0x1F2F0] =	vst v63  }
0x2a9: {  	_ =	swait.ge [sflag:s18], $0x1000  }
0x2aa: {  	[sflag:s18] =	ssyncset.done $0x0  }
0x2ab: {  	s6 =	simm.s32 $0xA;
	[sflag:s18] =	ssyncadd.s32 $0xFFFFF000  }
0x2ac: {  	_ =	swait.ge [sflag:s6], $0x200  }
0x2ad: {  	[sflag:s6] =	ssyncset.done $0x0  }
0x2ae: {  	[sflag:s6] =	ssyncadd.s32 $0xFFFFFE00  }
0x2af: {  	v3 =	vld [tilespmem:$0x1BCF0]  }
0x2b0: {  	v19 =	vld [tilespmem:$0x1BD00]  }
0x2b1: {  	v20 =	vld [tilespmem:$0x1BD10]  }
0x2b2: {  	v21 =	vld [tilespmem:$0x1BD20]  }
0x2b3: {  	v22 =	vld [tilespmem:$0x1BD30]  }
0x2b4: {  	v23 =	vld [tilespmem:$0x1BD40];
	v3 =	vadd.s32 v0, v3  }
0x2b5: {  	v24 =	vld [tilespmem:$0x1BD50];
	[tilespmem:$0x1BCF0] =	vst v3;
	v3 =	vadd.s32 v0, v19  }
0x2b6: {  	v25 =	vld [tilespmem:$0x1BD60];
	[tilespmem:$0x1BD00] =	vst v3;
	v3 =	vadd.s32 v0, v20  }
0x2b7: {  	v26 =	vld [tilespmem:$0x1BD70];
	[tilespmem:$0x1BD10] =	vst v3;
	v3 =	vadd.s32 v0, v21  }
0x2b8: {  	v27 =	vld [tilespmem:$0x1BD80];
	[tilespmem:$0x1BD20] =	vst v3;
	v3 =	vadd.s32 v0, v22  }
0x2b9: {  	v28 =	vld [tilespmem:$0x1BD90];
	[tilespmem:$0x1BD30] =	vst v3;
	v3 =	vadd.s32 v0, v23  }
0x2ba: {  	v29 =	vld [tilespmem:$0x1BDA0];
	[tilespmem:$0x1BD40] =	vst v3;
	v3 =	vadd.s32 v0, v24  }
0x2bb: {  	v30 =	vld [tilespmem:$0x1BDB0];
	[tilespmem:$0x1BD50] =	vst v3;
	v3 =	vadd.s32 v0, v25  }
0x2bc: {  	v31 =	vld [tilespmem:$0x1BDC0];
	[tilespmem:$0x1BD60] =	vst v3;
	v3 =	vadd.s32 v0, v26  }
0x2bd: {  	v32 =	vld [tilespmem:$0x1BDD0];
	[tilespmem:$0x1BD70] =	vst v3;
	v3 =	vadd.s32 v0, v27  }
0x2be: {  	v33 =	vld [tilespmem:$0x1BDE0];
	[tilespmem:$0x1BD80] =	vst v3;
	v3 =	vadd.s32 v0, v28  }
0x2bf: {  	[tilespmem:$0x1BD90] =	vst v3;
	v3 =	vadd.s32 v0, v29  }
0x2c0: {  	[tilespmem:$0x1BDA0] =	vst v3;
	v3 =	vadd.s32 v0, v30  }
0x2c1: {  	[tilespmem:$0x1BDB0] =	vst v3;
	v3 =	vadd.s32 v0, v31  }
0x2c2: {  	[tilespmem:$0x1BDC0] =	vst v3;
	v3 =	vadd.s32 v0, v32  }
0x2c3: {  	[tilespmem:$0x1BDD0] =	vst v3;
	v3 =	vadd.s32 v0, v33  }
0x2c4: {  	[tilespmem:$0x1BDE0] =	vst v3  }
0x2c5: {  	[tilespmem:s13], [sflag:$0x1] =	stream.indirect.gather [hbm4b:s2+s25], $0x10, s8, s25, $0xb8;
	[tilespmem:$0x1F2F0] =	vst v63  }
0x2c6: {  	s13 =	sadd.s32 $0x140, s11;
	s2 =	simm.s32 $0x1C0F0;
	s8 =	simm.s32 $0x3  }
0x2c7: {  	[tilespmem:s2], [sflag:$0xC] =	stream.linear.gather [hbm4b:s13+s7], $0x200, $0x38;
	[tilespmem:$0x1F2F0] =	vst v63  }
0x2c8: {  	_ =	swait.ge [sflag:s8], $0x1000  }
0x2c9: {  	[sflag:s8] =	ssyncset.done $0x0  }
0x2ca: {  	s14 =	simm.s32 $0x1E2F0;
	s13 =	simm.s32 $0x1BBF0;
	[sflag:s8] =	ssyncadd.s32 $0xFFFFF000  }
0x2cb: {  	[spmem:s3] =	stream.indirect.scatter.add.f32 [tilespmem:s14], [sflag:$0x6], $0x10, s13, s25, $0xb8;
	[tilespmem:$0x1F2F0] =	vst v63  }
0x2cc: {  	_ =	swait.ge [sflag:s5], $0x1000  }
0x2cd: {  	[sflag:s5] =	ssyncset.done $0x0  }
0x2ce: {  	[sflag:s5] =	ssyncadd.s32 $0xFFFFF000  }
0x2cf: {  	_ =	swait.ge [sflag:s31], $0x200  }
0x2d0: {  	[sflag:s31] =	ssyncset.done $0x0  }
0x2d1: {  	[sflag:s31] =	ssyncadd.s32 $0xFFFFFE00  }
0x2d2: {  	v3 =	vld [tilespmem:$0x1BEF0]  }
0x2d3: {  	v34 =	vld [tilespmem:$0x1BF00]  }
0x2d4: {  	v35 =	vld [tilespmem:$0x1BF10]  }
0x2d5: {  	v36 =	vld [tilespmem:$0x1BF20]  }
0x2d6: {  	v37 =	vld [tilespmem:$0x1BF30]  }
0x2d7: {  	v38 =	vld [tilespmem:$0x1BF40];
	v3 =	vadd.s32 v0, v3  }
0x2d8: {  	v39 =	vld [tilespmem:$0x1BF50];
	[tilespmem:$0x1BEF0] =	vst v3;
	v3 =	vadd.s32 v0, v34  }
0x2d9: {  	v40 =	vld [tilespmem:$0x1BF60];
	[tilespmem:$0x1BF00] =	vst v3;
	v3 =	vadd.s32 v0, v35  }
0x2da: {  	v41 =	vld [tilespmem:$0x1BF70];
	[tilespmem:$0x1BF10] =	vst v3;
	v3 =	vadd.s32 v0, v36  }
0x2db: {  	v42 =	vld [tilespmem:$0x1BF80];
	[tilespmem:$0x1BF20] =	vst v3;
	v3 =	vadd.s32 v0, v37  }
0x2dc: {  	v43 =	vld [tilespmem:$0x1BF90];
	[tilespmem:$0x1BF30] =	vst v3;
	v3 =	vadd.s32 v0, v38  }
0x2dd: {  	v44 =	vld [tilespmem:$0x1BFA0];
	[tilespmem:$0x1BF40] =	vst v3;
	v3 =	vadd.s32 v0, v39  }
0x2de: {  	v45 =	vld [tilespmem:$0x1BFB0];
	[tilespmem:$0x1BF50] =	vst v3;
	v3 =	vadd.s32 v0, v40  }
0x2df: {  	v46 =	vld [tilespmem:$0x1BFC0];
	[tilespmem:$0x1BF60] =	vst v3;
	v3 =	vadd.s32 v0, v41  }
0x2e0: {  	v47 =	vld [tilespmem:$0x1BFD0];
	[tilespmem:$0x1BF70] =	vst v3;
	v3 =	vadd.s32 v0, v42  }
0x2e1: {  	v48 =	vld [tilespmem:$0x1BFE0];
	[tilespmem:$0x1BF80] =	vst v3;
	v3 =	vadd.s32 v0, v43  }
0x2e2: {  	[tilespmem:$0x1BF90] =	vst v3;
	v3 =	vadd.s32 v0, v44  }
0x2e3: {  	[tilespmem:$0x1BFA0] =	vst v3;
	v3 =	vadd.s32 v0, v45  }
0x2e4: {  	[tilespmem:$0x1BFB0] =	vst v3;
	v3 =	vadd.s32 v0, v46  }
0x2e5: {  	[tilespmem:$0x1BFC0] =	vst v3;
	v3 =	vadd.s32 v0, v47  }
0x2e6: {  	p0 =	seq.s32 s9, $0x6180;
	[tilespmem:$0x1BFD0] =	vst v3;
	v3 =	vadd.s32 v0, v48  }
0x2e7: {  	s6 =	sadd.s32 @!p0 s9, s10;
	s5 =	rddreg [dreg:$0x4];
	[tilespmem:$0x1BFE0] =	vst v3  }
0x2e8: {  	[tilespmem:s15], [sflag:$0x2] =	stream.indirect.gather [hbm4b:s5+s25], $0x10, s12, s25, $0xb8;
	[tilespmem:$0x1F2F0] =	vst v63  }
0x2e9: {  	s6 =	sadd.s32 @!p0 $0x180, s6;
	s8 =	simm.s32 @!p0 $0x0;
	s13 =	simm.s32 @!p0 $0x1B6F0  }
0x2ea: {  	[tilespmem:s13], [sflag:$0x7] =	stream.linear.gather @!p0 [hbm4b:s6+s8], $0x200, $0x38;
	[tilespmem:$0x1F2F0] =	vst v63  }
0x2eb: {  	s3 =	rddreg [dreg:$0x2];
	_ =	swait.ge [sflag:s0], $0x1000  }
0x2ec: {  	s13 =	simm.s32 $0x1C2F0;
	[sflag:s0] =	ssyncset.done $0x0  }
0x2ed: {  	s6 =	simm.s32 $0x1BDF0;
	s8 =	simm.s32 $0x6;
	[sflag:s0] =	ssyncadd.s32 $0xFFFFF000  }
0x2ee: {  	[spmem:s3] =	stream.indirect.scatter.add.f32 [tilespmem:s13], [sflag:$0x4], $0x10, s6, s25, $0xb8;
	[tilespmem:$0x1F2F0] =	vst v63  }
0x2ef: {  	_ =	swait.ge [sflag:s8], $0x1000  }
0x2f0: {  	[sflag:s8] =	ssyncset.done $0x0  }
0x2f1: {  	s14 =	simm.s32 $0xC;
	[sflag:s8] =	ssyncadd.s32 $0xFFFFF000  }
0x2f2: {  	_ =	swait.ge [sflag:s14], $0x200  }
0x2f3: {  	[sflag:s14] =	ssyncset.done $0x0  }
0x2f4: {  	[sflag:s14] =	ssyncadd.s32 $0xFFFFFE00  }
0x2f5: {  	v3 =	vld [tilespmem:$0x1C0F0]  }
0x2f6: {  	v49 =	vld [tilespmem:$0x1C100]  }
0x2f7: {  	v50 =	vld [tilespmem:$0x1C110]  }
0x2f8: {  	v51 =	vld [tilespmem:$0x1C120]  }
0x2f9: {  	v52 =	vld [tilespmem:$0x1C130]  }
0x2fa: {  	v53 =	vld [tilespmem:$0x1C140];
	v3 =	vadd.s32 v0, v3  }
0x2fb: {  	v54 =	vld [tilespmem:$0x1C150];
	[tilespmem:$0x1C0F0] =	vst v3;
	v3 =	vadd.s32 v0, v49  }
0x2fc: {  	v55 =	vld [tilespmem:$0x1C160];
	[tilespmem:$0x1C100] =	vst v3;
	v3 =	vadd.s32 v0, v50  }
0x2fd: {  	v56 =	vld [tilespmem:$0x1C170];
	[tilespmem:$0x1C110] =	vst v3;
	v3 =	vadd.s32 v0, v51  }
0x2fe: {  	v57 =	vld [tilespmem:$0x1C180];
	[tilespmem:$0x1C120] =	vst v3;
	v3 =	vadd.s32 v0, v52  }
0x2ff: {  	v58 =	vld [tilespmem:$0x1C190];
	[tilespmem:$0x1C130] =	vst v3;
	v3 =	vadd.s32 v0, v53  }
0x300: {  	v59 =	vld [tilespmem:$0x1C1A0];
	[tilespmem:$0x1C140] =	vst v3;
	v3 =	vadd.s32 v0, v54  }
0x301: {  	v60 =	vld [tilespmem:$0x1C1B0];
	[tilespmem:$0x1C150] =	vst v3;
	v3 =	vadd.s32 v0, v55  }
0x302: {  	v61 =	vld [tilespmem:$0x1C1C0];
	[tilespmem:$0x1C160] =	vst v3;
	v3 =	vadd.s32 v0, v56  }
0x303: {  	v62 =	vld [tilespmem:$0x1C1D0];
	[tilespmem:$0x1C170] =	vst v3;
	v3 =	vadd.s32 v0, v57  }
0x304: {  	v63 =	vld [tilespmem:$0x1C1E0];
	[tilespmem:$0x1C180] =	vst v3;
	v3 =	vadd.s32 v0, v58  }
0x305: {  	[tilespmem:$0x1C190] =	vst v3;
	v3 =	vadd.s32 v0, v59  }
0x306: {  	[tilespmem:$0x1C1A0] =	vst v3;
	v3 =	vadd.s32 v0, v60  }
0x307: {  	[tilespmem:$0x1C1B0] =	vst v3;
	v3 =	vadd.s32 v0, v61  }
.Ltmp11:
0x308: {  	[tilespmem:$0x1C1C0] =	vst v3;
	v3 =	vadd.s32 v0, v62;
	(pc) =	sbr.rel @!p0 .LBB2_23-.Ltmp11, $4  }
0x309: {  	[tilespmem:$0x1C1D0] =	vst v3;
	v3 =	vadd.s32 v0, v63  }
0x30a: {  	s12 =	simm.s32 $0x1E2F0;
	s0 =	rddreg [dreg:$0x4];
	[tilespmem:$0x1C1E0] =	vst v3  }
0x30b: {  	[tilespmem:s12], [sflag:$0x3] =	stream.indirect.gather [hbm4b:s0+s25], $0x10, s2, s25, $0xb8;
	[tilespmem:$0x1F2F0] =	vst v63  }
0x30c: {  	s2 =	rddreg [dreg:$0x4]  }
.Ltmp12:
0x30d: {  	(pc) =	sbr.rel .LBB2_25-.Ltmp12, $4  }
0x30e: {  	_ =	swait.ge [sflag:s1], $0x1000  }
0x30f: {  	s0 =	simm.s32 $0x1BFF0;
	s6 =	simm.s32 $0x1D2F0;
	[sflag:s1] =	ssyncset.done $0x0  }
0x310: {  	s14 =	simm.s32 $0x4;
	s18 =	simm.s32 $0x1BAF0;
	[sflag:s1] =	ssyncadd.s32 $0xFFFFF000  }
0x311: {  	[spmem:s3] =	stream.indirect.scatter.add.f32 [tilespmem:s15], [sflag:$0x5], $0x10, s0, s25, $0xb8;
	[tilespmem:$0x1F2F0] =	vst v63  }
.LBB2_23:
0x312: {  	s6 =	sadd.s32 $0x1C0, s11  }
0x313: {  	[tilespmem:s23], [sflag:$0x8] =	stream.linear.gather [hbm4b:s6+s7], $0x200, $0x38;
	[tilespmem:$0x1F2F0] =	vst v63  }
0x314: {  	_ =	swait.ge [sflag:s1], $0x1000  }
0x315: {  	[sflag:s1] =	ssyncset.done $0x0  }
0x316: {  	s0 =	simm.s32 $0x1BFF0;
	[sflag:s1] =	ssyncadd.s32 $0xFFFFF000  }
0x317: {  	[spmem:s3] =	stream.indirect.scatter.add.f32 [tilespmem:s15], [sflag:$0x5], $0x10, s0, s25, $0xb8;
	[tilespmem:$0x1F2F0] =	vst v63  }
0x318: {  	_ =	swait.ge [sflag:s18], $0x1000  }
0x319: {  	[sflag:s18] =	ssyncset.done $0x0  }
0x31a: {  	[sflag:s18] =	ssyncadd.s32 $0xFFFFF000  }
0x31b: {  	_ =	swait.ge [sflag:s24], $0x200  }
0x31c: {  	[sflag:s24] =	ssyncset.done $0x0  }
0x31d: {  	[sflag:s24] =	ssyncadd.s32 $0xFFFFFE00  }
0x31e: {  	v3 =	vld [tilespmem:$0x1B6F0]  }
0x31f: {  	v4 =	vld [tilespmem:$0x1B700]  }
0x320: {  	v5 =	vld [tilespmem:$0x1B710]  }
0x321: {  	v6 =	vld [tilespmem:$0x1B720]  }
0x322: {  	v7 =	vld [tilespmem:$0x1B730]  }
0x323: {  	v8 =	vld [tilespmem:$0x1B740];
	v3 =	vadd.s32 v0, v3  }
0x324: {  	v54 =	vld [tilespmem:$0x1B750];
	[tilespmem:$0x1B6F0] =	vst v3;
	v3 =	vadd.s32 v0, v4  }
0x325: {  	v55 =	vld [tilespmem:$0x1B760];
	[tilespmem:$0x1B700] =	vst v3;
	v3 =	vadd.s32 v0, v5  }
0x326: {  	v56 =	vld [tilespmem:$0x1B770];
	[tilespmem:$0x1B710] =	vst v3;
	v3 =	vadd.s32 v0, v6  }
0x327: {  	v57 =	vld [tilespmem:$0x1B780];
	[tilespmem:$0x1B720] =	vst v3;
	v3 =	vadd.s32 v0, v7  }
0x328: {  	v58 =	vld [tilespmem:$0x1B790];
	[tilespmem:$0x1B730] =	vst v3;
	v3 =	vadd.s32 v0, v8  }
0x329: {  	v59 =	vld [tilespmem:$0x1B7A0];
	[tilespmem:$0x1B740] =	vst v3;
	v3 =	vadd.s32 v0, v54  }
0x32a: {  	v60 =	vld [tilespmem:$0x1B7B0];
	[tilespmem:$0x1B750] =	vst v3;
	v3 =	vadd.s32 v0, v55  }
0x32b: {  	v61 =	vld [tilespmem:$0x1B7C0];
	[tilespmem:$0x1B760] =	vst v3;
	v3 =	vadd.s32 v0, v56  }
0x32c: {  	v62 =	vld [tilespmem:$0x1B7D0];
	[tilespmem:$0x1B770] =	vst v3;
	v3 =	vadd.s32 v0, v57  }
0x32d: {  	v63 =	vld [tilespmem:$0x1B7E0];
	[tilespmem:$0x1B780] =	vst v3;
	v3 =	vadd.s32 v0, v58  }
0x32e: {  	[tilespmem:$0x1B790] =	vst v3;
	v3 =	vadd.s32 v0, v59  }
0x32f: {  	[tilespmem:$0x1B7A0] =	vst v3;
	v3 =	vadd.s32 v0, v60  }
0x330: {  	[tilespmem:$0x1B7B0] =	vst v3;
	v3 =	vadd.s32 v0, v61  }
0x331: {  	[tilespmem:$0x1B7C0] =	vst v3;
	v3 =	vadd.s32 v0, v62  }
0x332: {  	[tilespmem:$0x1B7D0] =	vst v3;
	v3 =	vadd.s32 v0, v63  }
0x333: {  	[tilespmem:$0x1B7E0] =	vst v3  }
0x334: {  	[tilespmem:s13], [sflag:$0x1] =	stream.indirect.gather [hbm4b:s2+s25], $0x10, s22, s25, $0xb8;
	[tilespmem:$0x1F2F0] =	vst v63  }
0x335: {  	s15 =	sadd.s32 $0x200, s11;
	s18 =	simm.s32 $0x1BAF0  }
0x336: {  	[tilespmem:s18], [sflag:$0x9] =	stream.linear.gather [hbm4b:s15+s7], $0x200, $0x38;
	[tilespmem:$0x1F2F0] =	vst v63  }
0x337: {  	s14 =	simm.s32 $0x4;
	s6 =	simm.s32 $0x1D2F0;
	s18 =	simm.s32 $0x1BAF0  }
.LBB2_25:
.Ltmp13:
0x338: {  	s0 =	simm.s32 $0x3;
	(pc) =	sbr.rel @p0 .LBB2_27-.Ltmp13, $4  }
0x339: {  	_ =	swait.ge [sflag:s0], $0x1000  }
0x33a: {  	s15 =	simm.s32 $0x1C1F0;
	s8 =	simm.s32 $0x1BCF0;
	[sflag:s0] =	ssyncset.done $0x0  }
0x33b: {  	s1 =	simm.s32 $0x1AFF0;
	[sflag:s0] =	ssyncadd.s32 $0xFFFFF000;
	s0 =	simm.s32 $0x5  }
0x33c: {  	[spmem:s3] =	stream.indirect.scatter.add.f32 [tilespmem:s12], [sflag:$0x6], $0x10, s15, s25, $0xb8;
	[tilespmem:$0x1F2F0] =	vst v63  }
0x33d: {  	_ =	swait.ge [sflag:s0], $0x1000  }
0x33e: {  	[sflag:s0] =	ssyncset.done $0x0  }
0x33f: {  	[sflag:s0] =	ssyncadd.s32 $0xFFFFF000  }
0x340: {  	_ =	swait.ge [sflag:s29], $0x200  }
0x341: {  	[sflag:s29] =	ssyncset.done $0x0  }
0x342: {  	[sflag:s29] =	ssyncadd.s32 $0xFFFFFE00  }
0x343: {  	v3 =	vld [tilespmem:$0x1B8F0]  }
0x344: {  	v4 =	vld [tilespmem:$0x1B900]  }
0x345: {  	v5 =	vld [tilespmem:$0x1B910]  }
0x346: {  	v6 =	vld [tilespmem:$0x1B920]  }
0x347: {  	v7 =	vld [tilespmem:$0x1B930]  }
0x348: {  	v8 =	vld [tilespmem:$0x1B940];
	v3 =	vadd.s32 v0, v3  }
0x349: {  	v54 =	vld [tilespmem:$0x1B950];
	[tilespmem:$0x1B8F0] =	vst v3;
	v3 =	vadd.s32 v0, v4  }
0x34a: {  	v55 =	vld [tilespmem:$0x1B960];
	[tilespmem:$0x1B900] =	vst v3;
	v3 =	vadd.s32 v0, v5  }
0x34b: {  	v56 =	vld [tilespmem:$0x1B970];
	[tilespmem:$0x1B910] =	vst v3;
	v3 =	vadd.s32 v0, v6  }
0x34c: {  	v57 =	vld [tilespmem:$0x1B980];
	[tilespmem:$0x1B920] =	vst v3;
	v3 =	vadd.s32 v0, v7  }
0x34d: {  	v58 =	vld [tilespmem:$0x1B990];
	[tilespmem:$0x1B930] =	vst v3;
	v3 =	vadd.s32 v0, v8  }
0x34e: {  	v59 =	vld [tilespmem:$0x1B9A0];
	[tilespmem:$0x1B940] =	vst v3;
	v3 =	vadd.s32 v0, v54  }
0x34f: {  	v60 =	vld [tilespmem:$0x1B9B0];
	[tilespmem:$0x1B950] =	vst v3;
	v3 =	vadd.s32 v0, v55  }
0x350: {  	v61 =	vld [tilespmem:$0x1B9C0];
	[tilespmem:$0x1B960] =	vst v3;
	v3 =	vadd.s32 v0, v56  }
0x351: {  	v62 =	vld [tilespmem:$0x1B9D0];
	[tilespmem:$0x1B970] =	vst v3;
	v3 =	vadd.s32 v0, v57  }
0x352: {  	v63 =	vld [tilespmem:$0x1B9E0];
	[tilespmem:$0x1B980] =	vst v3;
	v3 =	vadd.s32 v0, v58  }
0x353: {  	[tilespmem:$0x1B990] =	vst v3;
	v3 =	vadd.s32 v0, v59  }
0x354: {  	[tilespmem:$0x1B9A0] =	vst v3;
	v3 =	vadd.s32 v0, v60  }
0x355: {  	[tilespmem:$0x1B9B0] =	vst v3;
	v3 =	vadd.s32 v0, v61  }
0x356: {  	[tilespmem:$0x1B9C0] =	vst v3;
	v3 =	vadd.s32 v0, v62  }
.Ltmp14:
0x357: {  	[tilespmem:$0x1B9D0] =	vst v3;
	v3 =	vadd.s32 v0, v63;
	(pc) =	sbr.rel .LBB2_22-.Ltmp14, $4  }
0x358: {  	s15 =	simm.s32 $0x1D2F0;
	[tilespmem:$0x1B9E0] =	vst v3  }
0x359: {  	[tilespmem:s6], [sflag:$0x2] =	stream.indirect.gather [hbm4b:s2+s25], $0x10, s23, s25, $0xb8;
	[tilespmem:$0x1F2F0] =	vst v63  }
0x35a: {  	s14 =	sadd.s32 $0x240, s11;
	s9 =	sadd.s32 $0x180, s9;
	s5 =	simm.s32 $0x5  }
0x35b: {  	[tilespmem:s8], [sflag:$0xA] =	stream.linear.gather [hbm4b:s14+s7], $0x200, $0x38;
	[tilespmem:$0x1F2F0] =	vst v63  }
.LBB2_27:
0x35c: {  	_ =	swait.ge [sflag:s14], $0x1000  }
0x35d: {  	[sflag:s14] =	ssyncset.done $0x0  }
0x35e: {  	[sflag:s14] =	ssyncadd.s32 $0xFFFFF000  }
0x35f: {  	_ =	swait.ge [sflag:s0], $0x1000  }
0x360: {  	[sflag:s0] =	ssyncset.done $0x0  }
0x361: {  	s31 =	simm.s32 $0x6;
	[sflag:s0] =	ssyncadd.s32 $0xFFFFF000  }
0x362: {  	_ =	swait.ge [sflag:s31], $0x1000  }
0x363: {  	[sflag:s31] =	ssyncset.done $0x0  }
0x364: {  	[sflag:s31] =	ssyncadd.s32 $0xFFFFF000  }
0x365: {  	[bflag:$0x0] =	sbarrier.arrive $0xFFFF  }
0x366: {  	s6 =	simm.s32 $0x0;
	s9 =	simm.s32 $0x0;
	s0 =	rddreg [dreg:$0x10]  }
.LBB2_28:
0x367: {  	s8 =	smul.u32 $0x70, s9;
	_ =	sdelay $0x1  }
0x368: {  	s8 =	sadd.s32 s0, s8  }
0x369: {  	s11 =	sshll.u32 s8, $0x4  }
0x36a: {  	s11 =	sand.u32 $0x3FFFFFF0, s11  }
0x36b: {  	s13 =	sadd.s32 s11, s3;
	s11 =	simm.s32 $0x1A880  }
0x36c: {  	[tilespmem:s11], [sflag:$0xD] =	stream.linear.gather [spmem:s13], $0x700, $0x38;
	[tilespmem:$0x1F2F0] =	vst v63  }
0x36d: {  	_ =	swait.ge [sflag:s20], $0x700  }
0x36e: {  	[sflag:s20] =	ssyncset.done $0x0  }
0x36f: {  	[sflag:s20] =	ssyncadd.s32 $0xFFFFF900  }
0x370: {  	[spmem:s13] =	stream.linear.scatter [tilespmem:s19], [sflag:$0xD], $0x700, $0x38;
	[tilespmem:$0x1F2F0] =	vst v63  }
0x371: {  	_ =	swait.ge [sflag:s20], $0x700  }
0x372: {  	[sflag:s20] =	ssyncset.done $0x0  }
0x373: {  	s14 =	sadd.s32 s8, s4;
	[sflag:s20] =	ssyncadd.s32 $0xFFFFF900  }
0x374: {  	[tilespmem:s21], [sflag:$0xD] =	stream.linear.gather [spmem:s14], $0x70, $0x38;
	[tilespmem:$0x1F2F0] =	vst v63  }
0x375: {  	_ =	swait.ge [sflag:s20], $0x70  }
0x376: {  	s15 =	rddreg [dreg:$0x7];
	[sflag:s20] =	ssyncset.done $0x0  }
0x377: {  	s8 =	sadd.s32 s15, s8;
	[sflag:s20] =	ssyncadd.s32 $0xFFFFFF90  }
0x378: {  	s13 =	sshll.u32 s8, $0x1;
	s18 =	rddreg [dreg:$0x5]  }
0x379: {  	s31 =	simm.s32 $0x1AFF0;
	v3 =	vmov s6;
	s8 =	sadd.s32 s13, s18  }
0x37a: {  	[tilespmem:s31], [sflag:$0xD] =	stream.linear.gather [hbm4b:s8+s6], $0x700, $0x38;
	[tilespmem:$0x1F2F0] =	vst v63  }
0x37b: {  	_ =	swait.ge [sflag:s20], $0x700  }
0x37c: {  	[sflag:s20] =	ssyncset.done $0x0  }
0x37d: {  	[sflag:s20] =	ssyncadd.s32 $0xFFFFF900  }
0x37e: {  	v4 =	vld.idx.msk [tilespmem:v3+s21+$0x0], $0xffff  }
0x37f: {  	v3 =	vld [tilespmem:s11+$0x0];
	_ =	sdelay $0x1  }
0x380: {  	v5 =	vld [tilespmem:s31+$0x0];
	_ =	sdelay $0x2  }
0x381: {  	s15 =	simm.s32 $0x1;
	v6 =	vmul.f32 v3, v4  }
0x382: {  	v3 =	vmov s15  }
0x383: {  	s15 =	simm.s32 $0x2;
	v5 =	vadd.f32 v6, v5;
	v4 =	vmul.f32 v6, v4  }
.LBB2_29:
0x384: {  	p0 =	sne.s32 s15, $0x6F  }
0x385: {  	[tilespmem:s31+$0x0] =	vst v5  }
0x386: {  	[tilespmem:s11+$0x0] =	vst v4  }
0x387: {  	s11 =	sadd.s32 $0x10, s11;
	v4 =	vld.idx.msk [tilespmem:v3+s21+$0x0], $0xffff  }
0x388: {  	v3 =	vld [tilespmem:s11+$0x0]  }
0x389: {  	s31 =	sadd.s32 $0x10, s31  }
0x38a: {  	v5 =	vld [tilespmem:s31+$0x0]  }
.Ltmp15:
0x38b: {  	(pc) =	sbr.rel @p0 .LBB2_29-.Ltmp15, $4  }
0x38c: {  	_ = 	snop  }
0x38d: {  	v6 =	vmul.f32 v3, v4  }
0x38e: {  	v3 =	vmov s15  }
0x38f: {  	s15 =	sadd.s32 $0x1, s15;
	v5 =	vadd.f32 v6, v5;
	v4 =	vmul.f32 v6, v4  }
0x390: {  	_ =	sdelay $0x1  }
0x391: {  	[tilespmem:s31+$0x0] =	vst v5  }
0x392: {  	[tilespmem:s11+$0x0] =	vst v4  }
0x393: {  	s14 =	sadd.s32 $0x10, s11;
	v3 =	vld.idx.msk [tilespmem:v3+s21+$0x0], $0xffff  }
0x394: {  	v4 =	vld [tilespmem:s14+$0x0]  }
0x395: {  	s15 =	sadd.s32 $0x10, s31  }
0x396: {  	v5 =	vld [tilespmem:s15+$0x0];
	_ =	sdelay $0x2  }
0x397: {  	v4 =	vmul.f32 v4, v3;
	_ =	sdelay $0x1  }
0x398: {  	v5 =	vadd.f32 v4, v5  }
0x399: {  	v3 =	vmul.f32 v4, v3  }
0x39a: {  	[tilespmem:s15+$0x0] =	vst v5  }
0x39b: {  	[tilespmem:s14+$0x0] =	vst v3  }
0x39c: {  	[hbm4b:s8+s7] =	stream.linear.scatter [tilespmem:s1], [sflag:$0xD], $0x700, $0x38;
	[tilespmem:$0x1F2F0] =	vst v63  }
0x39d: {  	s9 =	sadd.s32 $0x1, s9;
	_ =	swait.ge [sflag:s20], $0x700  }
0x39e: {  	s18 =	sadd.s32 s2, s13;
	p0 =	sne.s32 s9, $0x38;
	[sflag:s20] =	ssyncset.done $0x0  }
.Ltmp16:
0x39f: {  	s31 =	simm.s32 $0x1A880;
	[sflag:s20] =	ssyncadd.s32 $0xFFFFF900;
	(pc) =	sbr.rel @p0 .LBB2_28-.Ltmp16, $4  }
0x3a0: {  	[hbm4b:s18+s7] =	stream.linear.scatter [tilespmem:s31], [sflag:$0xD], $0x700, $0x38;
	[tilespmem:$0x1F2F0] =	vst v63  }
0x3a1: {  	_ =	swait.ge [sflag:s20], $0x700  }
0x3a2: {  	[sflag:s20] =	ssyncset.done $0x0  }
0x3a3: {  	s0 =	smov.u32 s16;
	[sflag:s20] =	ssyncadd.s32 $0xFFFFF900  }
0x3a4: {  	[bflag:$0x0] =	sbarrier.arrive $0xFFFF;
	s9 =	simm.s32 $0x0  }
0x3a5: {  	[tilespmem:s22], [sflag:$0x7] =	stream.linear.gather [hbm4b:s10+s9], $0x200, $0x38;
	[tilespmem:$0x1F2F0] =	vst v63  }
0x3a6: {  	s6 =	rddreg [dreg:$0x8]  }
0x3a7: {  	[tilespmem:s23], [sflag:$0x8] =	stream.linear.gather [hbm4b:s6+s9], $0x200, $0x38;
	[tilespmem:$0x1F2F0] =	vst v63  }
0x3a8: {  	s15 =	simm.s32 $0x1BAF0;
	s16 =	rddreg [dreg:$0x9]  }
0x3a9: {  	[tilespmem:s15], [sflag:$0x9] =	stream.linear.gather [hbm4b:s16+s9], $0x200, $0x38;
	[tilespmem:$0x1F2F0] =	vst v63  }
0x3aa: {  	s8 =	simm.s32 $0x1BCF0;
	s18 =	rddreg [dreg:$0xa]  }
0x3ab: {  	[tilespmem:s8], [sflag:$0xA] =	stream.linear.gather [hbm4b:s18+s9], $0x200, $0x38;
	[tilespmem:$0x1F2F0] =	vst v63  }
0x3ac: {  	_ =	swait.ge [sflag:s24], $0x200  }
0x3ad: {  	[sflag:s24] =	ssyncset.done $0x0  }
0x3ae: {  	[sflag:s24] =	ssyncadd.s32 $0xFFFFFE00  }
0x3af: {  	v3 =	vld [tilespmem:$0x1B6F0]  }
0x3b0: {  	v4 =	vld [tilespmem:$0x1B700]  }
0x3b1: {  	v5 =	vld [tilespmem:$0x1B710]  }
0x3b2: {  	v6 =	vld [tilespmem:$0x1B720]  }
0x3b3: {  	v7 =	vld [tilespmem:$0x1B730]  }
0x3b4: {  	v8 =	vld [tilespmem:$0x1B740];
	v3 =	vadd.s32 v0, v3  }
0x3b5: {  	v39 =	vld [tilespmem:$0x1B750];
	[tilespmem:$0x1B6F0] =	vst v3;
	v3 =	vadd.s32 v0, v4  }
0x3b6: {  	v40 =	vld [tilespmem:$0x1B760];
	[tilespmem:$0x1B700] =	vst v3;
	v3 =	vadd.s32 v0, v5  }
0x3b7: {  	v41 =	vld [tilespmem:$0x1B770];
	[tilespmem:$0x1B710] =	vst v3;
	v3 =	vadd.s32 v0, v6  }
0x3b8: {  	v42 =	vld [tilespmem:$0x1B780];
	[tilespmem:$0x1B720] =	vst v3;
	v3 =	vadd.s32 v0, v7  }
0x3b9: {  	v43 =	vld [tilespmem:$0x1B790];
	[tilespmem:$0x1B730] =	vst v3;
	v3 =	vadd.s32 v0, v8  }
0x3ba: {  	v44 =	vld [tilespmem:$0x1B7A0];
	[tilespmem:$0x1B740] =	vst v3;
	v3 =	vadd.s32 v0, v39  }
0x3bb: {  	v45 =	vld [tilespmem:$0x1B7B0];
	[tilespmem:$0x1B750] =	vst v3;
	v3 =	vadd.s32 v0, v40  }
0x3bc: {  	v46 =	vld [tilespmem:$0x1B7C0];
	[tilespmem:$0x1B760] =	vst v3;
	v3 =	vadd.s32 v0, v41  }
0x3bd: {  	v47 =	vld [tilespmem:$0x1B7D0];
	[tilespmem:$0x1B770] =	vst v3;
	v3 =	vadd.s32 v0, v42  }
0x3be: {  	v48 =	vld [tilespmem:$0x1B7E0];
	[tilespmem:$0x1B780] =	vst v3;
	v3 =	vadd.s32 v0, v43  }
0x3bf: {  	[tilespmem:$0x1B790] =	vst v3;
	v3 =	vadd.s32 v0, v44  }
0x3c0: {  	[tilespmem:$0x1B7A0] =	vst v3;
	v3 =	vadd.s32 v0, v45  }
0x3c1: {  	[tilespmem:$0x1B7B0] =	vst v3;
	v3 =	vadd.s32 v0, v46  }
0x3c2: {  	[tilespmem:$0x1B7C0] =	vst v3;
	v3 =	vadd.s32 v0, v47  }
0x3c3: {  	[tilespmem:$0x1B7D0] =	vst v3;
	v3 =	vadd.s32 v0, v48  }
0x3c4: {  	s13 =	simm.s32 $0x1C2F0;
	[tilespmem:$0x1B7E0] =	vst v3  }
0x3c5: {  	[tilespmem:s13], [sflag:$0x1] =	stream.indirect.gather [hbm4b:s2+s25], $0x10, s22, s25, $0xb8;
	[tilespmem:$0x1F2F0] =	vst v63  }
0x3c6: {  	_ =	swait.ge [sflag:s29], $0x200  }
0x3c7: {  	[sflag:s29] =	ssyncset.done $0x0  }
0x3c8: {  	[sflag:s29] =	ssyncadd.s32 $0xFFFFFE00  }
0x3c9: {  	v3 =	vld [tilespmem:$0x1B8F0]  }
0x3ca: {  	v49 =	vld [tilespmem:$0x1B900]  }
0x3cb: {  	v50 =	vld [tilespmem:$0x1B910]  }
0x3cc: {  	v51 =	vld [tilespmem:$0x1B920]  }
0x3cd: {  	v52 =	vld [tilespmem:$0x1B930]  }
0x3ce: {  	v53 =	vld [tilespmem:$0x1B940];
	v3 =	vadd.s32 v0, v3  }
0x3cf: {  	v54 =	vld [tilespmem:$0x1B950];
	[tilespmem:$0x1B8F0] =	vst v3;
	v3 =	vadd.s32 v0, v49  }
0x3d0: {  	v55 =	vld [tilespmem:$0x1B960];
	[tilespmem:$0x1B900] =	vst v3;
	v3 =	vadd.s32 v0, v50  }
0x3d1: {  	v56 =	vld [tilespmem:$0x1B970];
	[tilespmem:$0x1B910] =	vst v3;
	v3 =	vadd.s32 v0, v51  }
0x3d2: {  	v57 =	vld [tilespmem:$0x1B980];
	[tilespmem:$0x1B920] =	vst v3;
	v3 =	vadd.s32 v0, v52  }
0x3d3: {  	v58 =	vld [tilespmem:$0x1B990];
	[tilespmem:$0x1B930] =	vst v3;
	v3 =	vadd.s32 v0, v53  }
0x3d4: {  	v59 =	vld [tilespmem:$0x1B9A0];
	[tilespmem:$0x1B940] =	vst v3;
	v3 =	vadd.s32 v0, v54  }
0x3d5: {  	v60 =	vld [tilespmem:$0x1B9B0];
	[tilespmem:$0x1B950] =	vst v3;
	v3 =	vadd.s32 v0, v55  }
0x3d6: {  	v61 =	vld [tilespmem:$0x1B9C0];
	[tilespmem:$0x1B960] =	vst v3;
	v3 =	vadd.s32 v0, v56  }
0x3d7: {  	v62 =	vld [tilespmem:$0x1B9D0];
	[tilespmem:$0x1B970] =	vst v3;
	v3 =	vadd.s32 v0, v57  }
0x3d8: {  	v63 =	vld [tilespmem:$0x1B9E0];
	[tilespmem:$0x1B980] =	vst v3;
	v3 =	vadd.s32 v0, v58  }
0x3d9: {  	[tilespmem:$0x1B990] =	vst v3;
	v3 =	vadd.s32 v0, v59  }
0x3da: {  	[tilespmem:$0x1B9A0] =	vst v3;
	v3 =	vadd.s32 v0, v60  }
0x3db: {  	[tilespmem:$0x1B9B0] =	vst v3;
	v3 =	vadd.s32 v0, v61  }
0x3dc: {  	[tilespmem:$0x1B9C0] =	vst v3;
	v3 =	vadd.s32 v0, v62  }
0x3dd: {  	[tilespmem:$0x1B9D0] =	vst v3;
	v3 =	vadd.s32 v0, v63  }
0x3de: {  	s5 =	simm.s32 $0x5;
	s31 =	simm.s32 $0xB;
	s16 =	simm.s32 $0x1D2F0;
	[tilespmem:$0x1B9E0] =	vst v3  }
0x3df: {  	[tilespmem:s16], [sflag:$0x2] =	stream.indirect.gather [hbm4b:s2+s25], $0x10, s23, s25, $0xb8;
	[tilespmem:$0x1F2F0] =	vst v63  }
.LBB2_32:
0x3e0: {  	s0 =	simm.s32 $0x1  }
0x3e1: {  	_ =	swait.ge [sflag:s0], $0x1000  }
0x3e2: {  	p0 =	seq.s32 s9, $0x0;
	[sflag:s0] =	ssyncset.done $0x0  }
0x3e3: {  	s6 =	simm.s32 @!p0 $0x6;
	[sflag:s0] =	ssyncadd.s32 $0xFFFFF000  }
0x3e4: {  	[spmem:s3] =	stream.indirect.scatter.add.f32 [tilespmem:s13], [sflag:$0x4], $0x10, s26, s25, $0xb8;
	[tilespmem:$0x1F2F0] =	vst v63  }
0x3e5: {  	_ =	swait.ge @!p0 [sflag:s6], $0x1000  }
0x3e6: {  	[sflag:s6] =	ssyncset.done @!p0 $0x0  }
0x3e7: {  	s18 =	simm.s32 $0x9;
	[sflag:s6] =	ssyncadd.s32 @!p0 $0xFFFFF000  }
0x3e8: {  	_ =	swait.ge [sflag:s18], $0x200  }
0x3e9: {  	[sflag:s18] =	ssyncset.done $0x0  }
0x3ea: {  	[sflag:s18] =	ssyncadd.s32 $0xFFFFFE00  }
0x3eb: {  	v3 =	vld [tilespmem:$0x1BAF0]  }
0x3ec: {  	v4 =	vld [tilespmem:$0x1BB00]  }
0x3ed: {  	v5 =	vld [tilespmem:$0x1BB10]  }
0x3ee: {  	v6 =	vld [tilespmem:$0x1BB20]  }
0x3ef: {  	v7 =	vld [tilespmem:$0x1BB30]  }
0x3f0: {  	v8 =	vld [tilespmem:$0x1BB40];
	v3 =	vadd.s32 v0, v3  }
0x3f1: {  	v61 =	vld [tilespmem:$0x1BB50];
	[tilespmem:$0x1BAF0] =	vst v3;
	v3 =	vadd.s32 v0, v4  }
0x3f2: {  	v62 =	vld [tilespmem:$0x1BB60];
	[tilespmem:$0x1BB00] =	vst v3;
	v3 =	vadd.s32 v0, v5  }
0x3f3: {  	v63 =	vld [tilespmem:$0x1BB70];
	[tilespmem:$0x1BB10] =	vst v3;
	v3 =	vadd.s32 v0, v6  }
0x3f4: {  	v12 =	vld [tilespmem:$0x1BB80];
	[tilespmem:$0x1BB20] =	vst v3;
	v3 =	vadd.s32 v0, v7  }
0x3f5: {  	v13 =	vld [tilespmem:$0x1BB90];
	[tilespmem:$0x1BB30] =	vst v3;
	v3 =	vadd.s32 v0, v8  }
0x3f6: {  	v14 =	vld [tilespmem:$0x1BBA0];
	[tilespmem:$0x1BB40] =	vst v3;
	v3 =	vadd.s32 v0, v61  }
0x3f7: {  	v15 =	vld [tilespmem:$0x1BBB0];
	[tilespmem:$0x1BB50] =	vst v3;
	v3 =	vadd.s32 v0, v62  }
0x3f8: {  	v16 =	vld [tilespmem:$0x1BBC0];
	[tilespmem:$0x1BB60] =	vst v3;
	v3 =	vadd.s32 v0, v63  }
0x3f9: {  	v17 =	vld [tilespmem:$0x1BBD0];
	[tilespmem:$0x1BB70] =	vst v3;
	v3 =	vadd.s32 v0, v12  }
0x3fa: {  	v18 =	vld [tilespmem:$0x1BBE0];
	[tilespmem:$0x1BB80] =	vst v3;
	v3 =	vadd.s32 v0, v13  }
0x3fb: {  	[tilespmem:$0x1BB90] =	vst v3;
	v3 =	vadd.s32 v0, v14  }
0x3fc: {  	[tilespmem:$0x1BBA0] =	vst v3;
	v3 =	vadd.s32 v0, v15  }
0x3fd: {  	[tilespmem:$0x1BBB0] =	vst v3;
	v3 =	vadd.s32 v0, v16  }
0x3fe: {  	[tilespmem:$0x1BBC0] =	vst v3;
	v3 =	vadd.s32 v0, v17  }
0x3ff: {  	[tilespmem:$0x1BBD0] =	vst v3;
	v3 =	vadd.s32 v0, v18  }
0x400: {  	s11 =	sadd.s32 s9, s10;
	[tilespmem:$0x1BBE0] =	vst v3  }
0x401: {  	[tilespmem:s12], [sflag:$0x3] =	stream.indirect.gather [hbm4b:s2+s25], $0x10, s15, s25, $0xb8;
	[tilespmem:$0x1F2F0] =	vst v63  }
0x402: {  	s1 =	sadd.s32 $0x100, s11;
	s12 =	simm.s32 $0x1BEF0  }
0x403: {  	[tilespmem:s12], [sflag:$0xB] =	stream.linear.gather [hbm4b:s1+s7], $0x200, $0x38;
	[tilespmem:$0x1F2F0] =	vst v63  }
0x404: {  	s1 =	simm.s32 $0x2  }
0x405: {  	_ =	swait.ge [sflag:s1], $0x1000  }
0x406: {  	[sflag:s1] =	ssyncset.done $0x0  }
0x407: {  	s18 =	simm.s32 $0x4;
	[sflag:s1] =	ssyncadd.s32 $0xFFFFF000  }
0x408: {  	[spmem:s3] =	stream.indirect.scatter.add.f32 [tilespmem:s16], [sflag:$0x5], $0x10, s30, s25, $0xb8;
	[tilespmem:$0x1F2F0] =	vst v63  }
0x409: {  	_ =	swait.ge [sflag:s18], $0x1000  }
0x40a: {  	[sflag:s18] =	ssyncset.done $0x0  }
0x40b: {  	s6 =	simm.s32 $0xA;
	[sflag:s18] =	ssyncadd.s32 $0xFFFFF000  }
0x40c: {  	_ =	swait.ge [sflag:s6], $0x200  }
0x40d: {  	[sflag:s6] =	ssyncset.done $0x0  }
0x40e: {  	[sflag:s6] =	ssyncadd.s32 $0xFFFFFE00  }
0x40f: {  	v3 =	vld [tilespmem:$0x1BCF0]  }
0x410: {  	v19 =	vld [tilespmem:$0x1BD00]  }
0x411: {  	v20 =	vld [tilespmem:$0x1BD10]  }
0x412: {  	v21 =	vld [tilespmem:$0x1BD20]  }
0x413: {  	v22 =	vld [tilespmem:$0x1BD30]  }
0x414: {  	v23 =	vld [tilespmem:$0x1BD40];
	v3 =	vadd.s32 v0, v3  }
0x415: {  	v24 =	vld [tilespmem:$0x1BD50];
	[tilespmem:$0x1BCF0] =	vst v3;
	v3 =	vadd.s32 v0, v19  }
0x416: {  	v25 =	vld [tilespmem:$0x1BD60];
	[tilespmem:$0x1BD00] =	vst v3;
	v3 =	vadd.s32 v0, v20  }
0x417: {  	v26 =	vld [tilespmem:$0x1BD70];
	[tilespmem:$0x1BD10] =	vst v3;
	v3 =	vadd.s32 v0, v21  }
0x418: {  	v27 =	vld [tilespmem:$0x1BD80];
	[tilespmem:$0x1BD20] =	vst v3;
	v3 =	vadd.s32 v0, v22  }
0x419: {  	v28 =	vld [tilespmem:$0x1BD90];
	[tilespmem:$0x1BD30] =	vst v3;
	v3 =	vadd.s32 v0, v23  }
0x41a: {  	v29 =	vld [tilespmem:$0x1BDA0];
	[tilespmem:$0x1BD40] =	vst v3;
	v3 =	vadd.s32 v0, v24  }
0x41b: {  	v30 =	vld [tilespmem:$0x1BDB0];
	[tilespmem:$0x1BD50] =	vst v3;
	v3 =	vadd.s32 v0, v25  }
0x41c: {  	v31 =	vld [tilespmem:$0x1BDC0];
	[tilespmem:$0x1BD60] =	vst v3;
	v3 =	vadd.s32 v0, v26  }
0x41d: {  	v32 =	vld [tilespmem:$0x1BDD0];
	[tilespmem:$0x1BD70] =	vst v3;
	v3 =	vadd.s32 v0, v27  }
0x41e: {  	v33 =	vld [tilespmem:$0x1BDE0];
	[tilespmem:$0x1BD80] =	vst v3;
	v3 =	vadd.s32 v0, v28  }
0x41f: {  	[tilespmem:$0x1BD90] =	vst v3;
	v3 =	vadd.s32 v0, v29  }
0x420: {  	[tilespmem:$0x1BDA0] =	vst v3;
	v3 =	vadd.s32 v0, v30  }
0x421: {  	[tilespmem:$0x1BDB0] =	vst v3;
	v3 =	vadd.s32 v0, v31  }
0x422: {  	[tilespmem:$0x1BDC0] =	vst v3;
	v3 =	vadd.s32 v0, v32  }
0x423: {  	[tilespmem:$0x1BDD0] =	vst v3;
	v3 =	vadd.s32 v0, v33  }
0x424: {  	[tilespmem:$0x1BDE0] =	vst v3  }
0x425: {  	[tilespmem:s13], [sflag:$0x1] =	stream.indirect.gather [hbm4b:s2+s25], $0x10, s8, s25, $0xb8;
	[tilespmem:$0x1F2F0] =	vst v63  }
0x426: {  	s13 =	sadd.s32 $0x140, s11;
	s2 =	simm.s32 $0x1C0F0;
	s8 =	simm.s32 $0x3  }
0x427: {  	[tilespmem:s2], [sflag:$0xC] =	stream.linear.gather [hbm4b:s13+s7], $0x200, $0x38;
	[tilespmem:$0x1F2F0] =	vst v63  }
0x428: {  	_ =	swait.ge [sflag:s8], $0x1000  }
0x429: {  	[sflag:s8] =	ssyncset.done $0x0  }
0x42a: {  	s14 =	simm.s32 $0x1E2F0;
	s13 =	simm.s32 $0x1BBF0;
	[sflag:s8] =	ssyncadd.s32 $0xFFFFF000  }
0x42b: {  	[spmem:s3] =	stream.indirect.scatter.add.f32 [tilespmem:s14], [sflag:$0x6], $0x10, s13, s25, $0xb8;
	[tilespmem:$0x1F2F0] =	vst v63  }
0x42c: {  	_ =	swait.ge [sflag:s5], $0x1000  }
0x42d: {  	[sflag:s5] =	ssyncset.done $0x0  }
0x42e: {  	[sflag:s5] =	ssyncadd.s32 $0xFFFFF000  }
0x42f: {  	_ =	swait.ge [sflag:s31], $0x200  }
0x430: {  	[sflag:s31] =	ssyncset.done $0x0  }
0x431: {  	[sflag:s31] =	ssyncadd.s32 $0xFFFFFE00  }
0x432: {  	v3 =	vld [tilespmem:$0x1BEF0]  }
0x433: {  	v34 =	vld [tilespmem:$0x1BF00]  }
0x434: {  	v35 =	vld [tilespmem:$0x1BF10]  }
0x435: {  	v36 =	vld [tilespmem:$0x1BF20]  }
0x436: {  	v37 =	vld [tilespmem:$0x1BF30]  }
0x437: {  	v38 =	vld [tilespmem:$0x1BF40];
	v3 =	vadd.s32 v0, v3  }
0x438: {  	v39 =	vld [tilespmem:$0x1BF50];
	[tilespmem:$0x1BEF0] =	vst v3;
	v3 =	vadd.s32 v0, v34  }
0x439: {  	v40 =	vld [tilespmem:$0x1BF60];
	[tilespmem:$0x1BF00] =	vst v3;
	v3 =	vadd.s32 v0, v35  }
0x43a: {  	v41 =	vld [tilespmem:$0x1BF70];
	[tilespmem:$0x1BF10] =	vst v3;
	v3 =	vadd.s32 v0, v36  }
0x43b: {  	v42 =	vld [tilespmem:$0x1BF80];
	[tilespmem:$0x1BF20] =	vst v3;
	v3 =	vadd.s32 v0, v37  }
0x43c: {  	v43 =	vld [tilespmem:$0x1BF90];
	[tilespmem:$0x1BF30] =	vst v3;
	v3 =	vadd.s32 v0, v38  }
0x43d: {  	v44 =	vld [tilespmem:$0x1BFA0];
	[tilespmem:$0x1BF40] =	vst v3;
	v3 =	vadd.s32 v0, v39  }
0x43e: {  	v45 =	vld [tilespmem:$0x1BFB0];
	[tilespmem:$0x1BF50] =	vst v3;
	v3 =	vadd.s32 v0, v40  }
0x43f: {  	v46 =	vld [tilespmem:$0x1BFC0];
	[tilespmem:$0x1BF60] =	vst v3;
	v3 =	vadd.s32 v0, v41  }
0x440: {  	v47 =	vld [tilespmem:$0x1BFD0];
	[tilespmem:$0x1BF70] =	vst v3;
	v3 =	vadd.s32 v0, v42  }
0x441: {  	v48 =	vld [tilespmem:$0x1BFE0];
	[tilespmem:$0x1BF80] =	vst v3;
	v3 =	vadd.s32 v0, v43  }
0x442: {  	[tilespmem:$0x1BF90] =	vst v3;
	v3 =	vadd.s32 v0, v44  }
0x443: {  	[tilespmem:$0x1BFA0] =	vst v3;
	v3 =	vadd.s32 v0, v45  }
0x444: {  	[tilespmem:$0x1BFB0] =	vst v3;
	v3 =	vadd.s32 v0, v46  }
0x445: {  	[tilespmem:$0x1BFC0] =	vst v3;
	v3 =	vadd.s32 v0, v47  }
0x446: {  	p0 =	seq.s32 s9, $0x6180;
	[tilespmem:$0x1BFD0] =	vst v3;
	v3 =	vadd.s32 v0, v48  }
0x447: {  	s6 =	sadd.s32 @!p0 s9, s10;
	s5 =	rddreg [dreg:$0x4];
	[tilespmem:$0x1BFE0] =	vst v3  }
0x448: {  	[tilespmem:s16], [sflag:$0x2] =	stream.indirect.gather [hbm4b:s5+s25], $0x10, s12, s25, $0xb8;
	[tilespmem:$0x1F2F0] =	vst v63  }
0x449: {  	s6 =	sadd.s32 @!p0 $0x180, s6;
	s8 =	simm.s32 @!p0 $0x0;
	s13 =	simm.s32 @!p0 $0x1B6F0  }
0x44a: {  	[tilespmem:s13], [sflag:$0x7] =	stream.linear.gather @!p0 [hbm4b:s6+s8], $0x200, $0x38;
	[tilespmem:$0x1F2F0] =	vst v63  }
0x44b: {  	s3 =	rddreg [dreg:$0x2];
	_ =	swait.ge [sflag:s0], $0x1000  }
0x44c: {  	s13 =	simm.s32 $0x1C2F0;
	[sflag:s0] =	ssyncset.done $0x0  }
0x44d: {  	s6 =	simm.s32 $0x1BDF0;
	s8 =	simm.s32 $0x6;
	[sflag:s0] =	ssyncadd.s32 $0xFFFFF000  }
0x44e: {  	[spmem:s3] =	stream.indirect.scatter.add.f32 [tilespmem:s13], [sflag:$0x4], $0x10, s6, s25, $0xb8;
	[tilespmem:$0x1F2F0] =	vst v63  }
0x44f: {  	_ =	swait.ge [sflag:s8], $0x1000  }
0x450: {  	[sflag:s8] =	ssyncset.done $0x0  }
0x451: {  	s14 =	simm.s32 $0xC;
	[sflag:s8] =	ssyncadd.s32 $0xFFFFF000  }
0x452: {  	_ =	swait.ge [sflag:s14], $0x200  }
0x453: {  	[sflag:s14] =	ssyncset.done $0x0  }
0x454: {  	[sflag:s14] =	ssyncadd.s32 $0xFFFFFE00  }
0x455: {  	v3 =	vld [tilespmem:$0x1C0F0]  }
0x456: {  	v49 =	vld [tilespmem:$0x1C100]  }
0x457: {  	v50 =	vld [tilespmem:$0x1C110]  }
0x458: {  	v51 =	vld [tilespmem:$0x1C120]  }
0x459: {  	v52 =	vld [tilespmem:$0x1C130]  }
0x45a: {  	v53 =	vld [tilespmem:$0x1C140];
	v3 =	vadd.s32 v0, v3  }
0x45b: {  	v54 =	vld [tilespmem:$0x1C150];
	[tilespmem:$0x1C0F0] =	vst v3;
	v3 =	vadd.s32 v0, v49  }
0x45c: {  	v55 =	vld [tilespmem:$0x1C160];
	[tilespmem:$0x1C100] =	vst v3;
	v3 =	vadd.s32 v0, v50  }
0x45d: {  	v56 =	vld [tilespmem:$0x1C170];
	[tilespmem:$0x1C110] =	vst v3;
	v3 =	vadd.s32 v0, v51  }
0x45e: {  	v57 =	vld [tilespmem:$0x1C180];
	[tilespmem:$0x1C120] =	vst v3;
	v3 =	vadd.s32 v0, v52  }
0x45f: {  	v58 =	vld [tilespmem:$0x1C190];
	[tilespmem:$0x1C130] =	vst v3;
	v3 =	vadd.s32 v0, v53  }
0x460: {  	v59 =	vld [tilespmem:$0x1C1A0];
	[tilespmem:$0x1C140] =	vst v3;
	v3 =	vadd.s32 v0, v54  }
0x461: {  	v60 =	vld [tilespmem:$0x1C1B0];
	[tilespmem:$0x1C150] =	vst v3;
	v3 =	vadd.s32 v0, v55  }
0x462: {  	v61 =	vld [tilespmem:$0x1C1C0];
	[tilespmem:$0x1C160] =	vst v3;
	v3 =	vadd.s32 v0, v56  }
0x463: {  	v62 =	vld [tilespmem:$0x1C1D0];
	[tilespmem:$0x1C170] =	vst v3;
	v3 =	vadd.s32 v0, v57  }
0x464: {  	v63 =	vld [tilespmem:$0x1C1E0];
	[tilespmem:$0x1C180] =	vst v3;
	v3 =	vadd.s32 v0, v58  }
0x465: {  	[tilespmem:$0x1C190] =	vst v3;
	v3 =	vadd.s32 v0, v59  }
0x466: {  	[tilespmem:$0x1C1A0] =	vst v3;
	v3 =	vadd.s32 v0, v60  }
0x467: {  	[tilespmem:$0x1C1B0] =	vst v3;
	v3 =	vadd.s32 v0, v61  }
.Ltmp17:
0x468: {  	[tilespmem:$0x1C1C0] =	vst v3;
	v3 =	vadd.s32 v0, v62;
	(pc) =	sbr.rel @!p0 .LBB2_33-.Ltmp17, $4  }
0x469: {  	[tilespmem:$0x1C1D0] =	vst v3;
	v3 =	vadd.s32 v0, v63  }
0x46a: {  	s12 =	simm.s32 $0x1E2F0;
	s0 =	rddreg [dreg:$0x4];
	[tilespmem:$0x1C1E0] =	vst v3  }
0x46b: {  	[tilespmem:s12], [sflag:$0x3] =	stream.indirect.gather [hbm4b:s0+s25], $0x10, s2, s25, $0xb8;
	[tilespmem:$0x1F2F0] =	vst v63  }
0x46c: {  	s2 =	rddreg [dreg:$0x4]  }
.Ltmp18:
0x46d: {  	_ =	swait.ge [sflag:s1], $0x1000;
	(pc) =	sbr.rel .LBB2_35-.Ltmp18, $4  }
0x46e: {  	[sflag:s1] =	ssyncset.done $0x0  }
0x46f: {  	s0 =	simm.s32 $0x1BFF0;
	[sflag:s1] =	ssyncadd.s32 $0xFFFFF000  }
0x470: {  	[spmem:s3] =	stream.indirect.scatter.add.f32 [tilespmem:s16], [sflag:$0x5], $0x10, s0, s25, $0xb8;
	[tilespmem:$0x1F2F0] =	vst v63  }
0x471: {  	s6 =	simm.s32 $0x1D2F0;
	s14 =	simm.s32 $0x4;
	s0 =	simm.s32 $0x2  }
.LBB2_33:
0x472: {  	s6 =	sadd.s32 $0x1C0, s11  }
0x473: {  	[tilespmem:s23], [sflag:$0x8] =	stream.linear.gather [hbm4b:s6+s7], $0x200, $0x38;
	[tilespmem:$0x1F2F0] =	vst v63  }
0x474: {  	_ =	swait.ge [sflag:s1], $0x1000  }
0x475: {  	[sflag:s1] =	ssyncset.done $0x0  }
0x476: {  	s0 =	simm.s32 $0x1BFF0;
	[sflag:s1] =	ssyncadd.s32 $0xFFFFF000  }
0x477: {  	[spmem:s3] =	stream.indirect.scatter.add.f32 [tilespmem:s16], [sflag:$0x5], $0x10, s0, s25, $0xb8;
	[tilespmem:$0x1F2F0] =	vst v63  }
0x478: {  	_ =	swait.ge [sflag:s18], $0x1000  }
0x479: {  	[sflag:s18] =	ssyncset.done $0x0  }
0x47a: {  	[sflag:s18] =	ssyncadd.s32 $0xFFFFF000  }
0x47b: {  	_ =	swait.ge [sflag:s24], $0x200  }
0x47c: {  	[sflag:s24] =	ssyncset.done $0x0  }
0x47d: {  	[sflag:s24] =	ssyncadd.s32 $0xFFFFFE00  }
0x47e: {  	v3 =	vld [tilespmem:$0x1B6F0]  }
0x47f: {  	v4 =	vld [tilespmem:$0x1B700]  }
0x480: {  	v5 =	vld [tilespmem:$0x1B710]  }
0x481: {  	v6 =	vld [tilespmem:$0x1B720]  }
0x482: {  	v7 =	vld [tilespmem:$0x1B730]  }
0x483: {  	v8 =	vld [tilespmem:$0x1B740];
	v3 =	vadd.s32 v0, v3  }
0x484: {  	v54 =	vld [tilespmem:$0x1B750];
	[tilespmem:$0x1B6F0] =	vst v3;
	v3 =	vadd.s32 v0, v4  }
0x485: {  	v55 =	vld [tilespmem:$0x1B760];
	[tilespmem:$0x1B700] =	vst v3;
	v3 =	vadd.s32 v0, v5  }
0x486: {  	v56 =	vld [tilespmem:$0x1B770];
	[tilespmem:$0x1B710] =	vst v3;
	v3 =	vadd.s32 v0, v6  }
0x487: {  	v57 =	vld [tilespmem:$0x1B780];
	[tilespmem:$0x1B720] =	vst v3;
	v3 =	vadd.s32 v0, v7  }
0x488: {  	v58 =	vld [tilespmem:$0x1B790];
	[tilespmem:$0x1B730] =	vst v3;
	v3 =	vadd.s32 v0, v8  }
0x489: {  	v59 =	vld [tilespmem:$0x1B7A0];
	[tilespmem:$0x1B740] =	vst v3;
	v3 =	vadd.s32 v0, v54  }
0x48a: {  	v60 =	vld [tilespmem:$0x1B7B0];
	[tilespmem:$0x1B750] =	vst v3;
	v3 =	vadd.s32 v0, v55  }
0x48b: {  	v61 =	vld [tilespmem:$0x1B7C0];
	[tilespmem:$0x1B760] =	vst v3;
	v3 =	vadd.s32 v0, v56  }
0x48c: {  	v62 =	vld [tilespmem:$0x1B7D0];
	[tilespmem:$0x1B770] =	vst v3;
	v3 =	vadd.s32 v0, v57  }
0x48d: {  	v63 =	vld [tilespmem:$0x1B7E0];
	[tilespmem:$0x1B780] =	vst v3;
	v3 =	vadd.s32 v0, v58  }
0x48e: {  	[tilespmem:$0x1B790] =	vst v3;
	v3 =	vadd.s32 v0, v59  }
0x48f: {  	[tilespmem:$0x1B7A0] =	vst v3;
	v3 =	vadd.s32 v0, v60  }
0x490: {  	[tilespmem:$0x1B7B0] =	vst v3;
	v3 =	vadd.s32 v0, v61  }
0x491: {  	[tilespmem:$0x1B7C0] =	vst v3;
	v3 =	vadd.s32 v0, v62  }
0x492: {  	[tilespmem:$0x1B7D0] =	vst v3;
	v3 =	vadd.s32 v0, v63  }
0x493: {  	s14 =	simm.s32 $0x4;
	[tilespmem:$0x1B7E0] =	vst v3  }
0x494: {  	[tilespmem:s13], [sflag:$0x1] =	stream.indirect.gather [hbm4b:s2+s25], $0x10, s22, s25, $0xb8;
	[tilespmem:$0x1F2F0] =	vst v63  }
0x495: {  	s6 =	simm.s32 $0x1D2F0;
	s0 =	simm.s32 $0x2;
	s18 =	sadd.s32 $0x200, s11  }
0x496: {  	[tilespmem:s15], [sflag:$0x9] =	stream.linear.gather [hbm4b:s18+s7], $0x200, $0x38;
	[tilespmem:$0x1F2F0] =	vst v63  }
.LBB2_35:
.Ltmp19:
0x497: {  	s1 =	simm.s32 $0x3;
	(pc) =	sbr.rel @p0 .LBB2_37-.Ltmp19, $4  }
0x498: {  	_ =	swait.ge [sflag:s1], $0x1000  }
0x499: {  	s18 =	simm.s32 $0x1C1F0;
	[sflag:s1] =	ssyncset.done $0x0  }
0x49a: {  	s8 =	simm.s32 $0x1BCF0;
	[sflag:s1] =	ssyncadd.s32 $0xFFFFF000;
	s1 =	simm.s32 $0x5  }
0x49b: {  	[spmem:s3] =	stream.indirect.scatter.add.f32 [tilespmem:s12], [sflag:$0x6], $0x10, s18, s25, $0xb8;
	[tilespmem:$0x1F2F0] =	vst v63  }
0x49c: {  	_ =	swait.ge [sflag:s1], $0x1000  }
0x49d: {  	[sflag:s1] =	ssyncset.done $0x0  }
0x49e: {  	[sflag:s1] =	ssyncadd.s32 $0xFFFFF000  }
0x49f: {  	_ =	swait.ge [sflag:s29], $0x200  }
0x4a0: {  	[sflag:s29] =	ssyncset.done $0x0  }
0x4a1: {  	[sflag:s29] =	ssyncadd.s32 $0xFFFFFE00  }
0x4a2: {  	v3 =	vld [tilespmem:$0x1B8F0]  }
0x4a3: {  	v4 =	vld [tilespmem:$0x1B900]  }
0x4a4: {  	v5 =	vld [tilespmem:$0x1B910]  }
0x4a5: {  	v6 =	vld [tilespmem:$0x1B920]  }
0x4a6: {  	v7 =	vld [tilespmem:$0x1B930]  }
0x4a7: {  	v8 =	vld [tilespmem:$0x1B940];
	v3 =	vadd.s32 v0, v3  }
0x4a8: {  	v54 =	vld [tilespmem:$0x1B950];
	[tilespmem:$0x1B8F0] =	vst v3;
	v3 =	vadd.s32 v0, v4  }
0x4a9: {  	v55 =	vld [tilespmem:$0x1B960];
	[tilespmem:$0x1B900] =	vst v3;
	v3 =	vadd.s32 v0, v5  }
0x4aa: {  	v56 =	vld [tilespmem:$0x1B970];
	[tilespmem:$0x1B910] =	vst v3;
	v3 =	vadd.s32 v0, v6  }
0x4ab: {  	v57 =	vld [tilespmem:$0x1B980];
	[tilespmem:$0x1B920] =	vst v3;
	v3 =	vadd.s32 v0, v7  }
0x4ac: {  	v58 =	vld [tilespmem:$0x1B990];
	[tilespmem:$0x1B930] =	vst v3;
	v3 =	vadd.s32 v0, v8  }
0x4ad: {  	v59 =	vld [tilespmem:$0x1B9A0];
	[tilespmem:$0x1B940] =	vst v3;
	v3 =	vadd.s32 v0, v54  }
0x4ae: {  	v60 =	vld [tilespmem:$0x1B9B0];
	[tilespmem:$0x1B950] =	vst v3;
	v3 =	vadd.s32 v0, v55  }
0x4af: {  	v61 =	vld [tilespmem:$0x1B9C0];
	[tilespmem:$0x1B960] =	vst v3;
	v3 =	vadd.s32 v0, v56  }
0x4b0: {  	v62 =	vld [tilespmem:$0x1B9D0];
	[tilespmem:$0x1B970] =	vst v3;
	v3 =	vadd.s32 v0, v57  }
0x4b1: {  	v63 =	vld [tilespmem:$0x1B9E0];
	[tilespmem:$0x1B980] =	vst v3;
	v3 =	vadd.s32 v0, v58  }
0x4b2: {  	[tilespmem:$0x1B990] =	vst v3;
	v3 =	vadd.s32 v0, v59  }
0x4b3: {  	[tilespmem:$0x1B9A0] =	vst v3;
	v3 =	vadd.s32 v0, v60  }
0x4b4: {  	[tilespmem:$0x1B9B0] =	vst v3;
	v3 =	vadd.s32 v0, v61  }
0x4b5: {  	[tilespmem:$0x1B9C0] =	vst v3;
	v3 =	vadd.s32 v0, v62  }
.Ltmp20:
0x4b6: {  	[tilespmem:$0x1B9D0] =	vst v3;
	v3 =	vadd.s32 v0, v63;
	(pc) =	sbr.rel .LBB2_32-.Ltmp20, $4  }
0x4b7: {  	s16 =	simm.s32 $0x1D2F0;
	[tilespmem:$0x1B9E0] =	vst v3  }
0x4b8: {  	[tilespmem:s6], [sflag:$0x2] =	stream.indirect.gather [hbm4b:s2+s25], $0x10, s23, s25, $0xb8;
	[tilespmem:$0x1F2F0] =	vst v63  }
0x4b9: {  	s18 =	sadd.s32 $0x240, s11;
	s9 =	sadd.s32 $0x180, s9;
	s5 =	simm.s32 $0x5  }
0x4ba: {  	[tilespmem:s8], [sflag:$0xA] =	stream.linear.gather [hbm4b:s18+s7], $0x200, $0x38;
	[tilespmem:$0x1F2F0] =	vst v63  }
.LBB2_37:
0x4bb: {  	_ =	swait.ge [sflag:s14], $0x1000  }
0x4bc: {  	[sflag:s14] =	ssyncset.done $0x0  }
0x4bd: {  	[sflag:s14] =	ssyncadd.s32 $0xFFFFF000  }
0x4be: {  	_ =	swait.ge [sflag:s1], $0x1000  }
0x4bf: {  	[sflag:s1] =	ssyncset.done $0x0  }
0x4c0: {  	s31 =	simm.s32 $0x6;
	[sflag:s1] =	ssyncadd.s32 $0xFFFFF000  }
0x4c1: {  	_ =	swait.ge [sflag:s31], $0x1000  }
0x4c2: {  	[sflag:s31] =	ssyncset.done $0x0  }
0x4c3: {  	s6 =	simm.s32 $0x0;
	[sflag:s31] =	ssyncadd.s32 $0xFFFFF000  }
0x4c4: {  	s9 =	simm.s32 $0x0;
	s5 =	simm.s32 $0x10;
	[bflag:$0x0] =	sbarrier.arrive $0xFFFF  }
0x4c5: {  	s16 =	simm.s32 $0x20;
	s1 =	simm.s32 $0x1AFF0;
	s18 =	rddreg [dreg:$0x10]  }
.LBB2_38:
0x4c6: {  	s8 =	smul.u32 $0x70, s9;
	_ =	sdelay $0x1  }
0x4c7: {  	s11 =	sadd.s32 s18, s8  }
0x4c8: {  	s8 =	sshll.u32 s11, $0x4  }
0x4c9: {  	s8 =	sand.u32 $0x3FFFFFF0, s8  }
0x4ca: {  	s13 =	simm.s32 $0x1A880;
	s8 =	sadd.s32 s8, s3  }
0x4cb: {  	[tilespmem:s13], [sflag:$0xD] =	stream.linear.gather [spmem:s8], $0x700, $0x38;
	[tilespmem:$0x1F2F0] =	vst v63  }
0x4cc: {  	_ =	swait.ge [sflag:s20], $0x700  }
0x4cd: {  	[sflag:s20] =	ssyncset.done $0x0  }
0x4ce: {  	[sflag:s20] =	ssyncadd.s32 $0xFFFFF900  }
0x4cf: {  	[spmem:s8] =	stream.linear.scatter [tilespmem:s19], [sflag:$0xD], $0x700, $0x38;
	[tilespmem:$0x1F2F0] =	vst v63  }
0x4d0: {  	_ =	swait.ge [sflag:s20], $0x700  }
0x4d1: {  	[sflag:s20] =	ssyncset.done $0x0  }
0x4d2: {  	s31 =	sadd.s32 s11, s4;
	[sflag:s20] =	ssyncadd.s32 $0xFFFFF900  }
0x4d3: {  	[tilespmem:s21], [sflag:$0xD] =	stream.linear.gather [spmem:s31], $0x70, $0x38;
	[tilespmem:$0x1F2F0] =	vst v63  }
0x4d4: {  	_ =	swait.ge [sflag:s20], $0x70  }
0x4d5: {  	s15 =	rddreg [dreg:$0x7];
	[sflag:s20] =	ssyncset.done $0x0  }
0x4d6: {  	s8 =	sadd.s32 s15, s11;
	[sflag:s20] =	ssyncadd.s32 $0xFFFFFF90  }
0x4d7: {  	s8 =	sshll.u32 s8, $0x1;
	s15 =	rddreg [dreg:$0x5]  }
0x4d8: {  	v3 =	vmov s6;
	s15 =	sadd.s32 s8, s15;
	s8 =	simm.s32 $0x1AFF0  }
0x4d9: {  	[tilespmem:s8], [sflag:$0xD] =	stream.linear.gather [hbm4b:s15+s6], $0x700, $0x38;
	[tilespmem:$0x1F2F0] =	vst v63  }
0x4da: {  	_ =	swait.ge [sflag:s20], $0x700  }
0x4db: {  	[sflag:s20] =	ssyncset.done $0x0  }
0x4dc: {  	[sflag:s20] =	ssyncadd.s32 $0xFFFFF900  }
0x4dd: {  	v3 =	vld.idx.msk [tilespmem:v3+s21+$0x0], $0xffff  }
0x4de: {  	v4 =	vld [tilespmem:s13+$0x0];
	_ =	sdelay $0x1  }
0x4df: {  	v5 =	vld [tilespmem:s8+$0x0];
	_ =	sdelay $0x2  }
0x4e0: {  	v4 =	vmul.f32 v3, v4  }
0x4e1: {  	s31 =	simm.s32 $0x1  }
0x4e2: {  	s15 =	simm.s32 $0x2;
	v3 =	vmov s31;
	v4 =	vadd.f32 v4, v5  }
.LBB2_39:
0x4e3: {  	p0 =	sne.s32 s15, $0x6F  }
0x4e4: {  	v4 =	vmul.f32 $2.500000000e-01, v4;
	_ =	sdelay $0x1  }
0x4e5: {  	[tilespmem:s8+$0x0] =	vst v4  }
0x4e6: {  	s13 =	sadd.s32 $0x10, s13;
	v3 =	vld.idx.msk [tilespmem:v3+s21+$0x0], $0xffff  }
0x4e7: {  	v4 =	vld [tilespmem:s13+$0x0]  }
0x4e8: {  	s8 =	sadd.s32 $0x10, s8  }
0x4e9: {  	v5 =	vld [tilespmem:s8+$0x0]  }
.Ltmp21:
0x4ea: {  	(pc) =	sbr.rel @p0 .LBB2_39-.Ltmp21, $3  }
0x4eb: {  	_ = 	snop  }
0x4ec: {  	v4 =	vmul.f32 v3, v4;
	_ =	sdelay $0x1  }
0x4ed: {  	v3 =	vmov s15;
	s15 =	sadd.s32 $0x1, s15;
	v4 =	vadd.f32 v4, v5  }
0x4ee: {  	_ = 	snop  }
0x4ef: {  	v4 =	vmul.f32 $2.500000000e-01, v4;
	_ =	sdelay $0x1  }
0x4f0: {  	[tilespmem:s8+$0x0] =	vst v4  }
0x4f1: {  	s13 =	sadd.s32 $0x10, s13;
	v3 =	vld.idx.msk [tilespmem:v3+s21+$0x0], $0xffff  }
0x4f2: {  	v4 =	vld [tilespmem:s13+$0x0]  }
0x4f3: {  	s15 =	sadd.s32 $0x10, s8  }
0x4f4: {  	v5 =	vld [tilespmem:s15+$0x0];
	_ =	sdelay $0x2  }
0x4f5: {  	v3 =	vmul.f32 v3, v4;
	_ =	sdelay $0x1  }
0x4f6: {  	v3 =	vadd.f32 v3, v5;
	_ =	sdelay $0x1  }
0x4f7: {  	s9 =	sadd.s32 $0x1, s9;
	v3 =	vmul.f32 $2.500000000e-01, v3  }
0x4f8: {  	s11 =	sshll.u32 s11, $0x2;
	s31 =	rddreg [dreg:$0xb];
	p0 =	sne.s32 s9, $0x38  }
.Ltmp22:
0x4f9: {  	s8 =	sadd.s32 s11, s31;
	[tilespmem:s15+$0x0] =	vst v3;
	(pc) =	sbr.rel @p0 .LBB2_38-.Ltmp22, $4  }
0x4fa: {  	[hbm4b:s8+s5] =	stream.strided.scatter [tilespmem:s1], [sflag:$0xD], $0x700, s16, s5, $0x38;
	[tilespmem:$0x1F2F0] =	vst v63  }
0x4fb: {  	_ =	swait.ge [sflag:s20], $0x700  }
0x4fc: {  	[sflag:s20] =	ssyncset.done $0x0  }
0x4fd: {  	[sflag:s20] =	ssyncadd.s32 $0xFFFFF900  }
0x4fe: {  	s1 =	rddreg [dreg:$0xf]  }
0x4ff: {  	s6 =	rddreg [dreg:$0xc];
	s1 =	sadd.s32 $0x1, s1  }
0x500: {  	p0 =	sne.s32 s1, s6  }
.Ltmp23:
0x501: {  	_ = 	snop;
	(pc) =	sbr.rel @p0 .LBB2_1-.Ltmp23, $3  }
0x502: {  	_ =	sdelay $0x1  }
0x503: {  	[bflag:$0x0] =	sbarrier.arrive $0xFFFF  }
0x504: {  	s15 =	simm.s32 $0x1BAF0  }
0x505: {  	_ =	sfence.sel $0x180000  }
0x506: {  	[bflag:$0x0] =	sbarrier.arrive $0xFFFF  }
0x507: {  	_ =	strace $0x90000047  }
0x508: {  	s0 =	stileid.u32;
	[bflag:$0x2] =	sbarrier.arrive $0xFFFF  }
0x509: {  	p0 =	sne.s32 s0, $0x0;
	s0 =	rddreg [dreg:$0x6]  }
0x50a: {  	s0 =	sadd.s32 @!p0 $0x100000, s0  }
0x50b: {  	[sflag:s0] =	ssyncadd.tile.s32 @!p0 $0x1;
	_ =	shalt  }
.Lfunc_end2:
_tile_overlayer_lowered:
.L_overlay_start_2:
0x50c: {  	(tag) =	ssettag $0x2  }
0x50d: {  	s0 =	rddreg [dreg:$0x0];
	s2 =	stileid.u32  }
0x50e: {  	s1 =	rddreg [dreg:$0x1];
	p0 =	sne.s32 s2, $0x0  }
0x50f: {  	s3 =	rddreg [dreg:$0x2];
	[bflag:$0x3] =	sbarrier.arrive $0xFFFF;
	s2 =	simm.s32 @!p0 $0x1C0D  }
0x510: {  	[timem:s3], [sflag:s2] =	dma.local @!p0 [hbm:s0], s1  }
0x511: {  	s0 =	simm.s32 @!p0 $0xD  }
0x512: {  	_ =	swait.ge @!p0 [sflag:s0], s1  }
0x513: {  	s1 =	ssub.s32 @!p0 $0x0, s1;
	[sflag:s0] =	ssyncset.done @!p0 $0x0  }
0x514: {  	[sflag:s0] =	ssyncadd.s32 @!p0 s1  }
0x515: {  	[bflag:$0x3] =	sbarrier.arrive $0xFFFF  }
0x516: {  	_ =	shalt  }

</sc_bundles>
